<compile_context>
chip_gen: v7x
topology: tpu7x:2x2x1
jax: 0.10.2.dev20260603
libtpu: 0.0.44.dev20260713+nightly
codegen_flags: <defaults>
</compile_context>

<pallas_src>
import functools

import jax
import jax.numpy as jnp
from jax import lax
from jax.experimental import pallas as pl
from jax.experimental.pallas import tpu as pltpu
from jax.experimental.pallas import tpu_sc as plsc

N = 10000
E = 320000
NPAIRS = 8192
NT = 16
NC = 2
CH = 128
EPT = 20480
NCHUNK = EPT // CH
EPAD = EPT * NT
ZROWS = 632
ACC_ROWS = ZROWS * NT
RPT = 624
TAIL = N - RPT * NT
GRP = 40

_MESH = plsc.VectorSubcoreMesh(
    core_axis_name="c", subcore_axis_name="s", num_cores=NC, num_subcores=NT)


def _spmm_sc(src4, dst4, zeros, table, dbl=False, nchunk=NCHUNK):
  percore_src = isinstance(src4, tuple)
  percore_dst = isinstance(dst4, tuple)
  src_args = src4 if percore_src else (src4,)
  dst_args = dst4 if percore_dst else (dst4,)

  @functools.partial(
      pl.kernel,
      out_type=jax.ShapeDtypeStruct((NC, N, 128), jnp.float32),
      mesh=_MESH,
      scratch_types=[
          pltpu.VMEM((GRP, CH), jnp.int32),
          pltpu.VMEM((GRP, CH), jnp.int32),
          pltpu.VMEM((2, CH, 128), jnp.float32),
          pltpu.VMEM_SHARED((ACC_ROWS, 128), jnp.float32),
          pltpu.SemaphoreType.DMA,
          pltpu.SemaphoreType.DMA,
      ],
  )
  def k(*args):
    (*idx_hbms, zeros_hbm, table_hbm, out_hbm,
     src_v, dst_v, rows2, acc_sp, sem0, sem1) = args
    src_hbms = idx_hbms[:len(src_args)]
    dst_hbms = idx_hbms[len(src_args):]
    cid = lax.axis_index("c")
    tid = lax.axis_index("s")
    pltpu.sync_copy(zeros_hbm, acc_sp.at[pl.ds(tid * ZROWS, ZROWS)])
    plsc.subcore_barrier()

    @pl.loop(0, nchunk // GRP)
    def _grp(g):
      def _stage(hbms, dst_ref):
        if len(hbms) == 1:
          pltpu.sync_copy(hbms[0].at[tid, pl.ds(g * GRP, GRP)], dst_ref)
          return

        @pl.when(cid == 0)
        def _c0():
          pltpu.sync_copy(hbms[0].at[tid, pl.ds(g * GRP, GRP)], dst_ref)

        @pl.when(cid == 1)
        def _c1():
          pltpu.sync_copy(hbms[1].at[tid, pl.ds(g * GRP, GRP)], dst_ref)

      _stage(src_hbms, src_v)
      _stage(dst_hbms, dst_v)
      if dbl:
        @pl.loop(0, GRP)
        def _dbl(j):
          row = src_v.at[j]
          for c in range(CH // 16):
            sl = pl.ds(c * 16, 16)
            row[sl] = row[sl] * 2 + cid

      pltpu.async_copy(table_hbm.at[src_v.at[0]], rows2.at[0], sem0)

      @pl.loop(0, GRP, step=2)
      def _pair(j):
        d1 = pltpu.async_copy(table_hbm.at[src_v.at[j + 1]], rows2.at[1], sem1)
        pltpu.make_async_copy(table_hbm.at[src_v.at[j]],
                              rows2.at[0], sem0).wait()
        pltpu.sync_copy(rows2.at[0], acc_sp.at[dst_v.at[j]], add=True)

        @pl.when(j + 2 < GRP)
        def _next():
          pltpu.async_copy(table_hbm.at[src_v.at[j + 2]], rows2.at[0], sem0)

        d1.wait()
        pltpu.sync_copy(rows2.at[1], acc_sp.at[dst_v.at[j + 1]], add=True)

    plsc.subcore_barrier()
    pltpu.sync_copy(acc_sp.at[pl.ds(tid * RPT, RPT)],
                    out_hbm.at[cid, pl.ds(tid * RPT, RPT)])

    @pl.when(tid == 0)
    def _tail():
      pltpu.sync_copy(acc_sp.at[pl.ds(RPT * NT, TAIL)],
                      out_hbm.at[cid, pl.ds(RPT * NT, TAIL)])

  return k(*src_args, *dst_args, zeros, table)


def _pair_gather_sc(pidx, table):
  pch = NPAIRS // NT // CH

  @functools.partial(
      pl.kernel,
      out_type=jax.ShapeDtypeStruct((NC, NPAIRS, 128), jnp.float32),
      mesh=_MESH,
      scratch_types=[
          pltpu.VMEM((pch, CH), jnp.int32),
          pltpu.VMEM((pch * CH, 128), jnp.float32),
      ],
  )
  def k(pidx_hbm, table_hbm, out_hbm, idx_v, rows_v):
    cid = lax.axis_index("c")
    tid = lax.axis_index("s")
    pltpu.sync_copy(pidx_hbm.at[cid, tid], idx_v)

    @pl.loop(0, pch)
    def _chunk(j):
      pltpu.sync_copy(table_hbm.at[idx_v.at[j]],
                      rows_v.at[pl.ds(j * CH, CH)])

    pltpu.sync_copy(rows_v, out_hbm.at[cid, pl.ds(tid * (pch * CH), pch * CH)])

  return k(pidx, table)


_BR = 2000


def _tc_fma2(a3, w_a, w_b, bias, relu):
  dout = w_a.shape[1]

  def body(a_ref, wa_ref, wb_ref, b_ref, o_ref):
    acc = jnp.dot(a_ref[0], wa_ref[...], preferred_element_type=jnp.float32)
    acc += jnp.dot(a_ref[1], wb_ref[...], preferred_element_type=jnp.float32)
    acc += b_ref[...]
    o_ref[...] = jnp.maximum(acc, 0.0) if relu else acc

  return pl.pallas_call(
      body,
      grid=(N // _BR,),
      in_specs=[
          pl.BlockSpec((2, _BR, 128), lambda i: (0, i, 0)),
          pl.BlockSpec((128, dout), lambda i: (0, 0)),
          pl.BlockSpec((128, dout), lambda i: (0, 0)),
          pl.BlockSpec((1, dout), lambda i: (0, 0)),
      ],
      out_specs=pl.BlockSpec((_BR, dout), lambda i: (i, 0)),
      out_shape=jax.ShapeDtypeStruct((N, dout), jnp.float32),
  )(a3, w_a, w_b, bias)


def _tc_fma4(a3, b3, w_a, w_b, w_c, w_d, bias, relu):
  dout = w_a.shape[1]

  def body(a_ref, b3_ref, wa_ref, wb_ref, wc_ref, wd_ref, b_ref, o_ref):
    acc = jnp.dot(a_ref[0], wa_ref[...], preferred_element_type=jnp.float32)
    acc += jnp.dot(a_ref[1], wb_ref[...], preferred_element_type=jnp.float32)
    acc += jnp.dot(b3_ref[0], wc_ref[...], preferred_element_type=jnp.float32)
    acc += jnp.dot(b3_ref[1], wd_ref[...], preferred_element_type=jnp.float32)
    acc += b_ref[...]
    o_ref[...] = jnp.maximum(acc, 0.0) if relu else acc

  return pl.pallas_call(
      body,
      grid=(N // _BR,),
      in_specs=[
          pl.BlockSpec((2, _BR, 128), lambda i: (0, i, 0)),
          pl.BlockSpec((2, _BR, 128), lambda i: (0, i, 0)),
          pl.BlockSpec((128, dout), lambda i: (0, 0)),
          pl.BlockSpec((128, dout), lambda i: (0, 0)),
          pl.BlockSpec((128, dout), lambda i: (0, 0)),
          pl.BlockSpec((128, dout), lambda i: (0, 0)),
          pl.BlockSpec((1, dout), lambda i: (0, 0)),
      ],
      out_specs=pl.BlockSpec((_BR, dout), lambda i: (i, 0)),
      out_shape=jax.ShapeDtypeStruct((N, dout), jnp.float32),
  )(a3, b3, w_a, w_b, w_c, w_d, bias)


def _tc_decoder(hp, w1a, w1b, b1, w2, b2):
  br = 2048

  def body(hp_ref, w1a_ref, w1b_ref, b1_ref, w2_ref, b2_ref, o_ref):
    f = jnp.dot(hp_ref[0], w1a_ref[...], preferred_element_type=jnp.float32)
    f += jnp.dot(hp_ref[1], w1b_ref[...], preferred_element_type=jnp.float32)
    f += b1_ref[...]
    o_ref[...] = (
        jnp.dot(f, w2_ref[...], preferred_element_type=jnp.float32)
        + b2_ref[...])

  return pl.pallas_call(
      body,
      grid=(NPAIRS // br,),
      in_specs=[
          pl.BlockSpec((2, br, 128), lambda i: (0, i, 0)),
          pl.BlockSpec((128, 256), lambda i: (0, 0)),
          pl.BlockSpec((128, 256), lambda i: (0, 0)),
          pl.BlockSpec((1, 256), lambda i: (0, 0)),
          pl.BlockSpec((256, 1), lambda i: (0, 0)),
          pl.BlockSpec((1, 1), lambda i: (0, 0)),
      ],
      out_specs=pl.BlockSpec((br, 1), lambda i: (i, 0)),
      out_shape=jax.ShapeDtypeStruct((NPAIRS, 1), jnp.float32),
  )(hp, w1a, w1b, b1, w2, b2)


def _prep(col, fill):
  p = jnp.concatenate([col.astype(jnp.int32),
                       jnp.full((EPAD - E,), fill, jnp.int32)])
  return jnp.reshape(p, (NT, NCHUNK, CH))



def _tc_mm(a, w):
  k, dout = w.shape

  def body(a_ref, w_ref, o_ref):
    o_ref[...] = jnp.dot(a_ref[...], w_ref[...],
                         preferred_element_type=jnp.float32)

  return pl.pallas_call(
      body,
      grid=(N // _BR,),
      in_specs=[
          pl.BlockSpec((_BR, k), lambda i: (i, 0)),
          pl.BlockSpec((k, dout), lambda i: (0, 0)),
      ],
      out_specs=pl.BlockSpec((_BR, dout), lambda i: (i, 0)),
      out_shape=jax.ShapeDtypeStruct((N, dout), jnp.float32),
  )(a, w)


def _tc_add2(a3, b3, bias2, relu):

  def body(a_ref, b_ref, bias_ref, o_ref):
    lo = a_ref[0] + b_ref[0] + bias_ref[0]
    hi = a_ref[1] + b_ref[1] + bias_ref[1]
    acc = jnp.concatenate([lo, hi], axis=1)
    o_ref[...] = jnp.maximum(acc, 0.0) if relu else acc

  return pl.pallas_call(
      body,
      grid=(N // _BR,),
      in_specs=[
          pl.BlockSpec((2, _BR, 128), lambda i: (0, i, 0)),
          pl.BlockSpec((2, _BR, 128), lambda i: (0, i, 0)),
          pl.BlockSpec((2, 1, 128), lambda i: (0, 0, 0)),
      ],
      out_specs=pl.BlockSpec((_BR, 256), lambda i: (i, 0)),
      out_shape=jax.ShapeDtypeStruct((N, 256), jnp.float32),
  )(a3, b3, bias2)


def _tc_add4(p3, q3, bias):

  def body(p_ref, q_ref, b_ref, o_ref):
    o_ref[...] = p_ref[0] + p_ref[1] + q_ref[0] + q_ref[1] + b_ref[...]

  return pl.pallas_call(
      body,
      grid=(N // _BR,),
      in_specs=[
          pl.BlockSpec((2, _BR, 128), lambda i: (0, i, 0)),
          pl.BlockSpec((2, _BR, 128), lambda i: (0, i, 0)),
          pl.BlockSpec((1, 128), lambda i: (0, 0)),
      ],
      out_specs=pl.BlockSpec((_BR, 128), lambda i: (i, 0)),
      out_shape=jax.ShapeDtypeStruct((N, 128), jnp.float32),
  )(p3, q3, bias)


def kernel(x, o_adj, s_adj, idx,
           W_o_gc1, b_o_gc1, W_o_gc2, b_o_gc2, W_o_gc1_s, b_o_gc1_s,
           W_s_gc1, b_s_gc1, W_s_gc1_o, b_s_gc1_o, W_s_gc2_o, b_s_gc2_o,
           W_dec1, b_dec1, W_dec2, b_dec2):
  o_src = _prep(o_adj[0], 0)
  o_dst = _prep(o_adj[1], N)
  s_src = _prep(s_adj[0], 0)
  s_dst = _prep(s_adj[1], N)
  pidx = idx.astype(jnp.int32).reshape(NC, NT, NPAIRS // NT // CH, CH)
  zeros = jnp.zeros((ZROWS, 128), jnp.float32)

  sup_a = _tc_mm(x, W_o_gc1)
  sup_b = _tc_mm(x, W_s_gc1_o)
  sup_c = _tc_mm(x, W_s_gc1)
  agg_a = _spmm_sc(o_src, o_dst, zeros, sup_a.reshape(2 * N, 128), dbl=True)
  agg_b = _spmm_sc(s_src, s_dst, zeros, sup_b.reshape(2 * N, 128), dbl=True)
  b12 = (b_o_gc1 + b_s_gc1_o).reshape(2, 1, 128)
  o_x = _tc_add2(agg_a, agg_b, b12, relu=True)

  sup_d = _tc_mm(o_x, W_o_gc1_s)
  agg_c = _spmm_sc(s_src, s_dst, zeros, sup_c.reshape(2 * N, 128), dbl=True)
  agg_d = _spmm_sc(o_src, o_dst, zeros, sup_d.reshape(2 * N, 128), dbl=True)
  b34 = (b_s_gc1 + b_o_gc1_s).reshape(2, 1, 128)
  s_x = _tc_add2(agg_c, agg_d, b34, relu=True)

  sup_e = _tc_mm(o_x, W_o_gc2)
  sup_f = _tc_mm(s_x, W_s_gc2_o)
  oe = o_src.reshape(2, NT, NCHUNK // 2, CH)
  od = o_dst.reshape(2, NT, NCHUNK // 2, CH)
  se = s_src.reshape(2, NT, NCHUNK // 2, CH)
  sd = s_dst.reshape(2, NT, NCHUNK // 2, CH)
  agg_e = _spmm_sc((oe[0], oe[1]), (od[0], od[1]), zeros, sup_e,
                   nchunk=NCHUNK // 2)
  agg_f = _spmm_sc((se[0], se[1]), (sd[0], sd[1]), zeros, sup_f,
                   nchunk=NCHUNK // 2)
  b56 = (b_o_gc2 + b_s_gc2_o).reshape(1, -1)
  h = _tc_add4(agg_e, agg_f, b56)

  hp = _pair_gather_sc(pidx, h)
  o = _tc_decoder(hp, W_dec1[:128], W_dec1[128:], b_dec1.reshape(1, -1),
                  W_dec2, b_dec2.reshape(1, -1))
  return (o, h)

# --- scband reference (transcript-rebuilt; emitter-appended) ---
"""Pipeline reference for scband-skip-gnn-44246753083416 (READ-ONLY COPY).

The authoritative reference and input builder live on the scoring server;
editing this copy changes nothing except your own understanding.
"""

import jax, jax.numpy as jnp
import numpy as np

N = 10000
E = 320000
NFEAT = 128
NHID1 = 256
NHID2 = 128
NDEC = 256
NPAIRS = 8192


def _glorot(k, shape):
    lim = float(np.sqrt(6.0 / (shape[0] + shape[1])))
    return jax.random.uniform(k, shape, jnp.float32, -lim, lim)


def setup_inputs(seed: int = 0) -> dict:
    key = jax.random.key(seed)
    ks = jax.random.split(key, 16)
    inp = {}
    inp['x'] = jax.random.normal(ks[0], (N, NFEAT), jnp.float32)
    inp['o_adj'] = jax.random.randint(ks[1], (2, E), 0, N, dtype=jnp.int64) if jax.config.jax_enable_x64 else jax.random.randint(ks[1], (2, E), 0, N)
    inp['s_adj'] = jax.random.randint(ks[2], (2, E), 0, N)
    inp['idx'] = jax.random.randint(ks[3], (2, NPAIRS), 0, N)
    inp['W_o_gc1'] = _glorot(ks[4], (NFEAT, NHID1)); inp['b_o_gc1'] = jnp.zeros((NHID1,), jnp.float32)
    inp['W_o_gc2'] = _glorot(ks[5], (NHID1, NHID2)); inp['b_o_gc2'] = jnp.zeros((NHID2,), jnp.float32)
    inp['W_o_gc1_s'] = _glorot(ks[6], (NHID1, NHID1)); inp['b_o_gc1_s'] = jnp.zeros((NHID1,), jnp.float32)
    inp['W_s_gc1'] = _glorot(ks[7], (NFEAT, NHID1)); inp['b_s_gc1'] = jnp.zeros((NHID1,), jnp.float32)
    inp['W_s_gc1_o'] = _glorot(ks[8], (NFEAT, NHID1)); inp['b_s_gc1_o'] = jnp.zeros((NHID1,), jnp.float32)
    inp['W_s_gc2_o'] = _glorot(ks[9], (NHID1, NHID2)); inp['b_s_gc2_o'] = jnp.zeros((NHID2,), jnp.float32)
    inp['W_dec1'] = _glorot(ks[10], (2 * NHID2, NDEC)); inp['b_dec1'] = jnp.zeros((NDEC,), jnp.float32)
    inp['W_dec2'] = _glorot(ks[11], (NDEC, 1)); inp['b_dec2'] = jnp.zeros((1,), jnp.float32)
    return inp


def _gcn(h, W, b, src, dst):
    # GraphConvolution: spmm(adj, h @ W) + b, adj given as COO edge list (src -> dst)
    support = h @ W
    agg = jax.ops.segment_sum(support[src], dst, num_segments=N)
    return agg + b


def reference(x, o_adj, s_adj, idx,
              W_o_gc1, b_o_gc1, W_o_gc2, b_o_gc2, W_o_gc1_s, b_o_gc1_s,
              W_s_gc1, b_s_gc1, W_s_gc1_o, b_s_gc1_o, W_s_gc2_o, b_s_gc2_o,
              W_dec1, b_dec1, W_dec2, b_dec2):
    o_src, o_dst = o_adj[0], o_adj[1]
    s_src, s_dst = s_adj[0], s_adj[1]
    o_x = jax.nn.relu(_gcn(x, W_o_gc1, b_o_gc1, o_src, o_dst) + _gcn(x, W_s_gc1_o, b_s_gc1_o, s_src, s_dst))
    s_x = jax.nn.relu(_gcn(x, W_s_gc1, b_s_gc1, s_src, s_dst) + _gcn(o_x, W_o_gc1_s, b_o_gc1_s, o_src, o_dst))
    # dropout is identity in eval mode
    h = _gcn(o_x, W_o_gc2, b_o_gc2, o_src, o_dst) + _gcn(s_x, W_s_gc2_o, b_s_gc2_o, s_src, s_dst)
    feat_p1 = h[idx[0]]
    feat_p2 = h[idx[1]]
    feat = jnp.concatenate([feat_p1, feat_p2], axis=1)
    o = feat @ W_dec1 + b_dec1
    o = o @ W_dec2 + b_dec2
    return (o, h)

if __name__ == "__main__":
    import jax
    _d = setup_inputs()
    print(jax.jit(kernel)(*tuple(_d.values())))

</pallas_src>

<mosaic_0001>
#map = affine_map<(d0, d1) -> (0, 0, 0)>
#map1 = affine_map<(d0, d1) -> (0, 0)>
module attributes {stable_mosaic.version = 14 : i64} {
  func.func @k(%arg0: i32, %arg1: i32, %arg2: memref<16x160x128xi32, #tpu.memory_space<hbm>>, %arg3: memref<16x160x128xi32, #tpu.memory_space<hbm>>, %arg4: memref<632x128xf32, #tpu.memory_space<hbm>>, %arg5: memref<20000x128xf32, #tpu.memory_space<hbm>>, %arg6: memref<2x10000x128xf32, #tpu.memory_space<hbm>>, %arg7: memref<40x128xi32, #tpu.memory_space<vmem>>, %arg8: memref<40x128xi32, #tpu.memory_space<vmem>>, %arg9: memref<2x128x128xf32, #tpu.memory_space<vmem>>, %arg10: memref<10112x128xf32, #tpu.memory_space<vmem_shared>>, %arg11: memref<!tpu.dma_semaphore, #tpu.memory_space<semaphore_mem>>, %arg12: memref<!tpu.dma_semaphore, #tpu.memory_space<semaphore_mem>>) attributes {dimension_semantics = [#tpu.dimension_semantics<core_parallel>, #tpu.dimension_semantics<subcore_parallel>], iteration_bounds = array<i64: 2, 16>, scalar_prefetch = 0 : i64, scratch_operands = 6 : i64, tpu.core_type = #tpu.core_type<sc_vector_subcore>, window_params = [{transform_indices = #map}, {transform_indices = #map}, {transform_indices = #map1}, {transform_indices = #map1}, {transform_indices = #map}]} {
    %mul3A = arith.constant 632 : i32
    %mul3A_0 = arith.muli %arg1, %mul3A : i32
    "tpu.region"() ({
      %run_scoped3A = tpu.sem_alloc : memref<!tpu.dma_semaphore, #tpu.memory_space<semaphore_mem>>
      %dma_start3A = arith.constant 0 : i32
      %dma_start3A_12 = tpu.memref_slice %arg10[%mul3A_0, %dma_start3A] : memref<10112x128xf32, #tpu.memory_space<vmem_shared>> -> memref<632x128xf32, #tpu.memory_space<vmem_shared>>
      tpu.enqueue_dma source(%arg4 : memref<632x128xf32, #tpu.memory_space<hbm>>) target(%dma_start3A_12 : memref<632x128xf32, #tpu.memory_space<vmem_shared>>) target_semaphore(%run_scoped3A : memref<!tpu.dma_semaphore, #tpu.memory_space<semaphore_mem>>)
      %dma_wait3A = arith.constant 0 : i32
      %dma_wait3A_13 = tpu.memref_slice %arg10[%mul3A_0, %dma_wait3A] : memref<10112x128xf32, #tpu.memory_space<vmem_shared>> -> memref<632x128xf32, #tpu.memory_space<vmem_shared>>
      tpu.wait_dma2 semaphore(%run_scoped3A : memref<!tpu.dma_semaphore, #tpu.memory_space<semaphore_mem>>) src(%arg4 : memref<632x128xf32, #tpu.memory_space<hbm>>) dst(%dma_wait3A_13 : memref<632x128xf32, #tpu.memory_space<vmem_shared>>)
      tpu.yield
    }) : () -> ()
    %barrier3A = arith.constant 0 : index
    tpu.barrier barrier_id(%barrier3A)
    %scan3A = arith.constant 0 : i32
    %scan3A_1 = arith.constant 4 : i32
    %scan3A_2 = arith.addi %scan3A, %scan3A_1 : i32
    %scan3A_3 = arith.constant 1 : i32
    scf.for %scan3A_12 = %scan3A to %scan3A_2 step %scan3A_3  : i32 {
      %mul3A_13 = arith.constant 1 : i32
      %mul3A_14 = arith.muli %scan3A_12, %mul3A_13 : i32
      %add3A = arith.constant 0 : i32
      %add3A_15 = arith.addi %add3A, %mul3A_14 : i32
      %mul3A_16 = arith.constant 40 : i32
      %mul3A_17 = arith.muli %add3A_15, %mul3A_16 : i32
      "tpu.region"() ({
        %run_scoped3A = tpu.sem_alloc : memref<!tpu.dma_semaphore, #tpu.memory_space<semaphore_mem>>
        %dma_start3A_41 = arith.constant 0 : i32
        %dma_start3A_42 = tpu.memref_slice %arg2[%arg1, %mul3A_17, %dma_start3A_41] : memref<16x160x128xi32, #tpu.memory_space<hbm>> -> memref<1x40x128xi32, #tpu.memory_space<hbm>>
        %dma_start3A_43 = tpu.memref_squeeze %dma_start3A_42 : memref<1x40x128xi32, #tpu.memory_space<hbm>> -> memref<40x128xi32, #tpu.memory_space<hbm>>
        %dma_start3A_44 = arith.constant 0 : i32
        %dma_start3A_45 = tpu.memref_slice %arg2[%arg1, %mul3A_17, %dma_start3A_44] : memref<16x160x128xi32, #tpu.memory_space<hbm>> -> memref<1x40x128xi32, #tpu.memory_space<hbm>>
        %dma_start3A_46 = tpu.memref_squeeze %dma_start3A_45 : memref<1x40x128xi32, #tpu.memory_space<hbm>> -> memref<40x128xi32, #tpu.memory_space<hbm>>
        tpu.enqueue_dma source(%dma_start3A_46 : memref<40x128xi32, #tpu.memory_space<hbm>>) target(%arg7 : memref<40x128xi32, #tpu.memory_space<vmem>>) target_semaphore(%run_scoped3A : memref<!tpu.dma_semaphore, #tpu.memory_space<semaphore_mem>>)
        %dma_wait3A = arith.constant 0 : i32
        %dma_wait3A_47 = tpu.memref_slice %arg2[%arg1, %mul3A_17, %dma_wait3A] : memref<16x160x128xi32, #tpu.memory_space<hbm>> -> memref<1x40x128xi32, #tpu.memory_space<hbm>>
        %dma_wait3A_48 = tpu.memref_squeeze %dma_wait3A_47 : memref<1x40x128xi32, #tpu.memory_space<hbm>> -> memref<40x128xi32, #tpu.memory_space<hbm>>
        %dma_wait3A_49 = arith.constant 0 : i32
        %dma_wait3A_50 = tpu.memref_slice %arg2[%arg1, %mul3A_17, %dma_wait3A_49] : memref<16x160x128xi32, #tpu.memory_space<hbm>> -> memref<1x40x128xi32, #tpu.memory_space<hbm>>
        %dma_wait3A_51 = tpu.memref_squeeze %dma_wait3A_50 : memref<1x40x128xi32, #tpu.memory_space<hbm>> -> memref<40x128xi32, #tpu.memory_space<hbm>>
        tpu.wait_dma2 semaphore(%run_scoped3A : memref<!tpu.dma_semaphore, #tpu.memory_space<semaphore_mem>>) src(%dma_wait3A_51 : memref<40x128xi32, #tpu.memory_space<hbm>>) dst(%arg7 : memref<40x128xi32, #tpu.memory_space<vmem>>)
        tpu.yield
      }) : () -> ()
      %mul3A_18 = arith.constant 40 : i32
      %mul3A_19 = arith.muli %add3A_15, %mul3A_18 : i32
      "tpu.region"() ({
        %run_scoped3A = tpu.sem_alloc : memref<!tpu.dma_semaphore, #tpu.memory_space<semaphore_mem>>
        %dma_start3A_41 = arith.constant 0 : i32
        %dma_start3A_42 = tpu.memref_slice %arg3[%arg1, %mul3A_19, %dma_start3A_41] : memref<16x160x128xi32, #tpu.memory_space<hbm>> -> memref<1x40x128xi32, #tpu.memory_space<hbm>>
        %dma_start3A_43 = tpu.memref_squeeze %dma_start3A_42 : memref<1x40x128xi32, #tpu.memory_space<hbm>> -> memref<40x128xi32, #tpu.memory_space<hbm>>
        %dma_start3A_44 = arith.constant 0 : i32
        %dma_start3A_45 = tpu.memref_slice %arg3[%arg1, %mul3A_19, %dma_start3A_44] : memref<16x160x128xi32, #tpu.memory_space<hbm>> -> memref<1x40x128xi32, #tpu.memory_space<hbm>>
        %dma_start3A_46 = tpu.memref_squeeze %dma_start3A_45 : memref<1x40x128xi32, #tpu.memory_space<hbm>> -> memref<40x128xi32, #tpu.memory_space<hbm>>
        tpu.enqueue_dma source(%dma_start3A_46 : memref<40x128xi32, #tpu.memory_space<hbm>>) target(%arg8 : memref<40x128xi32, #tpu.memory_space<vmem>>) target_semaphore(%run_scoped3A : memref<!tpu.dma_semaphore, #tpu.memory_space<semaphore_mem>>)
        %dma_wait3A = arith.constant 0 : i32
        %dma_wait3A_47 = tpu.memref_slice %arg3[%arg1, %mul3A_19, %dma_wait3A] : memref<16x160x128xi32, #tpu.memory_space<hbm>> -> memref<1x40x128xi32, #tpu.memory_space<hbm>>
        %dma_wait3A_48 = tpu.memref_squeeze %dma_wait3A_47 : memref<1x40x128xi32, #tpu.memory_space<hbm>> -> memref<40x128xi32, #tpu.memory_space<hbm>>
        %dma_wait3A_49 = arith.constant 0 : i32
        %dma_wait3A_50 = tpu.memref_slice %arg3[%arg1, %mul3A_19, %dma_wait3A_49] : memref<16x160x128xi32, #tpu.memory_space<hbm>> -> memref<1x40x128xi32, #tpu.memory_space<hbm>>
        %dma_wait3A_51 = tpu.memref_squeeze %dma_wait3A_50 : memref<1x40x128xi32, #tpu.memory_space<hbm>> -> memref<40x128xi32, #tpu.memory_space<hbm>>
        tpu.wait_dma2 semaphore(%run_scoped3A : memref<!tpu.dma_semaphore, #tpu.memory_space<semaphore_mem>>) src(%dma_wait3A_51 : memref<40x128xi32, #tpu.memory_space<hbm>>) dst(%arg8 : memref<40x128xi32, #tpu.memory_space<vmem>>)
        tpu.yield
      }) : () -> ()
      %scan3A_20 = arith.constant 0 : i32
      %scan3A_21 = arith.constant 40 : i32
      %scan3A_22 = arith.addi %scan3A_20, %scan3A_21 : i32
      %scan3A_23 = arith.constant 1 : i32
      scf.for %scan3A_41 = %scan3A_20 to %scan3A_22 step %scan3A_23  : i32 {
        %mul3A_42 = arith.constant 1 : i32
        %mul3A_43 = arith.muli %scan3A_41, %mul3A_42 : i32
        %add3A_44 = arith.constant 0 : i32
        %add3A_45 = arith.addi %add3A_44, %mul3A_43 : i32
        %get3A = arith.constant 0 : i32
        %get3A_46 = tpu.memref_slice %arg7[%add3A_45, %get3A] : memref<40x128xi32, #tpu.memory_space<vmem>> -> memref<1x128xi32, #tpu.memory_space<vmem>>
        %get3A_47 = tpu.memref_squeeze %get3A_46 : memref<1x128xi32, #tpu.memory_space<vmem>> -> memref<128xi32, #tpu.memory_space<vmem>>
        %get3A_48 = arith.constant 0 : index
        %get3A_49 = tpu.vector_load %get3A_47[%get3A_48] {strides = array<i32>} : memref<128xi32, #tpu.memory_space<vmem>>, vector<16xi32>,
        %get3A_50 = vector.shape_cast %get3A_49 : vector<16xi32> to vector<16xi32>
        %mul3A_51 = arith.constant 2 : i32
        %mul3A_52 = vector.broadcast %mul3A_51 : i32 to vector<16xi32>
        %mul3A_53 = arith.muli %get3A_50, %mul3A_52 : vector<16xi32>
        %add3A_54 = vector.broadcast %arg0 : i32 to vector<16xi32>
        %add3A_55 = arith.addi %mul3A_53, %add3A_54 : vector<16xi32>
        %swap3A = arith.constant 0 : i32
        %swap3A_56 = tpu.memref_slice %arg7[%add3A_45, %swap3A] : memref<40x128xi32, #tpu.memory_space<vmem>> -> memref<1x128xi32, #tpu.memory_space<vmem>>
        %swap3A_57 = tpu.memref_squeeze %swap3A_56 : memref<1x128xi32, #tpu.memory_space<vmem>> -> memref<128xi32, #tpu.memory_space<vmem>>
        %swap3A_58 = arith.constant 0 : index
        %swap3A_59 = tpu.vector_load %swap3A_57[%swap3A_58] {strides = array<i32>} : memref<128xi32, #tpu.memory_space<vmem>>, vector<16xi32>,
        %swap3A_60 = vector.shape_cast %swap3A_59 : vector<16xi32> to vector<16xi32>
        %swap3A_61 = vector.shape_cast %add3A_55 : vector<16xi32> to vector<16xi32>
        tpu.vector_store %swap3A_57[%swap3A_58], %swap3A_61 {strides = array<i32>} : memref<128xi32, #tpu.memory_space<vmem>>, vector<16xi32>,
        %get3A_62 = arith.constant 0 : i32
        %get3A_63 = tpu.memref_slice %arg7[%add3A_45, %get3A_62] : memref<40x128xi32, #tpu.memory_space<vmem>> -> memref<1x128xi32, #tpu.memory_space<vmem>>
        %get3A_64 = tpu.memref_squeeze %get3A_63 : memref<1x128xi32, #tpu.memory_space<vmem>> -> memref<128xi32, #tpu.memory_space<vmem>>
        %get3A_65 = arith.constant 16 : index
        %get3A_66 = tpu.vector_load %get3A_64[%get3A_65] {strides = array<i32>} : memref<128xi32, #tpu.memory_space<vmem>>, vector<16xi32>,
        %get3A_67 = vector.shape_cast %get3A_66 : vector<16xi32> to vector<16xi32>
        %mul3A_68 = arith.constant 2 : i32
        %mul3A_69 = vector.broadcast %mul3A_68 : i32 to vector<16xi32>
        %mul3A_70 = arith.muli %get3A_67, %mul3A_69 : vector<16xi32>
        %add3A_71 = vector.broadcast %arg0 : i32 to vector<16xi32>
        %add3A_72 = arith.addi %mul3A_70, %add3A_71 : vector<16xi32>
        %swap3A_73 = arith.constant 0 : i32
        %swap3A_74 = tpu.memref_slice %arg7[%add3A_45, %swap3A_73] : memref<40x128xi32, #tpu.memory_space<vmem>> -> memref<1x128xi32, #tpu.memory_space<vmem>>
        %swap3A_75 = tpu.memref_squeeze %swap3A_74 : memref<1x128xi32, #tpu.memory_space<vmem>> -> memref<128xi32, #tpu.memory_space<vmem>>
        %swap3A_76 = arith.constant 16 : index
        %swap3A_77 = tpu.vector_load %swap3A_75[%swap3A_76] {strides = array<i32>} : memref<128xi32, #tpu.memory_space<vmem>>, vector<16xi32>,
        %swap3A_78 = vector.shape_cast %swap3A_77 : vector<16xi32> to vector<16xi32>
        %swap3A_79 = vector.shape_cast %add3A_72 : vector<16xi32> to vector<16xi32>
        tpu.vector_store %swap3A_75[%swap3A_76], %swap3A_79 {strides = array<i32>} : memref<128xi32, #tpu.memory_space<vmem>>, vector<16xi32>,
        %get3A_80 = arith.constant 0 : i32
        %get3A_81 = tpu.memref_slice %arg7[%add3A_45, %get3A_80] : memref<40x128xi32, #tpu.memory_space<vmem>> -> memref<1x128xi32, #tpu.memory_space<vmem>>
        %get3A_82 = tpu.memref_squeeze %get3A_81 : memref<1x128xi32, #tpu.memory_space<vmem>> -> memref<128xi32, #tpu.memory_space<vmem>>
        %get3A_83 = arith.constant 32 : index
        %get3A_84 = tpu.vector_load %get3A_82[%get3A_83] {strides = array<i32>} : memref<128xi32, #tpu.memory_space<vmem>>, vector<16xi32>,
        %get3A_85 = vector.shape_cast %get3A_84 : vector<16xi32> to vector<16xi32>
        %mul3A_86 = arith.constant 2 : i32
        %mul3A_87 = vector.broadcast %mul3A_86 : i32 to vector<16xi32>
        %mul3A_88 = arith.muli %get3A_85, %mul3A_87 : vector<16xi32>
        %add3A_89 = vector.broadcast %arg0 : i32 to vector<16xi32>
        %add3A_90 = arith.addi %mul3A_88, %add3A_89 : vector<16xi32>
        %swap3A_91 = arith.constant 0 : i32
        %swap3A_92 = tpu.memref_slice %arg7[%add3A_45, %swap3A_91] : memref<40x128xi32, #tpu.memory_space<vmem>> -> memref<1x128xi32, #tpu.memory_space<vmem>>
        %swap3A_93 = tpu.memref_squeeze %swap3A_92 : memref<1x128xi32, #tpu.memory_space<vmem>> -> memref<128xi32, #tpu.memory_space<vmem>>
        %swap3A_94 = arith.constant 32 : index
        %swap3A_95 = tpu.vector_load %swap3A_93[%swap3A_94] {strides = array<i32>} : memref<128xi32, #tpu.memory_space<vmem>>, vector<16xi32>,
        %swap3A_96 = vector.shape_cast %swap3A_95 : vector<16xi32> to vector<16xi32>
        %swap3A_97 = vector.shape_cast %add3A_90 : vector<16xi32> to vector<16xi32>
        tpu.vector_store %swap3A_93[%swap3A_94], %swap3A_97 {strides = array<i32>} : memref<128xi32, #tpu.memory_space<vmem>>, vector<16xi32>,
        %get3A_98 = arith.constant 0 : i32
        %get3A_99 = tpu.memref_slice %arg7[%add3A_45, %get3A_98] : memref<40x128xi32, #tpu.memory_space<vmem>> -> memref<1x128xi32, #tpu.memory_space<vmem>>
        %get3A_100 = tpu.memref_squeeze %get3A_99 : memref<1x128xi32, #tpu.memory_space<vmem>> -> memref<128xi32, #tpu.memory_space<vmem>>
        %get3A_101 = arith.constant 48 : index
        %get3A_102 = tpu.vector_load %get3A_100[%get3A_101] {strides = array<i32>} : memref<128xi32, #tpu.memory_space<vmem>>, vector<16xi32>,
        %get3A_103 = vector.shape_cast %get3A_102 : vector<16xi32> to vector<16xi32>
        %mul3A_104 = arith.constant 2 : i32
        %mul3A_105 = vector.broadcast %mul3A_104 : i32 to vector<16xi32>
        %mul3A_106 = arith.muli %get3A_103, %mul3A_105 : vector<16xi32>
        %add3A_107 = vector.broadcast %arg0 : i32 to vector<16xi32>
        %add3A_108 = arith.addi %mul3A_106, %add3A_107 : vector<16xi32>
        %swap3A_109 = arith.constant 0 : i32
        %swap3A_110 = tpu.memref_slice %arg7[%add3A_45, %swap3A_109] : memref<40x128xi32, #tpu.memory_space<vmem>> -> memref<1x128xi32, #tpu.memory_space<vmem>>
        %swap3A_111 = tpu.memref_squeeze %swap3A_110 : memref<1x128xi32, #tpu.memory_space<vmem>> -> memref<128xi32, #tpu.memory_space<vmem>>
        %swap3A_112 = arith.constant 48 : index
        %swap3A_113 = tpu.vector_load %swap3A_111[%swap3A_112] {strides = array<i32>} : memref<128xi32, #tpu.memory_space<vmem>>, vector<16xi32>,
        %swap3A_114 = vector.shape_cast %swap3A_113 : vector<16xi32> to vector<16xi32>
        %swap3A_115 = vector.shape_cast %add3A_108 : vector<16xi32> to vector<16xi32>
        tpu.vector_store %swap3A_111[%swap3A_112], %swap3A_115 {strides = array<i32>} : memref<128xi32, #tpu.memory_space<vmem>>, vector<16xi32>,
        %get3A_116 = arith.constant 0 : i32
        %get3A_117 = tpu.memref_slice %arg7[%add3A_45, %get3A_116] : memref<40x128xi32, #tpu.memory_space<vmem>> -> memref<1x128xi32, #tpu.memory_space<vmem>>
        %get3A_118 = tpu.memref_squeeze %get3A_117 : memref<1x128xi32, #tpu.memory_space<vmem>> -> memref<128xi32, #tpu.memory_space<vmem>>
        %get3A_119 = arith.constant 64 : index
        %get3A_120 = tpu.vector_load %get3A_118[%get3A_119] {strides = array<i32>} : memref<128xi32, #tpu.memory_space<vmem>>, vector<16xi32>,
        %get3A_121 = vector.shape_cast %get3A_120 : vector<16xi32> to vector<16xi32>
        %mul3A_122 = arith.constant 2 : i32
        %mul3A_123 = vector.broadcast %mul3A_122 : i32 to vector<16xi32>
        %mul3A_124 = arith.muli %get3A_121, %mul3A_123 : vector<16xi32>
        %add3A_125 = vector.broadcast %arg0 : i32 to vector<16xi32>
        %add3A_126 = arith.addi %mul3A_124, %add3A_125 : vector<16xi32>
        %swap3A_127 = arith.constant 0 : i32
        %swap3A_128 = tpu.memref_slice %arg7[%add3A_45, %swap3A_127] : memref<40x128xi32, #tpu.memory_space<vmem>> -> memref<1x128xi32, #tpu.memory_space<vmem>>
        %swap3A_129 = tpu.memref_squeeze %swap3A_128 : memref<1x128xi32, #tpu.memory_space<vmem>> -> memref<128xi32, #tpu.memory_space<vmem>>
        %swap3A_130 = arith.constant 64 : index
        %swap3A_131 = tpu.vector_load %swap3A_129[%swap3A_130] {strides = array<i32>} : memref<128xi32, #tpu.memory_space<vmem>>, vector<16xi32>,
        %swap3A_132 = vector.shape_cast %swap3A_131 : vector<16xi32> to vector<16xi32>
        %swap3A_133 = vector.shape_cast %add3A_126 : vector<16xi32> to vector<16xi32>
        tpu.vector_store %swap3A_129[%swap3A_130], %swap3A_133 {strides = array<i32>} : memref<128xi32, #tpu.memory_space<vmem>>, vector<16xi32>,
        %get3A_134 = arith.constant 0 : i32
        %get3A_135 = tpu.memref_slice %arg7[%add3A_45, %get3A_134] : memref<40x128xi32, #tpu.memory_space<vmem>> -> memref<1x128xi32, #tpu.memory_space<vmem>>
        %get3A_136 = tpu.memref_squeeze %get3A_135 : memref<1x128xi32, #tpu.memory_space<vmem>> -> memref<128xi32, #tpu.memory_space<vmem>>
        %get3A_137 = arith.constant 80 : index
        %get3A_138 = tpu.vector_load %get3A_136[%get3A_137] {strides = array<i32>} : memref<128xi32, #tpu.memory_space<vmem>>, vector<16xi32>,
        %get3A_139 = vector.shape_cast %get3A_138 : vector<16xi32> to vector<16xi32>
        %mul3A_140 = arith.constant 2 : i32
        %mul3A_141 = vector.broadcast %mul3A_140 : i32 to vector<16xi32>
        %mul3A_142 = arith.muli %get3A_139, %mul3A_141 : vector<16xi32>
        %add3A_143 = vector.broadcast %arg0 : i32 to vector<16xi32>
        %add3A_144 = arith.addi %mul3A_142, %add3A_143 : vector<16xi32>
        %swap3A_145 = arith.constant 0 : i32
        %swap3A_146 = tpu.memref_slice %arg7[%add3A_45, %swap3A_145] : memref<40x128xi32, #tpu.memory_space<vmem>> -> memref<1x128xi32, #tpu.memory_space<vmem>>
        %swap3A_147 = tpu.memref_squeeze %swap3A_146 : memref<1x128xi32, #tpu.memory_space<vmem>> -> memref<128xi32, #tpu.memory_space<vmem>>
        %swap3A_148 = arith.constant 80 : index
        %swap3A_149 = tpu.vector_load %swap3A_147[%swap3A_148] {strides = array<i32>} : memref<128xi32, #tpu.memory_space<vmem>>, vector<16xi32>,
        %swap3A_150 = vector.shape_cast %swap3A_149 : vector<16xi32> to vector<16xi32>
        %swap3A_151 = vector.shape_cast %add3A_144 : vector<16xi32> to vector<16xi32>
        tpu.vector_store %swap3A_147[%swap3A_148], %swap3A_151 {strides = array<i32>} : memref<128xi32, #tpu.memory_space<vmem>>, vector<16xi32>,
        %get3A_152 = arith.constant 0 : i32
        %get3A_153 = tpu.memref_slice %arg7[%add3A_45, %get3A_152] : memref<40x128xi32, #tpu.memory_space<vmem>> -> memref<1x128xi32, #tpu.memory_space<vmem>>
        %get3A_154 = tpu.memref_squeeze %get3A_153 : memref<1x128xi32, #tpu.memory_space<vmem>> -> memref<128xi32, #tpu.memory_space<vmem>>
        %get3A_155 = arith.constant 96 : index
        %get3A_156 = tpu.vector_load %get3A_154[%get3A_155] {strides = array<i32>} : memref<128xi32, #tpu.memory_space<vmem>>, vector<16xi32>,
        %get3A_157 = vector.shape_cast %get3A_156 : vector<16xi32> to vector<16xi32>
        %mul3A_158 = arith.constant 2 : i32
        %mul3A_159 = vector.broadcast %mul3A_158 : i32 to vector<16xi32>
        %mul3A_160 = arith.muli %get3A_157, %mul3A_159 : vector<16xi32>
        %add3A_161 = vector.broadcast %arg0 : i32 to vector<16xi32>
        %add3A_162 = arith.addi %mul3A_160, %add3A_161 : vector<16xi32>
        %swap3A_163 = arith.constant 0 : i32
        %swap3A_164 = tpu.memref_slice %arg7[%add3A_45, %swap3A_163] : memref<40x128xi32, #tpu.memory_space<vmem>> -> memref<1x128xi32, #tpu.memory_space<vmem>>
        %swap3A_165 = tpu.memref_squeeze %swap3A_164 : memref<1x128xi32, #tpu.memory_space<vmem>> -> memref<128xi32, #tpu.memory_space<vmem>>
        %swap3A_166 = arith.constant 96 : index
        %swap3A_167 = tpu.vector_load %swap3A_165[%swap3A_166] {strides = array<i32>} : memref<128xi32, #tpu.memory_space<vmem>>, vector<16xi32>,
        %swap3A_168 = vector.shape_cast %swap3A_167 : vector<16xi32> to vector<16xi32>
        %swap3A_169 = vector.shape_cast %add3A_162 : vector<16xi32> to vector<16xi32>
        tpu.vector_store %swap3A_165[%swap3A_166], %swap3A_169 {strides = array<i32>} : memref<128xi32, #tpu.memory_space<vmem>>, vector<16xi32>,
        %get3A_170 = arith.constant 0 : i32
        %get3A_171 = tpu.memref_slice %arg7[%add3A_45, %get3A_170] : memref<40x128xi32, #tpu.memory_space<vmem>> -> memref<1x128xi32, #tpu.memory_space<vmem>>
        %get3A_172 = tpu.memref_squeeze %get3A_171 : memref<1x128xi32, #tpu.memory_space<vmem>> -> memref<128xi32, #tpu.memory_space<vmem>>
        %get3A_173 = arith.constant 112 : index
        %get3A_174 = tpu.vector_load %get3A_172[%get3A_173] {strides = array<i32>} : memref<128xi32, #tpu.memory_space<vmem>>, vector<16xi32>,
        %get3A_175 = vector.shape_cast %get3A_174 : vector<16xi32> to vector<16xi32>
        %mul3A_176 = arith.constant 2 : i32
        %mul3A_177 = vector.broadcast %mul3A_176 : i32 to vector<16xi32>
        %mul3A_178 = arith.muli %get3A_175, %mul3A_177 : vector<16xi32>
        %add3A_179 = vector.broadcast %arg0 : i32 to vector<16xi32>
        %add3A_180 = arith.addi %mul3A_178, %add3A_179 : vector<16xi32>
        %swap3A_181 = arith.constant 0 : i32
        %swap3A_182 = tpu.memref_slice %arg7[%add3A_45, %swap3A_181] : memref<40x128xi32, #tpu.memory_space<vmem>> -> memref<1x128xi32, #tpu.memory_space<vmem>>
        %swap3A_183 = tpu.memref_squeeze %swap3A_182 : memref<1x128xi32, #tpu.memory_space<vmem>> -> memref<128xi32, #tpu.memory_space<vmem>>
        %swap3A_184 = arith.constant 112 : index
        %swap3A_185 = tpu.vector_load %swap3A_183[%swap3A_184] {strides = array<i32>} : memref<128xi32, #tpu.memory_space<vmem>>, vector<16xi32>,
        %swap3A_186 = vector.shape_cast %swap3A_185 : vector<16xi32> to vector<16xi32>
        %swap3A_187 = vector.shape_cast %add3A_180 : vector<16xi32> to vector<16xi32>
        tpu.vector_store %swap3A_183[%swap3A_184], %swap3A_187 {strides = array<i32>} : memref<128xi32, #tpu.memory_space<vmem>>, vector<16xi32>,
      }
      %scan3A_24 = arith.constant 40 : i32
      %dma_start3A = arith.constant 0 : i32
      %dma_start3A_25 = arith.constant 0 : i32
      %dma_start3A_26 = arith.constant 0 : i32
      %dma_start3A_27 = arith.constant 0 : i32
      %dma_start3A_28 = tpu.memref_slice %arg9[%dma_start3A_25, %dma_start3A_26, %dma_start3A_27] : memref<2x128x128xf32, #tpu.memory_space<vmem>> -> memref<1x128x128xf32, #tpu.memory_space<vmem>>
      %dma_start3A_29 = tpu.memref_squeeze %dma_start3A_28 : memref<1x128x128xf32, #tpu.memory_space<vmem>> -> memref<128x128xf32, #tpu.memory_space<vmem>>
      %dma_start3A_30 = arith.constant 0 : i32
      %dma_start3A_31 = tpu.memref_slice %arg7[%dma_start3A, %dma_start3A_30] : memref<40x128xi32, #tpu.memory_space<vmem>> -> memref<1x128xi32, #tpu.memory_space<vmem>>
      %dma_start3A_32 = tpu.memref_squeeze %dma_start3A_31 : memref<1x128xi32, #tpu.memory_space<vmem>> -> memref<128xi32, #tpu.memory_space<vmem>>
      %dma_start3A_33 = arith.constant 0 : i32
      %dma_start3A_34 = arith.constant 0 : i32
      %dma_start3A_35 = tpu.memref_slice %arg5[%dma_start3A_33, %dma_start3A_34] : memref<20000x128xf32, #tpu.memory_space<hbm>> -> memref<20000x128xf32, #tpu.memory_space<hbm>>
      tpu.enqueue_indirect_dma source(%dma_start3A_35 : memref<20000x128xf32, #tpu.memory_space<hbm>>) target(%dma_start3A_29 : memref<128x128xf32, #tpu.memory_space<vmem>>) offsets(%dma_start3A_32 : memref<128xi32, #tpu.memory_space<vmem>>) semaphore(%arg11 : memref<!tpu.dma_semaphore, #tpu.memory_space<semaphore_mem>>)
      %scan3A_36 = arith.constant 0 : i32
      %scan3A_37 = arith.constant 20 : i32
      %scan3A_38 = arith.addi %scan3A_36, %scan3A_37 : i32
      %scan3A_39 = arith.constant 1 : i32
      scf.for %scan3A_41 = %scan3A_36 to %scan3A_38 step %scan3A_39  : i32 {
        %mul3A_42 = arith.constant 2 : i32
        %mul3A_43 = arith.muli %scan3A_41, %mul3A_42 : i32
        %add3A_44 = arith.constant 0 : i32
        %add3A_45 = arith.addi %add3A_44, %mul3A_43 : i32
        %add3A_46 = arith.constant 1 : i32
        %add3A_47 = arith.addi %add3A_45, %add3A_46 : i32
        %dma_start3A_48 = arith.constant 1 : i32
        %dma_start3A_49 = arith.constant 0 : i32
        %dma_start3A_50 = arith.constant 0 : i32
        %dma_start3A_51 = tpu.memref_slice %arg9[%dma_start3A_48, %dma_start3A_49, %dma_start3A_50] : memref<2x128x128xf32, #tpu.memory_space<vmem>> -> memref<1x128x128xf32, #tpu.memory_space<vmem>>
        %dma_start3A_52 = tpu.memref_squeeze %dma_start3A_51 : memref<1x128x128xf32, #tpu.memory_space<vmem>> -> memref<128x128xf32, #tpu.memory_space<vmem>>
        %dma_start3A_53 = arith.constant 0 : i32
        %dma_start3A_54 = tpu.memref_slice %arg7[%add3A_47, %dma_start3A_53] : memref<40x128xi32, #tpu.memory_space<vmem>> -> memref<1x128xi32, #tpu.memory_space<vmem>>
        %dma_start3A_55 = tpu.memref_squeeze %dma_start3A_54 : memref<1x128xi32, #tpu.memory_space<vmem>> -> memref<128xi32, #tpu.memory_space<vmem>>
        %dma_start3A_56 = arith.constant 0 : i32
        %dma_start3A_57 = arith.constant 0 : i32
        %dma_start3A_58 = tpu.memref_slice %arg5[%dma_start3A_56, %dma_start3A_57] : memref<20000x128xf32, #tpu.memory_space<hbm>> -> memref<20000x128xf32, #tpu.memory_space<hbm>>
        tpu.enqueue_indirect_dma source(%dma_start3A_58 : memref<20000x128xf32, #tpu.memory_space<hbm>>) target(%dma_start3A_52 : memref<128x128xf32, #tpu.memory_space<vmem>>) offsets(%dma_start3A_55 : memref<128xi32, #tpu.memory_space<vmem>>) semaphore(%arg12 : memref<!tpu.dma_semaphore, #tpu.memory_space<semaphore_mem>>)
        %dma_wait3A = arith.constant 0 : i32
        %dma_wait3A_59 = arith.constant 0 : i32
        %dma_wait3A_60 = arith.constant 0 : i32
        %dma_wait3A_61 = tpu.memref_slice %arg9[%dma_wait3A, %dma_wait3A_59, %dma_wait3A_60] : memref<2x128x128xf32, #tpu.memory_space<vmem>> -> memref<1x128x128xf32, #tpu.memory_space<vmem>>
        %dma_wait3A_62 = tpu.memref_squeeze %dma_wait3A_61 : memref<1x128x128xf32, #tpu.memory_space<vmem>> -> memref<128x128xf32, #tpu.memory_space<vmem>>
        %dma_wait3A_63 = arith.constant 0 : i32
        %dma_wait3A_64 = tpu.memref_slice %arg7[%add3A_45, %dma_wait3A_63] : memref<40x128xi32, #tpu.memory_space<vmem>> -> memref<1x128xi32, #tpu.memory_space<vmem>>
        %dma_wait3A_65 = tpu.memref_squeeze %dma_wait3A_64 : memref<1x128xi32, #tpu.memory_space<vmem>> -> memref<128xi32, #tpu.memory_space<vmem>>
        %dma_wait3A_66 = arith.constant 0 : i32
        %dma_wait3A_67 = arith.constant 0 : i32
        %dma_wait3A_68 = tpu.memref_slice %arg5[%dma_wait3A_66, %dma_wait3A_67] : memref<20000x128xf32, #tpu.memory_space<hbm>> -> memref<20000x128xf32, #tpu.memory_space<hbm>>
        tpu.wait_indirect_dma semaphore(%arg11 : memref<!tpu.dma_semaphore, #tpu.memory_space<semaphore_mem>>) src(%dma_wait3A_68 : memref<20000x128xf32, #tpu.memory_space<hbm>>) dst(%dma_wait3A_62 : memref<128x128xf32, #tpu.memory_space<vmem>>)
        %run_scoped3A = arith.constant 0 : i32
        "tpu.region"() ({
          %run_scoped3A_89 = tpu.sem_alloc : memref<!tpu.dma_semaphore, #tpu.memory_space<semaphore_mem>>
          %dma_start3A_90 = arith.constant 0 : i32
          %dma_start3A_91 = arith.constant 0 : i32
          %dma_start3A_92 = tpu.memref_slice %arg9[%run_scoped3A, %dma_start3A_90, %dma_start3A_91] : memref<2x128x128xf32, #tpu.memory_space<vmem>> -> memref<1x128x128xf32, #tpu.memory_space<vmem>>
          %dma_start3A_93 = tpu.memref_squeeze %dma_start3A_92 : memref<1x128x128xf32, #tpu.memory_space<vmem>> -> memref<128x128xf32, #tpu.memory_space<vmem>>
          %dma_start3A_94 = arith.constant 0 : i32
          %dma_start3A_95 = tpu.memref_slice %arg8[%add3A_45, %dma_start3A_94] : memref<40x128xi32, #tpu.memory_space<vmem>> -> memref<1x128xi32, #tpu.memory_space<vmem>>
          %dma_start3A_96 = tpu.memref_squeeze %dma_start3A_95 : memref<1x128xi32, #tpu.memory_space<vmem>> -> memref<128xi32, #tpu.memory_space<vmem>>
          %dma_start3A_97 = arith.constant 0 : i32
          %dma_start3A_98 = arith.constant 0 : i32
          %dma_start3A_99 = tpu.memref_slice %arg10[%dma_start3A_97, %dma_start3A_98] : memref<10112x128xf32, #tpu.memory_space<vmem_shared>> -> memref<10112x128xf32, #tpu.memory_space<vmem_shared>>
          tpu.enqueue_indirect_dma source(%dma_start3A_93 : memref<128x128xf32, #tpu.memory_space<vmem>>) target(%dma_start3A_99 : memref<10112x128xf32, #tpu.memory_space<vmem_shared>>) offsets(%dma_start3A_96 : memref<128xi32, #tpu.memory_space<vmem>>) semaphore(%run_scoped3A_89 : memref<!tpu.dma_semaphore, #tpu.memory_space<semaphore_mem>>) {add = true}
          %dma_wait3A_100 = arith.constant 0 : i32
          %dma_wait3A_101 = arith.constant 0 : i32
          %dma_wait3A_102 = tpu.memref_slice %arg9[%run_scoped3A, %dma_wait3A_100, %dma_wait3A_101] : memref<2x128x128xf32, #tpu.memory_space<vmem>> -> memref<1x128x128xf32, #tpu.memory_space<vmem>>
          %dma_wait3A_103 = tpu.memref_squeeze %dma_wait3A_102 : memref<1x128x128xf32, #tpu.memory_space<vmem>> -> memref<128x128xf32, #tpu.memory_space<vmem>>
          %dma_wait3A_104 = arith.constant 0 : i32
          %dma_wait3A_105 = tpu.memref_slice %arg8[%add3A_45, %dma_wait3A_104] : memref<40x128xi32, #tpu.memory_space<vmem>> -> memref<1x128xi32, #tpu.memory_space<vmem>>
          %dma_wait3A_106 = tpu.memref_squeeze %dma_wait3A_105 : memref<1x128xi32, #tpu.memory_space<vmem>> -> memref<128xi32, #tpu.memory_space<vmem>>
          %dma_wait3A_107 = arith.constant 0 : i32
          %dma_wait3A_108 = arith.constant 0 : i32
          %dma_wait3A_109 = tpu.memref_slice %arg10[%dma_wait3A_107, %dma_wait3A_108] : memref<10112x128xf32, #tpu.memory_space<vmem_shared>> -> memref<10112x128xf32, #tpu.memory_space<vmem_shared>>
          tpu.wait_indirect_dma semaphore(%run_scoped3A_89 : memref<!tpu.dma_semaphore, #tpu.memory_space<semaphore_mem>>) src(%dma_wait3A_103 : memref<128x128xf32, #tpu.memory_space<vmem>>) dst(%dma_wait3A_109 : memref<10112x128xf32, #tpu.memory_space<vmem_shared>>)
          tpu.yield
        }) : () -> ()
        %add3A_69 = arith.constant 2 : i32
        %add3A_70 = arith.addi %add3A_45, %add3A_69 : i32
        %lt3A = arith.constant 40 : i32
        %lt3A_71 = arith.cmpi slt, %add3A_70, %lt3A : i32
        %convert_element_type3A_72 = arith.extui %lt3A_71 : i1 to i32
        %cond3A_73 = arith.constant 0 : i32
        %cond3A_74 = arith.cmpi ne, %convert_element_type3A_72, %cond3A_73 : i32
        scf.if %cond3A_74 {
          %add3A_89 = arith.constant 2 : i32
          %add3A_90 = arith.addi %add3A_45, %add3A_89 : i32
          %dma_start3A_91 = arith.constant 0 : i32
          %dma_start3A_92 = arith.constant 0 : i32
          %dma_start3A_93 = arith.constant 0 : i32
          %dma_start3A_94 = tpu.memref_slice %arg9[%dma_start3A_91, %dma_start3A_92, %dma_start3A_93] : memref<2x128x128xf32, #tpu.memory_space<vmem>> -> memref<1x128x128xf32, #tpu.memory_space<vmem>>
          %dma_start3A_95 = tpu.memref_squeeze %dma_start3A_94 : memref<1x128x128xf32, #tpu.memory_space<vmem>> -> memref<128x128xf32, #tpu.memory_space<vmem>>
          %dma_start3A_96 = arith.constant 0 : i32
          %dma_start3A_97 = tpu.memref_slice %arg7[%add3A_90, %dma_start3A_96] : memref<40x128xi32, #tpu.memory_space<vmem>> -> memref<1x128xi32, #tpu.memory_space<vmem>>
          %dma_start3A_98 = tpu.memref_squeeze %dma_start3A_97 : memref<1x128xi32, #tpu.memory_space<vmem>> -> memref<128xi32, #tpu.memory_space<vmem>>
          %dma_start3A_99 = arith.constant 0 : i32
          %dma_start3A_100 = arith.constant 0 : i32
          %dma_start3A_101 = tpu.memref_slice %arg5[%dma_start3A_99, %dma_start3A_100] : memref<20000x128xf32, #tpu.memory_space<hbm>> -> memref<20000x128xf32, #tpu.memory_space<hbm>>
          tpu.enqueue_indirect_dma source(%dma_start3A_101 : memref<20000x128xf32, #tpu.memory_space<hbm>>) target(%dma_start3A_95 : memref<128x128xf32, #tpu.memory_space<vmem>>) offsets(%dma_start3A_98 : memref<128xi32, #tpu.memory_space<vmem>>) semaphore(%arg11 : memref<!tpu.dma_semaphore, #tpu.memory_space<semaphore_mem>>)
        } else {
        }
        %dma_wait3A_75 = arith.constant 1 : i32
        %dma_wait3A_76 = arith.constant 0 : i32
        %dma_wait3A_77 = arith.constant 0 : i32
        %dma_wait3A_78 = tpu.memref_slice %arg9[%dma_wait3A_75, %dma_wait3A_76, %dma_wait3A_77] : memref<2x128x128xf32, #tpu.memory_space<vmem>> -> memref<1x128x128xf32, #tpu.memory_space<vmem>>
        %dma_wait3A_79 = tpu.memref_squeeze %dma_wait3A_78 : memref<1x128x128xf32, #tpu.memory_space<vmem>> -> memref<128x128xf32, #tpu.memory_space<vmem>>
        %dma_wait3A_80 = arith.constant 0 : i32
        %dma_wait3A_81 = tpu.memref_slice %arg7[%add3A_47, %dma_wait3A_80] : memref<40x128xi32, #tpu.memory_space<vmem>> -> memref<1x128xi32, #tpu.memory_space<vmem>>
        %dma_wait3A_82 = tpu.memref_squeeze %dma_wait3A_81 : memref<1x128xi32, #tpu.memory_space<vmem>> -> memref<128xi32, #tpu.memory_space<vmem>>
        %dma_wait3A_83 = arith.constant 0 : i32
        %dma_wait3A_84 = arith.constant 0 : i32
        %dma_wait3A_85 = tpu.memref_slice %arg5[%dma_wait3A_83, %dma_wait3A_84] : memref<20000x128xf32, #tpu.memory_space<hbm>> -> memref<20000x128xf32, #tpu.memory_space<hbm>>
        tpu.wait_indirect_dma semaphore(%arg12 : memref<!tpu.dma_semaphore, #tpu.memory_space<semaphore_mem>>) src(%dma_wait3A_85 : memref<20000x128xf32, #tpu.memory_space<hbm>>) dst(%dma_wait3A_79 : memref<128x128xf32, #tpu.memory_space<vmem>>)
        %add3A_86 = arith.constant 1 : i32
        %add3A_87 = arith.addi %add3A_45, %add3A_86 : i32
        %run_scoped3A_88 = arith.constant 1 : i32
        "tpu.region"() ({
          %run_scoped3A_89 = tpu.sem_alloc : memref<!tpu.dma_semaphore, #tpu.memory_space<semaphore_mem>>
          %dma_start3A_90 = arith.constant 0 : i32
          %dma_start3A_91 = arith.constant 0 : i32
          %dma_start3A_92 = tpu.memref_slice %arg9[%run_scoped3A_88, %dma_start3A_90, %dma_start3A_91] : memref<2x128x128xf32, #tpu.memory_space<vmem>> -> memref<1x128x128xf32, #tpu.memory_space<vmem>>
          %dma_start3A_93 = tpu.memref_squeeze %dma_start3A_92 : memref<1x128x128xf32, #tpu.memory_space<vmem>> -> memref<128x128xf32, #tpu.memory_space<vmem>>
          %dma_start3A_94 = arith.constant 0 : i32
          %dma_start3A_95 = tpu.memref_slice %arg8[%add3A_87, %dma_start3A_94] : memref<40x128xi32, #tpu.memory_space<vmem>> -> memref<1x128xi32, #tpu.memory_space<vmem>>
          %dma_start3A_96 = tpu.memref_squeeze %dma_start3A_95 : memref<1x128xi32, #tpu.memory_space<vmem>> -> memref<128xi32, #tpu.memory_space<vmem>>
          %dma_start3A_97 = arith.constant 0 : i32
          %dma_start3A_98 = arith.constant 0 : i32
          %dma_start3A_99 = tpu.memref_slice %arg10[%dma_start3A_97, %dma_start3A_98] : memref<10112x128xf32, #tpu.memory_space<vmem_shared>> -> memref<10112x128xf32, #tpu.memory_space<vmem_shared>>
          tpu.enqueue_indirect_dma source(%dma_start3A_93 : memref<128x128xf32, #tpu.memory_space<vmem>>) target(%dma_start3A_99 : memref<10112x128xf32, #tpu.memory_space<vmem_shared>>) offsets(%dma_start3A_96 : memref<128xi32, #tpu.memory_space<vmem>>) semaphore(%run_scoped3A_89 : memref<!tpu.dma_semaphore, #tpu.memory_space<semaphore_mem>>) {add = true}
          %dma_wait3A_100 = arith.constant 0 : i32
          %dma_wait3A_101 = arith.constant 0 : i32
          %dma_wait3A_102 = tpu.memref_slice %arg9[%run_scoped3A_88, %dma_wait3A_100, %dma_wait3A_101] : memref<2x128x128xf32, #tpu.memory_space<vmem>> -> memref<1x128x128xf32, #tpu.memory_space<vmem>>
          %dma_wait3A_103 = tpu.memref_squeeze %dma_wait3A_102 : memref<1x128x128xf32, #tpu.memory_space<vmem>> -> memref<128x128xf32, #tpu.memory_space<vmem>>
          %dma_wait3A_104 = arith.constant 0 : i32
          %dma_wait3A_105 = tpu.memref_slice %arg8[%add3A_87, %dma_wait3A_104] : memref<40x128xi32, #tpu.memory_space<vmem>> -> memref<1x128xi32, #tpu.memory_space<vmem>>
          %dma_wait3A_106 = tpu.memref_squeeze %dma_wait3A_105 : memref<1x128xi32, #tpu.memory_space<vmem>> -> memref<128xi32, #tpu.memory_space<vmem>>
          %dma_wait3A_107 = arith.constant 0 : i32
          %dma_wait3A_108 = arith.constant 0 : i32
          %dma_wait3A_109 = tpu.memref_slice %arg10[%dma_wait3A_107, %dma_wait3A_108] : memref<10112x128xf32, #tpu.memory_space<vmem_shared>> -> memref<10112x128xf32, #tpu.memory_space<vmem_shared>>
          tpu.wait_indirect_dma semaphore(%run_scoped3A_89 : memref<!tpu.dma_semaphore, #tpu.memory_space<semaphore_mem>>) src(%dma_wait3A_103 : memref<128x128xf32, #tpu.memory_space<vmem>>) dst(%dma_wait3A_109 : memref<10112x128xf32, #tpu.memory_space<vmem_shared>>)
          tpu.yield
        }) : () -> ()
      }
      %scan3A_40 = arith.constant 20 : i32
    }
    %scan3A_4 = arith.constant 4 : i32
    %barrier3A_5 = arith.constant 0 : index
    tpu.barrier barrier_id(%barrier3A_5)
    %mul3A_6 = arith.constant 624 : i32
    %mul3A_7 = arith.muli %arg1, %mul3A_6 : i32
    %mul3A_8 = arith.constant 624 : i32
    %mul3A_9 = arith.muli %arg1, %mul3A_8 : i32
    "tpu.region"() ({
      %run_scoped3A = tpu.sem_alloc : memref<!tpu.dma_semaphore, #tpu.memory_space<semaphore_mem>>
      %dma_start3A = arith.constant 0 : i32
      %dma_start3A_12 = tpu.memref_slice %arg6[%arg0, %mul3A_9, %dma_start3A] : memref<2x10000x128xf32, #tpu.memory_space<hbm>> -> memref<1x624x128xf32, #tpu.memory_space<hbm>>
      %dma_start3A_13 = tpu.memref_squeeze %dma_start3A_12 : memref<1x624x128xf32, #tpu.memory_space<hbm>> -> memref<624x128xf32, #tpu.memory_space<hbm>>
      %dma_start3A_14 = arith.constant 0 : i32
      %dma_start3A_15 = tpu.memref_slice %arg10[%mul3A_7, %dma_start3A_14] : memref<10112x128xf32, #tpu.memory_space<vmem_shared>> -> memref<624x128xf32, #tpu.memory_space<vmem_shared>>
      tpu.enqueue_dma source(%dma_start3A_15 : memref<624x128xf32, #tpu.memory_space<vmem_shared>>) target(%dma_start3A_13 : memref<624x128xf32, #tpu.memory_space<hbm>>) target_semaphore(%run_scoped3A : memref<!tpu.dma_semaphore, #tpu.memory_space<semaphore_mem>>)
      %dma_wait3A = arith.constant 0 : i32
      %dma_wait3A_16 = tpu.memref_slice %arg6[%arg0, %mul3A_9, %dma_wait3A] : memref<2x10000x128xf32, #tpu.memory_space<hbm>> -> memref<1x624x128xf32, #tpu.memory_space<hbm>>
      %dma_wait3A_17 = tpu.memref_squeeze %dma_wait3A_16 : memref<1x624x128xf32, #tpu.memory_space<hbm>> -> memref<624x128xf32, #tpu.memory_space<hbm>>
      %dma_wait3A_18 = arith.constant 0 : i32
      %dma_wait3A_19 = tpu.memref_slice %arg10[%mul3A_7, %dma_wait3A_18] : memref<10112x128xf32, #tpu.memory_space<vmem_shared>> -> memref<624x128xf32, #tpu.memory_space<vmem_shared>>
      tpu.wait_dma2 semaphore(%run_scoped3A : memref<!tpu.dma_semaphore, #tpu.memory_space<semaphore_mem>>) src(%dma_wait3A_19 : memref<624x128xf32, #tpu.memory_space<vmem_shared>>) dst(%dma_wait3A_17 : memref<624x128xf32, #tpu.memory_space<hbm>>)
      tpu.yield
    }) : () -> ()
    %eq3A = arith.constant 0 : i32
    %eq3A_10 = arith.cmpi eq, %arg1, %eq3A : i32
    %convert_element_type3A = arith.extui %eq3A_10 : i1 to i32
    %cond3A = arith.constant 0 : i32
    %cond3A_11 = arith.cmpi ne, %convert_element_type3A, %cond3A : i32
    scf.if %cond3A_11 {
      "tpu.region"() ({
        %run_scoped3A = tpu.sem_alloc : memref<!tpu.dma_semaphore, #tpu.memory_space<semaphore_mem>>
        %dma_start3A = arith.constant 9984 : i32
        %dma_start3A_12 = arith.constant 0 : i32
        %dma_start3A_13 = tpu.memref_slice %arg6[%arg0, %dma_start3A, %dma_start3A_12] : memref<2x10000x128xf32, #tpu.memory_space<hbm>> -> memref<1x16x128xf32, #tpu.memory_space<hbm>>
        %dma_start3A_14 = tpu.memref_squeeze %dma_start3A_13 : memref<1x16x128xf32, #tpu.memory_space<hbm>> -> memref<16x128xf32, #tpu.memory_space<hbm>>
        %dma_start3A_15 = arith.constant 9984 : i32
        %dma_start3A_16 = arith.constant 0 : i32
        %dma_start3A_17 = tpu.memref_slice %arg10[%dma_start3A_15, %dma_start3A_16] : memref<10112x128xf32, #tpu.memory_space<vmem_shared>> -> memref<16x128xf32, #tpu.memory_space<vmem_shared>>
        tpu.enqueue_dma source(%dma_start3A_17 : memref<16x128xf32, #tpu.memory_space<vmem_shared>>) target(%dma_start3A_14 : memref<16x128xf32, #tpu.memory_space<hbm>>) target_semaphore(%run_scoped3A : memref<!tpu.dma_semaphore, #tpu.memory_space<semaphore_mem>>)
        %dma_wait3A = arith.constant 9984 : i32
        %dma_wait3A_18 = arith.constant 0 : i32
        %dma_wait3A_19 = tpu.memref_slice %arg6[%arg0, %dma_wait3A, %dma_wait3A_18] : memref<2x10000x128xf32, #tpu.memory_space<hbm>> -> memref<1x16x128xf32, #tpu.memory_space<hbm>>
        %dma_wait3A_20 = tpu.memref_squeeze %dma_wait3A_19 : memref<1x16x128xf32, #tpu.memory_space<hbm>> -> memref<16x128xf32, #tpu.memory_space<hbm>>
        %dma_wait3A_21 = arith.constant 9984 : i32
        %dma_wait3A_22 = arith.constant 0 : i32
        %dma_wait3A_23 = tpu.memref_slice %arg10[%dma_wait3A_21, %dma_wait3A_22] : memref<10112x128xf32, #tpu.memory_space<vmem_shared>> -> memref<16x128xf32, #tpu.memory_space<vmem_shared>>
        tpu.wait_dma2 semaphore(%run_scoped3A : memref<!tpu.dma_semaphore, #tpu.memory_space<semaphore_mem>>) src(%dma_wait3A_23 : memref<16x128xf32, #tpu.memory_space<vmem_shared>>) dst(%dma_wait3A_20 : memref<16x128xf32, #tpu.memory_space<hbm>>)
        tpu.yield
      }) : () -> ()
    } else {
    }
    return
  }
}

#map = affine_map<(d0, d1) -> (0, 0, 0)>
#map1 = affine_map<(d0, d1) -> (0, 0)>
module attributes {stable_mosaic.version = 14 : i64} {
  func.func @k(%arg0: i32, %arg1: i32, %arg2: memref<16x160x128xi32, #tpu.memory_space<hbm>>, %arg3: memref<16x160x128xi32, #tpu.memory_space<hbm>>, %arg4: memref<632x128xf32, #tpu.memory_space<hbm>>, %arg5: memref<20000x128xf32, #tpu.memory_space<hbm>>, %arg6: memref<2x10000x128xf32, #tpu.memory_space<hbm>>, %arg7: memref<40x128xi32, #tpu.memory_space<vmem>>, %arg8: memref<40x128xi32, #tpu.memory_space<vmem>>, %arg9: memref<2x128x128xf32, #tpu.memory_space<vmem>>, %arg10: memref<10112x128xf32, #tpu.memory_space<vmem_shared>>, %arg11: memref<!tpu.dma_semaphore, #tpu.memory_space<semaphore_mem>>, %arg12: memref<!tpu.dma_semaphore, #tpu.memory_space<semaphore_mem>>) attributes {dimension_semantics = [#tpu.dimension_semantics<core_parallel>, #tpu.dimension_semantics<subcore_parallel>], iteration_bounds = array<i64: 2, 16>, scalar_prefetch = 0 : i64, scratch_operands = 6 : i64, tpu.core_type = #tpu.core_type<sc_vector_subcore>, window_params = [{transform_indices = #map}, {transform_indices = #map}, {transform_indices = #map1}, {transform_indices = #map1}, {transform_indices = #map}]} {
    %mul3A = arith.constant 632 : i32
    %mul3A_0 = arith.muli %arg1, %mul3A : i32
    "tpu.region"() ({
      %run_scoped3A = tpu.sem_alloc : memref<!tpu.dma_semaphore, #tpu.memory_space<semaphore_mem>>
      %dma_start3A = arith.constant 0 : i32
      %dma_start3A_12 = tpu.memref_slice %arg10[%mul3A_0, %dma_start3A] : memref<10112x128xf32, #tpu.memory_space<vmem_shared>> -> memref<632x128xf32, #tpu.memory_space<vmem_shared>>
      tpu.enqueue_dma source(%arg4 : memref<632x128xf32, #tpu.memory_space<hbm>>) target(%dma_start3A_12 : memref<632x128xf32, #tpu.memory_space<vmem_shared>>) target_semaphore(%run_scoped3A : memref<!tpu.dma_semaphore, #tpu.memory_space<semaphore_mem>>)
      %dma_wait3A = arith.constant 0 : i32
      %dma_wait3A_13 = tpu.memref_slice %arg10[%mul3A_0, %dma_wait3A] : memref<10112x128xf32, #tpu.memory_space<vmem_shared>> -> memref<632x128xf32, #tpu.memory_space<vmem_shared>>
      tpu.wait_dma2 semaphore(%run_scoped3A : memref<!tpu.dma_semaphore, #tpu.memory_space<semaphore_mem>>) src(%arg4 : memref<632x128xf32, #tpu.memory_space<hbm>>) dst(%dma_wait3A_13 : memref<632x128xf32, #tpu.memory_space<vmem_shared>>)
      tpu.yield
    }) : () -> ()
    %barrier3A = arith.constant 0 : index
    tpu.barrier barrier_id(%barrier3A)
    %scan3A = arith.constant 0 : i32
    %scan3A_1 = arith.constant 4 : i32
    %scan3A_2 = arith.addi %scan3A, %scan3A_1 : i32
    %scan3A_3 = arith.constant 1 : i32
    scf.for %scan3A_12 = %scan3A to %scan3A_2 step %scan3A_3  : i32 {
      %mul3A_13 = arith.constant 1 : i32
      %mul3A_14 = arith.muli %scan3A_12, %mul3A_13 : i32
      %add3A = arith.constant 0 : i32
      %add3A_15 = arith.addi %add3A, %mul3A_14 : i32
      %mul3A_16 = arith.constant 40 : i32
      %mul3A_17 = arith.muli %add3A_15, %mul3A_16 : i32
      "tpu.region"() ({
        %run_scoped3A = tpu.sem_alloc : memref<!tpu.dma_semaphore, #tpu.memory_space<semaphore_mem>>
        %dma_start3A_41 = arith.constant 0 : i32
        %dma_start3A_42 = tpu.memref_slice %arg2[%arg1, %mul3A_17, %dma_start3A_41] : memref<16x160x128xi32, #tpu.memory_space<hbm>> -> memref<1x40x128xi32, #tpu.memory_space<hbm>>
        %dma_start3A_43 = tpu.memref_squeeze %dma_start3A_42 : memref<1x40x128xi32, #tpu.memory_space<hbm>> -> memref<40x128xi32, #tpu.memory_space<hbm>>
        %dma_start3A_44 = arith.constant 0 : i32
        %dma_start3A_45 = tpu.memref_slice %arg2[%arg1, %mul3A_17, %dma_start3A_44] : memref<16x160x128xi32, #tpu.memory_space<hbm>> -> memref<1x40x128xi32, #tpu.memory_space<hbm>>
        %dma_start3A_46 = tpu.memref_squeeze %dma_start3A_45 : memref<1x40x128xi32, #tpu.memory_space<hbm>> -> memref<40x128xi32, #tpu.memory_space<hbm>>
        tpu.enqueue_dma source(%dma_start3A_46 : memref<40x128xi32, #tpu.memory_space<hbm>>) target(%arg7 : memref<40x128xi32, #tpu.memory_space<vmem>>) target_semaphore(%run_scoped3A : memref<!tpu.dma_semaphore, #tpu.memory_space<semaphore_mem>>)
        %dma_wait3A = arith.constant 0 : i32
        %dma_wait3A_47 = tpu.memref_slice %arg2[%arg1, %mul3A_17, %dma_wait3A] : memref<16x160x128xi32, #tpu.memory_space<hbm>> -> memref<1x40x128xi32, #tpu.memory_space<hbm>>
        %dma_wait3A_48 = tpu.memref_squeeze %dma_wait3A_47 : memref<1x40x128xi32, #tpu.memory_space<hbm>> -> memref<40x128xi32, #tpu.memory_space<hbm>>
        %dma_wait3A_49 = arith.constant 0 : i32
        %dma_wait3A_50 = tpu.memref_slice %arg2[%arg1, %mul3A_17, %dma_wait3A_49] : memref<16x160x128xi32, #tpu.memory_space<hbm>> -> memref<1x40x128xi32, #tpu.memory_space<hbm>>
        %dma_wait3A_51 = tpu.memref_squeeze %dma_wait3A_50 : memref<1x40x128xi32, #tpu.memory_space<hbm>> -> memref<40x128xi32, #tpu.memory_space<hbm>>
        tpu.wait_dma2 semaphore(%run_scoped3A : memref<!tpu.dma_semaphore, #tpu.memory_space<semaphore_mem>>) src(%dma_wait3A_51 : memref<40x128xi32, #tpu.memory_space<hbm>>) dst(%arg7 : memref<40x128xi32, #tpu.memory_space<vmem>>)
        tpu.yield
      }) : () -> ()
      %mul3A_18 = arith.constant 40 : i32
      %mul3A_19 = arith.muli %add3A_15, %mul3A_18 : i32
      "tpu.region"() ({
        %run_scoped3A = tpu.sem_alloc : memref<!tpu.dma_semaphore, #tpu.memory_space<semaphore_mem>>
        %dma_start3A_41 = arith.constant 0 : i32
        %dma_start3A_42 = tpu.memref_slice %arg3[%arg1, %mul3A_19, %dma_start3A_41] : memref<16x160x128xi32, #tpu.memory_space<hbm>> -> memref<1x40x128xi32, #tpu.memory_space<hbm>>
        %dma_start3A_43 = tpu.memref_squeeze %dma_start3A_42 : memref<1x40x128xi32, #tpu.memory_space<hbm>> -> memref<40x128xi32, #tpu.memory_space<hbm>>
        %dma_start3A_44 = arith.constant 0 : i32
        %dma_start3A_45 = tpu.memref_slice %arg3[%arg1, %mul3A_19, %dma_start3A_44] : memref<16x160x128xi32, #tpu.memory_space<hbm>> -> memref<1x40x128xi32, #tpu.memory_space<hbm>>
        %dma_start3A_46 = tpu.memref_squeeze %dma_start3A_45 : memref<1x40x128xi32, #tpu.memory_space<hbm>> -> memref<40x128xi32, #tpu.memory_space<hbm>>
        tpu.enqueue_dma source(%dma_start3A_46 : memref<40x128xi32, #tpu.memory_space<hbm>>) target(%arg8 : memref<40x128xi32, #tpu.memory_space<vmem>>) target_semaphore(%run_scoped3A : memref<!tpu.dma_semaphore, #tpu.memory_space<semaphore_mem>>)
        %dma_wait3A = arith.constant 0 : i32
        %dma_wait3A_47 = tpu.memref_slice %arg3[%arg1, %mul3A_19, %dma_wait3A] : memref<16x160x128xi32, #tpu.memory_space<hbm>> -> memref<1x40x128xi32, #tpu.memory_space<hbm>>
        %dma_wait3A_48 = tpu.memref_squeeze %dma_wait3A_47 : memref<1x40x128xi32, #tpu.memory_space<hbm>> -> memref<40x128xi32, #tpu.memory_space<hbm>>
        %dma_wait3A_49 = arith.constant 0 : i32
        %dma_wait3A_50 = tpu.memref_slice %arg3[%arg1, %mul3A_19, %dma_wait3A_49] : memref<16x160x128xi32, #tpu.memory_space<hbm>> -> memref<1x40x128xi32, #tpu.memory_space<hbm>>
        %dma_wait3A_51 = tpu.memref_squeeze %dma_wait3A_50 : memref<1x40x128xi32, #tpu.memory_space<hbm>> -> memref<40x128xi32, #tpu.memory_space<hbm>>
        tpu.wait_dma2 semaphore(%run_scoped3A : memref<!tpu.dma_semaphore, #tpu.memory_space<semaphore_mem>>) src(%dma_wait3A_51 : memref<40x128xi32, #tpu.memory_space<hbm>>) dst(%arg8 : memref<40x128xi32, #tpu.memory_space<vmem>>)
        tpu.yield
      }) : () -> ()
      %scan3A_20 = arith.constant 0 : i32
      %scan3A_21 = arith.constant 40 : i32
      %scan3A_22 = arith.addi %scan3A_20, %scan3A_21 : i32
      %scan3A_23 = arith.constant 1 : i32
      scf.for %scan3A_41 = %scan3A_20 to %scan3A_22 step %scan3A_23  : i32 {
        %mul3A_42 = arith.constant 1 : i32
        %mul3A_43 = arith.muli %scan3A_41, %mul3A_42 : i32
        %add3A_44 = arith.constant 0 : i32
        %add3A_45 = arith.addi %add3A_44, %mul3A_43 : i32
        %get3A = arith.constant 0 : i32
        %get3A_46 = tpu.memref_slice %arg7[%add3A_45, %get3A] : memref<40x128xi32, #tpu.memory_space<vmem>> -> memref<1x128xi32, #tpu.memory_space<vmem>>
        %get3A_47 = tpu.memref_squeeze %get3A_46 : memref<1x128xi32, #tpu.memory_space<vmem>> -> memref<128xi32, #tpu.memory_space<vmem>>
        %get3A_48 = arith.constant 0 : index
        %get3A_49 = tpu.vector_load %get3A_47[%get3A_48] {strides = array<i32>} : memref<128xi32, #tpu.memory_space<vmem>>, vector<16xi32>,
        %get3A_50 = vector.shape_cast %get3A_49 : vector<16xi32> to vector<16xi32>
        %mul3A_51 = arith.constant 2 : i32
        %mul3A_52 = vector.broadcast %mul3A_51 : i32 to vector<16xi32>
        %mul3A_53 = arith.muli %get3A_50, %mul3A_52 : vector<16xi32>
        %add3A_54 = vector.broadcast %arg0 : i32 to vector<16xi32>
        %add3A_55 = arith.addi %mul3A_53, %add3A_54 : vector<16xi32>
        %swap3A = arith.constant 0 : i32
        %swap3A_56 = tpu.memref_slice %arg7[%add3A_45, %swap3A] : memref<40x128xi32, #tpu.memory_space<vmem>> -> memref<1x128xi32, #tpu.memory_space<vmem>>
        %swap3A_57 = tpu.memref_squeeze %swap3A_56 : memref<1x128xi32, #tpu.memory_space<vmem>> -> memref<128xi32, #tpu.memory_space<vmem>>
        %swap3A_58 = arith.constant 0 : index
        %swap3A_59 = tpu.vector_load %swap3A_57[%swap3A_58] {strides = array<i32>} : memref<128xi32, #tpu.memory_space<vmem>>, vector<16xi32>,
        %swap3A_60 = vector.shape_cast %swap3A_59 : vector<16xi32> to vector<16xi32>
        %swap3A_61 = vector.shape_cast %add3A_55 : vector<16xi32> to vector<16xi32>
        tpu.vector_store %swap3A_57[%swap3A_58], %swap3A_61 {strides = array<i32>} : memref<128xi32, #tpu.memory_space<vmem>>, vector<16xi32>,
        %get3A_62 = arith.constant 0 : i32
        %get3A_63 = tpu.memref_slice %arg7[%add3A_45, %get3A_62] : memref<40x128xi32, #tpu.memory_space<vmem>> -> memref<1x128xi32, #tpu.memory_space<vmem>>
        %get3A_64 = tpu.memref_squeeze %get3A_63 : memref<1x128xi32, #tpu.memory_space<vmem>> -> memref<128xi32, #tpu.memory_space<vmem>>
        %get3A_65 = arith.constant 16 : index
        %get3A_66 = tpu.vector_load %get3A_64[%get3A_65] {strides = array<i32>} : memref<128xi32, #tpu.memory_space<vmem>>, vector<16xi32>,
        %get3A_67 = vector.shape_cast %get3A_66 : vector<16xi32> to vector<16xi32>
        %mul3A_68 = arith.constant 2 : i32
        %mul3A_69 = vector.broadcast %mul3A_68 : i32 to vector<16xi32>
        %mul3A_70 = arith.muli %get3A_67, %mul3A_69 : vector<16xi32>
        %add3A_71 = vector.broadcast %arg0 : i32 to vector<16xi32>
        %add3A_72 = arith.addi %mul3A_70, %add3A_71 : vector<16xi32>
        %swap3A_73 = arith.constant 0 : i32
        %swap3A_74 = tpu.memref_slice %arg7[%add3A_45, %swap3A_73] : memref<40x128xi32, #tpu.memory_space<vmem>> -> memref<1x128xi32, #tpu.memory_space<vmem>>
        %swap3A_75 = tpu.memref_squeeze %swap3A_74 : memref<1x128xi32, #tpu.memory_space<vmem>> -> memref<128xi32, #tpu.memory_space<vmem>>
        %swap3A_76 = arith.constant 16 : index
        %swap3A_77 = tpu.vector_load %swap3A_75[%swap3A_76] {strides = array<i32>} : memref<128xi32, #tpu.memory_space<vmem>>, vector<16xi32>,
        %swap3A_78 = vector.shape_cast %swap3A_77 : vector<16xi32> to vector<16xi32>
        %swap3A_79 = vector.shape_cast %add3A_72 : vector<16xi32> to vector<16xi32>
        tpu.vector_store %swap3A_75[%swap3A_76], %swap3A_79 {strides = array<i32>} : memref<128xi32, #tpu.memory_space<vmem>>, vector<16xi32>,
        %get3A_80 = arith.constant 0 : i32
        %get3A_81 = tpu.memref_slice %arg7[%add3A_45, %get3A_80] : memref<40x128xi32, #tpu.memory_space<vmem>> -> memref<1x128xi32, #tpu.memory_space<vmem>>
        %get3A_82 = tpu.memref_squeeze %get3A_81 : memref<1x128xi32, #tpu.memory_space<vmem>> -> memref<128xi32, #tpu.memory_space<vmem>>
        %get3A_83 = arith.constant 32 : index
        %get3A_84 = tpu.vector_load %get3A_82[%get3A_83] {strides = array<i32>} : memref<128xi32, #tpu.memory_space<vmem>>, vector<16xi32>,
        %get3A_85 = vector.shape_cast %get3A_84 : vector<16xi32> to vector<16xi32>
        %mul3A_86 = arith.constant 2 : i32
        %mul3A_87 = vector.broadcast %mul3A_86 : i32 to vector<16xi32>
        %mul3A_88 = arith.muli %get3A_85, %mul3A_87 : vector<16xi32>
        %add3A_89 = vector.broadcast %arg0 : i32 to vector<16xi32>
        %add3A_90 = arith.addi %mul3A_88, %add3A_89 : vector<16xi32>
        %swap3A_91 = arith.constant 0 : i32
        %swap3A_92 = tpu.memref_slice %arg7[%add3A_45, %swap3A_91] : memref<40x128xi32, #tpu.memory_space<vmem>> -> memref<1x128xi32, #tpu.memory_space<vmem>>
        %swap3A_93 = tpu.memref_squeeze %swap3A_92 : memref<1x128xi32, #tpu.memory_space<vmem>> -> memref<128xi32, #tpu.memory_space<vmem>>
        %swap3A_94 = arith.constant 32 : index
        %swap3A_95 = tpu.vector_load %swap3A_93[%swap3A_94] {strides = array<i32>} : memref<128xi32, #tpu.memory_space<vmem>>, vector<16xi32>,
        %swap3A_96 = vector.shape_cast %swap3A_95 : vector<16xi32> to vector<16xi32>
        %swap3A_97 = vector.shape_cast %add3A_90 : vector<16xi32> to vector<16xi32>
        tpu.vector_store %swap3A_93[%swap3A_94], %swap3A_97 {strides = array<i32>} : memref<128xi32, #tpu.memory_space<vmem>>, vector<16xi32>,
        %get3A_98 = arith.constant 0 : i32
        %get3A_99 = tpu.memref_slice %arg7[%add3A_45, %get3A_98] : memref<40x128xi32, #tpu.memory_space<vmem>> -> memref<1x128xi32, #tpu.memory_space<vmem>>
        %get3A_100 = tpu.memref_squeeze %get3A_99 : memref<1x128xi32, #tpu.memory_space<vmem>> -> memref<128xi32, #tpu.memory_space<vmem>>
        %get3A_101 = arith.constant 48 : index
        %get3A_102 = tpu.vector_load %get3A_100[%get3A_101] {strides = array<i32>} : memref<128xi32, #tpu.memory_space<vmem>>, vector<16xi32>,
        %get3A_103 = vector.shape_cast %get3A_102 : vector<16xi32> to vector<16xi32>
        %mul3A_104 = arith.constant 2 : i32
        %mul3A_105 = vector.broadcast %mul3A_104 : i32 to vector<16xi32>
        %mul3A_106 = arith.muli %get3A_103, %mul3A_105 : vector<16xi32>
        %add3A_107 = vector.broadcast %arg0 : i32 to vector<16xi32>
        %add3A_108 = arith.addi %mul3A_106, %add3A_107 : vector<16xi32>
        %swap3A_109 = arith.constant 0 : i32
        %swap3A_110 = tpu.memref_slice %arg7[%add3A_45, %swap3A_109] : memref<40x128xi32, #tpu.memory_space<vmem>> -> memref<1x128xi32, #tpu.memory_space<vmem>>
        %swap3A_111 = tpu.memref_squeeze %swap3A_110 : memref<1x128xi32, #tpu.memory_space<vmem>> -> memref<128xi32, #tpu.memory_space<vmem>>
        %swap3A_112 = arith.constant 48 : index
        %swap3A_113 = tpu.vector_load %swap3A_111[%swap3A_112] {strides = array<i32>} : memref<128xi32, #tpu.memory_space<vmem>>, vector<16xi32>,
        %swap3A_114 = vector.shape_cast %swap3A_113 : vector<16xi32> to vector<16xi32>
        %swap3A_115 = vector.shape_cast %add3A_108 : vector<16xi32> to vector<16xi32>
        tpu.vector_store %swap3A_111[%swap3A_112], %swap3A_115 {strides = array<i32>} : memref<128xi32, #tpu.memory_space<vmem>>, vector<16xi32>,
        %get3A_116 = arith.constant 0 : i32
        %get3A_117 = tpu.memref_slice %arg7[%add3A_45, %get3A_116] : memref<40x128xi32, #tpu.memory_space<vmem>> -> memref<1x128xi32, #tpu.memory_space<vmem>>
        %get3A_118 = tpu.memref_squeeze %get3A_117 : memref<1x128xi32, #tpu.memory_space<vmem>> -> memref<128xi32, #tpu.memory_space<vmem>>
        %get3A_119 = arith.constant 64 : index
        %get3A_120 = tpu.vector_load %get3A_118[%get3A_119] {strides = array<i32>} : memref<128xi32, #tpu.memory_space<vmem>>, vector<16xi32>,
        %get3A_121 = vector.shape_cast %get3A_120 : vector<16xi32> to vector<16xi32>
        %mul3A_122 = arith.constant 2 : i32
        %mul3A_123 = vector.broadcast %mul3A_122 : i32 to vector<16xi32>
        %mul3A_124 = arith.muli %get3A_121, %mul3A_123 : vector<16xi32>
        %add3A_125 = vector.broadcast %arg0 : i32 to vector<16xi32>
        %add3A_126 = arith.addi %mul3A_124, %add3A_125 : vector<16xi32>
        %swap3A_127 = arith.constant 0 : i32
        %swap3A_128 = tpu.memref_slice %arg7[%add3A_45, %swap3A_127] : memref<40x128xi32, #tpu.memory_space<vmem>> -> memref<1x128xi32, #tpu.memory_space<vmem>>
        %swap3A_129 = tpu.memref_squeeze %swap3A_128 : memref<1x128xi32, #tpu.memory_space<vmem>> -> memref<128xi32, #tpu.memory_space<vmem>>
        %swap3A_130 = arith.constant 64 : index
        %swap3A_131 = tpu.vector_load %swap3A_129[%swap3A_130] {strides = array<i32>} : memref<128xi32, #tpu.memory_space<vmem>>, vector<16xi32>,
        %swap3A_132 = vector.shape_cast %swap3A_131 : vector<16xi32> to vector<16xi32>
        %swap3A_133 = vector.shape_cast %add3A_126 : vector<16xi32> to vector<16xi32>
        tpu.vector_store %swap3A_129[%swap3A_130], %swap3A_133 {strides = array<i32>} : memref<128xi32, #tpu.memory_space<vmem>>, vector<16xi32>,
        %get3A_134 = arith.constant 0 : i32
        %get3A_135 = tpu.memref_slice %arg7[%add3A_45, %get3A_134] : memref<40x128xi32, #tpu.memory_space<vmem>> -> memref<1x128xi32, #tpu.memory_space<vmem>>
        %get3A_136 = tpu.memref_squeeze %get3A_135 : memref<1x128xi32, #tpu.memory_space<vmem>> -> memref<128xi32, #tpu.memory_space<vmem>>
        %get3A_137 = arith.constant 80 : index
        %get3A_138 = tpu.vector_load %get3A_136[%get3A_137] {strides = array<i32>} : memref<128xi32, #tpu.memory_space<vmem>>, vector<16xi32>,
        %get3A_139 = vector.shape_cast %get3A_138 : vector<16xi32> to vector<16xi32>
        %mul3A_140 = arith.constant 2 : i32
        %mul3A_141 = vector.broadcast %mul3A_140 : i32 to vector<16xi32>
        %mul3A_142 = arith.muli %get3A_139, %mul3A_141 : vector<16xi32>
        %add3A_143 = vector.broadcast %arg0 : i32 to vector<16xi32>
        %add3A_144 = arith.addi %mul3A_142, %add3A_143 : vector<16xi32>
        %swap3A_145 = arith.constant 0 : i32
        %swap3A_146 = tpu.memref_slice %arg7[%add3A_45, %swap3A_145] : memref<40x128xi32, #tpu.memory_space<vmem>> -> memref<1x128xi32, #tpu.memory_space<vmem>>
        %swap3A_147 = tpu.memref_squeeze %swap3A_146 : memref<1x128xi32, #tpu.memory_space<vmem>> -> memref<128xi32, #tpu.memory_space<vmem>>
        %swap3A_148 = arith.constant 80 : index
        %swap3A_149 = tpu.vector_load %swap3A_147[%swap3A_148] {strides = array<i32>} : memref<128xi32, #tpu.memory_space<vmem>>, vector<16xi32>,
        %swap3A_150 = vector.shape_cast %swap3A_149 : vector<16xi32> to vector<16xi32>
        %swap3A_151 = vector.shape_cast %add3A_144 : vector<16xi32> to vector<16xi32>
        tpu.vector_store %swap3A_147[%swap3A_148], %swap3A_151 {strides = array<i32>} : memref<128xi32, #tpu.memory_space<vmem>>, vector<16xi32>,
        %get3A_152 = arith.constant 0 : i32
        %get3A_153 = tpu.memref_slice %arg7[%add3A_45, %get3A_152] : memref<40x128xi32, #tpu.memory_space<vmem>> -> memref<1x128xi32, #tpu.memory_space<vmem>>
        %get3A_154 = tpu.memref_squeeze %get3A_153 : memref<1x128xi32, #tpu.memory_space<vmem>> -> memref<128xi32, #tpu.memory_space<vmem>>
        %get3A_155 = arith.constant 96 : index
        %get3A_156 = tpu.vector_load %get3A_154[%get3A_155] {strides = array<i32>} : memref<128xi32, #tpu.memory_space<vmem>>, vector<16xi32>,
        %get3A_157 = vector.shape_cast %get3A_156 : vector<16xi32> to vector<16xi32>
        %mul3A_158 = arith.constant 2 : i32
        %mul3A_159 = vector.broadcast %mul3A_158 : i32 to vector<16xi32>
        %mul3A_160 = arith.muli %get3A_157, %mul3A_159 : vector<16xi32>
        %add3A_161 = vector.broadcast %arg0 : i32 to vector<16xi32>
        %add3A_162 = arith.addi %mul3A_160, %add3A_161 : vector<16xi32>
        %swap3A_163 = arith.constant 0 : i32
        %swap3A_164 = tpu.memref_slice %arg7[%add3A_45, %swap3A_163] : memref<40x128xi32, #tpu.memory_space<vmem>> -> memref<1x128xi32, #tpu.memory_space<vmem>>
        %swap3A_165 = tpu.memref_squeeze %swap3A_164 : memref<1x128xi32, #tpu.memory_space<vmem>> -> memref<128xi32, #tpu.memory_space<vmem>>
        %swap3A_166 = arith.constant 96 : index
        %swap3A_167 = tpu.vector_load %swap3A_165[%swap3A_166] {strides = array<i32>} : memref<128xi32, #tpu.memory_space<vmem>>, vector<16xi32>,
        %swap3A_168 = vector.shape_cast %swap3A_167 : vector<16xi32> to vector<16xi32>
        %swap3A_169 = vector.shape_cast %add3A_162 : vector<16xi32> to vector<16xi32>
        tpu.vector_store %swap3A_165[%swap3A_166], %swap3A_169 {strides = array<i32>} : memref<128xi32, #tpu.memory_space<vmem>>, vector<16xi32>,
        %get3A_170 = arith.constant 0 : i32
        %get3A_171 = tpu.memref_slice %arg7[%add3A_45, %get3A_170] : memref<40x128xi32, #tpu.memory_space<vmem>> -> memref<1x128xi32, #tpu.memory_space<vmem>>
        %get3A_172 = tpu.memref_squeeze %get3A_171 : memref<1x128xi32, #tpu.memory_space<vmem>> -> memref<128xi32, #tpu.memory_space<vmem>>
        %get3A_173 = arith.constant 112 : index
        %get3A_174 = tpu.vector_load %get3A_172[%get3A_173] {strides = array<i32>} : memref<128xi32, #tpu.memory_space<vmem>>, vector<16xi32>,
        %get3A_175 = vector.shape_cast %get3A_174 : vector<16xi32> to vector<16xi32>
        %mul3A_176 = arith.constant 2 : i32
        %mul3A_177 = vector.broadcast %mul3A_176 : i32 to vector<16xi32>
        %mul3A_178 = arith.muli %get3A_175, %mul3A_177 : vector<16xi32>
        %add3A_179 = vector.broadcast %arg0 : i32 to vector<16xi32>
        %add3A_180 = arith.addi %mul3A_178, %add3A_179 : vector<16xi32>
        %swap3A_181 = arith.constant 0 : i32
        %swap3A_182 = tpu.memref_slice %arg7[%add3A_45, %swap3A_181] : memref<40x128xi32, #tpu.memory_space<vmem>> -> memref<1x128xi32, #tpu.memory_space<vmem>>
        %swap3A_183 = tpu.memref_squeeze %swap3A_182 : memref<1x128xi32, #tpu.memory_space<vmem>> -> memref<128xi32, #tpu.memory_space<vmem>>
        %swap3A_184 = arith.constant 112 : index
        %swap3A_185 = tpu.vector_load %swap3A_183[%swap3A_184] {strides = array<i32>} : memref<128xi32, #tpu.memory_space<vmem>>, vector<16xi32>,
        %swap3A_186 = vector.shape_cast %swap3A_185 : vector<16xi32> to vector<16xi32>
        %swap3A_187 = vector.shape_cast %add3A_180 : vector<16xi32> to vector<16xi32>
        tpu.vector_store %swap3A_183[%swap3A_184], %swap3A_187 {strides = array<i32>} : memref<128xi32, #tpu.memory_space<vmem>>, vector<16xi32>,
      }
      %scan3A_24 = arith.constant 40 : i32
      %dma_start3A = arith.constant 0 : i32
      %dma_start3A_25 = arith.constant 0 : i32
      %dma_start3A_26 = arith.constant 0 : i32
      %dma_start3A_27 = arith.constant 0 : i32
      %dma_start3A_28 = tpu.memref_slice %arg9[%dma_start3A_25, %dma_start3A_26, %dma_start3A_27] : memref<2x128x128xf32, #tpu.memory_space<vmem>> -> memref<1x128x128xf32, #tpu.memory_space<vmem>>
      %dma_start3A_29 = tpu.memref_squeeze %dma_start3A_28 : memref<1x128x128xf32, #tpu.memory_space<vmem>> -> memref<128x128xf32, #tpu.memory_space<vmem>>
      %dma_start3A_30 = arith.constant 0 : i32
      %dma_start3A_31 = tpu.memref_slice %arg7[%dma_start3A, %dma_start3A_30] : memref<40x128xi32, #tpu.memory_space<vmem>> -> memref<1x128xi32, #tpu.memory_space<vmem>>
      %dma_start3A_32 = tpu.memref_squeeze %dma_start3A_31 : memref<1x128xi32, #tpu.memory_space<vmem>> -> memref<128xi32, #tpu.memory_space<vmem>>
      %dma_start3A_33 = arith.constant 0 : i32
      %dma_start3A_34 = arith.constant 0 : i32
      %dma_start3A_35 = tpu.memref_slice %arg5[%dma_start3A_33, %dma_start3A_34] : memref<20000x128xf32, #tpu.memory_space<hbm>> -> memref<20000x128xf32, #tpu.memory_space<hbm>>
      tpu.enqueue_indirect_dma source(%dma_start3A_35 : memref<20000x128xf32, #tpu.memory_space<hbm>>) target(%dma_start3A_29 : memref<128x128xf32, #tpu.memory_space<vmem>>) offsets(%dma_start3A_32 : memref<128xi32, #tpu.memory_space<vmem>>) semaphore(%arg11 : memref<!tpu.dma_semaphore, #tpu.memory_space<semaphore_mem>>)
      %scan3A_36 = arith.constant 0 : i32
      %scan3A_37 = arith.constant 20 : i32
      %scan3A_38 = arith.addi %scan3A_36, %scan3A_37 : i32
      %scan3A_39 = arith.constant 1 : i32
      scf.for %scan3A_41 = %scan3A_36 to %scan3A_38 step %scan3A_39  : i32 {
        %mul3A_42 = arith.constant 2 : i32
        %mul3A_43 = arith.muli %scan3A_41, %mul3A_42 : i32
        %add3A_44 = arith.constant 0 : i32
        %add3A_45 = arith.addi %add3A_44, %mul3A_43 : i32
        %add3A_46 = arith.constant 1 : i32
        %add3A_47 = arith.addi %add3A_45, %add3A_46 : i32
        %dma_start3A_48 = arith.constant 1 : i32
        %dma_start3A_49 = arith.constant 0 : i32
        %dma_start3A_50 = arith.constant 0 : i32
        %dma_start3A_51 = tpu.memref_slice %arg9[%dma_start3A_48, %dma_start3A_49, %dma_start3A_50] : memref<2x128x128xf32, #tpu.memory_space<vmem>> -> memref<1x128x128xf32, #tpu.memory_space<vmem>>
        %dma_start3A_52 = tpu.memref_squeeze %dma_start3A_51 : memref<1x128x128xf32, #tpu.memory_space<vmem>> -> memref<128x128xf32, #tpu.memory_space<vmem>>
        %dma_start3A_53 = arith.constant 0 : i32
        %dma_start3A_54 = tpu.memref_slice %arg7[%add3A_47, %dma_start3A_53] : memref<40x128xi32, #tpu.memory_space<vmem>> -> memref<1x128xi32, #tpu.memory_space<vmem>>
        %dma_start3A_55 = tpu.memref_squeeze %dma_start3A_54 : memref<1x128xi32, #tpu.memory_space<vmem>> -> memref<128xi32, #tpu.memory_space<vmem>>
        %dma_start3A_56 = arith.constant 0 : i32
        %dma_start3A_57 = arith.constant 0 : i32
        %dma_start3A_58 = tpu.memref_slice %arg5[%dma_start3A_56, %dma_start3A_57] : memref<20000x128xf32, #tpu.memory_space<hbm>> -> memref<20000x128xf32, #tpu.memory_space<hbm>>
        tpu.enqueue_indirect_dma source(%dma_start3A_58 : memref<20000x128xf32, #tpu.memory_space<hbm>>) target(%dma_start3A_52 : memref<128x128xf32, #tpu.memory_space<vmem>>) offsets(%dma_start3A_55 : memref<128xi32, #tpu.memory_space<vmem>>) semaphore(%arg12 : memref<!tpu.dma_semaphore, #tpu.memory_space<semaphore_mem>>)
        %dma_wait3A = arith.constant 0 : i32
        %dma_wait3A_59 = arith.constant 0 : i32
        %dma_wait3A_60 = arith.constant 0 : i32
        %dma_wait3A_61 = tpu.memref_slice %arg9[%dma_wait3A, %dma_wait3A_59, %dma_wait3A_60] : memref<2x128x128xf32, #tpu.memory_space<vmem>> -> memref<1x128x128xf32, #tpu.memory_space<vmem>>
        %dma_wait3A_62 = tpu.memref_squeeze %dma_wait3A_61 : memref<1x128x128xf32, #tpu.memory_space<vmem>> -> memref<128x128xf32, #tpu.memory_space<vmem>>
        %dma_wait3A_63 = arith.constant 0 : i32
        %dma_wait3A_64 = tpu.memref_slice %arg7[%add3A_45, %dma_wait3A_63] : memref<40x128xi32, #tpu.memory_space<vmem>> -> memref<1x128xi32, #tpu.memory_space<vmem>>
        %dma_wait3A_65 = tpu.memref_squeeze %dma_wait3A_64 : memref<1x128xi32, #tpu.memory_space<vmem>> -> memref<128xi32, #tpu.memory_space<vmem>>
        %dma_wait3A_66 = arith.constant 0 : i32
        %dma_wait3A_67 = arith.constant 0 : i32
        %dma_wait3A_68 = tpu.memref_slice %arg5[%dma_wait3A_66, %dma_wait3A_67] : memref<20000x128xf32, #tpu.memory_space<hbm>> -> memref<20000x128xf32, #tpu.memory_space<hbm>>
        tpu.wait_indirect_dma semaphore(%arg11 : memref<!tpu.dma_semaphore, #tpu.memory_space<semaphore_mem>>) src(%dma_wait3A_68 : memref<20000x128xf32, #tpu.memory_space<hbm>>) dst(%dma_wait3A_62 : memref<128x128xf32, #tpu.memory_space<vmem>>)
        %run_scoped3A = arith.constant 0 : i32
        "tpu.region"() ({
          %run_scoped3A_89 = tpu.sem_alloc : memref<!tpu.dma_semaphore, #tpu.memory_space<semaphore_mem>>
          %dma_start3A_90 = arith.constant 0 : i32
          %dma_start3A_91 = arith.constant 0 : i32
          %dma_start3A_92 = tpu.memref_slice %arg9[%run_scoped3A, %dma_start3A_90, %dma_start3A_91] : memref<2x128x128xf32, #tpu.memory_space<vmem>> -> memref<1x128x128xf32, #tpu.memory_space<vmem>>
          %dma_start3A_93 = tpu.memref_squeeze %dma_start3A_92 : memref<1x128x128xf32, #tpu.memory_space<vmem>> -> memref<128x128xf32, #tpu.memory_space<vmem>>
          %dma_start3A_94 = arith.constant 0 : i32
          %dma_start3A_95 = tpu.memref_slice %arg8[%add3A_45, %dma_start3A_94] : memref<40x128xi32, #tpu.memory_space<vmem>> -> memref<1x128xi32, #tpu.memory_space<vmem>>
          %dma_start3A_96 = tpu.memref_squeeze %dma_start3A_95 : memref<1x128xi32, #tpu.memory_space<vmem>> -> memref<128xi32, #tpu.memory_space<vmem>>
          %dma_start3A_97 = arith.constant 0 : i32
          %dma_start3A_98 = arith.constant 0 : i32
          %dma_start3A_99 = tpu.memref_slice %arg10[%dma_start3A_97, %dma_start3A_98] : memref<10112x128xf32, #tpu.memory_space<vmem_shared>> -> memref<10112x128xf32, #tpu.memory_space<vmem_shared>>
          tpu.enqueue_indirect_dma source(%dma_start3A_93 : memref<128x128xf32, #tpu.memory_space<vmem>>) target(%dma_start3A_99 : memref<10112x128xf32, #tpu.memory_space<vmem_shared>>) offsets(%dma_start3A_96 : memref<128xi32, #tpu.memory_space<vmem>>) semaphore(%run_scoped3A_89 : memref<!tpu.dma_semaphore, #tpu.memory_space<semaphore_mem>>) {add = true}
          %dma_wait3A_100 = arith.constant 0 : i32
          %dma_wait3A_101 = arith.constant 0 : i32
          %dma_wait3A_102 = tpu.memref_slice %arg9[%run_scoped3A, %dma_wait3A_100, %dma_wait3A_101] : memref<2x128x128xf32, #tpu.memory_space<vmem>> -> memref<1x128x128xf32, #tpu.memory_space<vmem>>
          %dma_wait3A_103 = tpu.memref_squeeze %dma_wait3A_102 : memref<1x128x128xf32, #tpu.memory_space<vmem>> -> memref<128x128xf32, #tpu.memory_space<vmem>>
          %dma_wait3A_104 = arith.constant 0 : i32
          %dma_wait3A_105 = tpu.memref_slice %arg8[%add3A_45, %dma_wait3A_104] : memref<40x128xi32, #tpu.memory_space<vmem>> -> memref<1x128xi32, #tpu.memory_space<vmem>>
          %dma_wait3A_106 = tpu.memref_squeeze %dma_wait3A_105 : memref<1x128xi32, #tpu.memory_space<vmem>> -> memref<128xi32, #tpu.memory_space<vmem>>
          %dma_wait3A_107 = arith.constant 0 : i32
          %dma_wait3A_108 = arith.constant 0 : i32
          %dma_wait3A_109 = tpu.memref_slice %arg10[%dma_wait3A_107, %dma_wait3A_108] : memref<10112x128xf32, #tpu.memory_space<vmem_shared>> -> memref<10112x128xf32, #tpu.memory_space<vmem_shared>>
          tpu.wait_indirect_dma semaphore(%run_scoped3A_89 : memref<!tpu.dma_semaphore, #tpu.memory_space<semaphore_mem>>) src(%dma_wait3A_103 : memref<128x128xf32, #tpu.memory_space<vmem>>) dst(%dma_wait3A_109 : memref<10112x128xf32, #tpu.memory_space<vmem_shared>>)
          tpu.yield
        }) : () -> ()
        %add3A_69 = arith.constant 2 : i32
        %add3A_70 = arith.addi %add3A_45, %add3A_69 : i32
        %lt3A = arith.constant 40 : i32
        %lt3A_71 = arith.cmpi slt, %add3A_70, %lt3A : i32
        %convert_element_type3A_72 = arith.extui %lt3A_71 : i1 to i32
        %cond3A_73 = arith.constant 0 : i32
        %cond3A_74 = arith.cmpi ne, %convert_element_type3A_72, %cond3A_73 : i32
        scf.if %cond3A_74 {
          %add3A_89 = arith.constant 2 : i32
          %add3A_90 = arith.addi %add3A_45, %add3A_89 : i32
          %dma_start3A_91 = arith.constant 0 : i32
          %dma_start3A_92 = arith.constant 0 : i32
          %dma_start3A_93 = arith.constant 0 : i32
          %dma_start3A_94 = tpu.memref_slice %arg9[%dma_start3A_91, %dma_start3A_92, %dma_start3A_93] : memref<2x128x128xf32, #tpu.memory_space<vmem>> -> memref<1x128x128xf32, #tpu.memory_space<vmem>>
          %dma_start3A_95 = tpu.memref_squeeze %dma_start3A_94 : memref<1x128x128xf32, #tpu.memory_space<vmem>> -> memref<128x128xf32, #tpu.memory_space<vmem>>
          %dma_start3A_96 = arith.constant 0 : i32
          %dma_start3A_97 = tpu.memref_slice %arg7[%add3A_90, %dma_start3A_96] : memref<40x128xi32, #tpu.memory_space<vmem>> -> memref<1x128xi32, #tpu.memory_space<vmem>>
          %dma_start3A_98 = tpu.memref_squeeze %dma_start3A_97 : memref<1x128xi32, #tpu.memory_space<vmem>> -> memref<128xi32, #tpu.memory_space<vmem>>
          %dma_start3A_99 = arith.constant 0 : i32
          %dma_start3A_100 = arith.constant 0 : i32
          %dma_start3A_101 = tpu.memref_slice %arg5[%dma_start3A_99, %dma_start3A_100] : memref<20000x128xf32, #tpu.memory_space<hbm>> -> memref<20000x128xf32, #tpu.memory_space<hbm>>
          tpu.enqueue_indirect_dma source(%dma_start3A_101 : memref<20000x128xf32, #tpu.memory_space<hbm>>) target(%dma_start3A_95 : memref<128x128xf32, #tpu.memory_space<vmem>>) offsets(%dma_start3A_98 : memref<128xi32, #tpu.memory_space<vmem>>) semaphore(%arg11 : memref<!tpu.dma_semaphore, #tpu.memory_space<semaphore_mem>>)
        } else {
        }
        %dma_wait3A_75 = arith.constant 1 : i32
        %dma_wait3A_76 = arith.constant 0 : i32
        %dma_wait3A_77 = arith.constant 0 : i32
        %dma_wait3A_78 = tpu.memref_slice %arg9[%dma_wait3A_75, %dma_wait3A_76, %dma_wait3A_77] : memref<2x128x128xf32, #tpu.memory_space<vmem>> -> memref<1x128x128xf32, #tpu.memory_space<vmem>>
        %dma_wait3A_79 = tpu.memref_squeeze %dma_wait3A_78 : memref<1x128x128xf32, #tpu.memory_space<vmem>> -> memref<128x128xf32, #tpu.memory_space<vmem>>
        %dma_wait3A_80 = arith.constant 0 : i32
        %dma_wait3A_81 = tpu.memref_slice %arg7[%add3A_47, %dma_wait3A_80] : memref<40x128xi32, #tpu.memory_space<vmem>> -> memref<1x128xi32, #tpu.memory_space<vmem>>
        %dma_wait3A_82 = tpu.memref_squeeze %dma_wait3A_81 : memref<1x128xi32, #tpu.memory_space<vmem>> -> memref<128xi32, #tpu.memory_space<vmem>>
        %dma_wait3A_83 = arith.constant 0 : i32
        %dma_wait3A_84 = arith.constant 0 : i32
        %dma_wait3A_85 = tpu.memref_slice %arg5[%dma_wait3A_83, %dma_wait3A_84] : memref<20000x128xf32, #tpu.memory_space<hbm>> -> memref<20000x128xf32, #tpu.memory_space<hbm>>
        tpu.wait_indirect_dma semaphore(%arg12 : memref<!tpu.dma_semaphore, #tpu.memory_space<semaphore_mem>>) src(%dma_wait3A_85 : memref<20000x128xf32, #tpu.memory_space<hbm>>) dst(%dma_wait3A_79 : memref<128x128xf32, #tpu.memory_space<vmem>>)
        %add3A_86 = arith.constant 1 : i32
        %add3A_87 = arith.addi %add3A_45, %add3A_86 : i32
        %run_scoped3A_88 = arith.constant 1 : i32
        "tpu.region"() ({
          %run_scoped3A_89 = tpu.sem_alloc : memref<!tpu.dma_semaphore, #tpu.memory_space<semaphore_mem>>
          %dma_start3A_90 = arith.constant 0 : i32
          %dma_start3A_91 = arith.constant 0 : i32
          %dma_start3A_92 = tpu.memref_slice %arg9[%run_scoped3A_88, %dma_start3A_90, %dma_start3A_91] : memref<2x128x128xf32, #tpu.memory_space<vmem>> -> memref<1x128x128xf32, #tpu.memory_space<vmem>>
          %dma_start3A_93 = tpu.memref_squeeze %dma_start3A_92 : memref<1x128x128xf32, #tpu.memory_space<vmem>> -> memref<128x128xf32, #tpu.memory_space<vmem>>
          %dma_start3A_94 = arith.constant 0 : i32
          %dma_start3A_95 = tpu.memref_slice %arg8[%add3A_87, %dma_start3A_94] : memref<40x128xi32, #tpu.memory_space<vmem>> -> memref<1x128xi32, #tpu.memory_space<vmem>>
          %dma_start3A_96 = tpu.memref_squeeze %dma_start3A_95 : memref<1x128xi32, #tpu.memory_space<vmem>> -> memref<128xi32, #tpu.memory_space<vmem>>
          %dma_start3A_97 = arith.constant 0 : i32
          %dma_start3A_98 = arith.constant 0 : i32
          %dma_start3A_99 = tpu.memref_slice %arg10[%dma_start3A_97, %dma_start3A_98] : memref<10112x128xf32, #tpu.memory_space<vmem_shared>> -> memref<10112x128xf32, #tpu.memory_space<vmem_shared>>
          tpu.enqueue_indirect_dma source(%dma_start3A_93 : memref<128x128xf32, #tpu.memory_space<vmem>>) target(%dma_start3A_99 : memref<10112x128xf32, #tpu.memory_space<vmem_shared>>) offsets(%dma_start3A_96 : memref<128xi32, #tpu.memory_space<vmem>>) semaphore(%run_scoped3A_89 : memref<!tpu.dma_semaphore, #tpu.memory_space<semaphore_mem>>) {add = true}
          %dma_wait3A_100 = arith.constant 0 : i32
          %dma_wait3A_101 = arith.constant 0 : i32
          %dma_wait3A_102 = tpu.memref_slice %arg9[%run_scoped3A_88, %dma_wait3A_100, %dma_wait3A_101] : memref<2x128x128xf32, #tpu.memory_space<vmem>> -> memref<1x128x128xf32, #tpu.memory_space<vmem>>
          %dma_wait3A_103 = tpu.memref_squeeze %dma_wait3A_102 : memref<1x128x128xf32, #tpu.memory_space<vmem>> -> memref<128x128xf32, #tpu.memory_space<vmem>>
          %dma_wait3A_104 = arith.constant 0 : i32
          %dma_wait3A_105 = tpu.memref_slice %arg8[%add3A_87, %dma_wait3A_104] : memref<40x128xi32, #tpu.memory_space<vmem>> -> memref<1x128xi32, #tpu.memory_space<vmem>>
          %dma_wait3A_106 = tpu.memref_squeeze %dma_wait3A_105 : memref<1x128xi32, #tpu.memory_space<vmem>> -> memref<128xi32, #tpu.memory_space<vmem>>
          %dma_wait3A_107 = arith.constant 0 : i32
          %dma_wait3A_108 = arith.constant 0 : i32
          %dma_wait3A_109 = tpu.memref_slice %arg10[%dma_wait3A_107, %dma_wait3A_108] : memref<10112x128xf32, #tpu.memory_space<vmem_shared>> -> memref<10112x128xf32, #tpu.memory_space<vmem_shared>>
          tpu.wait_indirect_dma semaphore(%run_scoped3A_89 : memref<!tpu.dma_semaphore, #tpu.memory_space<semaphore_mem>>) src(%dma_wait3A_103 : memref<128x128xf32, #tpu.memory_space<vmem>>) dst(%dma_wait3A_109 : memref<10112x128xf32, #tpu.memory_space<vmem_shared>>)
          tpu.yield
        }) : () -> ()
      }
      %scan3A_40 = arith.constant 20 : i32
    }
    %scan3A_4 = arith.constant 4 : i32
    %barrier3A_5 = arith.constant 0 : index
    tpu.barrier barrier_id(%barrier3A_5)
    %mul3A_6 = arith.constant 624 : i32
    %mul3A_7 = arith.muli %arg1, %mul3A_6 : i32
    %mul3A_8 = arith.constant 624 : i32
    %mul3A_9 = arith.muli %arg1, %mul3A_8 : i32
    "tpu.region"() ({
      %run_scoped3A = tpu.sem_alloc : memref<!tpu.dma_semaphore, #tpu.memory_space<semaphore_mem>>
      %dma_start3A = arith.constant 0 : i32
      %dma_start3A_12 = tpu.memref_slice %arg6[%arg0, %mul3A_9, %dma_start3A] : memref<2x10000x128xf32, #tpu.memory_space<hbm>> -> memref<1x624x128xf32, #tpu.memory_space<hbm>>
      %dma_start3A_13 = tpu.memref_squeeze %dma_start3A_12 : memref<1x624x128xf32, #tpu.memory_space<hbm>> -> memref<624x128xf32, #tpu.memory_space<hbm>>
      %dma_start3A_14 = arith.constant 0 : i32
      %dma_start3A_15 = tpu.memref_slice %arg10[%mul3A_7, %dma_start3A_14] : memref<10112x128xf32, #tpu.memory_space<vmem_shared>> -> memref<624x128xf32, #tpu.memory_space<vmem_shared>>
      tpu.enqueue_dma source(%dma_start3A_15 : memref<624x128xf32, #tpu.memory_space<vmem_shared>>) target(%dma_start3A_13 : memref<624x128xf32, #tpu.memory_space<hbm>>) target_semaphore(%run_scoped3A : memref<!tpu.dma_semaphore, #tpu.memory_space<semaphore_mem>>)
      %dma_wait3A = arith.constant 0 : i32
      %dma_wait3A_16 = tpu.memref_slice %arg6[%arg0, %mul3A_9, %dma_wait3A] : memref<2x10000x128xf32, #tpu.memory_space<hbm>> -> memref<1x624x128xf32, #tpu.memory_space<hbm>>
      %dma_wait3A_17 = tpu.memref_squeeze %dma_wait3A_16 : memref<1x624x128xf32, #tpu.memory_space<hbm>> -> memref<624x128xf32, #tpu.memory_space<hbm>>
      %dma_wait3A_18 = arith.constant 0 : i32
      %dma_wait3A_19 = tpu.memref_slice %arg10[%mul3A_7, %dma_wait3A_18] : memref<10112x128xf32, #tpu.memory_space<vmem_shared>> -> memref<624x128xf32, #tpu.memory_space<vmem_shared>>
      tpu.wait_dma2 semaphore(%run_scoped3A : memref<!tpu.dma_semaphore, #tpu.memory_space<semaphore_mem>>) src(%dma_wait3A_19 : memref<624x128xf32, #tpu.memory_space<vmem_shared>>) dst(%dma_wait3A_17 : memref<624x128xf32, #tpu.memory_space<hbm>>)
      tpu.yield
    }) : () -> ()
    %eq3A = arith.constant 0 : i32
    %eq3A_10 = arith.cmpi eq, %arg1, %eq3A : i32
    %convert_element_type3A = arith.extui %eq3A_10 : i1 to i32
    %cond3A = arith.constant 0 : i32
    %cond3A_11 = arith.cmpi ne, %convert_element_type3A, %cond3A : i32
    scf.if %cond3A_11 {
      "tpu.region"() ({
        %run_scoped3A = tpu.sem_alloc : memref<!tpu.dma_semaphore, #tpu.memory_space<semaphore_mem>>
        %dma_start3A = arith.constant 9984 : i32
        %dma_start3A_12 = arith.constant 0 : i32
        %dma_start3A_13 = tpu.memref_slice %arg6[%arg0, %dma_start3A, %dma_start3A_12] : memref<2x10000x128xf32, #tpu.memory_space<hbm>> -> memref<1x16x128xf32, #tpu.memory_space<hbm>>
        %dma_start3A_14 = tpu.memref_squeeze %dma_start3A_13 : memref<1x16x128xf32, #tpu.memory_space<hbm>> -> memref<16x128xf32, #tpu.memory_space<hbm>>
        %dma_start3A_15 = arith.constant 9984 : i32
        %dma_start3A_16 = arith.constant 0 : i32
        %dma_start3A_17 = tpu.memref_slice %arg10[%dma_start3A_15, %dma_start3A_16] : memref<10112x128xf32, #tpu.memory_space<vmem_shared>> -> memref<16x128xf32, #tpu.memory_space<vmem_shared>>
        tpu.enqueue_dma source(%dma_start3A_17 : memref<16x128xf32, #tpu.memory_space<vmem_shared>>) target(%dma_start3A_14 : memref<16x128xf32, #tpu.memory_space<hbm>>) target_semaphore(%run_scoped3A : memref<!tpu.dma_semaphore, #tpu.memory_space<semaphore_mem>>)
        %dma_wait3A = arith.constant 9984 : i32
        %dma_wait3A_18 = arith.constant 0 : i32
        %dma_wait3A_19 = tpu.memref_slice %arg6[%arg0, %dma_wait3A, %dma_wait3A_18] : memref<2x10000x128xf32, #tpu.memory_space<hbm>> -> memref<1x16x128xf32, #tpu.memory_space<hbm>>
        %dma_wait3A_20 = tpu.memref_squeeze %dma_wait3A_19 : memref<1x16x128xf32, #tpu.memory_space<hbm>> -> memref<16x128xf32, #tpu.memory_space<hbm>>
        %dma_wait3A_21 = arith.constant 9984 : i32
        %dma_wait3A_22 = arith.constant 0 : i32
        %dma_wait3A_23 = tpu.memref_slice %arg10[%dma_wait3A_21, %dma_wait3A_22] : memref<10112x128xf32, #tpu.memory_space<vmem_shared>> -> memref<16x128xf32, #tpu.memory_space<vmem_shared>>
        tpu.wait_dma2 semaphore(%run_scoped3A : memref<!tpu.dma_semaphore, #tpu.memory_space<semaphore_mem>>) src(%dma_wait3A_23 : memref<16x128xf32, #tpu.memory_space<vmem_shared>>) dst(%dma_wait3A_20 : memref<16x128xf32, #tpu.memory_space<hbm>>)
        tpu.yield
      }) : () -> ()
    } else {
    }
    return
  }
}

#map = affine_map<(d0, d1) -> (0, 0, 0)>
#map1 = affine_map<(d0, d1) -> (0, 0)>
module attributes {stable_mosaic.version = 14 : i64} {
  func.func @k(%arg0: i32, %arg1: i32, %arg2: memref<16x160x128xi32, #tpu.memory_space<hbm>>, %arg3: memref<16x160x128xi32, #tpu.memory_space<hbm>>, %arg4: memref<632x128xf32, #tpu.memory_space<hbm>>, %arg5: memref<20000x128xf32, #tpu.memory_space<hbm>>, %arg6: memref<2x10000x128xf32, #tpu.memory_space<hbm>>, %arg7: memref<40x128xi32, #tpu.memory_space<vmem>>, %arg8: memref<40x128xi32, #tpu.memory_space<vmem>>, %arg9: memref<2x128x128xf32, #tpu.memory_space<vmem>>, %arg10: memref<10112x128xf32, #tpu.memory_space<vmem_shared>>, %arg11: memref<!tpu.dma_semaphore, #tpu.memory_space<semaphore_mem>>, %arg12: memref<!tpu.dma_semaphore, #tpu.memory_space<semaphore_mem>>) attributes {dimension_semantics = [#tpu.dimension_semantics<core_parallel>, #tpu.dimension_semantics<subcore_parallel>], iteration_bounds = array<i64: 2, 16>, scalar_prefetch = 0 : i64, scratch_operands = 6 : i64, tpu.core_type = #tpu.core_type<sc_vector_subcore>, window_params = [{transform_indices = #map}, {transform_indices = #map}, {transform_indices = #map1}, {transform_indices = #map1}, {transform_indices = #map}]} {
    %mul3A = arith.constant 632 : i32
    %mul3A_0 = arith.muli %arg1, %mul3A : i32
    "tpu.region"() ({
      %run_scoped3A = tpu.sem_alloc : memref<!tpu.dma_semaphore, #tpu.memory_space<semaphore_mem>>
      %dma_start3A = arith.constant 0 : i32
      %dma_start3A_12 = tpu.memref_slice %arg10[%mul3A_0, %dma_start3A] : memref<10112x128xf32, #tpu.memory_space<vmem_shared>> -> memref<632x128xf32, #tpu.memory_space<vmem_shared>>
      tpu.enqueue_dma source(%arg4 : memref<632x128xf32, #tpu.memory_space<hbm>>) target(%dma_start3A_12 : memref<632x128xf32, #tpu.memory_space<vmem_shared>>) target_semaphore(%run_scoped3A : memref<!tpu.dma_semaphore, #tpu.memory_space<semaphore_mem>>)
      %dma_wait3A = arith.constant 0 : i32
      %dma_wait3A_13 = tpu.memref_slice %arg10[%mul3A_0, %dma_wait3A] : memref<10112x128xf32, #tpu.memory_space<vmem_shared>> -> memref<632x128xf32, #tpu.memory_space<vmem_shared>>
      tpu.wait_dma2 semaphore(%run_scoped3A : memref<!tpu.dma_semaphore, #tpu.memory_space<semaphore_mem>>) src(%arg4 : memref<632x128xf32, #tpu.memory_space<hbm>>) dst(%dma_wait3A_13 : memref<632x128xf32, #tpu.memory_space<vmem_shared>>)
      tpu.yield
    }) : () -> ()
    %barrier3A = arith.constant 0 : index
    tpu.barrier barrier_id(%barrier3A)
    %scan3A = arith.constant 0 : i32
    %scan3A_1 = arith.constant 4 : i32
    %scan3A_2 = arith.addi %scan3A, %scan3A_1 : i32
    %scan3A_3 = arith.constant 1 : i32
    scf.for %scan3A_12 = %scan3A to %scan3A_2 step %scan3A_3  : i32 {
      %mul3A_13 = arith.constant 1 : i32
      %mul3A_14 = arith.muli %scan3A_12, %mul3A_13 : i32
      %add3A = arith.constant 0 : i32
      %add3A_15 = arith.addi %add3A, %mul3A_14 : i32
      %mul3A_16 = arith.constant 40 : i32
      %mul3A_17 = arith.muli %add3A_15, %mul3A_16 : i32
      "tpu.region"() ({
        %run_scoped3A = tpu.sem_alloc : memref<!tpu.dma_semaphore, #tpu.memory_space<semaphore_mem>>
        %dma_start3A_41 = arith.constant 0 : i32
        %dma_start3A_42 = tpu.memref_slice %arg2[%arg1, %mul3A_17, %dma_start3A_41] : memref<16x160x128xi32, #tpu.memory_space<hbm>> -> memref<1x40x128xi32, #tpu.memory_space<hbm>>
        %dma_start3A_43 = tpu.memref_squeeze %dma_start3A_42 : memref<1x40x128xi32, #tpu.memory_space<hbm>> -> memref<40x128xi32, #tpu.memory_space<hbm>>
        %dma_start3A_44 = arith.constant 0 : i32
        %dma_start3A_45 = tpu.memref_slice %arg2[%arg1, %mul3A_17, %dma_start3A_44] : memref<16x160x128xi32, #tpu.memory_space<hbm>> -> memref<1x40x128xi32, #tpu.memory_space<hbm>>
        %dma_start3A_46 = tpu.memref_squeeze %dma_start3A_45 : memref<1x40x128xi32, #tpu.memory_space<hbm>> -> memref<40x128xi32, #tpu.memory_space<hbm>>
        tpu.enqueue_dma source(%dma_start3A_46 : memref<40x128xi32, #tpu.memory_space<hbm>>) target(%arg7 : memref<40x128xi32, #tpu.memory_space<vmem>>) target_semaphore(%run_scoped3A : memref<!tpu.dma_semaphore, #tpu.memory_space<semaphore_mem>>)
        %dma_wait3A = arith.constant 0 : i32
        %dma_wait3A_47 = tpu.memref_slice %arg2[%arg1, %mul3A_17, %dma_wait3A] : memref<16x160x128xi32, #tpu.memory_space<hbm>> -> memref<1x40x128xi32, #tpu.memory_space<hbm>>
        %dma_wait3A_48 = tpu.memref_squeeze %dma_wait3A_47 : memref<1x40x128xi32, #tpu.memory_space<hbm>> -> memref<40x128xi32, #tpu.memory_space<hbm>>
        %dma_wait3A_49 = arith.constant 0 : i32
        %dma_wait3A_50 = tpu.memref_slice %arg2[%arg1, %mul3A_17, %dma_wait3A_49] : memref<16x160x128xi32, #tpu.memory_space<hbm>> -> memref<1x40x128xi32, #tpu.memory_space<hbm>>
        %dma_wait3A_51 = tpu.memref_squeeze %dma_wait3A_50 : memref<1x40x128xi32, #tpu.memory_space<hbm>> -> memref<40x128xi32, #tpu.memory_space<hbm>>
        tpu.wait_dma2 semaphore(%run_scoped3A : memref<!tpu.dma_semaphore, #tpu.memory_space<semaphore_mem>>) src(%dma_wait3A_51 : memref<40x128xi32, #tpu.memory_space<hbm>>) dst(%arg7 : memref<40x128xi32, #tpu.memory_space<vmem>>)
        tpu.yield
      }) : () -> ()
      %mul3A_18 = arith.constant 40 : i32
      %mul3A_19 = arith.muli %add3A_15, %mul3A_18 : i32
      "tpu.region"() ({
        %run_scoped3A = tpu.sem_alloc : memref<!tpu.dma_semaphore, #tpu.memory_space<semaphore_mem>>
        %dma_start3A_41 = arith.constant 0 : i32
        %dma_start3A_42 = tpu.memref_slice %arg3[%arg1, %mul3A_19, %dma_start3A_41] : memref<16x160x128xi32, #tpu.memory_space<hbm>> -> memref<1x40x128xi32, #tpu.memory_space<hbm>>
        %dma_start3A_43 = tpu.memref_squeeze %dma_start3A_42 : memref<1x40x128xi32, #tpu.memory_space<hbm>> -> memref<40x128xi32, #tpu.memory_space<hbm>>
        %dma_start3A_44 = arith.constant 0 : i32
        %dma_start3A_45 = tpu.memref_slice %arg3[%arg1, %mul3A_19, %dma_start3A_44] : memref<16x160x128xi32, #tpu.memory_space<hbm>> -> memref<1x40x128xi32, #tpu.memory_space<hbm>>
        %dma_start3A_46 = tpu.memref_squeeze %dma_start3A_45 : memref<1x40x128xi32, #tpu.memory_space<hbm>> -> memref<40x128xi32, #tpu.memory_space<hbm>>
        tpu.enqueue_dma source(%dma_start3A_46 : memref<40x128xi32, #tpu.memory_space<hbm>>) target(%arg8 : memref<40x128xi32, #tpu.memory_space<vmem>>) target_semaphore(%run_scoped3A : memref<!tpu.dma_semaphore, #tpu.memory_space<semaphore_mem>>)
        %dma_wait3A = arith.constant 0 : i32
        %dma_wait3A_47 = tpu.memref_slice %arg3[%arg1, %mul3A_19, %dma_wait3A] : memref<16x160x128xi32, #tpu.memory_space<hbm>> -> memref<1x40x128xi32, #tpu.memory_space<hbm>>
        %dma_wait3A_48 = tpu.memref_squeeze %dma_wait3A_47 : memref<1x40x128xi32, #tpu.memory_space<hbm>> -> memref<40x128xi32, #tpu.memory_space<hbm>>
        %dma_wait3A_49 = arith.constant 0 : i32
        %dma_wait3A_50 = tpu.memref_slice %arg3[%arg1, %mul3A_19, %dma_wait3A_49] : memref<16x160x128xi32, #tpu.memory_space<hbm>> -> memref<1x40x128xi32, #tpu.memory_space<hbm>>
        %dma_wait3A_51 = tpu.memref_squeeze %dma_wait3A_50 : memref<1x40x128xi32, #tpu.memory_space<hbm>> -> memref<40x128xi32, #tpu.memory_space<hbm>>
        tpu.wait_dma2 semaphore(%run_scoped3A : memref<!tpu.dma_semaphore, #tpu.memory_space<semaphore_mem>>) src(%dma_wait3A_51 : memref<40x128xi32, #tpu.memory_space<hbm>>) dst(%arg8 : memref<40x128xi32, #tpu.memory_space<vmem>>)
        tpu.yield
      }) : () -> ()
      %scan3A_20 = arith.constant 0 : i32
      %scan3A_21 = arith.constant 40 : i32
      %scan3A_22 = arith.addi %scan3A_20, %scan3A_21 : i32
      %scan3A_23 = arith.constant 1 : i32
      scf.for %scan3A_41 = %scan3A_20 to %scan3A_22 step %scan3A_23  : i32 {
        %mul3A_42 = arith.constant 1 : i32
        %mul3A_43 = arith.muli %scan3A_41, %mul3A_42 : i32
        %add3A_44 = arith.constant 0 : i32
        %add3A_45 = arith.addi %add3A_44, %mul3A_43 : i32
        %get3A = arith.constant 0 : i32
        %get3A_46 = tpu.memref_slice %arg7[%add3A_45, %get3A] : memref<40x128xi32, #tpu.memory_space<vmem>> -> memref<1x128xi32, #tpu.memory_space<vmem>>
        %get3A_47 = tpu.memref_squeeze %get3A_46 : memref<1x128xi32, #tpu.memory_space<vmem>> -> memref<128xi32, #tpu.memory_space<vmem>>
        %get3A_48 = arith.constant 0 : index
        %get3A_49 = tpu.vector_load %get3A_47[%get3A_48] {strides = array<i32>} : memref<128xi32, #tpu.memory_space<vmem>>, vector<16xi32>,
        %get3A_50 = vector.shape_cast %get3A_49 : vector<16xi32> to vector<16xi32>
        %mul3A_51 = arith.constant 2 : i32
        %mul3A_52 = vector.broadcast %mul3A_51 : i32 to vector<16xi32>
        %mul3A_53 = arith.muli %get3A_50, %mul3A_52 : vector<16xi32>
        %add3A_54 = vector.broadcast %arg0 : i32 to vector<16xi32>
        %add3A_55 = arith.addi %mul3A_53, %add3A_54 : vector<16xi32>
        %swap3A = arith.constant 0 : i32
        %swap3A_56 = tpu.memref_slice %arg7[%add3A_45, %swap3A] : memref<40x128xi32, #tpu.memory_space<vmem>> -> memref<1x128xi32, #tpu.memory_space<vmem>>
        %swap3A_57 = tpu.memref_squeeze %swap3A_56 : memref<1x128xi32, #tpu.memory_space<vmem>> -> memref<128xi32, #tpu.memory_space<vmem>>
        %swap3A_58 = arith.constant 0 : index
        %swap3A_59 = tpu.vector_load %swap3A_57[%swap3A_58] {strides = array<i32>} : memref<128xi32, #tpu.memory_space<vmem>>, vector<16xi32>,
        %swap3A_60 = vector.shape_cast %swap3A_59 : vector<16xi32> to vector<16xi32>
        %swap3A_61 = vector.shape_cast %add3A_55 : vector<16xi32> to vector<16xi32>
        tpu.vector_store %swap3A_57[%swap3A_58], %swap3A_61 {strides = array<i32>} : memref<128xi32, #tpu.memory_space<vmem>>, vector<16xi32>,
        %get3A_62 = arith.constant 0 : i32
        %get3A_63 = tpu.memref_slice %arg7[%add3A_45, %get3A_62] : memref<40x128xi32, #tpu.memory_space<vmem>> -> memref<1x128xi32, #tpu.memory_space<vmem>>
        %get3A_64 = tpu.memref_squeeze %get3A_63 : memref<1x128xi32, #tpu.memory_space<vmem>> -> memref<128xi32, #tpu.memory_space<vmem>>
        %get3A_65 = arith.constant 16 : index
        %get3A_66 = tpu.vector_load %get3A_64[%get3A_65] {strides = array<i32>} : memref<128xi32, #tpu.memory_space<vmem>>, vector<16xi32>,
        %get3A_67 = vector.shape_cast %get3A_66 : vector<16xi32> to vector<16xi32>
        %mul3A_68 = arith.constant 2 : i32
        %mul3A_69 = vector.broadcast %mul3A_68 : i32 to vector<16xi32>
        %mul3A_70 = arith.muli %get3A_67, %mul3A_69 : vector<16xi32>
        %add3A_71 = vector.broadcast %arg0 : i32 to vector<16xi32>
        %add3A_72 = arith.addi %mul3A_70, %add3A_71 : vector<16xi32>
        %swap3A_73 = arith.constant 0 : i32
        %swap3A_74 = tpu.memref_slice %arg7[%add3A_45, %swap3A_73] : memref<40x128xi32, #tpu.memory_space<vmem>> -> memref<1x128xi32, #tpu.memory_space<vmem>>
        %swap3A_75 = tpu.memref_squeeze %swap3A_74 : memref<1x128xi32, #tpu.memory_space<vmem>> -> memref<128xi32, #tpu.memory_space<vmem>>
        %swap3A_76 = arith.constant 16 : index
        %swap3A_77 = tpu.vector_load %swap3A_75[%swap3A_76] {strides = array<i32>} : memref<128xi32, #tpu.memory_space<vmem>>, vector<16xi32>,
        %swap3A_78 = vector.shape_cast %swap3A_77 : vector<16xi32> to vector<16xi32>
        %swap3A_79 = vector.shape_cast %add3A_72 : vector<16xi32> to vector<16xi32>
        tpu.vector_store %swap3A_75[%swap3A_76], %swap3A_79 {strides = array<i32>} : memref<128xi32, #tpu.memory_space<vmem>>, vector<16xi32>,
        %get3A_80 = arith.constant 0 : i32
        %get3A_81 = tpu.memref_slice %arg7[%add3A_45, %get3A_80] : memref<40x128xi32, #tpu.memory_space<vmem>> -> memref<1x128xi32, #tpu.memory_space<vmem>>
        %get3A_82 = tpu.memref_squeeze %get3A_81 : memref<1x128xi32, #tpu.memory_space<vmem>> -> memref<128xi32, #tpu.memory_space<vmem>>
        %get3A_83 = arith.constant 32 : index
        %get3A_84 = tpu.vector_load %get3A_82[%get3A_83] {strides = array<i32>} : memref<128xi32, #tpu.memory_space<vmem>>, vector<16xi32>,
        %get3A_85 = vector.shape_cast %get3A_84 : vector<16xi32> to vector<16xi32>
        %mul3A_86 = arith.constant 2 : i32
        %mul3A_87 = vector.broadcast %mul3A_86 : i32 to vector<16xi32>
        %mul3A_88 = arith.muli %get3A_85, %mul3A_87 : vector<16xi32>
        %add3A_89 = vector.broadcast %arg0 : i32 to vector<16xi32>
        %add3A_90 = arith.addi %mul3A_88, %add3A_89 : vector<16xi32>
        %swap3A_91 = arith.constant 0 : i32
        %swap3A_92 = tpu.memref_slice %arg7[%add3A_45, %swap3A_91] : memref<40x128xi32, #tpu.memory_space<vmem>> -> memref<1x128xi32, #tpu.memory_space<vmem>>
        %swap3A_93 = tpu.memref_squeeze %swap3A_92 : memref<1x128xi32, #tpu.memory_space<vmem>> -> memref<128xi32, #tpu.memory_space<vmem>>
        %swap3A_94 = arith.constant 32 : index
        %swap3A_95 = tpu.vector_load %swap3A_93[%swap3A_94] {strides = array<i32>} : memref<128xi32, #tpu.memory_space<vmem>>, vector<16xi32>,
        %swap3A_96 = vector.shape_cast %swap3A_95 : vector<16xi32> to vector<16xi32>
        %swap3A_97 = vector.shape_cast %add3A_90 : vector<16xi32> to vector<16xi32>
        tpu.vector_store %swap3A_93[%swap3A_94], %swap3A_97 {strides = array<i32>} : memref<128xi32, #tpu.memory_space<vmem>>, vector<16xi32>,
        %get3A_98 = arith.constant 0 : i32
        %get3A_99 = tpu.memref_slice %arg7[%add3A_45, %get3A_98] : memref<40x128xi32, #tpu.memory_space<vmem>> -> memref<1x128xi32, #tpu.memory_space<vmem>>
        %get3A_100 = tpu.memref_squeeze %get3A_99 : memref<1x128xi32, #tpu.memory_space<vmem>> -> memref<128xi32, #tpu.memory_space<vmem>>
        %get3A_101 = arith.constant 48 : index
        %get3A_102 = tpu.vector_load %get3A_100[%get3A_101] {strides = array<i32>} : memref<128xi32, #tpu.memory_space<vmem>>, vector<16xi32>,
        %get3A_103 = vector.shape_cast %get3A_102 : vector<16xi32> to vector<16xi32>
        %mul3A_104 = arith.constant 2 : i32
        %mul3A_105 = vector.broadcast %mul3A_104 : i32 to vector<16xi32>
        %mul3A_106 = arith.muli %get3A_103, %mul3A_105 : vector<16xi32>
        %add3A_107 = vector.broadcast %arg0 : i32 to vector<16xi32>
        %add3A_108 = arith.addi %mul3A_106, %add3A_107 : vector<16xi32>
        %swap3A_109 = arith.constant 0 : i32
        %swap3A_110 = tpu.memref_slice %arg7[%add3A_45, %swap3A_109] : memref<40x128xi32, #tpu.memory_space<vmem>> -> memref<1x128xi32, #tpu.memory_space<vmem>>
        %swap3A_111 = tpu.memref_squeeze %swap3A_110 : memref<1x128xi32, #tpu.memory_space<vmem>> -> memref<128xi32, #tpu.memory_space<vmem>>
        %swap3A_112 = arith.constant 48 : index
        %swap3A_113 = tpu.vector_load %swap3A_111[%swap3A_112] {strides = array<i32>} : memref<128xi32, #tpu.memory_space<vmem>>, vector<16xi32>,
        %swap3A_114 = vector.shape_cast %swap3A_113 : vector<16xi32> to vector<16xi32>
        %swap3A_115 = vector.shape_cast %add3A_108 : vector<16xi32> to vector<16xi32>
        tpu.vector_store %swap3A_111[%swap3A_112], %swap3A_115 {strides = array<i32>} : memref<128xi32, #tpu.memory_space<vmem>>, vector<16xi32>,
        %get3A_116 = arith.constant 0 : i32
        %get3A_117 = tpu.memref_slice %arg7[%add3A_45, %get3A_116] : memref<40x128xi32, #tpu.memory_space<vmem>> -> memref<1x128xi32, #tpu.memory_space<vmem>>
        %get3A_118 = tpu.memref_squeeze %get3A_117 : memref<1x128xi32, #tpu.memory_space<vmem>> -> memref<128xi32, #tpu.memory_space<vmem>>
        %get3A_119 = arith.constant 64 : index
        %get3A_120 = tpu.vector_load %get3A_118[%get3A_119] {strides = array<i32>} : memref<128xi32, #tpu.memory_space<vmem>>, vector<16xi32>,
        %get3A_121 = vector.shape_cast %get3A_120 : vector<16xi32> to vector<16xi32>
        %mul3A_122 = arith.constant 2 : i32
        %mul3A_123 = vector.broadcast %mul3A_122 : i32 to vector<16xi32>
        %mul3A_124 = arith.muli %get3A_121, %mul3A_123 : vector<16xi32>
        %add3A_125 = vector.broadcast %arg0 : i32 to vector<16xi32>
        %add3A_126 = arith.addi %mul3A_124, %add3A_125 : vector<16xi32>
        %swap3A_127 = arith.constant 0 : i32
        %swap3A_128 = tpu.memref_slice %arg7[%add3A_45, %swap3A_127] : memref<40x128xi32, #tpu.memory_space<vmem>> -> memref<1x128xi32, #tpu.memory_space<vmem>>
        %swap3A_129 = tpu.memref_squeeze %swap3A_128 : memref<1x128xi32, #tpu.memory_space<vmem>> -> memref<128xi32, #tpu.memory_space<vmem>>
        %swap3A_130 = arith.constant 64 : index
        %swap3A_131 = tpu.vector_load %swap3A_129[%swap3A_130] {strides = array<i32>} : memref<128xi32, #tpu.memory_space<vmem>>, vector<16xi32>,
        %swap3A_132 = vector.shape_cast %swap3A_131 : vector<16xi32> to vector<16xi32>
        %swap3A_133 = vector.shape_cast %add3A_126 : vector<16xi32> to vector<16xi32>
        tpu.vector_store %swap3A_129[%swap3A_130], %swap3A_133 {strides = array<i32>} : memref<128xi32, #tpu.memory_space<vmem>>, vector<16xi32>,
        %get3A_134 = arith.constant 0 : i32
        %get3A_135 = tpu.memref_slice %arg7[%add3A_45, %get3A_134] : memref<40x128xi32, #tpu.memory_space<vmem>> -> memref<1x128xi32, #tpu.memory_space<vmem>>
        %get3A_136 = tpu.memref_squeeze %get3A_135 : memref<1x128xi32, #tpu.memory_space<vmem>> -> memref<128xi32, #tpu.memory_space<vmem>>
        %get3A_137 = arith.constant 80 : index
        %get3A_138 = tpu.vector_load %get3A_136[%get3A_137] {strides = array<i32>} : memref<128xi32, #tpu.memory_space<vmem>>, vector<16xi32>,
        %get3A_139 = vector.shape_cast %get3A_138 : vector<16xi32> to vector<16xi32>
        %mul3A_140 = arith.constant 2 : i32
        %mul3A_141 = vector.broadcast %mul3A_140 : i32 to vector<16xi32>
        %mul3A_142 = arith.muli %get3A_139, %mul3A_141 : vector<16xi32>
        %add3A_143 = vector.broadcast %arg0 : i32 to vector<16xi32>
        %add3A_144 = arith.addi %mul3A_142, %add3A_143 : vector<16xi32>
        %swap3A_145 = arith.constant 0 : i32
        %swap3A_146 = tpu.memref_slice %arg7[%add3A_45, %swap3A_145] : memref<40x128xi32, #tpu.memory_space<vmem>> -> memref<1x128xi32, #tpu.memory_space<vmem>>
        %swap3A_147 = tpu.memref_squeeze %swap3A_146 : memref<1x128xi32, #tpu.memory_space<vmem>> -> memref<128xi32, #tpu.memory_space<vmem>>
        %swap3A_148 = arith.constant 80 : index
        %swap3A_149 = tpu.vector_load %swap3A_147[%swap3A_148] {strides = array<i32>} : memref<128xi32, #tpu.memory_space<vmem>>, vector<16xi32>,
        %swap3A_150 = vector.shape_cast %swap3A_149 : vector<16xi32> to vector<16xi32>
        %swap3A_151 = vector.shape_cast %add3A_144 : vector<16xi32> to vector<16xi32>
        tpu.vector_store %swap3A_147[%swap3A_148], %swap3A_151 {strides = array<i32>} : memref<128xi32, #tpu.memory_space<vmem>>, vector<16xi32>,
        %get3A_152 = arith.constant 0 : i32
        %get3A_153 = tpu.memref_slice %arg7[%add3A_45, %get3A_152] : memref<40x128xi32, #tpu.memory_space<vmem>> -> memref<1x128xi32, #tpu.memory_space<vmem>>
        %get3A_154 = tpu.memref_squeeze %get3A_153 : memref<1x128xi32, #tpu.memory_space<vmem>> -> memref<128xi32, #tpu.memory_space<vmem>>
        %get3A_155 = arith.constant 96 : index
        %get3A_156 = tpu.vector_load %get3A_154[%get3A_155] {strides = array<i32>} : memref<128xi32, #tpu.memory_space<vmem>>, vector<16xi32>,
        %get3A_157 = vector.shape_cast %get3A_156 : vector<16xi32> to vector<16xi32>
        %mul3A_158 = arith.constant 2 : i32
        %mul3A_159 = vector.broadcast %mul3A_158 : i32 to vector<16xi32>
        %mul3A_160 = arith.muli %get3A_157, %mul3A_159 : vector<16xi32>
        %add3A_161 = vector.broadcast %arg0 : i32 to vector<16xi32>
        %add3A_162 = arith.addi %mul3A_160, %add3A_161 : vector<16xi32>
        %swap3A_163 = arith.constant 0 : i32
        %swap3A_164 = tpu.memref_slice %arg7[%add3A_45, %swap3A_163] : memref<40x128xi32, #tpu.memory_space<vmem>> -> memref<1x128xi32, #tpu.memory_space<vmem>>
        %swap3A_165 = tpu.memref_squeeze %swap3A_164 : memref<1x128xi32, #tpu.memory_space<vmem>> -> memref<128xi32, #tpu.memory_space<vmem>>
        %swap3A_166 = arith.constant 96 : index
        %swap3A_167 = tpu.vector_load %swap3A_165[%swap3A_166] {strides = array<i32>} : memref<128xi32, #tpu.memory_space<vmem>>, vector<16xi32>,
        %swap3A_168 = vector.shape_cast %swap3A_167 : vector<16xi32> to vector<16xi32>
        %swap3A_169 = vector.shape_cast %add3A_162 : vector<16xi32> to vector<16xi32>
        tpu.vector_store %swap3A_165[%swap3A_166], %swap3A_169 {strides = array<i32>} : memref<128xi32, #tpu.memory_space<vmem>>, vector<16xi32>,
        %get3A_170 = arith.constant 0 : i32
        %get3A_171 = tpu.memref_slice %arg7[%add3A_45, %get3A_170] : memref<40x128xi32, #tpu.memory_space<vmem>> -> memref<1x128xi32, #tpu.memory_space<vmem>>
        %get3A_172 = tpu.memref_squeeze %get3A_171 : memref<1x128xi32, #tpu.memory_space<vmem>> -> memref<128xi32, #tpu.memory_space<vmem>>
        %get3A_173 = arith.constant 112 : index
        %get3A_174 = tpu.vector_load %get3A_172[%get3A_173] {strides = array<i32>} : memref<128xi32, #tpu.memory_space<vmem>>, vector<16xi32>,
        %get3A_175 = vector.shape_cast %get3A_174 : vector<16xi32> to vector<16xi32>
        %mul3A_176 = arith.constant 2 : i32
        %mul3A_177 = vector.broadcast %mul3A_176 : i32 to vector<16xi32>
        %mul3A_178 = arith.muli %get3A_175, %mul3A_177 : vector<16xi32>
        %add3A_179 = vector.broadcast %arg0 : i32 to vector<16xi32>
        %add3A_180 = arith.addi %mul3A_178, %add3A_179 : vector<16xi32>
        %swap3A_181 = arith.constant 0 : i32
        %swap3A_182 = tpu.memref_slice %arg7[%add3A_45, %swap3A_181] : memref<40x128xi32, #tpu.memory_space<vmem>> -> memref<1x128xi32, #tpu.memory_space<vmem>>
        %swap3A_183 = tpu.memref_squeeze %swap3A_182 : memref<1x128xi32, #tpu.memory_space<vmem>> -> memref<128xi32, #tpu.memory_space<vmem>>
        %swap3A_184 = arith.constant 112 : index
        %swap3A_185 = tpu.vector_load %swap3A_183[%swap3A_184] {strides = array<i32>} : memref<128xi32, #tpu.memory_space<vmem>>, vector<16xi32>,
        %swap3A_186 = vector.shape_cast %swap3A_185 : vector<16xi32> to vector<16xi32>
        %swap3A_187 = vector.shape_cast %add3A_180 : vector<16xi32> to vector<16xi32>
        tpu.vector_store %swap3A_183[%swap3A_184], %swap3A_187 {strides = array<i32>} : memref<128xi32, #tpu.memory_space<vmem>>, vector<16xi32>,
      }
      %scan3A_24 = arith.constant 40 : i32
      %dma_start3A = arith.constant 0 : i32
      %dma_start3A_25 = arith.constant 0 : i32
      %dma_start3A_26 = arith.constant 0 : i32
      %dma_start3A_27 = arith.constant 0 : i32
      %dma_start3A_28 = tpu.memref_slice %arg9[%dma_start3A_25, %dma_start3A_26, %dma_start3A_27] : memref<2x128x128xf32, #tpu.memory_space<vmem>> -> memref<1x128x128xf32, #tpu.memory_space<vmem>>
      %dma_start3A_29 = tpu.memref_squeeze %dma_start3A_28 : memref<1x128x128xf32, #tpu.memory_space<vmem>> -> memref<128x128xf32, #tpu.memory_space<vmem>>
      %dma_start3A_30 = arith.constant 0 : i32
      %dma_start3A_31 = tpu.memref_slice %arg7[%dma_start3A, %dma_start3A_30] : memref<40x128xi32, #tpu.memory_space<vmem>> -> memref<1x128xi32, #tpu.memory_space<vmem>>
      %dma_start3A_32 = tpu.memref_squeeze %dma_start3A_31 : memref<1x128xi32, #tpu.memory_space<vmem>> -> memref<128xi32, #tpu.memory_space<vmem>>
      %dma_start3A_33 = arith.constant 0 : i32
      %dma_start3A_34 = arith.constant 0 : i32
      %dma_start3A_35 = tpu.memref_slice %arg5[%dma_start3A_33, %dma_start3A_34] : memref<20000x128xf32, #tpu.memory_space<hbm>> -> memref<20000x128xf32, #tpu.memory_space<hbm>>
      tpu.enqueue_indirect_dma source(%dma_start3A_35 : memref<20000x128xf32, #tpu.memory_space<hbm>>) target(%dma_start3A_29 : memref<128x128xf32, #tpu.memory_space<vmem>>) offsets(%dma_start3A_32 : memref<128xi32, #tpu.memory_space<vmem>>) semaphore(%arg11 : memref<!tpu.dma_semaphore, #tpu.memory_space<semaphore_mem>>)
      %scan3A_36 = arith.constant 0 : i32
      %scan3A_37 = arith.constant 20 : i32
      %scan3A_38 = arith.addi %scan3A_36, %scan3A_37 : i32
      %scan3A_39 = arith.constant 1 : i32
      scf.for %scan3A_41 = %scan3A_36 to %scan3A_38 step %scan3A_39  : i32 {
        %mul3A_42 = arith.constant 2 : i32
        %mul3A_43 = arith.muli %scan3A_41, %mul3A_42 : i32
        %add3A_44 = arith.constant 0 : i32
        %add3A_45 = arith.addi %add3A_44, %mul3A_43 : i32
        %add3A_46 = arith.constant 1 : i32
        %add3A_47 = arith.addi %add3A_45, %add3A_46 : i32
        %dma_start3A_48 = arith.constant 1 : i32
        %dma_start3A_49 = arith.constant 0 : i32
        %dma_start3A_50 = arith.constant 0 : i32
        %dma_start3A_51 = tpu.memref_slice %arg9[%dma_start3A_48, %dma_start3A_49, %dma_start3A_50] : memref<2x128x128xf32, #tpu.memory_space<vmem>> -> memref<1x128x128xf32, #tpu.memory_space<vmem>>
        %dma_start3A_52 = tpu.memref_squeeze %dma_start3A_51 : memref<1x128x128xf32, #tpu.memory_space<vmem>> -> memref<128x128xf32, #tpu.memory_space<vmem>>
        %dma_start3A_53 = arith.constant 0 : i32
        %dma_start3A_54 = tpu.memref_slice %arg7[%add3A_47, %dma_start3A_53] : memref<40x128xi32, #tpu.memory_space<vmem>> -> memref<1x128xi32, #tpu.memory_space<vmem>>
        %dma_start3A_55 = tpu.memref_squeeze %dma_start3A_54 : memref<1x128xi32, #tpu.memory_space<vmem>> -> memref<128xi32, #tpu.memory_space<vmem>>
        %dma_start3A_56 = arith.constant 0 : i32
        %dma_start3A_57 = arith.constant 0 : i32
        %dma_start3A_58 = tpu.memref_slice %arg5[%dma_start3A_56, %dma_start3A_57] : memref<20000x128xf32, #tpu.memory_space<hbm>> -> memref<20000x128xf32, #tpu.memory_space<hbm>>
        tpu.enqueue_indirect_dma source(%dma_start3A_58 : memref<20000x128xf32, #tpu.memory_space<hbm>>) target(%dma_start3A_52 : memref<128x128xf32, #tpu.memory_space<vmem>>) offsets(%dma_start3A_55 : memref<128xi32, #tpu.memory_space<vmem>>) semaphore(%arg12 : memref<!tpu.dma_semaphore, #tpu.memory_space<semaphore_mem>>)
        %dma_wait3A = arith.constant 0 : i32
        %dma_wait3A_59 = arith.constant 0 : i32
        %dma_wait3A_60 = arith.constant 0 : i32
        %dma_wait3A_61 = tpu.memref_slice %arg9[%dma_wait3A, %dma_wait3A_59, %dma_wait3A_60] : memref<2x128x128xf32, #tpu.memory_space<vmem>> -> memref<1x128x128xf32, #tpu.memory_space<vmem>>
        %dma_wait3A_62 = tpu.memref_squeeze %dma_wait3A_61 : memref<1x128x128xf32, #tpu.memory_space<vmem>> -> memref<128x128xf32, #tpu.memory_space<vmem>>
        %dma_wait3A_63 = arith.constant 0 : i32
        %dma_wait3A_64 = tpu.memref_slice %arg7[%add3A_45, %dma_wait3A_63] : memref<40x128xi32, #tpu.memory_space<vmem>> -> memref<1x128xi32, #tpu.memory_space<vmem>>
        %dma_wait3A_65 = tpu.memref_squeeze %dma_wait3A_64 : memref<1x128xi32, #tpu.memory_space<vmem>> -> memref<128xi32, #tpu.memory_space<vmem>>
        %dma_wait3A_66 = arith.constant 0 : i32
        %dma_wait3A_67 = arith.constant 0 : i32
        %dma_wait3A_68 = tpu.memref_slice %arg5[%dma_wait3A_66, %dma_wait3A_67] : memref<20000x128xf32, #tpu.memory_space<hbm>> -> memref<20000x128xf32, #tpu.memory_space<hbm>>
        tpu.wait_indirect_dma semaphore(%arg11 : memref<!tpu.dma_semaphore, #tpu.memory_space<semaphore_mem>>) src(%dma_wait3A_68 : memref<20000x128xf32, #tpu.memory_space<hbm>>) dst(%dma_wait3A_62 : memref<128x128xf32, #tpu.memory_space<vmem>>)
        %run_scoped3A = arith.constant 0 : i32
        "tpu.region"() ({
          %run_scoped3A_89 = tpu.sem_alloc : memref<!tpu.dma_semaphore, #tpu.memory_space<semaphore_mem>>
          %dma_start3A_90 = arith.constant 0 : i32
          %dma_start3A_91 = arith.constant 0 : i32
          %dma_start3A_92 = tpu.memref_slice %arg9[%run_scoped3A, %dma_start3A_90, %dma_start3A_91] : memref<2x128x128xf32, #tpu.memory_space<vmem>> -> memref<1x128x128xf32, #tpu.memory_space<vmem>>
          %dma_start3A_93 = tpu.memref_squeeze %dma_start3A_92 : memref<1x128x128xf32, #tpu.memory_space<vmem>> -> memref<128x128xf32, #tpu.memory_space<vmem>>
          %dma_start3A_94 = arith.constant 0 : i32
          %dma_start3A_95 = tpu.memref_slice %arg8[%add3A_45, %dma_start3A_94] : memref<40x128xi32, #tpu.memory_space<vmem>> -> memref<1x128xi32, #tpu.memory_space<vmem>>
          %dma_start3A_96 = tpu.memref_squeeze %dma_start3A_95 : memref<1x128xi32, #tpu.memory_space<vmem>> -> memref<128xi32, #tpu.memory_space<vmem>>
          %dma_start3A_97 = arith.constant 0 : i32
          %dma_start3A_98 = arith.constant 0 : i32
          %dma_start3A_99 = tpu.memref_slice %arg10[%dma_start3A_97, %dma_start3A_98] : memref<10112x128xf32, #tpu.memory_space<vmem_shared>> -> memref<10112x128xf32, #tpu.memory_space<vmem_shared>>
          tpu.enqueue_indirect_dma source(%dma_start3A_93 : memref<128x128xf32, #tpu.memory_space<vmem>>) target(%dma_start3A_99 : memref<10112x128xf32, #tpu.memory_space<vmem_shared>>) offsets(%dma_start3A_96 : memref<128xi32, #tpu.memory_space<vmem>>) semaphore(%run_scoped3A_89 : memref<!tpu.dma_semaphore, #tpu.memory_space<semaphore_mem>>) {add = true}
          %dma_wait3A_100 = arith.constant 0 : i32
          %dma_wait3A_101 = arith.constant 0 : i32
          %dma_wait3A_102 = tpu.memref_slice %arg9[%run_scoped3A, %dma_wait3A_100, %dma_wait3A_101] : memref<2x128x128xf32, #tpu.memory_space<vmem>> -> memref<1x128x128xf32, #tpu.memory_space<vmem>>
          %dma_wait3A_103 = tpu.memref_squeeze %dma_wait3A_102 : memref<1x128x128xf32, #tpu.memory_space<vmem>> -> memref<128x128xf32, #tpu.memory_space<vmem>>
          %dma_wait3A_104 = arith.constant 0 : i32
          %dma_wait3A_105 = tpu.memref_slice %arg8[%add3A_45, %dma_wait3A_104] : memref<40x128xi32, #tpu.memory_space<vmem>> -> memref<1x128xi32, #tpu.memory_space<vmem>>
          %dma_wait3A_106 = tpu.memref_squeeze %dma_wait3A_105 : memref<1x128xi32, #tpu.memory_space<vmem>> -> memref<128xi32, #tpu.memory_space<vmem>>
          %dma_wait3A_107 = arith.constant 0 : i32
          %dma_wait3A_108 = arith.constant 0 : i32
          %dma_wait3A_109 = tpu.memref_slice %arg10[%dma_wait3A_107, %dma_wait3A_108] : memref<10112x128xf32, #tpu.memory_space<vmem_shared>> -> memref<10112x128xf32, #tpu.memory_space<vmem_shared>>
          tpu.wait_indirect_dma semaphore(%run_scoped3A_89 : memref<!tpu.dma_semaphore, #tpu.memory_space<semaphore_mem>>) src(%dma_wait3A_103 : memref<128x128xf32, #tpu.memory_space<vmem>>) dst(%dma_wait3A_109 : memref<10112x128xf32, #tpu.memory_space<vmem_shared>>)
          tpu.yield
        }) : () -> ()
        %add3A_69 = arith.constant 2 : i32
        %add3A_70 = arith.addi %add3A_45, %add3A_69 : i32
        %lt3A = arith.constant 40 : i32
        %lt3A_71 = arith.cmpi slt, %add3A_70, %lt3A : i32
        %convert_element_type3A_72 = arith.extui %lt3A_71 : i1 to i32
        %cond3A_73 = arith.constant 0 : i32
        %cond3A_74 = arith.cmpi ne, %convert_element_type3A_72, %cond3A_73 : i32
        scf.if %cond3A_74 {
          %add3A_89 = arith.constant 2 : i32
          %add3A_90 = arith.addi %add3A_45, %add3A_89 : i32
          %dma_start3A_91 = arith.constant 0 : i32
          %dma_start3A_92 = arith.constant 0 : i32
          %dma_start3A_93 = arith.constant 0 : i32
          %dma_start3A_94 = tpu.memref_slice %arg9[%dma_start3A_91, %dma_start3A_92, %dma_start3A_93] : memref<2x128x128xf32, #tpu.memory_space<vmem>> -> memref<1x128x128xf32, #tpu.memory_space<vmem>>
          %dma_start3A_95 = tpu.memref_squeeze %dma_start3A_94 : memref<1x128x128xf32, #tpu.memory_space<vmem>> -> memref<128x128xf32, #tpu.memory_space<vmem>>
          %dma_start3A_96 = arith.constant 0 : i32
          %dma_start3A_97 = tpu.memref_slice %arg7[%add3A_90, %dma_start3A_96] : memref<40x128xi32, #tpu.memory_space<vmem>> -> memref<1x128xi32, #tpu.memory_space<vmem>>
          %dma_start3A_98 = tpu.memref_squeeze %dma_start3A_97 : memref<1x128xi32, #tpu.memory_space<vmem>> -> memref<128xi32, #tpu.memory_space<vmem>>
          %dma_start3A_99 = arith.constant 0 : i32
          %dma_start3A_100 = arith.constant 0 : i32
          %dma_start3A_101 = tpu.memref_slice %arg5[%dma_start3A_99, %dma_start3A_100] : memref<20000x128xf32, #tpu.memory_space<hbm>> -> memref<20000x128xf32, #tpu.memory_space<hbm>>
          tpu.enqueue_indirect_dma source(%dma_start3A_101 : memref<20000x128xf32, #tpu.memory_space<hbm>>) target(%dma_start3A_95 : memref<128x128xf32, #tpu.memory_space<vmem>>) offsets(%dma_start3A_98 : memref<128xi32, #tpu.memory_space<vmem>>) semaphore(%arg11 : memref<!tpu.dma_semaphore, #tpu.memory_space<semaphore_mem>>)
        } else {
        }
        %dma_wait3A_75 = arith.constant 1 : i32
        %dma_wait3A_76 = arith.constant 0 : i32
        %dma_wait3A_77 = arith.constant 0 : i32
        %dma_wait3A_78 = tpu.memref_slice %arg9[%dma_wait3A_75, %dma_wait3A_76, %dma_wait3A_77] : memref<2x128x128xf32, #tpu.memory_space<vmem>> -> memref<1x128x128xf32, #tpu.memory_space<vmem>>
        %dma_wait3A_79 = tpu.memref_squeeze %dma_wait3A_78 : memref<1x128x128xf32, #tpu.memory_space<vmem>> -> memref<128x128xf32, #tpu.memory_space<vmem>>
        %dma_wait3A_80 = arith.constant 0 : i32
        %dma_wait3A_81 = tpu.memref_slice %arg7[%add3A_47, %dma_wait3A_80] : memref<40x128xi32, #tpu.memory_space<vmem>> -> memref<1x128xi32, #tpu.memory_space<vmem>>
        %dma_wait3A_82 = tpu.memref_squeeze %dma_wait3A_81 : memref<1x128xi32, #tpu.memory_space<vmem>> -> memref<128xi32, #tpu.memory_space<vmem>>
        %dma_wait3A_83 = arith.constant 0 : i32
        %dma_wait3A_84 = arith.constant 0 : i32
        %dma_wait3A_85 = tpu.memref_slice %arg5[%dma_wait3A_83, %dma_wait3A_84] : memref<20000x128xf32, #tpu.memory_space<hbm>> -> memref<20000x128xf32, #tpu.memory_space<hbm>>
        tpu.wait_indirect_dma semaphore(%arg12 : memref<!tpu.dma_semaphore, #tpu.memory_space<semaphore_mem>>) src(%dma_wait3A_85 : memref<20000x128xf32, #tpu.memory_space<hbm>>) dst(%dma_wait3A_79 : memref<128x128xf32, #tpu.memory_space<vmem>>)
        %add3A_86 = arith.constant 1 : i32
        %add3A_87 = arith.addi %add3A_45, %add3A_86 : i32
        %run_scoped3A_88 = arith.constant 1 : i32
        "tpu.region"() ({
          %run_scoped3A_89 = tpu.sem_alloc : memref<!tpu.dma_semaphore, #tpu.memory_space<semaphore_mem>>
          %dma_start3A_90 = arith.constant 0 : i32
          %dma_start3A_91 = arith.constant 0 : i32
          %dma_start3A_92 = tpu.memref_slice %arg9[%run_scoped3A_88, %dma_start3A_90, %dma_start3A_91] : memref<2x128x128xf32, #tpu.memory_space<vmem>> -> memref<1x128x128xf32, #tpu.memory_space<vmem>>
          %dma_start3A_93 = tpu.memref_squeeze %dma_start3A_92 : memref<1x128x128xf32, #tpu.memory_space<vmem>> -> memref<128x128xf32, #tpu.memory_space<vmem>>
          %dma_start3A_94 = arith.constant 0 : i32
          %dma_start3A_95 = tpu.memref_slice %arg8[%add3A_87, %dma_start3A_94] : memref<40x128xi32, #tpu.memory_space<vmem>> -> memref<1x128xi32, #tpu.memory_space<vmem>>
          %dma_start3A_96 = tpu.memref_squeeze %dma_start3A_95 : memref<1x128xi32, #tpu.memory_space<vmem>> -> memref<128xi32, #tpu.memory_space<vmem>>
          %dma_start3A_97 = arith.constant 0 : i32
          %dma_start3A_98 = arith.constant 0 : i32
          %dma_start3A_99 = tpu.memref_slice %arg10[%dma_start3A_97, %dma_start3A_98] : memref<10112x128xf32, #tpu.memory_space<vmem_shared>> -> memref<10112x128xf32, #tpu.memory_space<vmem_shared>>
          tpu.enqueue_indirect_dma source(%dma_start3A_93 : memref<128x128xf32, #tpu.memory_space<vmem>>) target(%dma_start3A_99 : memref<10112x128xf32, #tpu.memory_space<vmem_shared>>) offsets(%dma_start3A_96 : memref<128xi32, #tpu.memory_space<vmem>>) semaphore(%run_scoped3A_89 : memref<!tpu.dma_semaphore, #tpu.memory_space<semaphore_mem>>) {add = true}
          %dma_wait3A_100 = arith.constant 0 : i32
          %dma_wait3A_101 = arith.constant 0 : i32
          %dma_wait3A_102 = tpu.memref_slice %arg9[%run_scoped3A_88, %dma_wait3A_100, %dma_wait3A_101] : memref<2x128x128xf32, #tpu.memory_space<vmem>> -> memref<1x128x128xf32, #tpu.memory_space<vmem>>
          %dma_wait3A_103 = tpu.memref_squeeze %dma_wait3A_102 : memref<1x128x128xf32, #tpu.memory_space<vmem>> -> memref<128x128xf32, #tpu.memory_space<vmem>>
          %dma_wait3A_104 = arith.constant 0 : i32
          %dma_wait3A_105 = tpu.memref_slice %arg8[%add3A_87, %dma_wait3A_104] : memref<40x128xi32, #tpu.memory_space<vmem>> -> memref<1x128xi32, #tpu.memory_space<vmem>>
          %dma_wait3A_106 = tpu.memref_squeeze %dma_wait3A_105 : memref<1x128xi32, #tpu.memory_space<vmem>> -> memref<128xi32, #tpu.memory_space<vmem>>
          %dma_wait3A_107 = arith.constant 0 : i32
          %dma_wait3A_108 = arith.constant 0 : i32
          %dma_wait3A_109 = tpu.memref_slice %arg10[%dma_wait3A_107, %dma_wait3A_108] : memref<10112x128xf32, #tpu.memory_space<vmem_shared>> -> memref<10112x128xf32, #tpu.memory_space<vmem_shared>>
          tpu.wait_indirect_dma semaphore(%run_scoped3A_89 : memref<!tpu.dma_semaphore, #tpu.memory_space<semaphore_mem>>) src(%dma_wait3A_103 : memref<128x128xf32, #tpu.memory_space<vmem>>) dst(%dma_wait3A_109 : memref<10112x128xf32, #tpu.memory_space<vmem_shared>>)
          tpu.yield
        }) : () -> ()
      }
      %scan3A_40 = arith.constant 20 : i32
    }
    %scan3A_4 = arith.constant 4 : i32
    %barrier3A_5 = arith.constant 0 : index
    tpu.barrier barrier_id(%barrier3A_5)
    %mul3A_6 = arith.constant 624 : i32
    %mul3A_7 = arith.muli %arg1, %mul3A_6 : i32
    %mul3A_8 = arith.constant 624 : i32
    %mul3A_9 = arith.muli %arg1, %mul3A_8 : i32
    "tpu.region"() ({
      %run_scoped3A = tpu.sem_alloc : memref<!tpu.dma_semaphore, #tpu.memory_space<semaphore_mem>>
      %dma_start3A = arith.constant 0 : i32
      %dma_start3A_12 = tpu.memref_slice %arg6[%arg0, %mul3A_9, %dma_start3A] : memref<2x10000x128xf32, #tpu.memory_space<hbm>> -> memref<1x624x128xf32, #tpu.memory_space<hbm>>
      %dma_start3A_13 = tpu.memref_squeeze %dma_start3A_12 : memref<1x624x128xf32, #tpu.memory_space<hbm>> -> memref<624x128xf32, #tpu.memory_space<hbm>>
      %dma_start3A_14 = arith.constant 0 : i32
      %dma_start3A_15 = tpu.memref_slice %arg10[%mul3A_7, %dma_start3A_14] : memref<10112x128xf32, #tpu.memory_space<vmem_shared>> -> memref<624x128xf32, #tpu.memory_space<vmem_shared>>
      tpu.enqueue_dma source(%dma_start3A_15 : memref<624x128xf32, #tpu.memory_space<vmem_shared>>) target(%dma_start3A_13 : memref<624x128xf32, #tpu.memory_space<hbm>>) target_semaphore(%run_scoped3A : memref<!tpu.dma_semaphore, #tpu.memory_space<semaphore_mem>>)
      %dma_wait3A = arith.constant 0 : i32
      %dma_wait3A_16 = tpu.memref_slice %arg6[%arg0, %mul3A_9, %dma_wait3A] : memref<2x10000x128xf32, #tpu.memory_space<hbm>> -> memref<1x624x128xf32, #tpu.memory_space<hbm>>
      %dma_wait3A_17 = tpu.memref_squeeze %dma_wait3A_16 : memref<1x624x128xf32, #tpu.memory_space<hbm>> -> memref<624x128xf32, #tpu.memory_space<hbm>>
      %dma_wait3A_18 = arith.constant 0 : i32
      %dma_wait3A_19 = tpu.memref_slice %arg10[%mul3A_7, %dma_wait3A_18] : memref<10112x128xf32, #tpu.memory_space<vmem_shared>> -> memref<624x128xf32, #tpu.memory_space<vmem_shared>>
      tpu.wait_dma2 semaphore(%run_scoped3A : memref<!tpu.dma_semaphore, #tpu.memory_space<semaphore_mem>>) src(%dma_wait3A_19 : memref<624x128xf32, #tpu.memory_space<vmem_shared>>) dst(%dma_wait3A_17 : memref<624x128xf32, #tpu.memory_space<hbm>>)
      tpu.yield
    }) : () -> ()
    %eq3A = arith.constant 0 : i32
    %eq3A_10 = arith.cmpi eq, %arg1, %eq3A : i32
    %convert_element_type3A = arith.extui %eq3A_10 : i1 to i32
    %cond3A = arith.constant 0 : i32
    %cond3A_11 = arith.cmpi ne, %convert_element_type3A, %cond3A : i32
    scf.if %cond3A_11 {
      "tpu.region"() ({
        %run_scoped3A = tpu.sem_alloc : memref<!tpu.dma_semaphore, #tpu.memory_space<semaphore_mem>>
        %dma_start3A = arith.constant 9984 : i32
        %dma_start3A_12 = arith.constant 0 : i32
        %dma_start3A_13 = tpu.memref_slice %arg6[%arg0, %dma_start3A, %dma_start3A_12] : memref<2x10000x128xf32, #tpu.memory_space<hbm>> -> memref<1x16x128xf32, #tpu.memory_space<hbm>>
        %dma_start3A_14 = tpu.memref_squeeze %dma_start3A_13 : memref<1x16x128xf32, #tpu.memory_space<hbm>> -> memref<16x128xf32, #tpu.memory_space<hbm>>
        %dma_start3A_15 = arith.constant 9984 : i32
        %dma_start3A_16 = arith.constant 0 : i32
        %dma_start3A_17 = tpu.memref_slice %arg10[%dma_start3A_15, %dma_start3A_16] : memref<10112x128xf32, #tpu.memory_space<vmem_shared>> -> memref<16x128xf32, #tpu.memory_space<vmem_shared>>
        tpu.enqueue_dma source(%dma_start3A_17 : memref<16x128xf32, #tpu.memory_space<vmem_shared>>) target(%dma_start3A_14 : memref<16x128xf32, #tpu.memory_space<hbm>>) target_semaphore(%run_scoped3A : memref<!tpu.dma_semaphore, #tpu.memory_space<semaphore_mem>>)
        %dma_wait3A = arith.constant 9984 : i32
        %dma_wait3A_18 = arith.constant 0 : i32
        %dma_wait3A_19 = tpu.memref_slice %arg6[%arg0, %dma_wait3A, %dma_wait3A_18] : memref<2x10000x128xf32, #tpu.memory_space<hbm>> -> memref<1x16x128xf32, #tpu.memory_space<hbm>>
        %dma_wait3A_20 = tpu.memref_squeeze %dma_wait3A_19 : memref<1x16x128xf32, #tpu.memory_space<hbm>> -> memref<16x128xf32, #tpu.memory_space<hbm>>
        %dma_wait3A_21 = arith.constant 9984 : i32
        %dma_wait3A_22 = arith.constant 0 : i32
        %dma_wait3A_23 = tpu.memref_slice %arg10[%dma_wait3A_21, %dma_wait3A_22] : memref<10112x128xf32, #tpu.memory_space<vmem_shared>> -> memref<16x128xf32, #tpu.memory_space<vmem_shared>>
        tpu.wait_dma2 semaphore(%run_scoped3A : memref<!tpu.dma_semaphore, #tpu.memory_space<semaphore_mem>>) src(%dma_wait3A_23 : memref<16x128xf32, #tpu.memory_space<vmem_shared>>) dst(%dma_wait3A_20 : memref<16x128xf32, #tpu.memory_space<hbm>>)
        tpu.yield
      }) : () -> ()
    } else {
    }
    return
  }
}

#map = affine_map<(d0, d1) -> (0, 0, 0)>
#map1 = affine_map<(d0, d1) -> (0, 0)>
module attributes {stable_mosaic.version = 14 : i64} {
  func.func @k(%arg0: i32, %arg1: i32, %arg2: memref<16x160x128xi32, #tpu.memory_space<hbm>>, %arg3: memref<16x160x128xi32, #tpu.memory_space<hbm>>, %arg4: memref<632x128xf32, #tpu.memory_space<hbm>>, %arg5: memref<20000x128xf32, #tpu.memory_space<hbm>>, %arg6: memref<2x10000x128xf32, #tpu.memory_space<hbm>>, %arg7: memref<40x128xi32, #tpu.memory_space<vmem>>, %arg8: memref<40x128xi32, #tpu.memory_space<vmem>>, %arg9: memref<2x128x128xf32, #tpu.memory_space<vmem>>, %arg10: memref<10112x128xf32, #tpu.memory_space<vmem_shared>>, %arg11: memref<!tpu.dma_semaphore, #tpu.memory_space<semaphore_mem>>, %arg12: memref<!tpu.dma_semaphore, #tpu.memory_space<semaphore_mem>>) attributes {dimension_semantics = [#tpu.dimension_semantics<core_parallel>, #tpu.dimension_semantics<subcore_parallel>], iteration_bounds = array<i64: 2, 16>, scalar_prefetch = 0 : i64, scratch_operands = 6 : i64, tpu.core_type = #tpu.core_type<sc_vector_subcore>, window_params = [{transform_indices = #map}, {transform_indices = #map}, {transform_indices = #map1}, {transform_indices = #map1}, {transform_indices = #map}]} {
    %mul3A = arith.constant 632 : i32
    %mul3A_0 = arith.muli %arg1, %mul3A : i32
    "tpu.region"() ({
      %run_scoped3A = tpu.sem_alloc : memref<!tpu.dma_semaphore, #tpu.memory_space<semaphore_mem>>
      %dma_start3A = arith.constant 0 : i32
      %dma_start3A_12 = tpu.memref_slice %arg10[%mul3A_0, %dma_start3A] : memref<10112x128xf32, #tpu.memory_space<vmem_shared>> -> memref<632x128xf32, #tpu.memory_space<vmem_shared>>
      tpu.enqueue_dma source(%arg4 : memref<632x128xf32, #tpu.memory_space<hbm>>) target(%dma_start3A_12 : memref<632x128xf32, #tpu.memory_space<vmem_shared>>) target_semaphore(%run_scoped3A : memref<!tpu.dma_semaphore, #tpu.memory_space<semaphore_mem>>)
      %dma_wait3A = arith.constant 0 : i32
      %dma_wait3A_13 = tpu.memref_slice %arg10[%mul3A_0, %dma_wait3A] : memref<10112x128xf32, #tpu.memory_space<vmem_shared>> -> memref<632x128xf32, #tpu.memory_space<vmem_shared>>
      tpu.wait_dma2 semaphore(%run_scoped3A : memref<!tpu.dma_semaphore, #tpu.memory_space<semaphore_mem>>) src(%arg4 : memref<632x128xf32, #tpu.memory_space<hbm>>) dst(%dma_wait3A_13 : memref<632x128xf32, #tpu.memory_space<vmem_shared>>)
      tpu.yield
    }) : () -> ()
    %barrier3A = arith.constant 0 : index
    tpu.barrier barrier_id(%barrier3A)
    %scan3A = arith.constant 0 : i32
    %scan3A_1 = arith.constant 4 : i32
    %scan3A_2 = arith.addi %scan3A, %scan3A_1 : i32
    %scan3A_3 = arith.constant 1 : i32
    scf.for %scan3A_12 = %scan3A to %scan3A_2 step %scan3A_3  : i32 {
      %mul3A_13 = arith.constant 1 : i32
      %mul3A_14 = arith.muli %scan3A_12, %mul3A_13 : i32
      %add3A = arith.constant 0 : i32
      %add3A_15 = arith.addi %add3A, %mul3A_14 : i32
      %mul3A_16 = arith.constant 40 : i32
      %mul3A_17 = arith.muli %add3A_15, %mul3A_16 : i32
      "tpu.region"() ({
        %run_scoped3A = tpu.sem_alloc : memref<!tpu.dma_semaphore, #tpu.memory_space<semaphore_mem>>
        %dma_start3A_41 = arith.constant 0 : i32
        %dma_start3A_42 = tpu.memref_slice %arg2[%arg1, %mul3A_17, %dma_start3A_41] : memref<16x160x128xi32, #tpu.memory_space<hbm>> -> memref<1x40x128xi32, #tpu.memory_space<hbm>>
        %dma_start3A_43 = tpu.memref_squeeze %dma_start3A_42 : memref<1x40x128xi32, #tpu.memory_space<hbm>> -> memref<40x128xi32, #tpu.memory_space<hbm>>
        %dma_start3A_44 = arith.constant 0 : i32
        %dma_start3A_45 = tpu.memref_slice %arg2[%arg1, %mul3A_17, %dma_start3A_44] : memref<16x160x128xi32, #tpu.memory_space<hbm>> -> memref<1x40x128xi32, #tpu.memory_space<hbm>>
        %dma_start3A_46 = tpu.memref_squeeze %dma_start3A_45 : memref<1x40x128xi32, #tpu.memory_space<hbm>> -> memref<40x128xi32, #tpu.memory_space<hbm>>
        tpu.enqueue_dma source(%dma_start3A_46 : memref<40x128xi32, #tpu.memory_space<hbm>>) target(%arg7 : memref<40x128xi32, #tpu.memory_space<vmem>>) target_semaphore(%run_scoped3A : memref<!tpu.dma_semaphore, #tpu.memory_space<semaphore_mem>>)
        %dma_wait3A = arith.constant 0 : i32
        %dma_wait3A_47 = tpu.memref_slice %arg2[%arg1, %mul3A_17, %dma_wait3A] : memref<16x160x128xi32, #tpu.memory_space<hbm>> -> memref<1x40x128xi32, #tpu.memory_space<hbm>>
        %dma_wait3A_48 = tpu.memref_squeeze %dma_wait3A_47 : memref<1x40x128xi32, #tpu.memory_space<hbm>> -> memref<40x128xi32, #tpu.memory_space<hbm>>
        %dma_wait3A_49 = arith.constant 0 : i32
        %dma_wait3A_50 = tpu.memref_slice %arg2[%arg1, %mul3A_17, %dma_wait3A_49] : memref<16x160x128xi32, #tpu.memory_space<hbm>> -> memref<1x40x128xi32, #tpu.memory_space<hbm>>
        %dma_wait3A_51 = tpu.memref_squeeze %dma_wait3A_50 : memref<1x40x128xi32, #tpu.memory_space<hbm>> -> memref<40x128xi32, #tpu.memory_space<hbm>>
        tpu.wait_dma2 semaphore(%run_scoped3A : memref<!tpu.dma_semaphore, #tpu.memory_space<semaphore_mem>>) src(%dma_wait3A_51 : memref<40x128xi32, #tpu.memory_space<hbm>>) dst(%arg7 : memref<40x128xi32, #tpu.memory_space<vmem>>)
        tpu.yield
      }) : () -> ()
      %mul3A_18 = arith.constant 40 : i32
      %mul3A_19 = arith.muli %add3A_15, %mul3A_18 : i32
      "tpu.region"() ({
        %run_scoped3A = tpu.sem_alloc : memref<!tpu.dma_semaphore, #tpu.memory_space<semaphore_mem>>
        %dma_start3A_41 = arith.constant 0 : i32
        %dma_start3A_42 = tpu.memref_slice %arg3[%arg1, %mul3A_19, %dma_start3A_41] : memref<16x160x128xi32, #tpu.memory_space<hbm>> -> memref<1x40x128xi32, #tpu.memory_space<hbm>>
        %dma_start3A_43 = tpu.memref_squeeze %dma_start3A_42 : memref<1x40x128xi32, #tpu.memory_space<hbm>> -> memref<40x128xi32, #tpu.memory_space<hbm>>
        %dma_start3A_44 = arith.constant 0 : i32
        %dma_start3A_45 = tpu.memref_slice %arg3[%arg1, %mul3A_19, %dma_start3A_44] : memref<16x160x128xi32, #tpu.memory_space<hbm>> -> memref<1x40x128xi32, #tpu.memory_space<hbm>>
        %dma_start3A_46 = tpu.memref_squeeze %dma_start3A_45 : memref<1x40x128xi32, #tpu.memory_space<hbm>> -> memref<40x128xi32, #tpu.memory_space<hbm>>
        tpu.enqueue_dma source(%dma_start3A_46 : memref<40x128xi32, #tpu.memory_space<hbm>>) target(%arg8 : memref<40x128xi32, #tpu.memory_space<vmem>>) target_semaphore(%run_scoped3A : memref<!tpu.dma_semaphore, #tpu.memory_space<semaphore_mem>>)
        %dma_wait3A = arith.constant 0 : i32
        %dma_wait3A_47 = tpu.memref_slice %arg3[%arg1, %mul3A_19, %dma_wait3A] : memref<16x160x128xi32, #tpu.memory_space<hbm>> -> memref<1x40x128xi32, #tpu.memory_space<hbm>>
        %dma_wait3A_48 = tpu.memref_squeeze %dma_wait3A_47 : memref<1x40x128xi32, #tpu.memory_space<hbm>> -> memref<40x128xi32, #tpu.memory_space<hbm>>
        %dma_wait3A_49 = arith.constant 0 : i32
        %dma_wait3A_50 = tpu.memref_slice %arg3[%arg1, %mul3A_19, %dma_wait3A_49] : memref<16x160x128xi32, #tpu.memory_space<hbm>> -> memref<1x40x128xi32, #tpu.memory_space<hbm>>
        %dma_wait3A_51 = tpu.memref_squeeze %dma_wait3A_50 : memref<1x40x128xi32, #tpu.memory_space<hbm>> -> memref<40x128xi32, #tpu.memory_space<hbm>>
        tpu.wait_dma2 semaphore(%run_scoped3A : memref<!tpu.dma_semaphore, #tpu.memory_space<semaphore_mem>>) src(%dma_wait3A_51 : memref<40x128xi32, #tpu.memory_space<hbm>>) dst(%arg8 : memref<40x128xi32, #tpu.memory_space<vmem>>)
        tpu.yield
      }) : () -> ()
      %scan3A_20 = arith.constant 0 : i32
      %scan3A_21 = arith.constant 40 : i32
      %scan3A_22 = arith.addi %scan3A_20, %scan3A_21 : i32
      %scan3A_23 = arith.constant 1 : i32
      scf.for %scan3A_41 = %scan3A_20 to %scan3A_22 step %scan3A_23  : i32 {
        %mul3A_42 = arith.constant 1 : i32
        %mul3A_43 = arith.muli %scan3A_41, %mul3A_42 : i32
        %add3A_44 = arith.constant 0 : i32
        %add3A_45 = arith.addi %add3A_44, %mul3A_43 : i32
        %get3A = arith.constant 0 : i32
        %get3A_46 = tpu.memref_slice %arg7[%add3A_45, %get3A] : memref<40x128xi32, #tpu.memory_space<vmem>> -> memref<1x128xi32, #tpu.memory_space<vmem>>
        %get3A_47 = tpu.memref_squeeze %get3A_46 : memref<1x128xi32, #tpu.memory_space<vmem>> -> memref<128xi32, #tpu.memory_space<vmem>>
        %get3A_48 = arith.constant 0 : index
        %get3A_49 = tpu.vector_load %get3A_47[%get3A_48] {strides = array<i32>} : memref<128xi32, #tpu.memory_space<vmem>>, vector<16xi32>,
        %get3A_50 = vector.shape_cast %get3A_49 : vector<16xi32> to vector<16xi32>
        %mul3A_51 = arith.constant 2 : i32
        %mul3A_52 = vector.broadcast %mul3A_51 : i32 to vector<16xi32>
        %mul3A_53 = arith.muli %get3A_50, %mul3A_52 : vector<16xi32>
        %add3A_54 = vector.broadcast %arg0 : i32 to vector<16xi32>
        %add3A_55 = arith.addi %mul3A_53, %add3A_54 : vector<16xi32>
        %swap3A = arith.constant 0 : i32
        %swap3A_56 = tpu.memref_slice %arg7[%add3A_45, %swap3A] : memref<40x128xi32, #tpu.memory_space<vmem>> -> memref<1x128xi32, #tpu.memory_space<vmem>>
        %swap3A_57 = tpu.memref_squeeze %swap3A_56 : memref<1x128xi32, #tpu.memory_space<vmem>> -> memref<128xi32, #tpu.memory_space<vmem>>
        %swap3A_58 = arith.constant 0 : index
        %swap3A_59 = tpu.vector_load %swap3A_57[%swap3A_58] {strides = array<i32>} : memref<128xi32, #tpu.memory_space<vmem>>, vector<16xi32>,
        %swap3A_60 = vector.shape_cast %swap3A_59 : vector<16xi32> to vector<16xi32>
        %swap3A_61 = vector.shape_cast %add3A_55 : vector<16xi32> to vector<16xi32>
        tpu.vector_store %swap3A_57[%swap3A_58], %swap3A_61 {strides = array<i32>} : memref<128xi32, #tpu.memory_space<vmem>>, vector<16xi32>,
        %get3A_62 = arith.constant 0 : i32
        %get3A_63 = tpu.memref_slice %arg7[%add3A_45, %get3A_62] : memref<40x128xi32, #tpu.memory_space<vmem>> -> memref<1x128xi32, #tpu.memory_space<vmem>>
        %get3A_64 = tpu.memref_squeeze %get3A_63 : memref<1x128xi32, #tpu.memory_space<vmem>> -> memref<128xi32, #tpu.memory_space<vmem>>
        %get3A_65 = arith.constant 16 : index
        %get3A_66 = tpu.vector_load %get3A_64[%get3A_65] {strides = array<i32>} : memref<128xi32, #tpu.memory_space<vmem>>, vector<16xi32>,
        %get3A_67 = vector.shape_cast %get3A_66 : vector<16xi32> to vector<16xi32>
        %mul3A_68 = arith.constant 2 : i32
        %mul3A_69 = vector.broadcast %mul3A_68 : i32 to vector<16xi32>
        %mul3A_70 = arith.muli %get3A_67, %mul3A_69 : vector<16xi32>
        %add3A_71 = vector.broadcast %arg0 : i32 to vector<16xi32>
        %add3A_72 = arith.addi %mul3A_70, %add3A_71 : vector<16xi32>
        %swap3A_73 = arith.constant 0 : i32
        %swap3A_74 = tpu.memref_slice %arg7[%add3A_45, %swap3A_73] : memref<40x128xi32, #tpu.memory_space<vmem>> -> memref<1x128xi32, #tpu.memory_space<vmem>>
        %swap3A_75 = tpu.memref_squeeze %swap3A_74 : memref<1x128xi32, #tpu.memory_space<vmem>> -> memref<128xi32, #tpu.memory_space<vmem>>
        %swap3A_76 = arith.constant 16 : index
        %swap3A_77 = tpu.vector_load %swap3A_75[%swap3A_76] {strides = array<i32>} : memref<128xi32, #tpu.memory_space<vmem>>, vector<16xi32>,
        %swap3A_78 = vector.shape_cast %swap3A_77 : vector<16xi32> to vector<16xi32>
        %swap3A_79 = vector.shape_cast %add3A_72 : vector<16xi32> to vector<16xi32>
        tpu.vector_store %swap3A_75[%swap3A_76], %swap3A_79 {strides = array<i32>} : memref<128xi32, #tpu.memory_space<vmem>>, vector<16xi32>,
        %get3A_80 = arith.constant 0 : i32
        %get3A_81 = tpu.memref_slice %arg7[%add3A_45, %get3A_80] : memref<40x128xi32, #tpu.memory_space<vmem>> -> memref<1x128xi32, #tpu.memory_space<vmem>>
        %get3A_82 = tpu.memref_squeeze %get3A_81 : memref<1x128xi32, #tpu.memory_space<vmem>> -> memref<128xi32, #tpu.memory_space<vmem>>
        %get3A_83 = arith.constant 32 : index
        %get3A_84 = tpu.vector_load %get3A_82[%get3A_83] {strides = array<i32>} : memref<128xi32, #tpu.memory_space<vmem>>, vector<16xi32>,
        %get3A_85 = vector.shape_cast %get3A_84 : vector<16xi32> to vector<16xi32>
        %mul3A_86 = arith.constant 2 : i32
        %mul3A_87 = vector.broadcast %mul3A_86 : i32 to vector<16xi32>
        %mul3A_88 = arith.muli %get3A_85, %mul3A_87 : vector<16xi32>
        %add3A_89 = vector.broadcast %arg0 : i32 to vector<16xi32>
        %add3A_90 = arith.addi %mul3A_88, %add3A_89 : vector<16xi32>
        %swap3A_91 = arith.constant 0 : i32
        %swap3A_92 = tpu.memref_slice %arg7[%add3A_45, %swap3A_91] : memref<40x128xi32, #tpu.memory_space<vmem>> -> memref<1x128xi32, #tpu.memory_space<vmem>>
        %swap3A_93 = tpu.memref_squeeze %swap3A_92 : memref<1x128xi32, #tpu.memory_space<vmem>> -> memref<128xi32, #tpu.memory_space<vmem>>
        %swap3A_94 = arith.constant 32 : index
        %swap3A_95 = tpu.vector_load %swap3A_93[%swap3A_94] {strides = array<i32>} : memref<128xi32, #tpu.memory_space<vmem>>, vector<16xi32>,
        %swap3A_96 = vector.shape_cast %swap3A_95 : vector<16xi32> to vector<16xi32>
        %swap3A_97 = vector.shape_cast %add3A_90 : vector<16xi32> to vector<16xi32>
        tpu.vector_store %swap3A_93[%swap3A_94], %swap3A_97 {strides = array<i32>} : memref<128xi32, #tpu.memory_space<vmem>>, vector<16xi32>,
        %get3A_98 = arith.constant 0 : i32
        %get3A_99 = tpu.memref_slice %arg7[%add3A_45, %get3A_98] : memref<40x128xi32, #tpu.memory_space<vmem>> -> memref<1x128xi32, #tpu.memory_space<vmem>>
        %get3A_100 = tpu.memref_squeeze %get3A_99 : memref<1x128xi32, #tpu.memory_space<vmem>> -> memref<128xi32, #tpu.memory_space<vmem>>
        %get3A_101 = arith.constant 48 : index
        %get3A_102 = tpu.vector_load %get3A_100[%get3A_101] {strides = array<i32>} : memref<128xi32, #tpu.memory_space<vmem>>, vector<16xi32>,
        %get3A_103 = vector.shape_cast %get3A_102 : vector<16xi32> to vector<16xi32>
        %mul3A_104 = arith.constant 2 : i32
        %mul3A_105 = vector.broadcast %mul3A_104 : i32 to vector<16xi32>
        %mul3A_106 = arith.muli %get3A_103, %mul3A_105 : vector<16xi32>
        %add3A_107 = vector.broadcast %arg0 : i32 to vector<16xi32>
        %add3A_108 = arith.addi %mul3A_106, %add3A_107 : vector<16xi32>
        %swap3A_109 = arith.constant 0 : i32
        %swap3A_110 = tpu.memref_slice %arg7[%add3A_45, %swap3A_109] : memref<40x128xi32, #tpu.memory_space<vmem>> -> memref<1x128xi32, #tpu.memory_space<vmem>>
        %swap3A_111 = tpu.memref_squeeze %swap3A_110 : memref<1x128xi32, #tpu.memory_space<vmem>> -> memref<128xi32, #tpu.memory_space<vmem>>
        %swap3A_112 = arith.constant 48 : index
        %swap3A_113 = tpu.vector_load %swap3A_111[%swap3A_112] {strides = array<i32>} : memref<128xi32, #tpu.memory_space<vmem>>, vector<16xi32>,
        %swap3A_114 = vector.shape_cast %swap3A_113 : vector<16xi32> to vector<16xi32>
        %swap3A_115 = vector.shape_cast %add3A_108 : vector<16xi32> to vector<16xi32>
        tpu.vector_store %swap3A_111[%swap3A_112], %swap3A_115 {strides = array<i32>} : memref<128xi32, #tpu.memory_space<vmem>>, vector<16xi32>,
        %get3A_116 = arith.constant 0 : i32
        %get3A_117 = tpu.memref_slice %arg7[%add3A_45, %get3A_116] : memref<40x128xi32, #tpu.memory_space<vmem>> -> memref<1x128xi32, #tpu.memory_space<vmem>>
        %get3A_118 = tpu.memref_squeeze %get3A_117 : memref<1x128xi32, #tpu.memory_space<vmem>> -> memref<128xi32, #tpu.memory_space<vmem>>
        %get3A_119 = arith.constant 64 : index
        %get3A_120 = tpu.vector_load %get3A_118[%get3A_119] {strides = array<i32>} : memref<128xi32, #tpu.memory_space<vmem>>, vector<16xi32>,
        %get3A_121 = vector.shape_cast %get3A_120 : vector<16xi32> to vector<16xi32>
        %mul3A_122 = arith.constant 2 : i32
        %mul3A_123 = vector.broadcast %mul3A_122 : i32 to vector<16xi32>
        %mul3A_124 = arith.muli %get3A_121, %mul3A_123 : vector<16xi32>
        %add3A_125 = vector.broadcast %arg0 : i32 to vector<16xi32>
        %add3A_126 = arith.addi %mul3A_124, %add3A_125 : vector<16xi32>
        %swap3A_127 = arith.constant 0 : i32
        %swap3A_128 = tpu.memref_slice %arg7[%add3A_45, %swap3A_127] : memref<40x128xi32, #tpu.memory_space<vmem>> -> memref<1x128xi32, #tpu.memory_space<vmem>>
        %swap3A_129 = tpu.memref_squeeze %swap3A_128 : memref<1x128xi32, #tpu.memory_space<vmem>> -> memref<128xi32, #tpu.memory_space<vmem>>
        %swap3A_130 = arith.constant 64 : index
        %swap3A_131 = tpu.vector_load %swap3A_129[%swap3A_130] {strides = array<i32>} : memref<128xi32, #tpu.memory_space<vmem>>, vector<16xi32>,
        %swap3A_132 = vector.shape_cast %swap3A_131 : vector<16xi32> to vector<16xi32>
        %swap3A_133 = vector.shape_cast %add3A_126 : vector<16xi32> to vector<16xi32>
        tpu.vector_store %swap3A_129[%swap3A_130], %swap3A_133 {strides = array<i32>} : memref<128xi32, #tpu.memory_space<vmem>>, vector<16xi32>,
        %get3A_134 = arith.constant 0 : i32
        %get3A_135 = tpu.memref_slice %arg7[%add3A_45, %get3A_134] : memref<40x128xi32, #tpu.memory_space<vmem>> -> memref<1x128xi32, #tpu.memory_space<vmem>>
        %get3A_136 = tpu.memref_squeeze %get3A_135 : memref<1x128xi32, #tpu.memory_space<vmem>> -> memref<128xi32, #tpu.memory_space<vmem>>
        %get3A_137 = arith.constant 80 : index
        %get3A_138 = tpu.vector_load %get3A_136[%get3A_137] {strides = array<i32>} : memref<128xi32, #tpu.memory_space<vmem>>, vector<16xi32>,
        %get3A_139 = vector.shape_cast %get3A_138 : vector<16xi32> to vector<16xi32>
        %mul3A_140 = arith.constant 2 : i32
        %mul3A_141 = vector.broadcast %mul3A_140 : i32 to vector<16xi32>
        %mul3A_142 = arith.muli %get3A_139, %mul3A_141 : vector<16xi32>
        %add3A_143 = vector.broadcast %arg0 : i32 to vector<16xi32>
        %add3A_144 = arith.addi %mul3A_142, %add3A_143 : vector<16xi32>
        %swap3A_145 = arith.constant 0 : i32
        %swap3A_146 = tpu.memref_slice %arg7[%add3A_45, %swap3A_145] : memref<40x128xi32, #tpu.memory_space<vmem>> -> memref<1x128xi32, #tpu.memory_space<vmem>>
        %swap3A_147 = tpu.memref_squeeze %swap3A_146 : memref<1x128xi32, #tpu.memory_space<vmem>> -> memref<128xi32, #tpu.memory_space<vmem>>
        %swap3A_148 = arith.constant 80 : index
        %swap3A_149 = tpu.vector_load %swap3A_147[%swap3A_148] {strides = array<i32>} : memref<128xi32, #tpu.memory_space<vmem>>, vector<16xi32>,
        %swap3A_150 = vector.shape_cast %swap3A_149 : vector<16xi32> to vector<16xi32>
        %swap3A_151 = vector.shape_cast %add3A_144 : vector<16xi32> to vector<16xi32>
        tpu.vector_store %swap3A_147[%swap3A_148], %swap3A_151 {strides = array<i32>} : memref<128xi32, #tpu.memory_space<vmem>>, vector<16xi32>,
        %get3A_152 = arith.constant 0 : i32
        %get3A_153 = tpu.memref_slice %arg7[%add3A_45, %get3A_152] : memref<40x128xi32, #tpu.memory_space<vmem>> -> memref<1x128xi32, #tpu.memory_space<vmem>>
        %get3A_154 = tpu.memref_squeeze %get3A_153 : memref<1x128xi32, #tpu.memory_space<vmem>> -> memref<128xi32, #tpu.memory_space<vmem>>
        %get3A_155 = arith.constant 96 : index
        %get3A_156 = tpu.vector_load %get3A_154[%get3A_155] {strides = array<i32>} : memref<128xi32, #tpu.memory_space<vmem>>, vector<16xi32>,
        %get3A_157 = vector.shape_cast %get3A_156 : vector<16xi32> to vector<16xi32>
        %mul3A_158 = arith.constant 2 : i32
        %mul3A_159 = vector.broadcast %mul3A_158 : i32 to vector<16xi32>
        %mul3A_160 = arith.muli %get3A_157, %mul3A_159 : vector<16xi32>
        %add3A_161 = vector.broadcast %arg0 : i32 to vector<16xi32>
        %add3A_162 = arith.addi %mul3A_160, %add3A_161 : vector<16xi32>
        %swap3A_163 = arith.constant 0 : i32
        %swap3A_164 = tpu.memref_slice %arg7[%add3A_45, %swap3A_163] : memref<40x128xi32, #tpu.memory_space<vmem>> -> memref<1x128xi32, #tpu.memory_space<vmem>>
        %swap3A_165 = tpu.memref_squeeze %swap3A_164 : memref<1x128xi32, #tpu.memory_space<vmem>> -> memref<128xi32, #tpu.memory_space<vmem>>
        %swap3A_166 = arith.constant 96 : index
        %swap3A_167 = tpu.vector_load %swap3A_165[%swap3A_166] {strides = array<i32>} : memref<128xi32, #tpu.memory_space<vmem>>, vector<16xi32>,
        %swap3A_168 = vector.shape_cast %swap3A_167 : vector<16xi32> to vector<16xi32>
        %swap3A_169 = vector.shape_cast %add3A_162 : vector<16xi32> to vector<16xi32>
        tpu.vector_store %swap3A_165[%swap3A_166], %swap3A_169 {strides = array<i32>} : memref<128xi32, #tpu.memory_space<vmem>>, vector<16xi32>,
        %get3A_170 = arith.constant 0 : i32
        %get3A_171 = tpu.memref_slice %arg7[%add3A_45, %get3A_170] : memref<40x128xi32, #tpu.memory_space<vmem>> -> memref<1x128xi32, #tpu.memory_space<vmem>>
        %get3A_172 = tpu.memref_squeeze %get3A_171 : memref<1x128xi32, #tpu.memory_space<vmem>> -> memref<128xi32, #tpu.memory_space<vmem>>
        %get3A_173 = arith.constant 112 : index
        %get3A_174 = tpu.vector_load %get3A_172[%get3A_173] {strides = array<i32>} : memref<128xi32, #tpu.memory_space<vmem>>, vector<16xi32>,
        %get3A_175 = vector.shape_cast %get3A_174 : vector<16xi32> to vector<16xi32>
        %mul3A_176 = arith.constant 2 : i32
        %mul3A_177 = vector.broadcast %mul3A_176 : i32 to vector<16xi32>
        %mul3A_178 = arith.muli %get3A_175, %mul3A_177 : vector<16xi32>
        %add3A_179 = vector.broadcast %arg0 : i32 to vector<16xi32>
        %add3A_180 = arith.addi %mul3A_178, %add3A_179 : vector<16xi32>
        %swap3A_181 = arith.constant 0 : i32
        %swap3A_182 = tpu.memref_slice %arg7[%add3A_45, %swap3A_181] : memref<40x128xi32, #tpu.memory_space<vmem>> -> memref<1x128xi32, #tpu.memory_space<vmem>>
        %swap3A_183 = tpu.memref_squeeze %swap3A_182 : memref<1x128xi32, #tpu.memory_space<vmem>> -> memref<128xi32, #tpu.memory_space<vmem>>
        %swap3A_184 = arith.constant 112 : index
        %swap3A_185 = tpu.vector_load %swap3A_183[%swap3A_184] {strides = array<i32>} : memref<128xi32, #tpu.memory_space<vmem>>, vector<16xi32>,
        %swap3A_186 = vector.shape_cast %swap3A_185 : vector<16xi32> to vector<16xi32>
        %swap3A_187 = vector.shape_cast %add3A_180 : vector<16xi32> to vector<16xi32>
        tpu.vector_store %swap3A_183[%swap3A_184], %swap3A_187 {strides = array<i32>} : memref<128xi32, #tpu.memory_space<vmem>>, vector<16xi32>,
      }
      %scan3A_24 = arith.constant 40 : i32
      %dma_start3A = arith.constant 0 : i32
      %dma_start3A_25 = arith.constant 0 : i32
      %dma_start3A_26 = arith.constant 0 : i32
      %dma_start3A_27 = arith.constant 0 : i32
      %dma_start3A_28 = tpu.memref_slice %arg9[%dma_start3A_25, %dma_start3A_26, %dma_start3A_27] : memref<2x128x128xf32, #tpu.memory_space<vmem>> -> memref<1x128x128xf32, #tpu.memory_space<vmem>>
      %dma_start3A_29 = tpu.memref_squeeze %dma_start3A_28 : memref<1x128x128xf32, #tpu.memory_space<vmem>> -> memref<128x128xf32, #tpu.memory_space<vmem>>
      %dma_start3A_30 = arith.constant 0 : i32
      %dma_start3A_31 = tpu.memref_slice %arg7[%dma_start3A, %dma_start3A_30] : memref<40x128xi32, #tpu.memory_space<vmem>> -> memref<1x128xi32, #tpu.memory_space<vmem>>
      %dma_start3A_32 = tpu.memref_squeeze %dma_start3A_31 : memref<1x128xi32, #tpu.memory_space<vmem>> -> memref<128xi32, #tpu.memory_space<vmem>>
      %dma_start3A_33 = arith.constant 0 : i32
      %dma_start3A_34 = arith.constant 0 : i32
      %dma_start3A_35 = tpu.memref_slice %arg5[%dma_start3A_33, %dma_start3A_34] : memref<20000x128xf32, #tpu.memory_space<hbm>> -> memref<20000x128xf32, #tpu.memory_space<hbm>>
      tpu.enqueue_indirect_dma source(%dma_start3A_35 : memref<20000x128xf32, #tpu.memory_space<hbm>>) target(%dma_start3A_29 : memref<128x128xf32, #tpu.memory_space<vmem>>) offsets(%dma_start3A_32 : memref<128xi32, #tpu.memory_space<vmem>>) semaphore(%arg11 : memref<!tpu.dma_semaphore, #tpu.memory_space<semaphore_mem>>)
      %scan3A_36 = arith.constant 0 : i32
      %scan3A_37 = arith.constant 20 : i32
      %scan3A_38 = arith.addi %scan3A_36, %scan3A_37 : i32
      %scan3A_39 = arith.constant 1 : i32
      scf.for %scan3A_41 = %scan3A_36 to %scan3A_38 step %scan3A_39  : i32 {
        %mul3A_42 = arith.constant 2 : i32
        %mul3A_43 = arith.muli %scan3A_41, %mul3A_42 : i32
        %add3A_44 = arith.constant 0 : i32
        %add3A_45 = arith.addi %add3A_44, %mul3A_43 : i32
        %add3A_46 = arith.constant 1 : i32
        %add3A_47 = arith.addi %add3A_45, %add3A_46 : i32
        %dma_start3A_48 = arith.constant 1 : i32
        %dma_start3A_49 = arith.constant 0 : i32
        %dma_start3A_50 = arith.constant 0 : i32
        %dma_start3A_51 = tpu.memref_slice %arg9[%dma_start3A_48, %dma_start3A_49, %dma_start3A_50] : memref<2x128x128xf32, #tpu.memory_space<vmem>> -> memref<1x128x128xf32, #tpu.memory_space<vmem>>
        %dma_start3A_52 = tpu.memref_squeeze %dma_start3A_51 : memref<1x128x128xf32, #tpu.memory_space<vmem>> -> memref<128x128xf32, #tpu.memory_space<vmem>>
        %dma_start3A_53 = arith.constant 0 : i32
        %dma_start3A_54 = tpu.memref_slice %arg7[%add3A_47, %dma_start3A_53] : memref<40x128xi32, #tpu.memory_space<vmem>> -> memref<1x128xi32, #tpu.memory_space<vmem>>
        %dma_start3A_55 = tpu.memref_squeeze %dma_start3A_54 : memref<1x128xi32, #tpu.memory_space<vmem>> -> memref<128xi32, #tpu.memory_space<vmem>>
        %dma_start3A_56 = arith.constant 0 : i32
        %dma_start3A_57 = arith.constant 0 : i32
        %dma_start3A_58 = tpu.memref_slice %arg5[%dma_start3A_56, %dma_start3A_57] : memref<20000x128xf32, #tpu.memory_space<hbm>> -> memref<20000x128xf32, #tpu.memory_space<hbm>>
        tpu.enqueue_indirect_dma source(%dma_start3A_58 : memref<20000x128xf32, #tpu.memory_space<hbm>>) target(%dma_start3A_52 : memref<128x128xf32, #tpu.memory_space<vmem>>) offsets(%dma_start3A_55 : memref<128xi32, #tpu.memory_space<vmem>>) semaphore(%arg12 : memref<!tpu.dma_semaphore, #tpu.memory_space<semaphore_mem>>)
        %dma_wait3A = arith.constant 0 : i32
        %dma_wait3A_59 = arith.constant 0 : i32
        %dma_wait3A_60 = arith.constant 0 : i32
        %dma_wait3A_61 = tpu.memref_slice %arg9[%dma_wait3A, %dma_wait3A_59, %dma_wait3A_60] : memref<2x128x128xf32, #tpu.memory_space<vmem>> -> memref<1x128x128xf32, #tpu.memory_space<vmem>>
        %dma_wait3A_62 = tpu.memref_squeeze %dma_wait3A_61 : memref<1x128x128xf32, #tpu.memory_space<vmem>> -> memref<128x128xf32, #tpu.memory_space<vmem>>
        %dma_wait3A_63 = arith.constant 0 : i32
        %dma_wait3A_64 = tpu.memref_slice %arg7[%add3A_45, %dma_wait3A_63] : memref<40x128xi32, #tpu.memory_space<vmem>> -> memref<1x128xi32, #tpu.memory_space<vmem>>
        %dma_wait3A_65 = tpu.memref_squeeze %dma_wait3A_64 : memref<1x128xi32, #tpu.memory_space<vmem>> -> memref<128xi32, #tpu.memory_space<vmem>>
        %dma_wait3A_66 = arith.constant 0 : i32
        %dma_wait3A_67 = arith.constant 0 : i32
        %dma_wait3A_68 = tpu.memref_slice %arg5[%dma_wait3A_66, %dma_wait3A_67] : memref<20000x128xf32, #tpu.memory_space<hbm>> -> memref<20000x128xf32, #tpu.memory_space<hbm>>
        tpu.wait_indirect_dma semaphore(%arg11 : memref<!tpu.dma_semaphore, #tpu.memory_space<semaphore_mem>>) src(%dma_wait3A_68 : memref<20000x128xf32, #tpu.memory_space<hbm>>) dst(%dma_wait3A_62 : memref<128x128xf32, #tpu.memory_space<vmem>>)
        %run_scoped3A = arith.constant 0 : i32
        "tpu.region"() ({
          %run_scoped3A_89 = tpu.sem_alloc : memref<!tpu.dma_semaphore, #tpu.memory_space<semaphore_mem>>
          %dma_start3A_90 = arith.constant 0 : i32
          %dma_start3A_91 = arith.constant 0 : i32
          %dma_start3A_92 = tpu.memref_slice %arg9[%run_scoped3A, %dma_start3A_90, %dma_start3A_91] : memref<2x128x128xf32, #tpu.memory_space<vmem>> -> memref<1x128x128xf32, #tpu.memory_space<vmem>>
          %dma_start3A_93 = tpu.memref_squeeze %dma_start3A_92 : memref<1x128x128xf32, #tpu.memory_space<vmem>> -> memref<128x128xf32, #tpu.memory_space<vmem>>
          %dma_start3A_94 = arith.constant 0 : i32
          %dma_start3A_95 = tpu.memref_slice %arg8[%add3A_45, %dma_start3A_94] : memref<40x128xi32, #tpu.memory_space<vmem>> -> memref<1x128xi32, #tpu.memory_space<vmem>>
          %dma_start3A_96 = tpu.memref_squeeze %dma_start3A_95 : memref<1x128xi32, #tpu.memory_space<vmem>> -> memref<128xi32, #tpu.memory_space<vmem>>
          %dma_start3A_97 = arith.constant 0 : i32
          %dma_start3A_98 = arith.constant 0 : i32
          %dma_start3A_99 = tpu.memref_slice %arg10[%dma_start3A_97, %dma_start3A_98] : memref<10112x128xf32, #tpu.memory_space<vmem_shared>> -> memref<10112x128xf32, #tpu.memory_space<vmem_shared>>
          tpu.enqueue_indirect_dma source(%dma_start3A_93 : memref<128x128xf32, #tpu.memory_space<vmem>>) target(%dma_start3A_99 : memref<10112x128xf32, #tpu.memory_space<vmem_shared>>) offsets(%dma_start3A_96 : memref<128xi32, #tpu.memory_space<vmem>>) semaphore(%run_scoped3A_89 : memref<!tpu.dma_semaphore, #tpu.memory_space<semaphore_mem>>) {add = true}
          %dma_wait3A_100 = arith.constant 0 : i32
          %dma_wait3A_101 = arith.constant 0 : i32
          %dma_wait3A_102 = tpu.memref_slice %arg9[%run_scoped3A, %dma_wait3A_100, %dma_wait3A_101] : memref<2x128x128xf32, #tpu.memory_space<vmem>> -> memref<1x128x128xf32, #tpu.memory_space<vmem>>
          %dma_wait3A_103 = tpu.memref_squeeze %dma_wait3A_102 : memref<1x128x128xf32, #tpu.memory_space<vmem>> -> memref<128x128xf32, #tpu.memory_space<vmem>>
          %dma_wait3A_104 = arith.constant 0 : i32
          %dma_wait3A_105 = tpu.memref_slice %arg8[%add3A_45, %dma_wait3A_104] : memref<40x128xi32, #tpu.memory_space<vmem>> -> memref<1x128xi32, #tpu.memory_space<vmem>>
          %dma_wait3A_106 = tpu.memref_squeeze %dma_wait3A_105 : memref<1x128xi32, #tpu.memory_space<vmem>> -> memref<128xi32, #tpu.memory_space<vmem>>
          %dma_wait3A_107 = arith.constant 0 : i32
          %dma_wait3A_108 = arith.constant 0 : i32
          %dma_wait3A_109 = tpu.memref_slice %arg10[%dma_wait3A_107, %dma_wait3A_108] : memref<10112x128xf32, #tpu.memory_space<vmem_shared>> -> memref<10112x128xf32, #tpu.memory_space<vmem_shared>>
          tpu.wait_indirect_dma semaphore(%run_scoped3A_89 : memref<!tpu.dma_semaphore, #tpu.memory_space<semaphore_mem>>) src(%dma_wait3A_103 : memref<128x128xf32, #tpu.memory_space<vmem>>) dst(%dma_wait3A_109 : memref<10112x128xf32, #tpu.memory_space<vmem_shared>>)
          tpu.yield
        }) : () -> ()
        %add3A_69 = arith.constant 2 : i32
        %add3A_70 = arith.addi %add3A_45, %add3A_69 : i32
        %lt3A = arith.constant 40 : i32
        %lt3A_71 = arith.cmpi slt, %add3A_70, %lt3A : i32
        %convert_element_type3A_72 = arith.extui %lt3A_71 : i1 to i32
        %cond3A_73 = arith.constant 0 : i32
        %cond3A_74 = arith.cmpi ne, %convert_element_type3A_72, %cond3A_73 : i32
        scf.if %cond3A_74 {
          %add3A_89 = arith.constant 2 : i32
          %add3A_90 = arith.addi %add3A_45, %add3A_89 : i32
          %dma_start3A_91 = arith.constant 0 : i32
          %dma_start3A_92 = arith.constant 0 : i32
          %dma_start3A_93 = arith.constant 0 : i32
          %dma_start3A_94 = tpu.memref_slice %arg9[%dma_start3A_91, %dma_start3A_92, %dma_start3A_93] : memref<2x128x128xf32, #tpu.memory_space<vmem>> -> memref<1x128x128xf32, #tpu.memory_space<vmem>>
          %dma_start3A_95 = tpu.memref_squeeze %dma_start3A_94 : memref<1x128x128xf32, #tpu.memory_space<vmem>> -> memref<128x128xf32, #tpu.memory_space<vmem>>
          %dma_start3A_96 = arith.constant 0 : i32
          %dma_start3A_97 = tpu.memref_slice %arg7[%add3A_90, %dma_start3A_96] : memref<40x128xi32, #tpu.memory_space<vmem>> -> memref<1x128xi32, #tpu.memory_space<vmem>>
          %dma_start3A_98 = tpu.memref_squeeze %dma_start3A_97 : memref<1x128xi32, #tpu.memory_space<vmem>> -> memref<128xi32, #tpu.memory_space<vmem>>
          %dma_start3A_99 = arith.constant 0 : i32
          %dma_start3A_100 = arith.constant 0 : i32
          %dma_start3A_101 = tpu.memref_slice %arg5[%dma_start3A_99, %dma_start3A_100] : memref<20000x128xf32, #tpu.memory_space<hbm>> -> memref<20000x128xf32, #tpu.memory_space<hbm>>
          tpu.enqueue_indirect_dma source(%dma_start3A_101 : memref<20000x128xf32, #tpu.memory_space<hbm>>) target(%dma_start3A_95 : memref<128x128xf32, #tpu.memory_space<vmem>>) offsets(%dma_start3A_98 : memref<128xi32, #tpu.memory_space<vmem>>) semaphore(%arg11 : memref<!tpu.dma_semaphore, #tpu.memory_space<semaphore_mem>>)
        } else {
        }
        %dma_wait3A_75 = arith.constant 1 : i32
        %dma_wait3A_76 = arith.constant 0 : i32
        %dma_wait3A_77 = arith.constant 0 : i32
        %dma_wait3A_78 = tpu.memref_slice %arg9[%dma_wait3A_75, %dma_wait3A_76, %dma_wait3A_77] : memref<2x128x128xf32, #tpu.memory_space<vmem>> -> memref<1x128x128xf32, #tpu.memory_space<vmem>>
        %dma_wait3A_79 = tpu.memref_squeeze %dma_wait3A_78 : memref<1x128x128xf32, #tpu.memory_space<vmem>> -> memref<128x128xf32, #tpu.memory_space<vmem>>
        %dma_wait3A_80 = arith.constant 0 : i32
        %dma_wait3A_81 = tpu.memref_slice %arg7[%add3A_47, %dma_wait3A_80] : memref<40x128xi32, #tpu.memory_space<vmem>> -> memref<1x128xi32, #tpu.memory_space<vmem>>
        %dma_wait3A_82 = tpu.memref_squeeze %dma_wait3A_81 : memref<1x128xi32, #tpu.memory_space<vmem>> -> memref<128xi32, #tpu.memory_space<vmem>>
        %dma_wait3A_83 = arith.constant 0 : i32
        %dma_wait3A_84 = arith.constant 0 : i32
        %dma_wait3A_85 = tpu.memref_slice %arg5[%dma_wait3A_83, %dma_wait3A_84] : memref<20000x128xf32, #tpu.memory_space<hbm>> -> memref<20000x128xf32, #tpu.memory_space<hbm>>
        tpu.wait_indirect_dma semaphore(%arg12 : memref<!tpu.dma_semaphore, #tpu.memory_space<semaphore_mem>>) src(%dma_wait3A_85 : memref<20000x128xf32, #tpu.memory_space<hbm>>) dst(%dma_wait3A_79 : memref<128x128xf32, #tpu.memory_space<vmem>>)
        %add3A_86 = arith.constant 1 : i32
        %add3A_87 = arith.addi %add3A_45, %add3A_86 : i32
        %run_scoped3A_88 = arith.constant 1 : i32
        "tpu.region"() ({
          %run_scoped3A_89 = tpu.sem_alloc : memref<!tpu.dma_semaphore, #tpu.memory_space<semaphore_mem>>
          %dma_start3A_90 = arith.constant 0 : i32
          %dma_start3A_91 = arith.constant 0 : i32
          %dma_start3A_92 = tpu.memref_slice %arg9[%run_scoped3A_88, %dma_start3A_90, %dma_start3A_91] : memref<2x128x128xf32, #tpu.memory_space<vmem>> -> memref<1x128x128xf32, #tpu.memory_space<vmem>>
          %dma_start3A_93 = tpu.memref_squeeze %dma_start3A_92 : memref<1x128x128xf32, #tpu.memory_space<vmem>> -> memref<128x128xf32, #tpu.memory_space<vmem>>
          %dma_start3A_94 = arith.constant 0 : i32
          %dma_start3A_95 = tpu.memref_slice %arg8[%add3A_87, %dma_start3A_94] : memref<40x128xi32, #tpu.memory_space<vmem>> -> memref<1x128xi32, #tpu.memory_space<vmem>>
          %dma_start3A_96 = tpu.memref_squeeze %dma_start3A_95 : memref<1x128xi32, #tpu.memory_space<vmem>> -> memref<128xi32, #tpu.memory_space<vmem>>
          %dma_start3A_97 = arith.constant 0 : i32
          %dma_start3A_98 = arith.constant 0 : i32
          %dma_start3A_99 = tpu.memref_slice %arg10[%dma_start3A_97, %dma_start3A_98] : memref<10112x128xf32, #tpu.memory_space<vmem_shared>> -> memref<10112x128xf32, #tpu.memory_space<vmem_shared>>
          tpu.enqueue_indirect_dma source(%dma_start3A_93 : memref<128x128xf32, #tpu.memory_space<vmem>>) target(%dma_start3A_99 : memref<10112x128xf32, #tpu.memory_space<vmem_shared>>) offsets(%dma_start3A_96 : memref<128xi32, #tpu.memory_space<vmem>>) semaphore(%run_scoped3A_89 : memref<!tpu.dma_semaphore, #tpu.memory_space<semaphore_mem>>) {add = true}
          %dma_wait3A_100 = arith.constant 0 : i32
          %dma_wait3A_101 = arith.constant 0 : i32
          %dma_wait3A_102 = tpu.memref_slice %arg9[%run_scoped3A_88, %dma_wait3A_100, %dma_wait3A_101] : memref<2x128x128xf32, #tpu.memory_space<vmem>> -> memref<1x128x128xf32, #tpu.memory_space<vmem>>
          %dma_wait3A_103 = tpu.memref_squeeze %dma_wait3A_102 : memref<1x128x128xf32, #tpu.memory_space<vmem>> -> memref<128x128xf32, #tpu.memory_space<vmem>>
          %dma_wait3A_104 = arith.constant 0 : i32
          %dma_wait3A_105 = tpu.memref_slice %arg8[%add3A_87, %dma_wait3A_104] : memref<40x128xi32, #tpu.memory_space<vmem>> -> memref<1x128xi32, #tpu.memory_space<vmem>>
          %dma_wait3A_106 = tpu.memref_squeeze %dma_wait3A_105 : memref<1x128xi32, #tpu.memory_space<vmem>> -> memref<128xi32, #tpu.memory_space<vmem>>
          %dma_wait3A_107 = arith.constant 0 : i32
          %dma_wait3A_108 = arith.constant 0 : i32
          %dma_wait3A_109 = tpu.memref_slice %arg10[%dma_wait3A_107, %dma_wait3A_108] : memref<10112x128xf32, #tpu.memory_space<vmem_shared>> -> memref<10112x128xf32, #tpu.memory_space<vmem_shared>>
          tpu.wait_indirect_dma semaphore(%run_scoped3A_89 : memref<!tpu.dma_semaphore, #tpu.memory_space<semaphore_mem>>) src(%dma_wait3A_103 : memref<128x128xf32, #tpu.memory_space<vmem>>) dst(%dma_wait3A_109 : memref<10112x128xf32, #tpu.memory_space<vmem_shared>>)
          tpu.yield
        }) : () -> ()
      }
      %scan3A_40 = arith.constant 20 : i32
    }
    %scan3A_4 = arith.constant 4 : i32
    %barrier3A_5 = arith.constant 0 : index
    tpu.barrier barrier_id(%barrier3A_5)
    %mul3A_6 = arith.constant 624 : i32
    %mul3A_7 = arith.muli %arg1, %mul3A_6 : i32
    %mul3A_8 = arith.constant 624 : i32
    %mul3A_9 = arith.muli %arg1, %mul3A_8 : i32
    "tpu.region"() ({
      %run_scoped3A = tpu.sem_alloc : memref<!tpu.dma_semaphore, #tpu.memory_space<semaphore_mem>>
      %dma_start3A = arith.constant 0 : i32
      %dma_start3A_12 = tpu.memref_slice %arg6[%arg0, %mul3A_9, %dma_start3A] : memref<2x10000x128xf32, #tpu.memory_space<hbm>> -> memref<1x624x128xf32, #tpu.memory_space<hbm>>
      %dma_start3A_13 = tpu.memref_squeeze %dma_start3A_12 : memref<1x624x128xf32, #tpu.memory_space<hbm>> -> memref<624x128xf32, #tpu.memory_space<hbm>>
      %dma_start3A_14 = arith.constant 0 : i32
      %dma_start3A_15 = tpu.memref_slice %arg10[%mul3A_7, %dma_start3A_14] : memref<10112x128xf32, #tpu.memory_space<vmem_shared>> -> memref<624x128xf32, #tpu.memory_space<vmem_shared>>
      tpu.enqueue_dma source(%dma_start3A_15 : memref<624x128xf32, #tpu.memory_space<vmem_shared>>) target(%dma_start3A_13 : memref<624x128xf32, #tpu.memory_space<hbm>>) target_semaphore(%run_scoped3A : memref<!tpu.dma_semaphore, #tpu.memory_space<semaphore_mem>>)
      %dma_wait3A = arith.constant 0 : i32
      %dma_wait3A_16 = tpu.memref_slice %arg6[%arg0, %mul3A_9, %dma_wait3A] : memref<2x10000x128xf32, #tpu.memory_space<hbm>> -> memref<1x624x128xf32, #tpu.memory_space<hbm>>
      %dma_wait3A_17 = tpu.memref_squeeze %dma_wait3A_16 : memref<1x624x128xf32, #tpu.memory_space<hbm>> -> memref<624x128xf32, #tpu.memory_space<hbm>>
      %dma_wait3A_18 = arith.constant 0 : i32
      %dma_wait3A_19 = tpu.memref_slice %arg10[%mul3A_7, %dma_wait3A_18] : memref<10112x128xf32, #tpu.memory_space<vmem_shared>> -> memref<624x128xf32, #tpu.memory_space<vmem_shared>>
      tpu.wait_dma2 semaphore(%run_scoped3A : memref<!tpu.dma_semaphore, #tpu.memory_space<semaphore_mem>>) src(%dma_wait3A_19 : memref<624x128xf32, #tpu.memory_space<vmem_shared>>) dst(%dma_wait3A_17 : memref<624x128xf32, #tpu.memory_space<hbm>>)
      tpu.yield
    }) : () -> ()
    %eq3A = arith.constant 0 : i32
    %eq3A_10 = arith.cmpi eq, %arg1, %eq3A : i32
    %convert_element_type3A = arith.extui %eq3A_10 : i1 to i32
    %cond3A = arith.constant 0 : i32
    %cond3A_11 = arith.cmpi ne, %convert_element_type3A, %cond3A : i32
    scf.if %cond3A_11 {
      "tpu.region"() ({
        %run_scoped3A = tpu.sem_alloc : memref<!tpu.dma_semaphore, #tpu.memory_space<semaphore_mem>>
        %dma_start3A = arith.constant 9984 : i32
        %dma_start3A_12 = arith.constant 0 : i32
        %dma_start3A_13 = tpu.memref_slice %arg6[%arg0, %dma_start3A, %dma_start3A_12] : memref<2x10000x128xf32, #tpu.memory_space<hbm>> -> memref<1x16x128xf32, #tpu.memory_space<hbm>>
        %dma_start3A_14 = tpu.memref_squeeze %dma_start3A_13 : memref<1x16x128xf32, #tpu.memory_space<hbm>> -> memref<16x128xf32, #tpu.memory_space<hbm>>
        %dma_start3A_15 = arith.constant 9984 : i32
        %dma_start3A_16 = arith.constant 0 : i32
        %dma_start3A_17 = tpu.memref_slice %arg10[%dma_start3A_15, %dma_start3A_16] : memref<10112x128xf32, #tpu.memory_space<vmem_shared>> -> memref<16x128xf32, #tpu.memory_space<vmem_shared>>
        tpu.enqueue_dma source(%dma_start3A_17 : memref<16x128xf32, #tpu.memory_space<vmem_shared>>) target(%dma_start3A_14 : memref<16x128xf32, #tpu.memory_space<hbm>>) target_semaphore(%run_scoped3A : memref<!tpu.dma_semaphore, #tpu.memory_space<semaphore_mem>>)
        %dma_wait3A = arith.constant 9984 : i32
        %dma_wait3A_18 = arith.constant 0 : i32
        %dma_wait3A_19 = tpu.memref_slice %arg6[%arg0, %dma_wait3A, %dma_wait3A_18] : memref<2x10000x128xf32, #tpu.memory_space<hbm>> -> memref<1x16x128xf32, #tpu.memory_space<hbm>>
        %dma_wait3A_20 = tpu.memref_squeeze %dma_wait3A_19 : memref<1x16x128xf32, #tpu.memory_space<hbm>> -> memref<16x128xf32, #tpu.memory_space<hbm>>
        %dma_wait3A_21 = arith.constant 9984 : i32
        %dma_wait3A_22 = arith.constant 0 : i32
        %dma_wait3A_23 = tpu.memref_slice %arg10[%dma_wait3A_21, %dma_wait3A_22] : memref<10112x128xf32, #tpu.memory_space<vmem_shared>> -> memref<16x128xf32, #tpu.memory_space<vmem_shared>>
        tpu.wait_dma2 semaphore(%run_scoped3A : memref<!tpu.dma_semaphore, #tpu.memory_space<semaphore_mem>>) src(%dma_wait3A_23 : memref<16x128xf32, #tpu.memory_space<vmem_shared>>) dst(%dma_wait3A_20 : memref<16x128xf32, #tpu.memory_space<hbm>>)
        tpu.yield
      }) : () -> ()
    } else {
    }
    return
  }
}

#map = affine_map<(d0, d1) -> (0, 0, 0)>
#map1 = affine_map<(d0, d1) -> (0, 0)>
module attributes {stable_mosaic.version = 14 : i64} {
  func.func @k(%arg0: i32, %arg1: i32, %arg2: memref<16x80x128xi32, #tpu.memory_space<hbm>>, %arg3: memref<16x80x128xi32, #tpu.memory_space<hbm>>, %arg4: memref<16x80x128xi32, #tpu.memory_space<hbm>>, %arg5: memref<16x80x128xi32, #tpu.memory_space<hbm>>, %arg6: memref<632x128xf32, #tpu.memory_space<hbm>>, %arg7: memref<10000x128xf32, #tpu.memory_space<hbm>>, %arg8: memref<2x10000x128xf32, #tpu.memory_space<hbm>>, %arg9: memref<40x128xi32, #tpu.memory_space<vmem>>, %arg10: memref<40x128xi32, #tpu.memory_space<vmem>>, %arg11: memref<2x128x128xf32, #tpu.memory_space<vmem>>, %arg12: memref<10112x128xf32, #tpu.memory_space<vmem_shared>>, %arg13: memref<!tpu.dma_semaphore, #tpu.memory_space<semaphore_mem>>, %arg14: memref<!tpu.dma_semaphore, #tpu.memory_space<semaphore_mem>>) attributes {dimension_semantics = [#tpu.dimension_semantics<core_parallel>, #tpu.dimension_semantics<subcore_parallel>], iteration_bounds = array<i64: 2, 16>, scalar_prefetch = 0 : i64, scratch_operands = 6 : i64, tpu.core_type = #tpu.core_type<sc_vector_subcore>, window_params = [{transform_indices = #map}, {transform_indices = #map}, {transform_indices = #map}, {transform_indices = #map}, {transform_indices = #map1}, {transform_indices = #map1}, {transform_indices = #map}]} {
    %mul3A = arith.constant 632 : i32
    %mul3A_0 = arith.muli %arg1, %mul3A : i32
    "tpu.region"() ({
      %run_scoped3A = tpu.sem_alloc : memref<!tpu.dma_semaphore, #tpu.memory_space<semaphore_mem>>
      %dma_start3A = arith.constant 0 : i32
      %dma_start3A_12 = tpu.memref_slice %arg12[%mul3A_0, %dma_start3A] : memref<10112x128xf32, #tpu.memory_space<vmem_shared>> -> memref<632x128xf32, #tpu.memory_space<vmem_shared>>
      tpu.enqueue_dma source(%arg6 : memref<632x128xf32, #tpu.memory_space<hbm>>) target(%dma_start3A_12 : memref<632x128xf32, #tpu.memory_space<vmem_shared>>) target_semaphore(%run_scoped3A : memref<!tpu.dma_semaphore, #tpu.memory_space<semaphore_mem>>)
      %dma_wait3A = arith.constant 0 : i32
      %dma_wait3A_13 = tpu.memref_slice %arg12[%mul3A_0, %dma_wait3A] : memref<10112x128xf32, #tpu.memory_space<vmem_shared>> -> memref<632x128xf32, #tpu.memory_space<vmem_shared>>
      tpu.wait_dma2 semaphore(%run_scoped3A : memref<!tpu.dma_semaphore, #tpu.memory_space<semaphore_mem>>) src(%arg6 : memref<632x128xf32, #tpu.memory_space<hbm>>) dst(%dma_wait3A_13 : memref<632x128xf32, #tpu.memory_space<vmem_shared>>)
      tpu.yield
    }) : () -> ()
    %barrier3A = arith.constant 0 : index
    tpu.barrier barrier_id(%barrier3A)
    %scan3A = arith.constant 0 : i32
    %scan3A_1 = arith.constant 2 : i32
    %scan3A_2 = arith.addi %scan3A, %scan3A_1 : i32
    %scan3A_3 = arith.constant 1 : i32
    scf.for %scan3A_12 = %scan3A to %scan3A_2 step %scan3A_3  : i32 {
      %mul3A_13 = arith.constant 1 : i32
      %mul3A_14 = arith.muli %scan3A_12, %mul3A_13 : i32
      %add3A = arith.constant 0 : i32
      %add3A_15 = arith.addi %add3A, %mul3A_14 : i32
      %eq3A_16 = arith.constant 0 : i32
      %eq3A_17 = arith.cmpi eq, %arg0, %eq3A_16 : i32
      %convert_element_type3A_18 = arith.extui %eq3A_17 : i1 to i32
      %cond3A_19 = arith.constant 0 : i32
      %cond3A_20 = arith.cmpi ne, %convert_element_type3A_18, %cond3A_19 : i32
      scf.if %cond3A_20 {
        %mul3A_52 = arith.constant 40 : i32
        %mul3A_53 = arith.muli %add3A_15, %mul3A_52 : i32
        "tpu.region"() ({
          %run_scoped3A = tpu.sem_alloc : memref<!tpu.dma_semaphore, #tpu.memory_space<semaphore_mem>>
          %dma_start3A_54 = arith.constant 0 : i32
          %dma_start3A_55 = tpu.memref_slice %arg2[%arg1, %mul3A_53, %dma_start3A_54] : memref<16x80x128xi32, #tpu.memory_space<hbm>> -> memref<1x40x128xi32, #tpu.memory_space<hbm>>
          %dma_start3A_56 = tpu.memref_squeeze %dma_start3A_55 : memref<1x40x128xi32, #tpu.memory_space<hbm>> -> memref<40x128xi32, #tpu.memory_space<hbm>>
          %dma_start3A_57 = arith.constant 0 : i32
          %dma_start3A_58 = tpu.memref_slice %arg2[%arg1, %mul3A_53, %dma_start3A_57] : memref<16x80x128xi32, #tpu.memory_space<hbm>> -> memref<1x40x128xi32, #tpu.memory_space<hbm>>
          %dma_start3A_59 = tpu.memref_squeeze %dma_start3A_58 : memref<1x40x128xi32, #tpu.memory_space<hbm>> -> memref<40x128xi32, #tpu.memory_space<hbm>>
          tpu.enqueue_dma source(%dma_start3A_59 : memref<40x128xi32, #tpu.memory_space<hbm>>) target(%arg9 : memref<40x128xi32, #tpu.memory_space<vmem>>) target_semaphore(%run_scoped3A : memref<!tpu.dma_semaphore, #tpu.memory_space<semaphore_mem>>)
          %dma_wait3A = arith.constant 0 : i32
          %dma_wait3A_60 = tpu.memref_slice %arg2[%arg1, %mul3A_53, %dma_wait3A] : memref<16x80x128xi32, #tpu.memory_space<hbm>> -> memref<1x40x128xi32, #tpu.memory_space<hbm>>
          %dma_wait3A_61 = tpu.memref_squeeze %dma_wait3A_60 : memref<1x40x128xi32, #tpu.memory_space<hbm>> -> memref<40x128xi32, #tpu.memory_space<hbm>>
          %dma_wait3A_62 = arith.constant 0 : i32
          %dma_wait3A_63 = tpu.memref_slice %arg2[%arg1, %mul3A_53, %dma_wait3A_62] : memref<16x80x128xi32, #tpu.memory_space<hbm>> -> memref<1x40x128xi32, #tpu.memory_space<hbm>>
          %dma_wait3A_64 = tpu.memref_squeeze %dma_wait3A_63 : memref<1x40x128xi32, #tpu.memory_space<hbm>> -> memref<40x128xi32, #tpu.memory_space<hbm>>
          tpu.wait_dma2 semaphore(%run_scoped3A : memref<!tpu.dma_semaphore, #tpu.memory_space<semaphore_mem>>) src(%dma_wait3A_64 : memref<40x128xi32, #tpu.memory_space<hbm>>) dst(%arg9 : memref<40x128xi32, #tpu.memory_space<vmem>>)
          tpu.yield
        }) : () -> ()
      } else {
      }
      %eq3A_21 = arith.constant 1 : i32
      %eq3A_22 = arith.cmpi eq, %arg0, %eq3A_21 : i32
      %convert_element_type3A_23 = arith.extui %eq3A_22 : i1 to i32
      %cond3A_24 = arith.constant 0 : i32
      %cond3A_25 = arith.cmpi ne, %convert_element_type3A_23, %cond3A_24 : i32
      scf.if %cond3A_25 {
        %mul3A_52 = arith.constant 40 : i32
        %mul3A_53 = arith.muli %add3A_15, %mul3A_52 : i32
        "tpu.region"() ({
          %run_scoped3A = tpu.sem_alloc : memref<!tpu.dma_semaphore, #tpu.memory_space<semaphore_mem>>
          %dma_start3A_54 = arith.constant 0 : i32
          %dma_start3A_55 = tpu.memref_slice %arg3[%arg1, %mul3A_53, %dma_start3A_54] : memref<16x80x128xi32, #tpu.memory_space<hbm>> -> memref<1x40x128xi32, #tpu.memory_space<hbm>>
          %dma_start3A_56 = tpu.memref_squeeze %dma_start3A_55 : memref<1x40x128xi32, #tpu.memory_space<hbm>> -> memref<40x128xi32, #tpu.memory_space<hbm>>
          %dma_start3A_57 = arith.constant 0 : i32
          %dma_start3A_58 = tpu.memref_slice %arg3[%arg1, %mul3A_53, %dma_start3A_57] : memref<16x80x128xi32, #tpu.memory_space<hbm>> -> memref<1x40x128xi32, #tpu.memory_space<hbm>>
          %dma_start3A_59 = tpu.memref_squeeze %dma_start3A_58 : memref<1x40x128xi32, #tpu.memory_space<hbm>> -> memref<40x128xi32, #tpu.memory_space<hbm>>
          tpu.enqueue_dma source(%dma_start3A_59 : memref<40x128xi32, #tpu.memory_space<hbm>>) target(%arg9 : memref<40x128xi32, #tpu.memory_space<vmem>>) target_semaphore(%run_scoped3A : memref<!tpu.dma_semaphore, #tpu.memory_space<semaphore_mem>>)
          %dma_wait3A = arith.constant 0 : i32
          %dma_wait3A_60 = tpu.memref_slice %arg3[%arg1, %mul3A_53, %dma_wait3A] : memref<16x80x128xi32, #tpu.memory_space<hbm>> -> memref<1x40x128xi32, #tpu.memory_space<hbm>>
          %dma_wait3A_61 = tpu.memref_squeeze %dma_wait3A_60 : memref<1x40x128xi32, #tpu.memory_space<hbm>> -> memref<40x128xi32, #tpu.memory_space<hbm>>
          %dma_wait3A_62 = arith.constant 0 : i32
          %dma_wait3A_63 = tpu.memref_slice %arg3[%arg1, %mul3A_53, %dma_wait3A_62] : memref<16x80x128xi32, #tpu.memory_space<hbm>> -> memref<1x40x128xi32, #tpu.memory_space<hbm>>
          %dma_wait3A_64 = tpu.memref_squeeze %dma_wait3A_63 : memref<1x40x128xi32, #tpu.memory_space<hbm>> -> memref<40x128xi32, #tpu.memory_space<hbm>>
          tpu.wait_dma2 semaphore(%run_scoped3A : memref<!tpu.dma_semaphore, #tpu.memory_space<semaphore_mem>>) src(%dma_wait3A_64 : memref<40x128xi32, #tpu.memory_space<hbm>>) dst(%arg9 : memref<40x128xi32, #tpu.memory_space<vmem>>)
          tpu.yield
        }) : () -> ()
      } else {
      }
      %eq3A_26 = arith.constant 0 : i32
      %eq3A_27 = arith.cmpi eq, %arg0, %eq3A_26 : i32
      %convert_element_type3A_28 = arith.extui %eq3A_27 : i1 to i32
      %cond3A_29 = arith.constant 0 : i32
      %cond3A_30 = arith.cmpi ne, %convert_element_type3A_28, %cond3A_29 : i32
      scf.if %cond3A_30 {
        %mul3A_52 = arith.constant 40 : i32
        %mul3A_53 = arith.muli %add3A_15, %mul3A_52 : i32
        "tpu.region"() ({
          %run_scoped3A = tpu.sem_alloc : memref<!tpu.dma_semaphore, #tpu.memory_space<semaphore_mem>>
          %dma_start3A_54 = arith.constant 0 : i32
          %dma_start3A_55 = tpu.memref_slice %arg4[%arg1, %mul3A_53, %dma_start3A_54] : memref<16x80x128xi32, #tpu.memory_space<hbm>> -> memref<1x40x128xi32, #tpu.memory_space<hbm>>
          %dma_start3A_56 = tpu.memref_squeeze %dma_start3A_55 : memref<1x40x128xi32, #tpu.memory_space<hbm>> -> memref<40x128xi32, #tpu.memory_space<hbm>>
          %dma_start3A_57 = arith.constant 0 : i32
          %dma_start3A_58 = tpu.memref_slice %arg4[%arg1, %mul3A_53, %dma_start3A_57] : memref<16x80x128xi32, #tpu.memory_space<hbm>> -> memref<1x40x128xi32, #tpu.memory_space<hbm>>
          %dma_start3A_59 = tpu.memref_squeeze %dma_start3A_58 : memref<1x40x128xi32, #tpu.memory_space<hbm>> -> memref<40x128xi32, #tpu.memory_space<hbm>>
          tpu.enqueue_dma source(%dma_start3A_59 : memref<40x128xi32, #tpu.memory_space<hbm>>) target(%arg10 : memref<40x128xi32, #tpu.memory_space<vmem>>) target_semaphore(%run_scoped3A : memref<!tpu.dma_semaphore, #tpu.memory_space<semaphore_mem>>)
          %dma_wait3A = arith.constant 0 : i32
          %dma_wait3A_60 = tpu.memref_slice %arg4[%arg1, %mul3A_53, %dma_wait3A] : memref<16x80x128xi32, #tpu.memory_space<hbm>> -> memref<1x40x128xi32, #tpu.memory_space<hbm>>
          %dma_wait3A_61 = tpu.memref_squeeze %dma_wait3A_60 : memref<1x40x128xi32, #tpu.memory_space<hbm>> -> memref<40x128xi32, #tpu.memory_space<hbm>>
          %dma_wait3A_62 = arith.constant 0 : i32
          %dma_wait3A_63 = tpu.memref_slice %arg4[%arg1, %mul3A_53, %dma_wait3A_62] : memref<16x80x128xi32, #tpu.memory_space<hbm>> -> memref<1x40x128xi32, #tpu.memory_space<hbm>>
          %dma_wait3A_64 = tpu.memref_squeeze %dma_wait3A_63 : memref<1x40x128xi32, #tpu.memory_space<hbm>> -> memref<40x128xi32, #tpu.memory_space<hbm>>
          tpu.wait_dma2 semaphore(%run_scoped3A : memref<!tpu.dma_semaphore, #tpu.memory_space<semaphore_mem>>) src(%dma_wait3A_64 : memref<40x128xi32, #tpu.memory_space<hbm>>) dst(%arg10 : memref<40x128xi32, #tpu.memory_space<vmem>>)
          tpu.yield
        }) : () -> ()
      } else {
      }
      %eq3A_31 = arith.constant 1 : i32
      %eq3A_32 = arith.cmpi eq, %arg0, %eq3A_31 : i32
      %convert_element_type3A_33 = arith.extui %eq3A_32 : i1 to i32
      %cond3A_34 = arith.constant 0 : i32
      %cond3A_35 = arith.cmpi ne, %convert_element_type3A_33, %cond3A_34 : i32
      scf.if %cond3A_35 {
        %mul3A_52 = arith.constant 40 : i32
        %mul3A_53 = arith.muli %add3A_15, %mul3A_52 : i32
        "tpu.region"() ({
          %run_scoped3A = tpu.sem_alloc : memref<!tpu.dma_semaphore, #tpu.memory_space<semaphore_mem>>
          %dma_start3A_54 = arith.constant 0 : i32
          %dma_start3A_55 = tpu.memref_slice %arg5[%arg1, %mul3A_53, %dma_start3A_54] : memref<16x80x128xi32, #tpu.memory_space<hbm>> -> memref<1x40x128xi32, #tpu.memory_space<hbm>>
          %dma_start3A_56 = tpu.memref_squeeze %dma_start3A_55 : memref<1x40x128xi32, #tpu.memory_space<hbm>> -> memref<40x128xi32, #tpu.memory_space<hbm>>
          %dma_start3A_57 = arith.constant 0 : i32
          %dma_start3A_58 = tpu.memref_slice %arg5[%arg1, %mul3A_53, %dma_start3A_57] : memref<16x80x128xi32, #tpu.memory_space<hbm>> -> memref<1x40x128xi32, #tpu.memory_space<hbm>>
          %dma_start3A_59 = tpu.memref_squeeze %dma_start3A_58 : memref<1x40x128xi32, #tpu.memory_space<hbm>> -> memref<40x128xi32, #tpu.memory_space<hbm>>
          tpu.enqueue_dma source(%dma_start3A_59 : memref<40x128xi32, #tpu.memory_space<hbm>>) target(%arg10 : memref<40x128xi32, #tpu.memory_space<vmem>>) target_semaphore(%run_scoped3A : memref<!tpu.dma_semaphore, #tpu.memory_space<semaphore_mem>>)
          %dma_wait3A = arith.constant 0 : i32
          %dma_wait3A_60 = tpu.memref_slice %arg5[%arg1, %mul3A_53, %dma_wait3A] : memref<16x80x128xi32, #tpu.memory_space<hbm>> -> memref<1x40x128xi32, #tpu.memory_space<hbm>>
          %dma_wait3A_61 = tpu.memref_squeeze %dma_wait3A_60 : memref<1x40x128xi32, #tpu.memory_space<hbm>> -> memref<40x128xi32, #tpu.memory_space<hbm>>
          %dma_wait3A_62 = arith.constant 0 : i32
          %dma_wait3A_63 = tpu.memref_slice %arg5[%arg1, %mul3A_53, %dma_wait3A_62] : memref<16x80x128xi32, #tpu.memory_space<hbm>> -> memref<1x40x128xi32, #tpu.memory_space<hbm>>
          %dma_wait3A_64 = tpu.memref_squeeze %dma_wait3A_63 : memref<1x40x128xi32, #tpu.memory_space<hbm>> -> memref<40x128xi32, #tpu.memory_space<hbm>>
          tpu.wait_dma2 semaphore(%run_scoped3A : memref<!tpu.dma_semaphore, #tpu.memory_space<semaphore_mem>>) src(%dma_wait3A_64 : memref<40x128xi32, #tpu.memory_space<hbm>>) dst(%arg10 : memref<40x128xi32, #tpu.memory_space<vmem>>)
          tpu.yield
        }) : () -> ()
      } else {
      }
      %dma_start3A = arith.constant 0 : i32
      %dma_start3A_36 = arith.constant 0 : i32
      %dma_start3A_37 = arith.constant 0 : i32
      %dma_start3A_38 = arith.constant 0 : i32
      %dma_start3A_39 = tpu.memref_slice %arg11[%dma_start3A_36, %dma_start3A_37, %dma_start3A_38] : memref<2x128x128xf32, #tpu.memory_space<vmem>> -> memref<1x128x128xf32, #tpu.memory_space<vmem>>
      %dma_start3A_40 = tpu.memref_squeeze %dma_start3A_39 : memref<1x128x128xf32, #tpu.memory_space<vmem>> -> memref<128x128xf32, #tpu.memory_space<vmem>>
      %dma_start3A_41 = arith.constant 0 : i32
      %dma_start3A_42 = tpu.memref_slice %arg9[%dma_start3A, %dma_start3A_41] : memref<40x128xi32, #tpu.memory_space<vmem>> -> memref<1x128xi32, #tpu.memory_space<vmem>>
      %dma_start3A_43 = tpu.memref_squeeze %dma_start3A_42 : memref<1x128xi32, #tpu.memory_space<vmem>> -> memref<128xi32, #tpu.memory_space<vmem>>
      %dma_start3A_44 = arith.constant 0 : i32
      %dma_start3A_45 = arith.constant 0 : i32
      %dma_start3A_46 = tpu.memref_slice %arg7[%dma_start3A_44, %dma_start3A_45] : memref<10000x128xf32, #tpu.memory_space<hbm>> -> memref<10000x128xf32, #tpu.memory_space<hbm>>
      tpu.enqueue_indirect_dma source(%dma_start3A_46 : memref<10000x128xf32, #tpu.memory_space<hbm>>) target(%dma_start3A_40 : memref<128x128xf32, #tpu.memory_space<vmem>>) offsets(%dma_start3A_43 : memref<128xi32, #tpu.memory_space<vmem>>) semaphore(%arg13 : memref<!tpu.dma_semaphore, #tpu.memory_space<semaphore_mem>>)
      %scan3A_47 = arith.constant 0 : i32
      %scan3A_48 = arith.constant 20 : i32
      %scan3A_49 = arith.addi %scan3A_47, %scan3A_48 : i32
      %scan3A_50 = arith.constant 1 : i32
      scf.for %scan3A_52 = %scan3A_47 to %scan3A_49 step %scan3A_50  : i32 {
        %mul3A_53 = arith.constant 2 : i32
        %mul3A_54 = arith.muli %scan3A_52, %mul3A_53 : i32
        %add3A_55 = arith.constant 0 : i32
        %add3A_56 = arith.addi %add3A_55, %mul3A_54 : i32
        %add3A_57 = arith.constant 1 : i32
        %add3A_58 = arith.addi %add3A_56, %add3A_57 : i32
        %dma_start3A_59 = arith.constant 1 : i32
        %dma_start3A_60 = arith.constant 0 : i32
        %dma_start3A_61 = arith.constant 0 : i32
        %dma_start3A_62 = tpu.memref_slice %arg11[%dma_start3A_59, %dma_start3A_60, %dma_start3A_61] : memref<2x128x128xf32, #tpu.memory_space<vmem>> -> memref<1x128x128xf32, #tpu.memory_space<vmem>>
        %dma_start3A_63 = tpu.memref_squeeze %dma_start3A_62 : memref<1x128x128xf32, #tpu.memory_space<vmem>> -> memref<128x128xf32, #tpu.memory_space<vmem>>
        %dma_start3A_64 = arith.constant 0 : i32
        %dma_start3A_65 = tpu.memref_slice %arg9[%add3A_58, %dma_start3A_64] : memref<40x128xi32, #tpu.memory_space<vmem>> -> memref<1x128xi32, #tpu.memory_space<vmem>>
        %dma_start3A_66 = tpu.memref_squeeze %dma_start3A_65 : memref<1x128xi32, #tpu.memory_space<vmem>> -> memref<128xi32, #tpu.memory_space<vmem>>
        %dma_start3A_67 = arith.constant 0 : i32
        %dma_start3A_68 = arith.constant 0 : i32
        %dma_start3A_69 = tpu.memref_slice %arg7[%dma_start3A_67, %dma_start3A_68] : memref<10000x128xf32, #tpu.memory_space<hbm>> -> memref<10000x128xf32, #tpu.memory_space<hbm>>
        tpu.enqueue_indirect_dma source(%dma_start3A_69 : memref<10000x128xf32, #tpu.memory_space<hbm>>) target(%dma_start3A_63 : memref<128x128xf32, #tpu.memory_space<vmem>>) offsets(%dma_start3A_66 : memref<128xi32, #tpu.memory_space<vmem>>) semaphore(%arg14 : memref<!tpu.dma_semaphore, #tpu.memory_space<semaphore_mem>>)
        %dma_wait3A = arith.constant 0 : i32
        %dma_wait3A_70 = arith.constant 0 : i32
        %dma_wait3A_71 = arith.constant 0 : i32
        %dma_wait3A_72 = tpu.memref_slice %arg11[%dma_wait3A, %dma_wait3A_70, %dma_wait3A_71] : memref<2x128x128xf32, #tpu.memory_space<vmem>> -> memref<1x128x128xf32, #tpu.memory_space<vmem>>
        %dma_wait3A_73 = tpu.memref_squeeze %dma_wait3A_72 : memref<1x128x128xf32, #tpu.memory_space<vmem>> -> memref<128x128xf32, #tpu.memory_space<vmem>>
        %dma_wait3A_74 = arith.constant 0 : i32
        %dma_wait3A_75 = tpu.memref_slice %arg9[%add3A_56, %dma_wait3A_74] : memref<40x128xi32, #tpu.memory_space<vmem>> -> memref<1x128xi32, #tpu.memory_space<vmem>>
        %dma_wait3A_76 = tpu.memref_squeeze %dma_wait3A_75 : memref<1x128xi32, #tpu.memory_space<vmem>> -> memref<128xi32, #tpu.memory_space<vmem>>
        %dma_wait3A_77 = arith.constant 0 : i32
        %dma_wait3A_78 = arith.constant 0 : i32
        %dma_wait3A_79 = tpu.memref_slice %arg7[%dma_wait3A_77, %dma_wait3A_78] : memref<10000x128xf32, #tpu.memory_space<hbm>> -> memref<10000x128xf32, #tpu.memory_space<hbm>>
        tpu.wait_indirect_dma semaphore(%arg13 : memref<!tpu.dma_semaphore, #tpu.memory_space<semaphore_mem>>) src(%dma_wait3A_79 : memref<10000x128xf32, #tpu.memory_space<hbm>>) dst(%dma_wait3A_73 : memref<128x128xf32, #tpu.memory_space<vmem>>)
        %run_scoped3A = arith.constant 0 : i32
        "tpu.region"() ({
          %run_scoped3A_100 = tpu.sem_alloc : memref<!tpu.dma_semaphore, #tpu.memory_space<semaphore_mem>>
          %dma_start3A_101 = arith.constant 0 : i32
          %dma_start3A_102 = arith.constant 0 : i32
          %dma_start3A_103 = tpu.memref_slice %arg11[%run_scoped3A, %dma_start3A_101, %dma_start3A_102] : memref<2x128x128xf32, #tpu.memory_space<vmem>> -> memref<1x128x128xf32, #tpu.memory_space<vmem>>
          %dma_start3A_104 = tpu.memref_squeeze %dma_start3A_103 : memref<1x128x128xf32, #tpu.memory_space<vmem>> -> memref<128x128xf32, #tpu.memory_space<vmem>>
          %dma_start3A_105 = arith.constant 0 : i32
          %dma_start3A_106 = tpu.memref_slice %arg10[%add3A_56, %dma_start3A_105] : memref<40x128xi32, #tpu.memory_space<vmem>> -> memref<1x128xi32, #tpu.memory_space<vmem>>
          %dma_start3A_107 = tpu.memref_squeeze %dma_start3A_106 : memref<1x128xi32, #tpu.memory_space<vmem>> -> memref<128xi32, #tpu.memory_space<vmem>>
          %dma_start3A_108 = arith.constant 0 : i32
          %dma_start3A_109 = arith.constant 0 : i32
          %dma_start3A_110 = tpu.memref_slice %arg12[%dma_start3A_108, %dma_start3A_109] : memref<10112x128xf32, #tpu.memory_space<vmem_shared>> -> memref<10112x128xf32, #tpu.memory_space<vmem_shared>>
          tpu.enqueue_indirect_dma source(%dma_start3A_104 : memref<128x128xf32, #tpu.memory_space<vmem>>) target(%dma_start3A_110 : memref<10112x128xf32, #tpu.memory_space<vmem_shared>>) offsets(%dma_start3A_107 : memref<128xi32, #tpu.memory_space<vmem>>) semaphore(%run_scoped3A_100 : memref<!tpu.dma_semaphore, #tpu.memory_space<semaphore_mem>>) {add = true}
          %dma_wait3A_111 = arith.constant 0 : i32
          %dma_wait3A_112 = arith.constant 0 : i32
          %dma_wait3A_113 = tpu.memref_slice %arg11[%run_scoped3A, %dma_wait3A_111, %dma_wait3A_112] : memref<2x128x128xf32, #tpu.memory_space<vmem>> -> memref<1x128x128xf32, #tpu.memory_space<vmem>>
          %dma_wait3A_114 = tpu.memref_squeeze %dma_wait3A_113 : memref<1x128x128xf32, #tpu.memory_space<vmem>> -> memref<128x128xf32, #tpu.memory_space<vmem>>
          %dma_wait3A_115 = arith.constant 0 : i32
          %dma_wait3A_116 = tpu.memref_slice %arg10[%add3A_56, %dma_wait3A_115] : memref<40x128xi32, #tpu.memory_space<vmem>> -> memref<1x128xi32, #tpu.memory_space<vmem>>
          %dma_wait3A_117 = tpu.memref_squeeze %dma_wait3A_116 : memref<1x128xi32, #tpu.memory_space<vmem>> -> memref<128xi32, #tpu.memory_space<vmem>>
          %dma_wait3A_118 = arith.constant 0 : i32
          %dma_wait3A_119 = arith.constant 0 : i32
          %dma_wait3A_120 = tpu.memref_slice %arg12[%dma_wait3A_118, %dma_wait3A_119] : memref<10112x128xf32, #tpu.memory_space<vmem_shared>> -> memref<10112x128xf32, #tpu.memory_space<vmem_shared>>
          tpu.wait_indirect_dma semaphore(%run_scoped3A_100 : memref<!tpu.dma_semaphore, #tpu.memory_space<semaphore_mem>>) src(%dma_wait3A_114 : memref<128x128xf32, #tpu.memory_space<vmem>>) dst(%dma_wait3A_120 : memref<10112x128xf32, #tpu.memory_space<vmem_shared>>)
          tpu.yield
        }) : () -> ()
        %add3A_80 = arith.constant 2 : i32
        %add3A_81 = arith.addi %add3A_56, %add3A_80 : i32
        %lt3A = arith.constant 40 : i32
        %lt3A_82 = arith.cmpi slt, %add3A_81, %lt3A : i32
        %convert_element_type3A_83 = arith.extui %lt3A_82 : i1 to i32
        %cond3A_84 = arith.constant 0 : i32
        %cond3A_85 = arith.cmpi ne, %convert_element_type3A_83, %cond3A_84 : i32
        scf.if %cond3A_85 {
          %add3A_100 = arith.constant 2 : i32
          %add3A_101 = arith.addi %add3A_56, %add3A_100 : i32
          %dma_start3A_102 = arith.constant 0 : i32
          %dma_start3A_103 = arith.constant 0 : i32
          %dma_start3A_104 = arith.constant 0 : i32
          %dma_start3A_105 = tpu.memref_slice %arg11[%dma_start3A_102, %dma_start3A_103, %dma_start3A_104] : memref<2x128x128xf32, #tpu.memory_space<vmem>> -> memref<1x128x128xf32, #tpu.memory_space<vmem>>
          %dma_start3A_106 = tpu.memref_squeeze %dma_start3A_105 : memref<1x128x128xf32, #tpu.memory_space<vmem>> -> memref<128x128xf32, #tpu.memory_space<vmem>>
          %dma_start3A_107 = arith.constant 0 : i32
          %dma_start3A_108 = tpu.memref_slice %arg9[%add3A_101, %dma_start3A_107] : memref<40x128xi32, #tpu.memory_space<vmem>> -> memref<1x128xi32, #tpu.memory_space<vmem>>
          %dma_start3A_109 = tpu.memref_squeeze %dma_start3A_108 : memref<1x128xi32, #tpu.memory_space<vmem>> -> memref<128xi32, #tpu.memory_space<vmem>>
          %dma_start3A_110 = arith.constant 0 : i32
          %dma_start3A_111 = arith.constant 0 : i32
          %dma_start3A_112 = tpu.memref_slice %arg7[%dma_start3A_110, %dma_start3A_111] : memref<10000x128xf32, #tpu.memory_space<hbm>> -> memref<10000x128xf32, #tpu.memory_space<hbm>>
          tpu.enqueue_indirect_dma source(%dma_start3A_112 : memref<10000x128xf32, #tpu.memory_space<hbm>>) target(%dma_start3A_106 : memref<128x128xf32, #tpu.memory_space<vmem>>) offsets(%dma_start3A_109 : memref<128xi32, #tpu.memory_space<vmem>>) semaphore(%arg13 : memref<!tpu.dma_semaphore, #tpu.memory_space<semaphore_mem>>)
        } else {
        }
        %dma_wait3A_86 = arith.constant 1 : i32
        %dma_wait3A_87 = arith.constant 0 : i32
        %dma_wait3A_88 = arith.constant 0 : i32
        %dma_wait3A_89 = tpu.memref_slice %arg11[%dma_wait3A_86, %dma_wait3A_87, %dma_wait3A_88] : memref<2x128x128xf32, #tpu.memory_space<vmem>> -> memref<1x128x128xf32, #tpu.memory_space<vmem>>
        %dma_wait3A_90 = tpu.memref_squeeze %dma_wait3A_89 : memref<1x128x128xf32, #tpu.memory_space<vmem>> -> memref<128x128xf32, #tpu.memory_space<vmem>>
        %dma_wait3A_91 = arith.constant 0 : i32
        %dma_wait3A_92 = tpu.memref_slice %arg9[%add3A_58, %dma_wait3A_91] : memref<40x128xi32, #tpu.memory_space<vmem>> -> memref<1x128xi32, #tpu.memory_space<vmem>>
        %dma_wait3A_93 = tpu.memref_squeeze %dma_wait3A_92 : memref<1x128xi32, #tpu.memory_space<vmem>> -> memref<128xi32, #tpu.memory_space<vmem>>
        %dma_wait3A_94 = arith.constant 0 : i32
        %dma_wait3A_95 = arith.constant 0 : i32
        %dma_wait3A_96 = tpu.memref_slice %arg7[%dma_wait3A_94, %dma_wait3A_95] : memref<10000x128xf32, #tpu.memory_space<hbm>> -> memref<10000x128xf32, #tpu.memory_space<hbm>>
        tpu.wait_indirect_dma semaphore(%arg14 : memref<!tpu.dma_semaphore, #tpu.memory_space<semaphore_mem>>) src(%dma_wait3A_96 : memref<10000x128xf32, #tpu.memory_space<hbm>>) dst(%dma_wait3A_90 : memref<128x128xf32, #tpu.memory_space<vmem>>)
        %add3A_97 = arith.constant 1 : i32
        %add3A_98 = arith.addi %add3A_56, %add3A_97 : i32
        %run_scoped3A_99 = arith.constant 1 : i32
        "tpu.region"() ({
          %run_scoped3A_100 = tpu.sem_alloc : memref<!tpu.dma_semaphore, #tpu.memory_space<semaphore_mem>>
          %dma_start3A_101 = arith.constant 0 : i32
          %dma_start3A_102 = arith.constant 0 : i32
          %dma_start3A_103 = tpu.memref_slice %arg11[%run_scoped3A_99, %dma_start3A_101, %dma_start3A_102] : memref<2x128x128xf32, #tpu.memory_space<vmem>> -> memref<1x128x128xf32, #tpu.memory_space<vmem>>
          %dma_start3A_104 = tpu.memref_squeeze %dma_start3A_103 : memref<1x128x128xf32, #tpu.memory_space<vmem>> -> memref<128x128xf32, #tpu.memory_space<vmem>>
          %dma_start3A_105 = arith.constant 0 : i32
          %dma_start3A_106 = tpu.memref_slice %arg10[%add3A_98, %dma_start3A_105] : memref<40x128xi32, #tpu.memory_space<vmem>> -> memref<1x128xi32, #tpu.memory_space<vmem>>
          %dma_start3A_107 = tpu.memref_squeeze %dma_start3A_106 : memref<1x128xi32, #tpu.memory_space<vmem>> -> memref<128xi32, #tpu.memory_space<vmem>>
          %dma_start3A_108 = arith.constant 0 : i32
          %dma_start3A_109 = arith.constant 0 : i32
          %dma_start3A_110 = tpu.memref_slice %arg12[%dma_start3A_108, %dma_start3A_109] : memref<10112x128xf32, #tpu.memory_space<vmem_shared>> -> memref<10112x128xf32, #tpu.memory_space<vmem_shared>>
          tpu.enqueue_indirect_dma source(%dma_start3A_104 : memref<128x128xf32, #tpu.memory_space<vmem>>) target(%dma_start3A_110 : memref<10112x128xf32, #tpu.memory_space<vmem_shared>>) offsets(%dma_start3A_107 : memref<128xi32, #tpu.memory_space<vmem>>) semaphore(%run_scoped3A_100 : memref<!tpu.dma_semaphore, #tpu.memory_space<semaphore_mem>>) {add = true}
          %dma_wait3A_111 = arith.constant 0 : i32
          %dma_wait3A_112 = arith.constant 0 : i32
          %dma_wait3A_113 = tpu.memref_slice %arg11[%run_scoped3A_99, %dma_wait3A_111, %dma_wait3A_112] : memref<2x128x128xf32, #tpu.memory_space<vmem>> -> memref<1x128x128xf32, #tpu.memory_space<vmem>>
          %dma_wait3A_114 = tpu.memref_squeeze %dma_wait3A_113 : memref<1x128x128xf32, #tpu.memory_space<vmem>> -> memref<128x128xf32, #tpu.memory_space<vmem>>
          %dma_wait3A_115 = arith.constant 0 : i32
          %dma_wait3A_116 = tpu.memref_slice %arg10[%add3A_98, %dma_wait3A_115] : memref<40x128xi32, #tpu.memory_space<vmem>> -> memref<1x128xi32, #tpu.memory_space<vmem>>
          %dma_wait3A_117 = tpu.memref_squeeze %dma_wait3A_116 : memref<1x128xi32, #tpu.memory_space<vmem>> -> memref<128xi32, #tpu.memory_space<vmem>>
          %dma_wait3A_118 = arith.constant 0 : i32
          %dma_wait3A_119 = arith.constant 0 : i32
          %dma_wait3A_120 = tpu.memref_slice %arg12[%dma_wait3A_118, %dma_wait3A_119] : memref<10112x128xf32, #tpu.memory_space<vmem_shared>> -> memref<10112x128xf32, #tpu.memory_space<vmem_shared>>
          tpu.wait_indirect_dma semaphore(%run_scoped3A_100 : memref<!tpu.dma_semaphore, #tpu.memory_space<semaphore_mem>>) src(%dma_wait3A_114 : memref<128x128xf32, #tpu.memory_space<vmem>>) dst(%dma_wait3A_120 : memref<10112x128xf32, #tpu.memory_space<vmem_shared>>)
          tpu.yield
        }) : () -> ()
      }
      %scan3A_51 = arith.constant 20 : i32
    }
    %scan3A_4 = arith.constant 2 : i32
    %barrier3A_5 = arith.constant 0 : index
    tpu.barrier barrier_id(%barrier3A_5)
    %mul3A_6 = arith.constant 624 : i32
    %mul3A_7 = arith.muli %arg1, %mul3A_6 : i32
    %mul3A_8 = arith.constant 624 : i32
    %mul3A_9 = arith.muli %arg1, %mul3A_8 : i32
    "tpu.region"() ({
      %run_scoped3A = tpu.sem_alloc : memref<!tpu.dma_semaphore, #tpu.memory_space<semaphore_mem>>
      %dma_start3A = arith.constant 0 : i32
      %dma_start3A_12 = tpu.memref_slice %arg8[%arg0, %mul3A_9, %dma_start3A] : memref<2x10000x128xf32, #tpu.memory_space<hbm>> -> memref<1x624x128xf32, #tpu.memory_space<hbm>>
      %dma_start3A_13 = tpu.memref_squeeze %dma_start3A_12 : memref<1x624x128xf32, #tpu.memory_space<hbm>> -> memref<624x128xf32, #tpu.memory_space<hbm>>
      %dma_start3A_14 = arith.constant 0 : i32
      %dma_start3A_15 = tpu.memref_slice %arg12[%mul3A_7, %dma_start3A_14] : memref<10112x128xf32, #tpu.memory_space<vmem_shared>> -> memref<624x128xf32, #tpu.memory_space<vmem_shared>>
      tpu.enqueue_dma source(%dma_start3A_15 : memref<624x128xf32, #tpu.memory_space<vmem_shared>>) target(%dma_start3A_13 : memref<624x128xf32, #tpu.memory_space<hbm>>) target_semaphore(%run_scoped3A : memref<!tpu.dma_semaphore, #tpu.memory_space<semaphore_mem>>)
      %dma_wait3A = arith.constant 0 : i32
      %dma_wait3A_16 = tpu.memref_slice %arg8[%arg0, %mul3A_9, %dma_wait3A] : memref<2x10000x128xf32, #tpu.memory_space<hbm>> -> memref<1x624x128xf32, #tpu.memory_space<hbm>>
      %dma_wait3A_17 = tpu.memref_squeeze %dma_wait3A_16 : memref<1x624x128xf32, #tpu.memory_space<hbm>> -> memref<624x128xf32, #tpu.memory_space<hbm>>
      %dma_wait3A_18 = arith.constant 0 : i32
      %dma_wait3A_19 = tpu.memref_slice %arg12[%mul3A_7, %dma_wait3A_18] : memref<10112x128xf32, #tpu.memory_space<vmem_shared>> -> memref<624x128xf32, #tpu.memory_space<vmem_shared>>
      tpu.wait_dma2 semaphore(%run_scoped3A : memref<!tpu.dma_semaphore, #tpu.memory_space<semaphore_mem>>) src(%dma_wait3A_19 : memref<624x128xf32, #tpu.memory_space<vmem_shared>>) dst(%dma_wait3A_17 : memref<624x128xf32, #tpu.memory_space<hbm>>)
      tpu.yield
    }) : () -> ()
    %eq3A = arith.constant 0 : i32
    %eq3A_10 = arith.cmpi eq, %arg1, %eq3A : i32
    %convert_element_type3A = arith.extui %eq3A_10 : i1 to i32
    %cond3A = arith.constant 0 : i32
    %cond3A_11 = arith.cmpi ne, %convert_element_type3A, %cond3A : i32
    scf.if %cond3A_11 {
      "tpu.region"() ({
        %run_scoped3A = tpu.sem_alloc : memref<!tpu.dma_semaphore, #tpu.memory_space<semaphore_mem>>
        %dma_start3A = arith.constant 9984 : i32
        %dma_start3A_12 = arith.constant 0 : i32
        %dma_start3A_13 = tpu.memref_slice %arg8[%arg0, %dma_start3A, %dma_start3A_12] : memref<2x10000x128xf32, #tpu.memory_space<hbm>> -> memref<1x16x128xf32, #tpu.memory_space<hbm>>
        %dma_start3A_14 = tpu.memref_squeeze %dma_start3A_13 : memref<1x16x128xf32, #tpu.memory_space<hbm>> -> memref<16x128xf32, #tpu.memory_space<hbm>>
        %dma_start3A_15 = arith.constant 9984 : i32
        %dma_start3A_16 = arith.constant 0 : i32
        %dma_start3A_17 = tpu.memref_slice %arg12[%dma_start3A_15, %dma_start3A_16] : memref<10112x128xf32, #tpu.memory_space<vmem_shared>> -> memref<16x128xf32, #tpu.memory_space<vmem_shared>>
        tpu.enqueue_dma source(%dma_start3A_17 : memref<16x128xf32, #tpu.memory_space<vmem_shared>>) target(%dma_start3A_14 : memref<16x128xf32, #tpu.memory_space<hbm>>) target_semaphore(%run_scoped3A : memref<!tpu.dma_semaphore, #tpu.memory_space<semaphore_mem>>)
        %dma_wait3A = arith.constant 9984 : i32
        %dma_wait3A_18 = arith.constant 0 : i32
        %dma_wait3A_19 = tpu.memref_slice %arg8[%arg0, %dma_wait3A, %dma_wait3A_18] : memref<2x10000x128xf32, #tpu.memory_space<hbm>> -> memref<1x16x128xf32, #tpu.memory_space<hbm>>
        %dma_wait3A_20 = tpu.memref_squeeze %dma_wait3A_19 : memref<1x16x128xf32, #tpu.memory_space<hbm>> -> memref<16x128xf32, #tpu.memory_space<hbm>>
        %dma_wait3A_21 = arith.constant 9984 : i32
        %dma_wait3A_22 = arith.constant 0 : i32
        %dma_wait3A_23 = tpu.memref_slice %arg12[%dma_wait3A_21, %dma_wait3A_22] : memref<10112x128xf32, #tpu.memory_space<vmem_shared>> -> memref<16x128xf32, #tpu.memory_space<vmem_shared>>
        tpu.wait_dma2 semaphore(%run_scoped3A : memref<!tpu.dma_semaphore, #tpu.memory_space<semaphore_mem>>) src(%dma_wait3A_23 : memref<16x128xf32, #tpu.memory_space<vmem_shared>>) dst(%dma_wait3A_20 : memref<16x128xf32, #tpu.memory_space<hbm>>)
        tpu.yield
      }) : () -> ()
    } else {
    }
    return
  }
}

#map = affine_map<(d0, d1) -> (0, 0, 0)>
#map1 = affine_map<(d0, d1) -> (0, 0)>
module attributes {stable_mosaic.version = 14 : i64} {
  func.func @k(%arg0: i32, %arg1: i32, %arg2: memref<16x80x128xi32, #tpu.memory_space<hbm>>, %arg3: memref<16x80x128xi32, #tpu.memory_space<hbm>>, %arg4: memref<16x80x128xi32, #tpu.memory_space<hbm>>, %arg5: memref<16x80x128xi32, #tpu.memory_space<hbm>>, %arg6: memref<632x128xf32, #tpu.memory_space<hbm>>, %arg7: memref<10000x128xf32, #tpu.memory_space<hbm>>, %arg8: memref<2x10000x128xf32, #tpu.memory_space<hbm>>, %arg9: memref<40x128xi32, #tpu.memory_space<vmem>>, %arg10: memref<40x128xi32, #tpu.memory_space<vmem>>, %arg11: memref<2x128x128xf32, #tpu.memory_space<vmem>>, %arg12: memref<10112x128xf32, #tpu.memory_space<vmem_shared>>, %arg13: memref<!tpu.dma_semaphore, #tpu.memory_space<semaphore_mem>>, %arg14: memref<!tpu.dma_semaphore, #tpu.memory_space<semaphore_mem>>) attributes {dimension_semantics = [#tpu.dimension_semantics<core_parallel>, #tpu.dimension_semantics<subcore_parallel>], iteration_bounds = array<i64: 2, 16>, scalar_prefetch = 0 : i64, scratch_operands = 6 : i64, tpu.core_type = #tpu.core_type<sc_vector_subcore>, window_params = [{transform_indices = #map}, {transform_indices = #map}, {transform_indices = #map}, {transform_indices = #map}, {transform_indices = #map1}, {transform_indices = #map1}, {transform_indices = #map}]} {
    %mul3A = arith.constant 632 : i32
    %mul3A_0 = arith.muli %arg1, %mul3A : i32
    "tpu.region"() ({
      %run_scoped3A = tpu.sem_alloc : memref<!tpu.dma_semaphore, #tpu.memory_space<semaphore_mem>>
      %dma_start3A = arith.constant 0 : i32
      %dma_start3A_12 = tpu.memref_slice %arg12[%mul3A_0, %dma_start3A] : memref<10112x128xf32, #tpu.memory_space<vmem_shared>> -> memref<632x128xf32, #tpu.memory_space<vmem_shared>>
      tpu.enqueue_dma source(%arg6 : memref<632x128xf32, #tpu.memory_space<hbm>>) target(%dma_start3A_12 : memref<632x128xf32, #tpu.memory_space<vmem_shared>>) target_semaphore(%run_scoped3A : memref<!tpu.dma_semaphore, #tpu.memory_space<semaphore_mem>>)
      %dma_wait3A = arith.constant 0 : i32
      %dma_wait3A_13 = tpu.memref_slice %arg12[%mul3A_0, %dma_wait3A] : memref<10112x128xf32, #tpu.memory_space<vmem_shared>> -> memref<632x128xf32, #tpu.memory_space<vmem_shared>>
      tpu.wait_dma2 semaphore(%run_scoped3A : memref<!tpu.dma_semaphore, #tpu.memory_space<semaphore_mem>>) src(%arg6 : memref<632x128xf32, #tpu.memory_space<hbm>>) dst(%dma_wait3A_13 : memref<632x128xf32, #tpu.memory_space<vmem_shared>>)
      tpu.yield
    }) : () -> ()
    %barrier3A = arith.constant 0 : index
    tpu.barrier barrier_id(%barrier3A)
    %scan3A = arith.constant 0 : i32
    %scan3A_1 = arith.constant 2 : i32
    %scan3A_2 = arith.addi %scan3A, %scan3A_1 : i32
    %scan3A_3 = arith.constant 1 : i32
    scf.for %scan3A_12 = %scan3A to %scan3A_2 step %scan3A_3  : i32 {
      %mul3A_13 = arith.constant 1 : i32
      %mul3A_14 = arith.muli %scan3A_12, %mul3A_13 : i32
      %add3A = arith.constant 0 : i32
      %add3A_15 = arith.addi %add3A, %mul3A_14 : i32
      %eq3A_16 = arith.constant 0 : i32
      %eq3A_17 = arith.cmpi eq, %arg0, %eq3A_16 : i32
      %convert_element_type3A_18 = arith.extui %eq3A_17 : i1 to i32
      %cond3A_19 = arith.constant 0 : i32
      %cond3A_20 = arith.cmpi ne, %convert_element_type3A_18, %cond3A_19 : i32
      scf.if %cond3A_20 {
        %mul3A_52 = arith.constant 40 : i32
        %mul3A_53 = arith.muli %add3A_15, %mul3A_52 : i32
        "tpu.region"() ({
          %run_scoped3A = tpu.sem_alloc : memref<!tpu.dma_semaphore, #tpu.memory_space<semaphore_mem>>
          %dma_start3A_54 = arith.constant 0 : i32
          %dma_start3A_55 = tpu.memref_slice %arg2[%arg1, %mul3A_53, %dma_start3A_54] : memref<16x80x128xi32, #tpu.memory_space<hbm>> -> memref<1x40x128xi32, #tpu.memory_space<hbm>>
          %dma_start3A_56 = tpu.memref_squeeze %dma_start3A_55 : memref<1x40x128xi32, #tpu.memory_space<hbm>> -> memref<40x128xi32, #tpu.memory_space<hbm>>
          %dma_start3A_57 = arith.constant 0 : i32
          %dma_start3A_58 = tpu.memref_slice %arg2[%arg1, %mul3A_53, %dma_start3A_57] : memref<16x80x128xi32, #tpu.memory_space<hbm>> -> memref<1x40x128xi32, #tpu.memory_space<hbm>>
          %dma_start3A_59 = tpu.memref_squeeze %dma_start3A_58 : memref<1x40x128xi32, #tpu.memory_space<hbm>> -> memref<40x128xi32, #tpu.memory_space<hbm>>
          tpu.enqueue_dma source(%dma_start3A_59 : memref<40x128xi32, #tpu.memory_space<hbm>>) target(%arg9 : memref<40x128xi32, #tpu.memory_space<vmem>>) target_semaphore(%run_scoped3A : memref<!tpu.dma_semaphore, #tpu.memory_space<semaphore_mem>>)
          %dma_wait3A = arith.constant 0 : i32
          %dma_wait3A_60 = tpu.memref_slice %arg2[%arg1, %mul3A_53, %dma_wait3A] : memref<16x80x128xi32, #tpu.memory_space<hbm>> -> memref<1x40x128xi32, #tpu.memory_space<hbm>>
          %dma_wait3A_61 = tpu.memref_squeeze %dma_wait3A_60 : memref<1x40x128xi32, #tpu.memory_space<hbm>> -> memref<40x128xi32, #tpu.memory_space<hbm>>
          %dma_wait3A_62 = arith.constant 0 : i32
          %dma_wait3A_63 = tpu.memref_slice %arg2[%arg1, %mul3A_53, %dma_wait3A_62] : memref<16x80x128xi32, #tpu.memory_space<hbm>> -> memref<1x40x128xi32, #tpu.memory_space<hbm>>
          %dma_wait3A_64 = tpu.memref_squeeze %dma_wait3A_63 : memref<1x40x128xi32, #tpu.memory_space<hbm>> -> memref<40x128xi32, #tpu.memory_space<hbm>>
          tpu.wait_dma2 semaphore(%run_scoped3A : memref<!tpu.dma_semaphore, #tpu.memory_space<semaphore_mem>>) src(%dma_wait3A_64 : memref<40x128xi32, #tpu.memory_space<hbm>>) dst(%arg9 : memref<40x128xi32, #tpu.memory_space<vmem>>)
          tpu.yield
        }) : () -> ()
      } else {
      }
      %eq3A_21 = arith.constant 1 : i32
      %eq3A_22 = arith.cmpi eq, %arg0, %eq3A_21 : i32
      %convert_element_type3A_23 = arith.extui %eq3A_22 : i1 to i32
      %cond3A_24 = arith.constant 0 : i32
      %cond3A_25 = arith.cmpi ne, %convert_element_type3A_23, %cond3A_24 : i32
      scf.if %cond3A_25 {
        %mul3A_52 = arith.constant 40 : i32
        %mul3A_53 = arith.muli %add3A_15, %mul3A_52 : i32
        "tpu.region"() ({
          %run_scoped3A = tpu.sem_alloc : memref<!tpu.dma_semaphore, #tpu.memory_space<semaphore_mem>>
          %dma_start3A_54 = arith.constant 0 : i32
          %dma_start3A_55 = tpu.memref_slice %arg3[%arg1, %mul3A_53, %dma_start3A_54] : memref<16x80x128xi32, #tpu.memory_space<hbm>> -> memref<1x40x128xi32, #tpu.memory_space<hbm>>
          %dma_start3A_56 = tpu.memref_squeeze %dma_start3A_55 : memref<1x40x128xi32, #tpu.memory_space<hbm>> -> memref<40x128xi32, #tpu.memory_space<hbm>>
          %dma_start3A_57 = arith.constant 0 : i32
          %dma_start3A_58 = tpu.memref_slice %arg3[%arg1, %mul3A_53, %dma_start3A_57] : memref<16x80x128xi32, #tpu.memory_space<hbm>> -> memref<1x40x128xi32, #tpu.memory_space<hbm>>
          %dma_start3A_59 = tpu.memref_squeeze %dma_start3A_58 : memref<1x40x128xi32, #tpu.memory_space<hbm>> -> memref<40x128xi32, #tpu.memory_space<hbm>>
          tpu.enqueue_dma source(%dma_start3A_59 : memref<40x128xi32, #tpu.memory_space<hbm>>) target(%arg9 : memref<40x128xi32, #tpu.memory_space<vmem>>) target_semaphore(%run_scoped3A : memref<!tpu.dma_semaphore, #tpu.memory_space<semaphore_mem>>)
          %dma_wait3A = arith.constant 0 : i32
          %dma_wait3A_60 = tpu.memref_slice %arg3[%arg1, %mul3A_53, %dma_wait3A] : memref<16x80x128xi32, #tpu.memory_space<hbm>> -> memref<1x40x128xi32, #tpu.memory_space<hbm>>
          %dma_wait3A_61 = tpu.memref_squeeze %dma_wait3A_60 : memref<1x40x128xi32, #tpu.memory_space<hbm>> -> memref<40x128xi32, #tpu.memory_space<hbm>>
          %dma_wait3A_62 = arith.constant 0 : i32
          %dma_wait3A_63 = tpu.memref_slice %arg3[%arg1, %mul3A_53, %dma_wait3A_62] : memref<16x80x128xi32, #tpu.memory_space<hbm>> -> memref<1x40x128xi32, #tpu.memory_space<hbm>>
          %dma_wait3A_64 = tpu.memref_squeeze %dma_wait3A_63 : memref<1x40x128xi32, #tpu.memory_space<hbm>> -> memref<40x128xi32, #tpu.memory_space<hbm>>
          tpu.wait_dma2 semaphore(%run_scoped3A : memref<!tpu.dma_semaphore, #tpu.memory_space<semaphore_mem>>) src(%dma_wait3A_64 : memref<40x128xi32, #tpu.memory_space<hbm>>) dst(%arg9 : memref<40x128xi32, #tpu.memory_space<vmem>>)
          tpu.yield
        }) : () -> ()
      } else {
      }
      %eq3A_26 = arith.constant 0 : i32
      %eq3A_27 = arith.cmpi eq, %arg0, %eq3A_26 : i32
      %convert_element_type3A_28 = arith.extui %eq3A_27 : i1 to i32
      %cond3A_29 = arith.constant 0 : i32
      %cond3A_30 = arith.cmpi ne, %convert_element_type3A_28, %cond3A_29 : i32
      scf.if %cond3A_30 {
        %mul3A_52 = arith.constant 40 : i32
        %mul3A_53 = arith.muli %add3A_15, %mul3A_52 : i32
        "tpu.region"() ({
          %run_scoped3A = tpu.sem_alloc : memref<!tpu.dma_semaphore, #tpu.memory_space<semaphore_mem>>
          %dma_start3A_54 = arith.constant 0 : i32
          %dma_start3A_55 = tpu.memref_slice %arg4[%arg1, %mul3A_53, %dma_start3A_54] : memref<16x80x128xi32, #tpu.memory_space<hbm>> -> memref<1x40x128xi32, #tpu.memory_space<hbm>>
          %dma_start3A_56 = tpu.memref_squeeze %dma_start3A_55 : memref<1x40x128xi32, #tpu.memory_space<hbm>> -> memref<40x128xi32, #tpu.memory_space<hbm>>
          %dma_start3A_57 = arith.constant 0 : i32
          %dma_start3A_58 = tpu.memref_slice %arg4[%arg1, %mul3A_53, %dma_start3A_57] : memref<16x80x128xi32, #tpu.memory_space<hbm>> -> memref<1x40x128xi32, #tpu.memory_space<hbm>>
          %dma_start3A_59 = tpu.memref_squeeze %dma_start3A_58 : memref<1x40x128xi32, #tpu.memory_space<hbm>> -> memref<40x128xi32, #tpu.memory_space<hbm>>
          tpu.enqueue_dma source(%dma_start3A_59 : memref<40x128xi32, #tpu.memory_space<hbm>>) target(%arg10 : memref<40x128xi32, #tpu.memory_space<vmem>>) target_semaphore(%run_scoped3A : memref<!tpu.dma_semaphore, #tpu.memory_space<semaphore_mem>>)
          %dma_wait3A = arith.constant 0 : i32
          %dma_wait3A_60 = tpu.memref_slice %arg4[%arg1, %mul3A_53, %dma_wait3A] : memref<16x80x128xi32, #tpu.memory_space<hbm>> -> memref<1x40x128xi32, #tpu.memory_space<hbm>>
          %dma_wait3A_61 = tpu.memref_squeeze %dma_wait3A_60 : memref<1x40x128xi32, #tpu.memory_space<hbm>> -> memref<40x128xi32, #tpu.memory_space<hbm>>
          %dma_wait3A_62 = arith.constant 0 : i32
          %dma_wait3A_63 = tpu.memref_slice %arg4[%arg1, %mul3A_53, %dma_wait3A_62] : memref<16x80x128xi32, #tpu.memory_space<hbm>> -> memref<1x40x128xi32, #tpu.memory_space<hbm>>
          %dma_wait3A_64 = tpu.memref_squeeze %dma_wait3A_63 : memref<1x40x128xi32, #tpu.memory_space<hbm>> -> memref<40x128xi32, #tpu.memory_space<hbm>>
          tpu.wait_dma2 semaphore(%run_scoped3A : memref<!tpu.dma_semaphore, #tpu.memory_space<semaphore_mem>>) src(%dma_wait3A_64 : memref<40x128xi32, #tpu.memory_space<hbm>>) dst(%arg10 : memref<40x128xi32, #tpu.memory_space<vmem>>)
          tpu.yield
        }) : () -> ()
      } else {
      }
      %eq3A_31 = arith.constant 1 : i32
      %eq3A_32 = arith.cmpi eq, %arg0, %eq3A_31 : i32
      %convert_element_type3A_33 = arith.extui %eq3A_32 : i1 to i32
      %cond3A_34 = arith.constant 0 : i32
      %cond3A_35 = arith.cmpi ne, %convert_element_type3A_33, %cond3A_34 : i32
      scf.if %cond3A_35 {
        %mul3A_52 = arith.constant 40 : i32
        %mul3A_53 = arith.muli %add3A_15, %mul3A_52 : i32
        "tpu.region"() ({
          %run_scoped3A = tpu.sem_alloc : memref<!tpu.dma_semaphore, #tpu.memory_space<semaphore_mem>>
          %dma_start3A_54 = arith.constant 0 : i32
          %dma_start3A_55 = tpu.memref_slice %arg5[%arg1, %mul3A_53, %dma_start3A_54] : memref<16x80x128xi32, #tpu.memory_space<hbm>> -> memref<1x40x128xi32, #tpu.memory_space<hbm>>
          %dma_start3A_56 = tpu.memref_squeeze %dma_start3A_55 : memref<1x40x128xi32, #tpu.memory_space<hbm>> -> memref<40x128xi32, #tpu.memory_space<hbm>>
          %dma_start3A_57 = arith.constant 0 : i32
          %dma_start3A_58 = tpu.memref_slice %arg5[%arg1, %mul3A_53, %dma_start3A_57] : memref<16x80x128xi32, #tpu.memory_space<hbm>> -> memref<1x40x128xi32, #tpu.memory_space<hbm>>
          %dma_start3A_59 = tpu.memref_squeeze %dma_start3A_58 : memref<1x40x128xi32, #tpu.memory_space<hbm>> -> memref<40x128xi32, #tpu.memory_space<hbm>>
          tpu.enqueue_dma source(%dma_start3A_59 : memref<40x128xi32, #tpu.memory_space<hbm>>) target(%arg10 : memref<40x128xi32, #tpu.memory_space<vmem>>) target_semaphore(%run_scoped3A : memref<!tpu.dma_semaphore, #tpu.memory_space<semaphore_mem>>)
          %dma_wait3A = arith.constant 0 : i32
          %dma_wait3A_60 = tpu.memref_slice %arg5[%arg1, %mul3A_53, %dma_wait3A] : memref<16x80x128xi32, #tpu.memory_space<hbm>> -> memref<1x40x128xi32, #tpu.memory_space<hbm>>
          %dma_wait3A_61 = tpu.memref_squeeze %dma_wait3A_60 : memref<1x40x128xi32, #tpu.memory_space<hbm>> -> memref<40x128xi32, #tpu.memory_space<hbm>>
          %dma_wait3A_62 = arith.constant 0 : i32
          %dma_wait3A_63 = tpu.memref_slice %arg5[%arg1, %mul3A_53, %dma_wait3A_62] : memref<16x80x128xi32, #tpu.memory_space<hbm>> -> memref<1x40x128xi32, #tpu.memory_space<hbm>>
          %dma_wait3A_64 = tpu.memref_squeeze %dma_wait3A_63 : memref<1x40x128xi32, #tpu.memory_space<hbm>> -> memref<40x128xi32, #tpu.memory_space<hbm>>
          tpu.wait_dma2 semaphore(%run_scoped3A : memref<!tpu.dma_semaphore, #tpu.memory_space<semaphore_mem>>) src(%dma_wait3A_64 : memref<40x128xi32, #tpu.memory_space<hbm>>) dst(%arg10 : memref<40x128xi32, #tpu.memory_space<vmem>>)
          tpu.yield
        }) : () -> ()
      } else {
      }
      %dma_start3A = arith.constant 0 : i32
      %dma_start3A_36 = arith.constant 0 : i32
      %dma_start3A_37 = arith.constant 0 : i32
      %dma_start3A_38 = arith.constant 0 : i32
      %dma_start3A_39 = tpu.memref_slice %arg11[%dma_start3A_36, %dma_start3A_37, %dma_start3A_38] : memref<2x128x128xf32, #tpu.memory_space<vmem>> -> memref<1x128x128xf32, #tpu.memory_space<vmem>>
      %dma_start3A_40 = tpu.memref_squeeze %dma_start3A_39 : memref<1x128x128xf32, #tpu.memory_space<vmem>> -> memref<128x128xf32, #tpu.memory_space<vmem>>
      %dma_start3A_41 = arith.constant 0 : i32
      %dma_start3A_42 = tpu.memref_slice %arg9[%dma_start3A, %dma_start3A_41] : memref<40x128xi32, #tpu.memory_space<vmem>> -> memref<1x128xi32, #tpu.memory_space<vmem>>
      %dma_start3A_43 = tpu.memref_squeeze %dma_start3A_42 : memref<1x128xi32, #tpu.memory_space<vmem>> -> memref<128xi32, #tpu.memory_space<vmem>>
      %dma_start3A_44 = arith.constant 0 : i32
      %dma_start3A_45 = arith.constant 0 : i32
      %dma_start3A_46 = tpu.memref_slice %arg7[%dma_start3A_44, %dma_start3A_45] : memref<10000x128xf32, #tpu.memory_space<hbm>> -> memref<10000x128xf32, #tpu.memory_space<hbm>>
      tpu.enqueue_indirect_dma source(%dma_start3A_46 : memref<10000x128xf32, #tpu.memory_space<hbm>>) target(%dma_start3A_40 : memref<128x128xf32, #tpu.memory_space<vmem>>) offsets(%dma_start3A_43 : memref<128xi32, #tpu.memory_space<vmem>>) semaphore(%arg13 : memref<!tpu.dma_semaphore, #tpu.memory_space<semaphore_mem>>)
      %scan3A_47 = arith.constant 0 : i32
      %scan3A_48 = arith.constant 20 : i32
      %scan3A_49 = arith.addi %scan3A_47, %scan3A_48 : i32
      %scan3A_50 = arith.constant 1 : i32
      scf.for %scan3A_52 = %scan3A_47 to %scan3A_49 step %scan3A_50  : i32 {
        %mul3A_53 = arith.constant 2 : i32
        %mul3A_54 = arith.muli %scan3A_52, %mul3A_53 : i32
        %add3A_55 = arith.constant 0 : i32
        %add3A_56 = arith.addi %add3A_55, %mul3A_54 : i32
        %add3A_57 = arith.constant 1 : i32
        %add3A_58 = arith.addi %add3A_56, %add3A_57 : i32
        %dma_start3A_59 = arith.constant 1 : i32
        %dma_start3A_60 = arith.constant 0 : i32
        %dma_start3A_61 = arith.constant 0 : i32
        %dma_start3A_62 = tpu.memref_slice %arg11[%dma_start3A_59, %dma_start3A_60, %dma_start3A_61] : memref<2x128x128xf32, #tpu.memory_space<vmem>> -> memref<1x128x128xf32, #tpu.memory_space<vmem>>
        %dma_start3A_63 = tpu.memref_squeeze %dma_start3A_62 : memref<1x128x128xf32, #tpu.memory_space<vmem>> -> memref<128x128xf32, #tpu.memory_space<vmem>>
        %dma_start3A_64 = arith.constant 0 : i32
        %dma_start3A_65 = tpu.memref_slice %arg9[%add3A_58, %dma_start3A_64] : memref<40x128xi32, #tpu.memory_space<vmem>> -> memref<1x128xi32, #tpu.memory_space<vmem>>
        %dma_start3A_66 = tpu.memref_squeeze %dma_start3A_65 : memref<1x128xi32, #tpu.memory_space<vmem>> -> memref<128xi32, #tpu.memory_space<vmem>>
        %dma_start3A_67 = arith.constant 0 : i32
        %dma_start3A_68 = arith.constant 0 : i32
        %dma_start3A_69 = tpu.memref_slice %arg7[%dma_start3A_67, %dma_start3A_68] : memref<10000x128xf32, #tpu.memory_space<hbm>> -> memref<10000x128xf32, #tpu.memory_space<hbm>>
        tpu.enqueue_indirect_dma source(%dma_start3A_69 : memref<10000x128xf32, #tpu.memory_space<hbm>>) target(%dma_start3A_63 : memref<128x128xf32, #tpu.memory_space<vmem>>) offsets(%dma_start3A_66 : memref<128xi32, #tpu.memory_space<vmem>>) semaphore(%arg14 : memref<!tpu.dma_semaphore, #tpu.memory_space<semaphore_mem>>)
        %dma_wait3A = arith.constant 0 : i32
        %dma_wait3A_70 = arith.constant 0 : i32
        %dma_wait3A_71 = arith.constant 0 : i32
        %dma_wait3A_72 = tpu.memref_slice %arg11[%dma_wait3A, %dma_wait3A_70, %dma_wait3A_71] : memref<2x128x128xf32, #tpu.memory_space<vmem>> -> memref<1x128x128xf32, #tpu.memory_space<vmem>>
        %dma_wait3A_73 = tpu.memref_squeeze %dma_wait3A_72 : memref<1x128x128xf32, #tpu.memory_space<vmem>> -> memref<128x128xf32, #tpu.memory_space<vmem>>
        %dma_wait3A_74 = arith.constant 0 : i32
        %dma_wait3A_75 = tpu.memref_slice %arg9[%add3A_56, %dma_wait3A_74] : memref<40x128xi32, #tpu.memory_space<vmem>> -> memref<1x128xi32, #tpu.memory_space<vmem>>
        %dma_wait3A_76 = tpu.memref_squeeze %dma_wait3A_75 : memref<1x128xi32, #tpu.memory_space<vmem>> -> memref<128xi32, #tpu.memory_space<vmem>>
        %dma_wait3A_77 = arith.constant 0 : i32
        %dma_wait3A_78 = arith.constant 0 : i32
        %dma_wait3A_79 = tpu.memref_slice %arg7[%dma_wait3A_77, %dma_wait3A_78] : memref<10000x128xf32, #tpu.memory_space<hbm>> -> memref<10000x128xf32, #tpu.memory_space<hbm>>
        tpu.wait_indirect_dma semaphore(%arg13 : memref<!tpu.dma_semaphore, #tpu.memory_space<semaphore_mem>>) src(%dma_wait3A_79 : memref<10000x128xf32, #tpu.memory_space<hbm>>) dst(%dma_wait3A_73 : memref<128x128xf32, #tpu.memory_space<vmem>>)
        %run_scoped3A = arith.constant 0 : i32
        "tpu.region"() ({
          %run_scoped3A_100 = tpu.sem_alloc : memref<!tpu.dma_semaphore, #tpu.memory_space<semaphore_mem>>
          %dma_start3A_101 = arith.constant 0 : i32
          %dma_start3A_102 = arith.constant 0 : i32
          %dma_start3A_103 = tpu.memref_slice %arg11[%run_scoped3A, %dma_start3A_101, %dma_start3A_102] : memref<2x128x128xf32, #tpu.memory_space<vmem>> -> memref<1x128x128xf32, #tpu.memory_space<vmem>>
          %dma_start3A_104 = tpu.memref_squeeze %dma_start3A_103 : memref<1x128x128xf32, #tpu.memory_space<vmem>> -> memref<128x128xf32, #tpu.memory_space<vmem>>
          %dma_start3A_105 = arith.constant 0 : i32
          %dma_start3A_106 = tpu.memref_slice %arg10[%add3A_56, %dma_start3A_105] : memref<40x128xi32, #tpu.memory_space<vmem>> -> memref<1x128xi32, #tpu.memory_space<vmem>>
          %dma_start3A_107 = tpu.memref_squeeze %dma_start3A_106 : memref<1x128xi32, #tpu.memory_space<vmem>> -> memref<128xi32, #tpu.memory_space<vmem>>
          %dma_start3A_108 = arith.constant 0 : i32
          %dma_start3A_109 = arith.constant 0 : i32
          %dma_start3A_110 = tpu.memref_slice %arg12[%dma_start3A_108, %dma_start3A_109] : memref<10112x128xf32, #tpu.memory_space<vmem_shared>> -> memref<10112x128xf32, #tpu.memory_space<vmem_shared>>
          tpu.enqueue_indirect_dma source(%dma_start3A_104 : memref<128x128xf32, #tpu.memory_space<vmem>>) target(%dma_start3A_110 : memref<10112x128xf32, #tpu.memory_space<vmem_shared>>) offsets(%dma_start3A_107 : memref<128xi32, #tpu.memory_space<vmem>>) semaphore(%run_scoped3A_100 : memref<!tpu.dma_semaphore, #tpu.memory_space<semaphore_mem>>) {add = true}
          %dma_wait3A_111 = arith.constant 0 : i32
          %dma_wait3A_112 = arith.constant 0 : i32
          %dma_wait3A_113 = tpu.memref_slice %arg11[%run_scoped3A, %dma_wait3A_111, %dma_wait3A_112] : memref<2x128x128xf32, #tpu.memory_space<vmem>> -> memref<1x128x128xf32, #tpu.memory_space<vmem>>
          %dma_wait3A_114 = tpu.memref_squeeze %dma_wait3A_113 : memref<1x128x128xf32, #tpu.memory_space<vmem>> -> memref<128x128xf32, #tpu.memory_space<vmem>>
          %dma_wait3A_115 = arith.constant 0 : i32
          %dma_wait3A_116 = tpu.memref_slice %arg10[%add3A_56, %dma_wait3A_115] : memref<40x128xi32, #tpu.memory_space<vmem>> -> memref<1x128xi32, #tpu.memory_space<vmem>>
          %dma_wait3A_117 = tpu.memref_squeeze %dma_wait3A_116 : memref<1x128xi32, #tpu.memory_space<vmem>> -> memref<128xi32, #tpu.memory_space<vmem>>
          %dma_wait3A_118 = arith.constant 0 : i32
          %dma_wait3A_119 = arith.constant 0 : i32
          %dma_wait3A_120 = tpu.memref_slice %arg12[%dma_wait3A_118, %dma_wait3A_119] : memref<10112x128xf32, #tpu.memory_space<vmem_shared>> -> memref<10112x128xf32, #tpu.memory_space<vmem_shared>>
          tpu.wait_indirect_dma semaphore(%run_scoped3A_100 : memref<!tpu.dma_semaphore, #tpu.memory_space<semaphore_mem>>) src(%dma_wait3A_114 : memref<128x128xf32, #tpu.memory_space<vmem>>) dst(%dma_wait3A_120 : memref<10112x128xf32, #tpu.memory_space<vmem_shared>>)
          tpu.yield
        }) : () -> ()
        %add3A_80 = arith.constant 2 : i32
        %add3A_81 = arith.addi %add3A_56, %add3A_80 : i32
        %lt3A = arith.constant 40 : i32
        %lt3A_82 = arith.cmpi slt, %add3A_81, %lt3A : i32
        %convert_element_type3A_83 = arith.extui %lt3A_82 : i1 to i32
        %cond3A_84 = arith.constant 0 : i32
        %cond3A_85 = arith.cmpi ne, %convert_element_type3A_83, %cond3A_84 : i32
        scf.if %cond3A_85 {
          %add3A_100 = arith.constant 2 : i32
          %add3A_101 = arith.addi %add3A_56, %add3A_100 : i32
          %dma_start3A_102 = arith.constant 0 : i32
          %dma_start3A_103 = arith.constant 0 : i32
          %dma_start3A_104 = arith.constant 0 : i32
          %dma_start3A_105 = tpu.memref_slice %arg11[%dma_start3A_102, %dma_start3A_103, %dma_start3A_104] : memref<2x128x128xf32, #tpu.memory_space<vmem>> -> memref<1x128x128xf32, #tpu.memory_space<vmem>>
          %dma_start3A_106 = tpu.memref_squeeze %dma_start3A_105 : memref<1x128x128xf32, #tpu.memory_space<vmem>> -> memref<128x128xf32, #tpu.memory_space<vmem>>
          %dma_start3A_107 = arith.constant 0 : i32
          %dma_start3A_108 = tpu.memref_slice %arg9[%add3A_101, %dma_start3A_107] : memref<40x128xi32, #tpu.memory_space<vmem>> -> memref<1x128xi32, #tpu.memory_space<vmem>>
          %dma_start3A_109 = tpu.memref_squeeze %dma_start3A_108 : memref<1x128xi32, #tpu.memory_space<vmem>> -> memref<128xi32, #tpu.memory_space<vmem>>
          %dma_start3A_110 = arith.constant 0 : i32
          %dma_start3A_111 = arith.constant 0 : i32
          %dma_start3A_112 = tpu.memref_slice %arg7[%dma_start3A_110, %dma_start3A_111] : memref<10000x128xf32, #tpu.memory_space<hbm>> -> memref<10000x128xf32, #tpu.memory_space<hbm>>
          tpu.enqueue_indirect_dma source(%dma_start3A_112 : memref<10000x128xf32, #tpu.memory_space<hbm>>) target(%dma_start3A_106 : memref<128x128xf32, #tpu.memory_space<vmem>>) offsets(%dma_start3A_109 : memref<128xi32, #tpu.memory_space<vmem>>) semaphore(%arg13 : memref<!tpu.dma_semaphore, #tpu.memory_space<semaphore_mem>>)
        } else {
        }
        %dma_wait3A_86 = arith.constant 1 : i32
        %dma_wait3A_87 = arith.constant 0 : i32
        %dma_wait3A_88 = arith.constant 0 : i32
        %dma_wait3A_89 = tpu.memref_slice %arg11[%dma_wait3A_86, %dma_wait3A_87, %dma_wait3A_88] : memref<2x128x128xf32, #tpu.memory_space<vmem>> -> memref<1x128x128xf32, #tpu.memory_space<vmem>>
        %dma_wait3A_90 = tpu.memref_squeeze %dma_wait3A_89 : memref<1x128x128xf32, #tpu.memory_space<vmem>> -> memref<128x128xf32, #tpu.memory_space<vmem>>
        %dma_wait3A_91 = arith.constant 0 : i32
        %dma_wait3A_92 = tpu.memref_slice %arg9[%add3A_58, %dma_wait3A_91] : memref<40x128xi32, #tpu.memory_space<vmem>> -> memref<1x128xi32, #tpu.memory_space<vmem>>
        %dma_wait3A_93 = tpu.memref_squeeze %dma_wait3A_92 : memref<1x128xi32, #tpu.memory_space<vmem>> -> memref<128xi32, #tpu.memory_space<vmem>>
        %dma_wait3A_94 = arith.constant 0 : i32
        %dma_wait3A_95 = arith.constant 0 : i32
        %dma_wait3A_96 = tpu.memref_slice %arg7[%dma_wait3A_94, %dma_wait3A_95] : memref<10000x128xf32, #tpu.memory_space<hbm>> -> memref<10000x128xf32, #tpu.memory_space<hbm>>
        tpu.wait_indirect_dma semaphore(%arg14 : memref<!tpu.dma_semaphore, #tpu.memory_space<semaphore_mem>>) src(%dma_wait3A_96 : memref<10000x128xf32, #tpu.memory_space<hbm>>) dst(%dma_wait3A_90 : memref<128x128xf32, #tpu.memory_space<vmem>>)
        %add3A_97 = arith.constant 1 : i32
        %add3A_98 = arith.addi %add3A_56, %add3A_97 : i32
        %run_scoped3A_99 = arith.constant 1 : i32
        "tpu.region"() ({
          %run_scoped3A_100 = tpu.sem_alloc : memref<!tpu.dma_semaphore, #tpu.memory_space<semaphore_mem>>
          %dma_start3A_101 = arith.constant 0 : i32
          %dma_start3A_102 = arith.constant 0 : i32
          %dma_start3A_103 = tpu.memref_slice %arg11[%run_scoped3A_99, %dma_start3A_101, %dma_start3A_102] : memref<2x128x128xf32, #tpu.memory_space<vmem>> -> memref<1x128x128xf32, #tpu.memory_space<vmem>>
          %dma_start3A_104 = tpu.memref_squeeze %dma_start3A_103 : memref<1x128x128xf32, #tpu.memory_space<vmem>> -> memref<128x128xf32, #tpu.memory_space<vmem>>
          %dma_start3A_105 = arith.constant 0 : i32
          %dma_start3A_106 = tpu.memref_slice %arg10[%add3A_98, %dma_start3A_105] : memref<40x128xi32, #tpu.memory_space<vmem>> -> memref<1x128xi32, #tpu.memory_space<vmem>>
          %dma_start3A_107 = tpu.memref_squeeze %dma_start3A_106 : memref<1x128xi32, #tpu.memory_space<vmem>> -> memref<128xi32, #tpu.memory_space<vmem>>
          %dma_start3A_108 = arith.constant 0 : i32
          %dma_start3A_109 = arith.constant 0 : i32
          %dma_start3A_110 = tpu.memref_slice %arg12[%dma_start3A_108, %dma_start3A_109] : memref<10112x128xf32, #tpu.memory_space<vmem_shared>> -> memref<10112x128xf32, #tpu.memory_space<vmem_shared>>
          tpu.enqueue_indirect_dma source(%dma_start3A_104 : memref<128x128xf32, #tpu.memory_space<vmem>>) target(%dma_start3A_110 : memref<10112x128xf32, #tpu.memory_space<vmem_shared>>) offsets(%dma_start3A_107 : memref<128xi32, #tpu.memory_space<vmem>>) semaphore(%run_scoped3A_100 : memref<!tpu.dma_semaphore, #tpu.memory_space<semaphore_mem>>) {add = true}
          %dma_wait3A_111 = arith.constant 0 : i32
          %dma_wait3A_112 = arith.constant 0 : i32
          %dma_wait3A_113 = tpu.memref_slice %arg11[%run_scoped3A_99, %dma_wait3A_111, %dma_wait3A_112] : memref<2x128x128xf32, #tpu.memory_space<vmem>> -> memref<1x128x128xf32, #tpu.memory_space<vmem>>
          %dma_wait3A_114 = tpu.memref_squeeze %dma_wait3A_113 : memref<1x128x128xf32, #tpu.memory_space<vmem>> -> memref<128x128xf32, #tpu.memory_space<vmem>>
          %dma_wait3A_115 = arith.constant 0 : i32
          %dma_wait3A_116 = tpu.memref_slice %arg10[%add3A_98, %dma_wait3A_115] : memref<40x128xi32, #tpu.memory_space<vmem>> -> memref<1x128xi32, #tpu.memory_space<vmem>>
          %dma_wait3A_117 = tpu.memref_squeeze %dma_wait3A_116 : memref<1x128xi32, #tpu.memory_space<vmem>> -> memref<128xi32, #tpu.memory_space<vmem>>
          %dma_wait3A_118 = arith.constant 0 : i32
          %dma_wait3A_119 = arith.constant 0 : i32
          %dma_wait3A_120 = tpu.memref_slice %arg12[%dma_wait3A_118, %dma_wait3A_119] : memref<10112x128xf32, #tpu.memory_space<vmem_shared>> -> memref<10112x128xf32, #tpu.memory_space<vmem_shared>>
          tpu.wait_indirect_dma semaphore(%run_scoped3A_100 : memref<!tpu.dma_semaphore, #tpu.memory_space<semaphore_mem>>) src(%dma_wait3A_114 : memref<128x128xf32, #tpu.memory_space<vmem>>) dst(%dma_wait3A_120 : memref<10112x128xf32, #tpu.memory_space<vmem_shared>>)
          tpu.yield
        }) : () -> ()
      }
      %scan3A_51 = arith.constant 20 : i32
    }
    %scan3A_4 = arith.constant 2 : i32
    %barrier3A_5 = arith.constant 0 : index
    tpu.barrier barrier_id(%barrier3A_5)
    %mul3A_6 = arith.constant 624 : i32
    %mul3A_7 = arith.muli %arg1, %mul3A_6 : i32
    %mul3A_8 = arith.constant 624 : i32
    %mul3A_9 = arith.muli %arg1, %mul3A_8 : i32
    "tpu.region"() ({
      %run_scoped3A = tpu.sem_alloc : memref<!tpu.dma_semaphore, #tpu.memory_space<semaphore_mem>>
      %dma_start3A = arith.constant 0 : i32
      %dma_start3A_12 = tpu.memref_slice %arg8[%arg0, %mul3A_9, %dma_start3A] : memref<2x10000x128xf32, #tpu.memory_space<hbm>> -> memref<1x624x128xf32, #tpu.memory_space<hbm>>
      %dma_start3A_13 = tpu.memref_squeeze %dma_start3A_12 : memref<1x624x128xf32, #tpu.memory_space<hbm>> -> memref<624x128xf32, #tpu.memory_space<hbm>>
      %dma_start3A_14 = arith.constant 0 : i32
      %dma_start3A_15 = tpu.memref_slice %arg12[%mul3A_7, %dma_start3A_14] : memref<10112x128xf32, #tpu.memory_space<vmem_shared>> -> memref<624x128xf32, #tpu.memory_space<vmem_shared>>
      tpu.enqueue_dma source(%dma_start3A_15 : memref<624x128xf32, #tpu.memory_space<vmem_shared>>) target(%dma_start3A_13 : memref<624x128xf32, #tpu.memory_space<hbm>>) target_semaphore(%run_scoped3A : memref<!tpu.dma_semaphore, #tpu.memory_space<semaphore_mem>>)
      %dma_wait3A = arith.constant 0 : i32
      %dma_wait3A_16 = tpu.memref_slice %arg8[%arg0, %mul3A_9, %dma_wait3A] : memref<2x10000x128xf32, #tpu.memory_space<hbm>> -> memref<1x624x128xf32, #tpu.memory_space<hbm>>
      %dma_wait3A_17 = tpu.memref_squeeze %dma_wait3A_16 : memref<1x624x128xf32, #tpu.memory_space<hbm>> -> memref<624x128xf32, #tpu.memory_space<hbm>>
      %dma_wait3A_18 = arith.constant 0 : i32
      %dma_wait3A_19 = tpu.memref_slice %arg12[%mul3A_7, %dma_wait3A_18] : memref<10112x128xf32, #tpu.memory_space<vmem_shared>> -> memref<624x128xf32, #tpu.memory_space<vmem_shared>>
      tpu.wait_dma2 semaphore(%run_scoped3A : memref<!tpu.dma_semaphore, #tpu.memory_space<semaphore_mem>>) src(%dma_wait3A_19 : memref<624x128xf32, #tpu.memory_space<vmem_shared>>) dst(%dma_wait3A_17 : memref<624x128xf32, #tpu.memory_space<hbm>>)
      tpu.yield
    }) : () -> ()
    %eq3A = arith.constant 0 : i32
    %eq3A_10 = arith.cmpi eq, %arg1, %eq3A : i32
    %convert_element_type3A = arith.extui %eq3A_10 : i1 to i32
    %cond3A = arith.constant 0 : i32
    %cond3A_11 = arith.cmpi ne, %convert_element_type3A, %cond3A : i32
    scf.if %cond3A_11 {
      "tpu.region"() ({
        %run_scoped3A = tpu.sem_alloc : memref<!tpu.dma_semaphore, #tpu.memory_space<semaphore_mem>>
        %dma_start3A = arith.constant 9984 : i32
        %dma_start3A_12 = arith.constant 0 : i32
        %dma_start3A_13 = tpu.memref_slice %arg8[%arg0, %dma_start3A, %dma_start3A_12] : memref<2x10000x128xf32, #tpu.memory_space<hbm>> -> memref<1x16x128xf32, #tpu.memory_space<hbm>>
        %dma_start3A_14 = tpu.memref_squeeze %dma_start3A_13 : memref<1x16x128xf32, #tpu.memory_space<hbm>> -> memref<16x128xf32, #tpu.memory_space<hbm>>
        %dma_start3A_15 = arith.constant 9984 : i32
        %dma_start3A_16 = arith.constant 0 : i32
        %dma_start3A_17 = tpu.memref_slice %arg12[%dma_start3A_15, %dma_start3A_16] : memref<10112x128xf32, #tpu.memory_space<vmem_shared>> -> memref<16x128xf32, #tpu.memory_space<vmem_shared>>
        tpu.enqueue_dma source(%dma_start3A_17 : memref<16x128xf32, #tpu.memory_space<vmem_shared>>) target(%dma_start3A_14 : memref<16x128xf32, #tpu.memory_space<hbm>>) target_semaphore(%run_scoped3A : memref<!tpu.dma_semaphore, #tpu.memory_space<semaphore_mem>>)
        %dma_wait3A = arith.constant 9984 : i32
        %dma_wait3A_18 = arith.constant 0 : i32
        %dma_wait3A_19 = tpu.memref_slice %arg8[%arg0, %dma_wait3A, %dma_wait3A_18] : memref<2x10000x128xf32, #tpu.memory_space<hbm>> -> memref<1x16x128xf32, #tpu.memory_space<hbm>>
        %dma_wait3A_20 = tpu.memref_squeeze %dma_wait3A_19 : memref<1x16x128xf32, #tpu.memory_space<hbm>> -> memref<16x128xf32, #tpu.memory_space<hbm>>
        %dma_wait3A_21 = arith.constant 9984 : i32
        %dma_wait3A_22 = arith.constant 0 : i32
        %dma_wait3A_23 = tpu.memref_slice %arg12[%dma_wait3A_21, %dma_wait3A_22] : memref<10112x128xf32, #tpu.memory_space<vmem_shared>> -> memref<16x128xf32, #tpu.memory_space<vmem_shared>>
        tpu.wait_dma2 semaphore(%run_scoped3A : memref<!tpu.dma_semaphore, #tpu.memory_space<semaphore_mem>>) src(%dma_wait3A_23 : memref<16x128xf32, #tpu.memory_space<vmem_shared>>) dst(%dma_wait3A_20 : memref<16x128xf32, #tpu.memory_space<hbm>>)
        tpu.yield
      }) : () -> ()
    } else {
    }
    return
  }
}

#map = affine_map<(d0, d1) -> (0, 0, 0, 0)>
#map1 = affine_map<(d0, d1) -> (0, 0)>
#map2 = affine_map<(d0, d1) -> (0, 0, 0)>
module attributes {stable_mosaic.version = 14 : i64} {
  func.func @k(%arg0: i32, %arg1: i32, %arg2: memref<2x16x4x128xi32, #tpu.memory_space<hbm>>, %arg3: memref<10000x128xf32, #tpu.memory_space<hbm>>, %arg4: memref<2x8192x128xf32, #tpu.memory_space<hbm>>, %arg5: memref<4x128xi32, #tpu.memory_space<vmem>>, %arg6: memref<512x128xf32, #tpu.memory_space<vmem>>) attributes {dimension_semantics = [#tpu.dimension_semantics<core_parallel>, #tpu.dimension_semantics<subcore_parallel>], iteration_bounds = array<i64: 2, 16>, scalar_prefetch = 0 : i64, scratch_operands = 2 : i64, tpu.core_type = #tpu.core_type<sc_vector_subcore>, window_params = [{transform_indices = #map}, {transform_indices = #map1}, {transform_indices = #map2}]} {
    "tpu.region"() ({
      %run_scoped3A = tpu.sem_alloc : memref<!tpu.dma_semaphore, #tpu.memory_space<semaphore_mem>>
      %dma_start3A = arith.constant 0 : i32
      %dma_start3A_5 = arith.constant 0 : i32
      %dma_start3A_6 = tpu.memref_slice %arg2[%arg0, %arg1, %dma_start3A, %dma_start3A_5] : memref<2x16x4x128xi32, #tpu.memory_space<hbm>> -> memref<1x1x4x128xi32, #tpu.memory_space<hbm>>
      %dma_start3A_7 = tpu.memref_squeeze %dma_start3A_6 : memref<1x1x4x128xi32, #tpu.memory_space<hbm>> -> memref<4x128xi32, #tpu.memory_space<hbm>>
      %dma_start3A_8 = arith.constant 0 : i32
      %dma_start3A_9 = arith.constant 0 : i32
      %dma_start3A_10 = tpu.memref_slice %arg2[%arg0, %arg1, %dma_start3A_8, %dma_start3A_9] : memref<2x16x4x128xi32, #tpu.memory_space<hbm>> -> memref<1x1x4x128xi32, #tpu.memory_space<hbm>>
      %dma_start3A_11 = tpu.memref_squeeze %dma_start3A_10 : memref<1x1x4x128xi32, #tpu.memory_space<hbm>> -> memref<4x128xi32, #tpu.memory_space<hbm>>
      tpu.enqueue_dma source(%dma_start3A_11 : memref<4x128xi32, #tpu.memory_space<hbm>>) target(%arg5 : memref<4x128xi32, #tpu.memory_space<vmem>>) target_semaphore(%run_scoped3A : memref<!tpu.dma_semaphore, #tpu.memory_space<semaphore_mem>>)
      %dma_wait3A = arith.constant 0 : i32
      %dma_wait3A_12 = arith.constant 0 : i32
      %dma_wait3A_13 = tpu.memref_slice %arg2[%arg0, %arg1, %dma_wait3A, %dma_wait3A_12] : memref<2x16x4x128xi32, #tpu.memory_space<hbm>> -> memref<1x1x4x128xi32, #tpu.memory_space<hbm>>
      %dma_wait3A_14 = tpu.memref_squeeze %dma_wait3A_13 : memref<1x1x4x128xi32, #tpu.memory_space<hbm>> -> memref<4x128xi32, #tpu.memory_space<hbm>>
      %dma_wait3A_15 = arith.constant 0 : i32
      %dma_wait3A_16 = arith.constant 0 : i32
      %dma_wait3A_17 = tpu.memref_slice %arg2[%arg0, %arg1, %dma_wait3A_15, %dma_wait3A_16] : memref<2x16x4x128xi32, #tpu.memory_space<hbm>> -> memref<1x1x4x128xi32, #tpu.memory_space<hbm>>
      %dma_wait3A_18 = tpu.memref_squeeze %dma_wait3A_17 : memref<1x1x4x128xi32, #tpu.memory_space<hbm>> -> memref<4x128xi32, #tpu.memory_space<hbm>>
      tpu.wait_dma2 semaphore(%run_scoped3A : memref<!tpu.dma_semaphore, #tpu.memory_space<semaphore_mem>>) src(%dma_wait3A_18 : memref<4x128xi32, #tpu.memory_space<hbm>>) dst(%arg5 : memref<4x128xi32, #tpu.memory_space<vmem>>)
      tpu.yield
    }) : () -> ()
    %scan3A = arith.constant 0 : i32
    %scan3A_0 = arith.constant 4 : i32
    %scan3A_1 = arith.addi %scan3A, %scan3A_0 : i32
    %scan3A_2 = arith.constant 1 : i32
    scf.for %scan3A_5 = %scan3A to %scan3A_1 step %scan3A_2  : i32 {
      %mul3A_6 = arith.constant 1 : i32
      %mul3A_7 = arith.muli %scan3A_5, %mul3A_6 : i32
      %add3A = arith.constant 0 : i32
      %add3A_8 = arith.addi %add3A, %mul3A_7 : i32
      %mul3A_9 = arith.constant 128 : i32
      %mul3A_10 = arith.muli %add3A_8, %mul3A_9 : i32
      "tpu.region"() ({
        %run_scoped3A = tpu.sem_alloc : memref<!tpu.dma_semaphore, #tpu.memory_space<semaphore_mem>>
        %dma_start3A = arith.constant 0 : i32
        %dma_start3A_11 = tpu.memref_slice %arg6[%mul3A_10, %dma_start3A] : memref<512x128xf32, #tpu.memory_space<vmem>> -> memref<128x128xf32, #tpu.memory_space<vmem>>
        %dma_start3A_12 = arith.constant 0 : i32
        %dma_start3A_13 = tpu.memref_slice %arg5[%add3A_8, %dma_start3A_12] : memref<4x128xi32, #tpu.memory_space<vmem>> -> memref<1x128xi32, #tpu.memory_space<vmem>>
        %dma_start3A_14 = tpu.memref_squeeze %dma_start3A_13 : memref<1x128xi32, #tpu.memory_space<vmem>> -> memref<128xi32, #tpu.memory_space<vmem>>
        %dma_start3A_15 = arith.constant 0 : i32
        %dma_start3A_16 = arith.constant 0 : i32
        %dma_start3A_17 = tpu.memref_slice %arg3[%dma_start3A_15, %dma_start3A_16] : memref<10000x128xf32, #tpu.memory_space<hbm>> -> memref<10000x128xf32, #tpu.memory_space<hbm>>
        tpu.enqueue_indirect_dma source(%dma_start3A_17 : memref<10000x128xf32, #tpu.memory_space<hbm>>) target(%dma_start3A_11 : memref<128x128xf32, #tpu.memory_space<vmem>>) offsets(%dma_start3A_14 : memref<128xi32, #tpu.memory_space<vmem>>) semaphore(%run_scoped3A : memref<!tpu.dma_semaphore, #tpu.memory_space<semaphore_mem>>)
        %dma_wait3A = arith.constant 0 : i32
        %dma_wait3A_18 = tpu.memref_slice %arg6[%mul3A_10, %dma_wait3A] : memref<512x128xf32, #tpu.memory_space<vmem>> -> memref<128x128xf32, #tpu.memory_space<vmem>>
        %dma_wait3A_19 = arith.constant 0 : i32
        %dma_wait3A_20 = tpu.memref_slice %arg5[%add3A_8, %dma_wait3A_19] : memref<4x128xi32, #tpu.memory_space<vmem>> -> memref<1x128xi32, #tpu.memory_space<vmem>>
        %dma_wait3A_21 = tpu.memref_squeeze %dma_wait3A_20 : memref<1x128xi32, #tpu.memory_space<vmem>> -> memref<128xi32, #tpu.memory_space<vmem>>
        %dma_wait3A_22 = arith.constant 0 : i32
        %dma_wait3A_23 = arith.constant 0 : i32
        %dma_wait3A_24 = tpu.memref_slice %arg3[%dma_wait3A_22, %dma_wait3A_23] : memref<10000x128xf32, #tpu.memory_space<hbm>> -> memref<10000x128xf32, #tpu.memory_space<hbm>>
        tpu.wait_indirect_dma semaphore(%run_scoped3A : memref<!tpu.dma_semaphore, #tpu.memory_space<semaphore_mem>>) src(%dma_wait3A_24 : memref<10000x128xf32, #tpu.memory_space<hbm>>) dst(%dma_wait3A_18 : memref<128x128xf32, #tpu.memory_space<vmem>>)
        tpu.yield
      }) : () -> ()
    }
    %scan3A_3 = arith.constant 4 : i32
    %mul3A = arith.constant 512 : i32
    %mul3A_4 = arith.muli %arg1, %mul3A : i32
    "tpu.region"() ({
      %run_scoped3A = tpu.sem_alloc : memref<!tpu.dma_semaphore, #tpu.memory_space<semaphore_mem>>
      %dma_start3A = arith.constant 0 : i32
      %dma_start3A_5 = tpu.memref_slice %arg4[%arg0, %mul3A_4, %dma_start3A] : memref<2x8192x128xf32, #tpu.memory_space<hbm>> -> memref<1x512x128xf32, #tpu.memory_space<hbm>>
      %dma_start3A_6 = tpu.memref_squeeze %dma_start3A_5 : memref<1x512x128xf32, #tpu.memory_space<hbm>> -> memref<512x128xf32, #tpu.memory_space<hbm>>
      %dma_start3A_7 = arith.constant 0 : i32
      %dma_start3A_8 = tpu.memref_slice %arg4[%arg0, %mul3A_4, %dma_start3A_7] : memref<2x8192x128xf32, #tpu.memory_space<hbm>> -> memref<1x512x128xf32, #tpu.memory_space<hbm>>
      %dma_start3A_9 = tpu.memref_squeeze %dma_start3A_8 : memref<1x512x128xf32, #tpu.memory_space<hbm>> -> memref<512x128xf32, #tpu.memory_space<hbm>>
      tpu.enqueue_dma source(%arg6 : memref<512x128xf32, #tpu.memory_space<vmem>>) target(%dma_start3A_9 : memref<512x128xf32, #tpu.memory_space<hbm>>) target_semaphore(%run_scoped3A : memref<!tpu.dma_semaphore, #tpu.memory_space<semaphore_mem>>)
      %dma_wait3A = arith.constant 0 : i32
      %dma_wait3A_10 = tpu.memref_slice %arg4[%arg0, %mul3A_4, %dma_wait3A] : memref<2x8192x128xf32, #tpu.memory_space<hbm>> -> memref<1x512x128xf32, #tpu.memory_space<hbm>>
      %dma_wait3A_11 = tpu.memref_squeeze %dma_wait3A_10 : memref<1x512x128xf32, #tpu.memory_space<hbm>> -> memref<512x128xf32, #tpu.memory_space<hbm>>
      %dma_wait3A_12 = arith.constant 0 : i32
      %dma_wait3A_13 = tpu.memref_slice %arg4[%arg0, %mul3A_4, %dma_wait3A_12] : memref<2x8192x128xf32, #tpu.memory_space<hbm>> -> memref<1x512x128xf32, #tpu.memory_space<hbm>>
      %dma_wait3A_14 = tpu.memref_squeeze %dma_wait3A_13 : memref<1x512x128xf32, #tpu.memory_space<hbm>> -> memref<512x128xf32, #tpu.memory_space<hbm>>
      tpu.wait_dma2 semaphore(%run_scoped3A : memref<!tpu.dma_semaphore, #tpu.memory_space<semaphore_mem>>) src(%arg6 : memref<512x128xf32, #tpu.memory_space<vmem>>) dst(%dma_wait3A_14 : memref<512x128xf32, #tpu.memory_space<hbm>>)
      tpu.yield
    }) : () -> ()
    return
  }
}

module attributes {stable_mosaic.version = 14 : i64} {
  func.func @body(%arg0: i32, %arg1: memref<2000x128xf32, #tpu.memory_space<vmem>>, %arg2: memref<128x256xf32, #tpu.memory_space<vmem>>, %arg3: memref<2000x256xf32, #tpu.memory_space<vmem>>) attributes {dimension_semantics = [#tpu.dimension_semantics<arbitrary>], iteration_bounds = array<i64: 5>, scalar_prefetch = 0 : i64, scratch_operands = 0 : i64, tpu.core_type = #tpu.core_type<tc>, window_params = [{transform_indices = @transform_0, window_bounds = array<i64: 2000, 128>}, {pipeline_mode = #tpu.pipeline_mode<synchronous>, transform_indices = @transform_1, window_bounds = array<i64: 128, 256>}, {transform_indices = @transform_2, window_bounds = array<i64: 2000, 256>}]} {
    %get3A = arith.constant 0 : index
    %get3A_0 = arith.constant 0 : index
    %get3A_1 = vector.load %arg1[%get3A, %get3A_0] : memref<2000x128xf32, #tpu.memory_space<vmem>>, vector<2000x128xf32>
    %get3A_2 = arith.constant 0 : index
    %get3A_3 = arith.constant 0 : index
    %get3A_4 = vector.load %arg2[%get3A_2, %get3A_3] : memref<128x256xf32, #tpu.memory_space<vmem>>, vector<128x256xf32>
    %dot_general3A = arith.constant dense<0.000000e+00> : vector<2000x256xf32>
    %dot_general3A_5 = tpu.matmul %get3A_1, %get3A_4, %dot_general3A {dimension_numbers = #tpu.dot_dimension_numbers<[1], [0], [0], [1], [0, 0, 1, 1], [], []>, transpose_lhs_hint = false} : vector<2000x128xf32>, vector<128x256xf32>, vector<2000x256xf32> -> vector<2000x256xf32>
    %swap3A = arith.constant 0 : index
    %swap3A_6 = arith.constant 0 : index
    %swap3A_7 = vector.load %arg3[%swap3A, %swap3A_6] : memref<2000x256xf32, #tpu.memory_space<vmem>>, vector<2000x256xf32>
    tpu.vector_store %arg3[%swap3A, %swap3A_6], %dot_general3A_5 {strides = array<i32>} : memref<2000x256xf32, #tpu.memory_space<vmem>>, vector<2000x256xf32>,
    return
  }
  func.func @transform_0(%arg0: i32) -> (i32, i32) {
    %c0_i32 = arith.constant 0 : i32
    %c0_i32_0 = arith.constant 0 : i32
    return %arg0, %c0_i32 : i32, i32
  }
  func.func @transform_1(%arg0: i32) -> (i32, i32) {
    %c0_i32 = arith.constant 0 : i32
    %c0_i32_0 = arith.constant 0 : i32
    %c0_i32_1 = arith.constant 0 : i32
    return %c0_i32, %c0_i32_0 : i32, i32
  }
  func.func @transform_2(%arg0: i32) -> (i32, i32) {
    %c0_i32 = arith.constant 0 : i32
    %c0_i32_0 = arith.constant 0 : i32
    return %arg0, %c0_i32 : i32, i32
  }
}

module attributes {stable_mosaic.version = 14 : i64} {
  func.func @body(%arg0: i32, %arg1: memref<2x2000x128xf32, #tpu.memory_space<vmem>>, %arg2: memref<2x2000x128xf32, #tpu.memory_space<vmem>>, %arg3: memref<2x1x128xf32, #tpu.memory_space<vmem>>, %arg4: memref<2000x256xf32, #tpu.memory_space<vmem>>) attributes {dimension_semantics = [#tpu.dimension_semantics<arbitrary>], iteration_bounds = array<i64: 5>, scalar_prefetch = 0 : i64, scratch_operands = 0 : i64, tpu.core_type = #tpu.core_type<tc>, window_params = [{transform_indices = @transform_0, window_bounds = array<i64: 2, 2000, 128>}, {transform_indices = @transform_1, window_bounds = array<i64: 2, 2000, 128>}, {pipeline_mode = #tpu.pipeline_mode<synchronous>, transform_indices = @transform_2, window_bounds = array<i64: 2, 1, 128>}, {transform_indices = @transform_3, window_bounds = array<i64: 2000, 256>}]} {
    %get3A = arith.constant 0 : index
    %get3A_0 = arith.constant 0 : index
    %get3A_1 = arith.constant 0 : index
    %get3A_2 = vector.load %arg1[%get3A, %get3A_0, %get3A_1] : memref<2x2000x128xf32, #tpu.memory_space<vmem>>, vector<1x2000x128xf32>
    %get3A_3 = vector.shape_cast %get3A_2 : vector<1x2000x128xf32> to vector<2000x128xf32>
    %get3A_4 = arith.constant 0 : index
    %get3A_5 = arith.constant 0 : index
    %get3A_6 = arith.constant 0 : index
    %get3A_7 = vector.load %arg2[%get3A_4, %get3A_5, %get3A_6] : memref<2x2000x128xf32, #tpu.memory_space<vmem>>, vector<1x2000x128xf32>
    %get3A_8 = vector.shape_cast %get3A_7 : vector<1x2000x128xf32> to vector<2000x128xf32>
    %add3A = arith.addf %get3A_3, %get3A_8 : vector<2000x128xf32>
    %get3A_9 = arith.constant 0 : index
    %get3A_10 = arith.constant 0 : index
    %get3A_11 = arith.constant 0 : index
    %get3A_12 = vector.load %arg3[%get3A_9, %get3A_10, %get3A_11] : memref<2x1x128xf32, #tpu.memory_space<vmem>>, vector<1x1x128xf32>
    %get3A_13 = vector.shape_cast %get3A_12 : vector<1x1x128xf32> to vector<1x128xf32>
    %add3A_14 = vector.broadcast %get3A_13 : vector<1x128xf32> to vector<2000x128xf32>
    %add3A_15 = arith.addf %add3A, %add3A_14 : vector<2000x128xf32>
    %get3A_16 = arith.constant 1 : index
    %get3A_17 = arith.constant 0 : index
    %get3A_18 = arith.constant 0 : index
    %get3A_19 = vector.load %arg1[%get3A_16, %get3A_17, %get3A_18] : memref<2x2000x128xf32, #tpu.memory_space<vmem>>, vector<1x2000x128xf32>
    %get3A_20 = vector.shape_cast %get3A_19 : vector<1x2000x128xf32> to vector<2000x128xf32>
    %get3A_21 = arith.constant 1 : index
    %get3A_22 = arith.constant 0 : index
    %get3A_23 = arith.constant 0 : index
    %get3A_24 = vector.load %arg2[%get3A_21, %get3A_22, %get3A_23] : memref<2x2000x128xf32, #tpu.memory_space<vmem>>, vector<1x2000x128xf32>
    %get3A_25 = vector.shape_cast %get3A_24 : vector<1x2000x128xf32> to vector<2000x128xf32>
    %add3A_26 = arith.addf %get3A_20, %get3A_25 : vector<2000x128xf32>
    %get3A_27 = arith.constant 1 : index
    %get3A_28 = arith.constant 0 : index
    %get3A_29 = arith.constant 0 : index
    %get3A_30 = vector.load %arg3[%get3A_27, %get3A_28, %get3A_29] : memref<2x1x128xf32, #tpu.memory_space<vmem>>, vector<1x1x128xf32>
    %get3A_31 = vector.shape_cast %get3A_30 : vector<1x1x128xf32> to vector<1x128xf32>
    %add3A_32 = vector.broadcast %get3A_31 : vector<1x128xf32> to vector<2000x128xf32>
    %add3A_33 = arith.addf %add3A_26, %add3A_32 : vector<2000x128xf32>
    %concatenate3A = tpu.concatenate %add3A_15, %add3A_33 in 1 : vector<2000x128xf32>, vector<2000x128xf32> -> vector<2000x256xf32>
    %max3A = arith.constant 0.000000e+00 : f32
    %max3A_34 = vector.broadcast %max3A : f32 to vector<2000x256xf32>
    %max3A_35 = arith.maximumf %concatenate3A, %max3A_34 : vector<2000x256xf32>
    %swap3A = arith.constant 0 : index
    %swap3A_36 = arith.constant 0 : index
    %swap3A_37 = vector.load %arg4[%swap3A, %swap3A_36] : memref<2000x256xf32, #tpu.memory_space<vmem>>, vector<2000x256xf32>
    tpu.vector_store %arg4[%swap3A, %swap3A_36], %max3A_35 {strides = array<i32>} : memref<2000x256xf32, #tpu.memory_space<vmem>>, vector<2000x256xf32>,
    return
  }
  func.func @transform_0(%arg0: i32) -> (i32, i32, i32) {
    %c0_i32 = arith.constant 0 : i32
    %c0_i32_0 = arith.constant 0 : i32
    %c0_i32_1 = arith.constant 0 : i32
    return %c0_i32, %arg0, %c0_i32_0 : i32, i32, i32
  }
  func.func @transform_1(%arg0: i32) -> (i32, i32, i32) {
    %c0_i32 = arith.constant 0 : i32
    %c0_i32_0 = arith.constant 0 : i32
    %c0_i32_1 = arith.constant 0 : i32
    return %c0_i32, %arg0, %c0_i32_0 : i32, i32, i32
  }
  func.func @transform_2(%arg0: i32) -> (i32, i32, i32) {
    %c0_i32 = arith.constant 0 : i32
    %c0_i32_0 = arith.constant 0 : i32
    %c0_i32_1 = arith.constant 0 : i32
    %c0_i32_2 = arith.constant 0 : i32
    return %c0_i32, %c0_i32_0, %c0_i32_1 : i32, i32, i32
  }
  func.func @transform_3(%arg0: i32) -> (i32, i32) {
    %c0_i32 = arith.constant 0 : i32
    %c0_i32_0 = arith.constant 0 : i32
    return %arg0, %c0_i32 : i32, i32
  }
}

module attributes {stable_mosaic.version = 14 : i64} {
  func.func @body(%arg0: i32, %arg1: memref<2000x256xf32, #tpu.memory_space<vmem>>, %arg2: memref<256x256xf32, #tpu.memory_space<vmem>>, %arg3: memref<2000x256xf32, #tpu.memory_space<vmem>>) attributes {dimension_semantics = [#tpu.dimension_semantics<arbitrary>], iteration_bounds = array<i64: 5>, scalar_prefetch = 0 : i64, scratch_operands = 0 : i64, tpu.core_type = #tpu.core_type<tc>, window_params = [{transform_indices = @transform_0, window_bounds = array<i64: 2000, 256>}, {pipeline_mode = #tpu.pipeline_mode<synchronous>, transform_indices = @transform_1, window_bounds = array<i64: 256, 256>}, {transform_indices = @transform_2, window_bounds = array<i64: 2000, 256>}]} {
    %get3A = arith.constant 0 : index
    %get3A_0 = arith.constant 0 : index
    %get3A_1 = vector.load %arg1[%get3A, %get3A_0] : memref<2000x256xf32, #tpu.memory_space<vmem>>, vector<2000x256xf32>
    %get3A_2 = arith.constant 0 : index
    %get3A_3 = arith.constant 0 : index
    %get3A_4 = vector.load %arg2[%get3A_2, %get3A_3] : memref<256x256xf32, #tpu.memory_space<vmem>>, vector<256x256xf32>
    %dot_general3A = arith.constant dense<0.000000e+00> : vector<2000x256xf32>
    %dot_general3A_5 = tpu.matmul %get3A_1, %get3A_4, %dot_general3A {dimension_numbers = #tpu.dot_dimension_numbers<[1], [0], [0], [1], [0, 0, 1, 1], [], []>, transpose_lhs_hint = false} : vector<2000x256xf32>, vector<256x256xf32>, vector<2000x256xf32> -> vector<2000x256xf32>
    %swap3A = arith.constant 0 : index
    %swap3A_6 = arith.constant 0 : index
    %swap3A_7 = vector.load %arg3[%swap3A, %swap3A_6] : memref<2000x256xf32, #tpu.memory_space<vmem>>, vector<2000x256xf32>
    tpu.vector_store %arg3[%swap3A, %swap3A_6], %dot_general3A_5 {strides = array<i32>} : memref<2000x256xf32, #tpu.memory_space<vmem>>, vector<2000x256xf32>,
    return
  }
  func.func @transform_0(%arg0: i32) -> (i32, i32) {
    %c0_i32 = arith.constant 0 : i32
    %c0_i32_0 = arith.constant 0 : i32
    return %arg0, %c0_i32 : i32, i32
  }
  func.func @transform_1(%arg0: i32) -> (i32, i32) {
    %c0_i32 = arith.constant 0 : i32
    %c0_i32_0 = arith.constant 0 : i32
    %c0_i32_1 = arith.constant 0 : i32
    return %c0_i32, %c0_i32_0 : i32, i32
  }
  func.func @transform_2(%arg0: i32) -> (i32, i32) {
    %c0_i32 = arith.constant 0 : i32
    %c0_i32_0 = arith.constant 0 : i32
    return %arg0, %c0_i32 : i32, i32
  }
}

module attributes {stable_mosaic.version = 14 : i64} {
  func.func @body(%arg0: i32, %arg1: memref<2000x256xf32, #tpu.memory_space<vmem>>, %arg2: memref<256x128xf32, #tpu.memory_space<vmem>>, %arg3: memref<2000x128xf32, #tpu.memory_space<vmem>>) attributes {dimension_semantics = [#tpu.dimension_semantics<arbitrary>], iteration_bounds = array<i64: 5>, scalar_prefetch = 0 : i64, scratch_operands = 0 : i64, tpu.core_type = #tpu.core_type<tc>, window_params = [{transform_indices = @transform_0, window_bounds = array<i64: 2000, 256>}, {pipeline_mode = #tpu.pipeline_mode<synchronous>, transform_indices = @transform_1, window_bounds = array<i64: 256, 128>}, {transform_indices = @transform_2, window_bounds = array<i64: 2000, 128>}]} {
    %get3A = arith.constant 0 : index
    %get3A_0 = arith.constant 0 : index
    %get3A_1 = vector.load %arg1[%get3A, %get3A_0] : memref<2000x256xf32, #tpu.memory_space<vmem>>, vector<2000x256xf32>
    %get3A_2 = arith.constant 0 : index
    %get3A_3 = arith.constant 0 : index
    %get3A_4 = vector.load %arg2[%get3A_2, %get3A_3] : memref<256x128xf32, #tpu.memory_space<vmem>>, vector<256x128xf32>
    %dot_general3A = arith.constant dense<0.000000e+00> : vector<2000x128xf32>
    %dot_general3A_5 = tpu.matmul %get3A_1, %get3A_4, %dot_general3A {dimension_numbers = #tpu.dot_dimension_numbers<[1], [0], [0], [1], [0, 0, 1, 1], [], []>, transpose_lhs_hint = false} : vector<2000x256xf32>, vector<256x128xf32>, vector<2000x128xf32> -> vector<2000x128xf32>
    %swap3A = arith.constant 0 : index
    %swap3A_6 = arith.constant 0 : index
    %swap3A_7 = vector.load %arg3[%swap3A, %swap3A_6] : memref<2000x128xf32, #tpu.memory_space<vmem>>, vector<2000x128xf32>
    tpu.vector_store %arg3[%swap3A, %swap3A_6], %dot_general3A_5 {strides = array<i32>} : memref<2000x128xf32, #tpu.memory_space<vmem>>, vector<2000x128xf32>,
    return
  }
  func.func @transform_0(%arg0: i32) -> (i32, i32) {
    %c0_i32 = arith.constant 0 : i32
    %c0_i32_0 = arith.constant 0 : i32
    return %arg0, %c0_i32 : i32, i32
  }
  func.func @transform_1(%arg0: i32) -> (i32, i32) {
    %c0_i32 = arith.constant 0 : i32
    %c0_i32_0 = arith.constant 0 : i32
    %c0_i32_1 = arith.constant 0 : i32
    return %c0_i32, %c0_i32_0 : i32, i32
  }
  func.func @transform_2(%arg0: i32) -> (i32, i32) {
    %c0_i32 = arith.constant 0 : i32
    %c0_i32_0 = arith.constant 0 : i32
    return %arg0, %c0_i32 : i32, i32
  }
}

module attributes {stable_mosaic.version = 14 : i64} {
  func.func @body(%arg0: i32, %arg1: memref<2x2000x128xf32, #tpu.memory_space<vmem>>, %arg2: memref<2x2000x128xf32, #tpu.memory_space<vmem>>, %arg3: memref<1x128xf32, #tpu.memory_space<vmem>>, %arg4: memref<2000x128xf32, #tpu.memory_space<vmem>>) attributes {dimension_semantics = [#tpu.dimension_semantics<arbitrary>], iteration_bounds = array<i64: 5>, scalar_prefetch = 0 : i64, scratch_operands = 0 : i64, tpu.core_type = #tpu.core_type<tc>, window_params = [{transform_indices = @transform_0, window_bounds = array<i64: 2, 2000, 128>}, {transform_indices = @transform_1, window_bounds = array<i64: 2, 2000, 128>}, {pipeline_mode = #tpu.pipeline_mode<synchronous>, transform_indices = @transform_2, window_bounds = array<i64: 1, 128>}, {transform_indices = @transform_3, window_bounds = array<i64: 2000, 128>}]} {
    %get3A = arith.constant 0 : index
    %get3A_0 = arith.constant 0 : index
    %get3A_1 = arith.constant 0 : index
    %get3A_2 = vector.load %arg1[%get3A, %get3A_0, %get3A_1] : memref<2x2000x128xf32, #tpu.memory_space<vmem>>, vector<1x2000x128xf32>
    %get3A_3 = vector.shape_cast %get3A_2 : vector<1x2000x128xf32> to vector<2000x128xf32>
    %get3A_4 = arith.constant 1 : index
    %get3A_5 = arith.constant 0 : index
    %get3A_6 = arith.constant 0 : index
    %get3A_7 = vector.load %arg1[%get3A_4, %get3A_5, %get3A_6] : memref<2x2000x128xf32, #tpu.memory_space<vmem>>, vector<1x2000x128xf32>
    %get3A_8 = vector.shape_cast %get3A_7 : vector<1x2000x128xf32> to vector<2000x128xf32>
    %add3A = arith.addf %get3A_3, %get3A_8 : vector<2000x128xf32>
    %get3A_9 = arith.constant 0 : index
    %get3A_10 = arith.constant 0 : index
    %get3A_11 = arith.constant 0 : index
    %get3A_12 = vector.load %arg2[%get3A_9, %get3A_10, %get3A_11] : memref<2x2000x128xf32, #tpu.memory_space<vmem>>, vector<1x2000x128xf32>
    %get3A_13 = vector.shape_cast %get3A_12 : vector<1x2000x128xf32> to vector<2000x128xf32>
    %add3A_14 = arith.addf %add3A, %get3A_13 : vector<2000x128xf32>
    %get3A_15 = arith.constant 1 : index
    %get3A_16 = arith.constant 0 : index
    %get3A_17 = arith.constant 0 : index
    %get3A_18 = vector.load %arg2[%get3A_15, %get3A_16, %get3A_17] : memref<2x2000x128xf32, #tpu.memory_space<vmem>>, vector<1x2000x128xf32>
    %get3A_19 = vector.shape_cast %get3A_18 : vector<1x2000x128xf32> to vector<2000x128xf32>
    %add3A_20 = arith.addf %add3A_14, %get3A_19 : vector<2000x128xf32>
    %get3A_21 = arith.constant 0 : index
    %get3A_22 = arith.constant 0 : index
    %get3A_23 = vector.load %arg3[%get3A_21, %get3A_22] : memref<1x128xf32, #tpu.memory_space<vmem>>, vector<1x128xf32>
    %add3A_24 = vector.broadcast %get3A_23 : vector<1x128xf32> to vector<2000x128xf32>
    %add3A_25 = arith.addf %add3A_20, %add3A_24 : vector<2000x128xf32>
    %swap3A = arith.constant 0 : index
    %swap3A_26 = arith.constant 0 : index
    %swap3A_27 = vector.load %arg4[%swap3A, %swap3A_26] : memref<2000x128xf32, #tpu.memory_space<vmem>>, vector<2000x128xf32>
    tpu.vector_store %arg4[%swap3A, %swap3A_26], %add3A_25 {strides = array<i32>} : memref<2000x128xf32, #tpu.memory_space<vmem>>, vector<2000x128xf32>,
    return
  }
  func.func @transform_0(%arg0: i32) -> (i32, i32, i32) {
    %c0_i32 = arith.constant 0 : i32
    %c0_i32_0 = arith.constant 0 : i32
    %c0_i32_1 = arith.constant 0 : i32
    return %c0_i32, %arg0, %c0_i32_0 : i32, i32, i32
  }
  func.func @transform_1(%arg0: i32) -> (i32, i32, i32) {
    %c0_i32 = arith.constant 0 : i32
    %c0_i32_0 = arith.constant 0 : i32
    %c0_i32_1 = arith.constant 0 : i32
    return %c0_i32, %arg0, %c0_i32_0 : i32, i32, i32
  }
  func.func @transform_2(%arg0: i32) -> (i32, i32) {
    %c0_i32 = arith.constant 0 : i32
    %c0_i32_0 = arith.constant 0 : i32
    %c0_i32_1 = arith.constant 0 : i32
    return %c0_i32, %c0_i32_0 : i32, i32
  }
  func.func @transform_3(%arg0: i32) -> (i32, i32) {
    %c0_i32 = arith.constant 0 : i32
    %c0_i32_0 = arith.constant 0 : i32
    return %arg0, %c0_i32 : i32, i32
  }
}

module attributes {stable_mosaic.version = 14 : i64} {
  func.func @body(%arg0: i32, %arg1: memref<2x2048x128xf32, #tpu.memory_space<vmem>>, %arg2: memref<128x256xf32, #tpu.memory_space<vmem>>, %arg3: memref<128x256xf32, #tpu.memory_space<vmem>>, %arg4: memref<1x256xf32, #tpu.memory_space<vmem>>, %arg5: memref<256x1xf32, #tpu.memory_space<vmem>>, %arg6: memref<1x1xf32, #tpu.memory_space<vmem>>, %arg7: memref<2048x1xf32, #tpu.memory_space<vmem>>) attributes {dimension_semantics = [#tpu.dimension_semantics<arbitrary>], iteration_bounds = array<i64: 4>, scalar_prefetch = 0 : i64, scratch_operands = 0 : i64, tpu.core_type = #tpu.core_type<tc>, window_params = [{transform_indices = @transform_0, window_bounds = array<i64: 2, 2048, 128>}, {pipeline_mode = #tpu.pipeline_mode<synchronous>, transform_indices = @transform_1, window_bounds = array<i64: 128, 256>}, {pipeline_mode = #tpu.pipeline_mode<synchronous>, transform_indices = @transform_2, window_bounds = array<i64: 128, 256>}, {pipeline_mode = #tpu.pipeline_mode<synchronous>, transform_indices = @transform_3, window_bounds = array<i64: 1, 256>}, {pipeline_mode = #tpu.pipeline_mode<synchronous>, transform_indices = @transform_4, window_bounds = array<i64: 256, 1>}, {pipeline_mode = #tpu.pipeline_mode<synchronous>, transform_indices = @transform_5, window_bounds = array<i64: 1, 1>}, {transform_indices = @transform_6, window_bounds = array<i64: 2048, 1>}]} {
    %get3A = arith.constant 0 : index
    %get3A_0 = arith.constant 0 : index
    %get3A_1 = arith.constant 0 : index
    %get3A_2 = vector.load %arg1[%get3A, %get3A_0, %get3A_1] : memref<2x2048x128xf32, #tpu.memory_space<vmem>>, vector<1x2048x128xf32>
    %get3A_3 = vector.shape_cast %get3A_2 : vector<1x2048x128xf32> to vector<2048x128xf32>
    %get3A_4 = arith.constant 0 : index
    %get3A_5 = arith.constant 0 : index
    %get3A_6 = vector.load %arg2[%get3A_4, %get3A_5] : memref<128x256xf32, #tpu.memory_space<vmem>>, vector<128x256xf32>
    %dot_general3A = arith.constant dense<0.000000e+00> : vector<2048x256xf32>
    %dot_general3A_7 = tpu.matmul %get3A_3, %get3A_6, %dot_general3A {dimension_numbers = #tpu.dot_dimension_numbers<[1], [0], [0], [1], [0, 0, 1, 1], [], []>, transpose_lhs_hint = false} : vector<2048x128xf32>, vector<128x256xf32>, vector<2048x256xf32> -> vector<2048x256xf32>
    %get3A_8 = arith.constant 1 : index
    %get3A_9 = arith.constant 0 : index
    %get3A_10 = arith.constant 0 : index
    %get3A_11 = vector.load %arg1[%get3A_8, %get3A_9, %get3A_10] : memref<2x2048x128xf32, #tpu.memory_space<vmem>>, vector<1x2048x128xf32>
    %get3A_12 = vector.shape_cast %get3A_11 : vector<1x2048x128xf32> to vector<2048x128xf32>
    %get3A_13 = arith.constant 0 : index
    %get3A_14 = arith.constant 0 : index
    %get3A_15 = vector.load %arg3[%get3A_13, %get3A_14] : memref<128x256xf32, #tpu.memory_space<vmem>>, vector<128x256xf32>
    %dot_general3A_16 = arith.constant dense<0.000000e+00> : vector<2048x256xf32>
    %dot_general3A_17 = tpu.matmul %get3A_12, %get3A_15, %dot_general3A_16 {dimension_numbers = #tpu.dot_dimension_numbers<[1], [0], [0], [1], [0, 0, 1, 1], [], []>, transpose_lhs_hint = false} : vector<2048x128xf32>, vector<128x256xf32>, vector<2048x256xf32> -> vector<2048x256xf32>
    %add3A = arith.addf %dot_general3A_7, %dot_general3A_17 : vector<2048x256xf32>
    %get3A_18 = arith.constant 0 : index
    %get3A_19 = arith.constant 0 : index
    %get3A_20 = vector.load %arg4[%get3A_18, %get3A_19] : memref<1x256xf32, #tpu.memory_space<vmem>>, vector<1x256xf32>
    %add3A_21 = vector.broadcast %get3A_20 : vector<1x256xf32> to vector<2048x256xf32>
    %add3A_22 = arith.addf %add3A, %add3A_21 : vector<2048x256xf32>
    %get3A_23 = arith.constant 0 : index
    %get3A_24 = arith.constant 0 : index
    %get3A_25 = vector.load %arg5[%get3A_23, %get3A_24] : memref<256x1xf32, #tpu.memory_space<vmem>>, vector<256x1xf32>
    %dot_general3A_26 = arith.constant dense<0.000000e+00> : vector<2048x1xf32>
    %dot_general3A_27 = tpu.matmul %add3A_22, %get3A_25, %dot_general3A_26 {dimension_numbers = #tpu.dot_dimension_numbers<[1], [0], [0], [1], [0, 0, 1, 1], [], []>, transpose_lhs_hint = false} : vector<2048x256xf32>, vector<256x1xf32>, vector<2048x1xf32> -> vector<2048x1xf32>
    %get3A_28 = arith.constant 0 : index
    %get3A_29 = arith.constant 0 : index
    %get3A_30 = vector.load %arg6[%get3A_28, %get3A_29] : memref<1x1xf32, #tpu.memory_space<vmem>>, vector<1x1xf32>
    %add3A_31 = vector.broadcast %get3A_30 : vector<1x1xf32> to vector<2048x1xf32>
    %add3A_32 = arith.addf %dot_general3A_27, %add3A_31 : vector<2048x1xf32>
    %swap3A = arith.constant 0 : index
    %swap3A_33 = arith.constant 0 : index
    %swap3A_34 = vector.load %arg7[%swap3A, %swap3A_33] : memref<2048x1xf32, #tpu.memory_space<vmem>>, vector<2048x1xf32>
    tpu.vector_store %arg7[%swap3A, %swap3A_33], %add3A_32 {strides = array<i32>} : memref<2048x1xf32, #tpu.memory_space<vmem>>, vector<2048x1xf32>,
    return
  }
  func.func @transform_0(%arg0: i32) -> (i32, i32, i32) {
    %c0_i32 = arith.constant 0 : i32
    %c0_i32_0 = arith.constant 0 : i32
    %c0_i32_1 = arith.constant 0 : i32
    return %c0_i32, %arg0, %c0_i32_0 : i32, i32, i32
  }
  func.func @transform_1(%arg0: i32) -> (i32, i32) {
    %c0_i32 = arith.constant 0 : i32
    %c0_i32_0 = arith.constant 0 : i32
    %c0_i32_1 = arith.constant 0 : i32
    return %c0_i32, %c0_i32_0 : i32, i32
  }
  func.func @transform_2(%arg0: i32) -> (i32, i32) {
    %c0_i32 = arith.constant 0 : i32
    %c0_i32_0 = arith.constant 0 : i32
    %c0_i32_1 = arith.constant 0 : i32
    return %c0_i32, %c0_i32_0 : i32, i32
  }
  func.func @transform_3(%arg0: i32) -> (i32, i32) {
    %c0_i32 = arith.constant 0 : i32
    %c0_i32_0 = arith.constant 0 : i32
    %c0_i32_1 = arith.constant 0 : i32
    return %c0_i32, %c0_i32_0 : i32, i32
  }
  func.func @transform_4(%arg0: i32) -> (i32, i32) {
    %c0_i32 = arith.constant 0 : i32
    %c0_i32_0 = arith.constant 0 : i32
    %c0_i32_1 = arith.constant 0 : i32
    return %c0_i32, %c0_i32_0 : i32, i32
  }
  func.func @transform_5(%arg0: i32) -> (i32, i32) {
    %c0_i32 = arith.constant 0 : i32
    %c0_i32_0 = arith.constant 0 : i32
    %c0_i32_1 = arith.constant 0 : i32
    return %c0_i32, %c0_i32_0 : i32, i32
  }
  func.func @transform_6(%arg0: i32) -> (i32, i32) {
    %c0_i32 = arith.constant 0 : i32
    %c0_i32_0 = arith.constant 0 : i32
    return %arg0, %c0_i32 : i32, i32
  }
}

</mosaic_0001>

<sc_bundles>
// kernel: kernel.19.cloned.1.call-start
scs
__scs_entry_jumppad:
0x0: {  	(pc) =	sbr.rel $0x88, $3  }
0x1: {  	(tag) =	ssettag $0x0;
	lr =	simm.s32 $0x1  }
0x2: {  	[smem:$0x3F8D] =	sst lr;
	_ =	strace $0xD0000000  }
0x3: {  	_ = 	snop  }
0x4: {  	_ = 	snop  }
0x5: {  	_ = 	snop  }
0x6: {  	_ = 	snop  }
0x7: {  	_ = 	snop  }
__scs_overlays_trampoline_lowered:
0x8: {  	[smem:$0x3F9C] =	sst s0  }
0x9: {  	[smem:$0x3F9D] =	sst s1  }
0xa: {  	[smem:$0x3F9E] =	sst s2  }
0xb: {  	[smem:$0x3F9F] =	sst s3  }
0xc: {  	[smem:$0x3FA0] =	sst s4  }
0xd: {  	[smem:$0x3FA1] =	sst s5  }
0xe: {  	[smem:$0x3FA2] =	sst s6  }
0xf: {  	[smem:$0x3FA3] =	sst s7  }
0x10: {  	[smem:$0x3FA4] =	sst s8  }
0x11: {  	[smem:$0x3FA5] =	sst s9;
	s0 =	simm.s32 @!p0 $0x0  }
0x12: {  	s1 =	sld [smem:$0x3F8B];
	s0 =	simm.s32 @p0 $0x1  }
0x13: {  	[smem:$0x3FA6] =	sst s0;
	s0 =	simm.s32 @!p1 $0x0  }
0x14: {  	s2 =	sld [smem:$0x3F8A];
	s0 =	simm.s32 @p1 $0x1  }
0x15: {  	[smem:$0x3FA7] =	sst s0;
	s0 =	simm.s32 @!p2 $0x0  }
0x16: {  	s3 =	sld [smem:$0x3FDB];
	s0 =	simm.s32 @p2 $0x1  }
0x17: {  	s4 =	simm.s32 $0x1BF5;
	[smem:$0x3FA9] =	sst s0  }
0x18: {  	s0 =	sld [smem:$0x3F8C];
	_ =	swait.ge [sflag:s4], $0x0  }
0x19: {  	s7 =	sld [smem:$0x3F8D]  }
0x1a: {  	s8 =	sadd.s32 $0xFFFFE003, lr  }
0x1b: {  	s9 =	sadd.s32 $0xFFFFFEF7, lr;
	s5 =	simm.s32 $0xFFFFFFFF;
	p2 =	slt.u32 s8, $0xFFFFF086  }
0x1c: {  	p1 =	slt.u32 s9, $0xF7A;
	s5 =	simm.s32 @!p2 $0x0  }
0x1d: {  	s5 =	simm.s32 @p1 $0x1;
	p0 =	seq.s32 s7, s2  }
0x1e: {  	s7 =	smul.u32 @!p0 $0xF7A, s2;
	p2 =	seq.s32 @!p0 s5, $0x0  }
0x1f: {  	s9 =	smul.u32 $0xF7A, s1;
	s8 =	simm.s32 @!p0 $0x1BF5;
	p2 =	por !p2, p0  }
0x20: {  	[sflag:s8] =	ssyncset.s32 @!p0 $0xFFFFF086;
	s6 =	sadd.s32 @!p0 s3, s7;
	s7 =	simm.s32 @!p0 $0x108  }
0x21: {  	s3 =	sadd.s32 s3, s9;
	s6 =	sadd.s32 @!p0 $0x88, s6;
	s7 =	simm.s32 @p2 $0x1082  }
0x22: {  	[simem:s7], [sflag:s8] =	dma.local @!p0 [hbm:s6], $0xF7A  }
0x23: {  	s9 =	sor.u32 $0xD0000000, s2;
	s6 =	simm.s32 $0x108;
	_ =	swait.ge @!p0 [sflag:s8], $0x0  }
0x24: {  	s3 =	sadd.s32 $0x88, s3;
	s6 =	simm.s32 @!p1 $0x1082;
	[sflag:s4] =	ssyncset.s32 $0xFFFFF086  }
0x25: {  	[simem:s6], [sflag:s4] =	dma.local [hbm:s3], $0xF7A  }
0x26: {  	[smem:$0x3F8D] =	sst s1;
	(tag) =	ssettag s2;
	_ =	strace s9  }
0x27: {  	s1 =	sld [smem:$0x3F9D]  }
0x28: {  	s2 =	sld [smem:$0x3F9E]  }
0x29: {  	s4 =	sld [smem:$0x3FA0]  }
0x2a: {  	p0 =	seq.s32 s5, $0x0;
	s5 =	sld [smem:$0x3FA1]  }
0x2b: {  	s6 =	sld [smem:$0x3FA2]  }
0x2c: {  	s7 =	sld [smem:$0x3FA3]  }
0x2d: {  	s3 =	simm.s32 $0x108;
	s8 =	sld [smem:$0x3FA4]  }
0x2e: {  	s3 =	simm.s32 @!p0 $0x1082;
	s9 =	sld [smem:$0x3FA5]  }
0x2f: {  	lr =	sadd.s32 s0, s3;
	s0 =	sld [smem:$0x3F9C]  }
0x30: {  	s3 =	sld [smem:$0x3F9F]  }
0x31: {  	[smem:$0x3FA8] =	sst s10  }
0x32: {  	s10 =	sld [smem:$0x3FA6];
	_ =	sdelay $0x3  }
0x33: {  	p0 =	seq.s32 s10, $0x1;
	s10 =	sld [smem:$0x3FA8];
	_ =	sdelay $0x3  }
0x34: {  	[smem:$0x3FA8] =	sst s10  }
0x35: {  	s10 =	sld [smem:$0x3FA7];
	_ =	sdelay $0x3  }
0x36: {  	p1 =	seq.s32 s10, $0x1;
	s10 =	sld [smem:$0x3FA8];
	_ =	sdelay $0x3  }
0x37: {  	[smem:$0x3FA8] =	sst s10  }
0x38: {  	s10 =	sld [smem:$0x3FA9]  }
0x39: {  	_ = 	snop;
	(pc) =	sbr.ind lr, $3  }
0x3a: {  	_ = 	snop  }
0x3b: {  	_ = 	snop  }
0x3c: {  	p2 =	seq.s32 s10, $0x1;
	s10 =	sld [smem:$0x3FA8]  }
0x3d: {  	_ =	shalt  }
0x3e: {  	_ =	shalt  }
0x3f: {  	_ =	shalt  }
0x40: {  	_ =	shalt  }
0x41: {  	_ =	shalt  }
0x42: {  	_ =	shalt  }
0x43: {  	_ =	shalt  }
0x44: {  	_ =	shalt  }
0x45: {  	_ =	shalt  }
0x46: {  	_ =	shalt  }
0x47: {  	_ =	shalt  }
0x48: {  	_ =	shalt  }
0x49: {  	_ =	shalt  }
0x4a: {  	_ =	shalt  }
0x4b: {  	_ =	shalt  }
0x4c: {  	_ =	shalt  }
0x4d: {  	_ =	shalt  }
0x4e: {  	_ =	shalt  }
0x4f: {  	_ =	shalt  }
0x50: {  	_ =	shalt  }
0x51: {  	_ =	shalt  }
0x52: {  	_ =	shalt  }
0x53: {  	_ =	shalt  }
0x54: {  	_ =	shalt  }
0x55: {  	_ =	shalt  }
0x56: {  	_ =	shalt  }
0x57: {  	_ =	shalt  }
0x58: {  	_ =	shalt  }
0x59: {  	_ =	shalt  }
0x5a: {  	_ =	shalt  }
0x5b: {  	_ =	shalt  }
0x5c: {  	_ =	shalt  }
0x5d: {  	_ =	shalt  }
0x5e: {  	_ =	shalt  }
0x5f: {  	_ =	shalt  }
0x60: {  	_ =	shalt  }
0x61: {  	_ =	shalt  }
0x62: {  	_ =	shalt  }
0x63: {  	_ =	shalt  }
0x64: {  	_ =	shalt  }
0x65: {  	_ =	shalt  }
0x66: {  	_ =	shalt  }
0x67: {  	_ =	shalt  }
0x68: {  	_ =	shalt  }
0x69: {  	_ =	shalt  }
0x6a: {  	_ =	shalt  }
0x6b: {  	_ =	shalt  }
0x6c: {  	_ =	shalt  }
0x6d: {  	_ =	shalt  }
0x6e: {  	_ =	shalt  }
0x6f: {  	_ =	shalt  }
0x70: {  	_ =	shalt  }
0x71: {  	_ =	shalt  }
0x72: {  	_ =	shalt  }
0x73: {  	_ =	shalt  }
0x74: {  	_ =	shalt  }
0x75: {  	_ =	shalt  }
0x76: {  	_ =	shalt  }
0x77: {  	_ =	shalt  }
0x78: {  	_ =	shalt  }
0x79: {  	_ =	shalt  }
0x7a: {  	_ =	shalt  }
0x7b: {  	_ =	shalt  }
0x7c: {  	_ =	shalt  }
0x7d: {  	_ =	shalt  }
0x7e: {  	_ =	shalt  }
0x7f: {  	_ =	shalt  }
0x80: {  	_ =	shalt  }
0x81: {  	_ =	shalt  }
0x82: {  	_ =	shalt  }
0x83: {  	_ =	shalt  }
0x84: {  	_ =	shalt  }
0x85: {  	_ =	shalt  }
0x86: {  	_ =	shalt  }
0x87: {  	_ =	shalt  }
.Lfunc_end0:
.L_simem_size_0:
called_computation_lowered:
.L_overlay_start_0:
0x88: {  	s2 =	sld [smem:$0x3FD9]  }
0x89: {  	s3 =	sld [smem:$0x3FFE];
	_ =	sdelay $0x1  }
0x8a: {  	s1 =	srdreg.scid  }
0x8b: {  	s0 =	sand.u32 $0x1, s1  }
0x8c: {  	s16 =	sshll.u32 s0, $0xA;
	s2 =	sadd.s32 s3, s2  }
0x8d: {  	s2 =	sadd.s32 s2, s16  }
0x8e: {  	[smem:$0x3FB4] =	sst s2  }
0x8f: {  	_ = 	snop  }
0x90: {  	(tm) =	ssettm $0x1  }
0x91: {  	s17 =	sld [smem:$0x3FFB];
	_ =	sdelay $0x3  }
0x92: {  	_ =	strace s17  }
0x93: {  	s2 =	sld [smem:$0x3FFC];
	_ =	sdelay $0x3  }
0x94: {  	_ =	strace s2  }
0x95: {  	s2 =	sld [smem:$0x3FFD];
	_ =	sdelay $0x3  }
0x96: {  	_ =	strace s2  }
0x97: {  	_ =	strace $0x8FFFFFFF  }
0x98: {  	s18 =	sld [smem:$0x3FDB];
	_ =	sdelay $0x1  }
0x99: {  	s19 =	simm.s32 $_scs_section_size  }
0x9a: {  	s4 =	simm.s32 $_size__tile_overlayer_lowered;
	s5 =	simm.s32 $_tile_overlayer_lowered  }
0x9b: {  	s22 =	simm.s32 $0x1BFF;
	s21 =	sshll.u32 s5, $0x1;
	s2 =	sadd.s32 s19, s18  }
0x9c: {  	s6 =	simm.s32 $0x0;
	s20 =	sshll.u32 s4, $0x1;
	s4 =	sadd.s32 s21, s2  }
0x9d: {  	[timem:s6], [sflag:s22] =	dma.local [hbm:s4], s20  }
0x9e: {  	_ =	swait.ge [sflag:s22], s20  }
0x9f: {  	s3 =	ssub.s32 $0x0, s20;
	[sflag:s22] =	ssyncset.done $0x0  }
0xa0: {  	[sflag:s22] =	ssyncadd.s32 s3;
	_ =	sdelay $0x1  }
0xa1: {  	s23 =	simm.s32 $0x1B8B  }
0xa2: {  	_ =	swait.ge [sflag:s23], $0x1  }
0xa3: {  	[sflag:s23] =	ssyncset.done $0x0  }
0xa4: {  	s25 =	simm.s32 $0x1B8E;
	s24 =	sld [smem:$0x3FFE];
	[sflag:s23] =	ssyncadd.s32 $0xFFFFFFFF  }
0xa5: {  	s26 =	simm.s32 $execute0_lowered;
	[smem:$0x3FD2] =	sst s25  }
0xa6: {  	s4 =	sshll.u32 s26, $0x1;
	_ =	strace $0x80000046;
	[dreg:$0x1] =	wrdreg $0xFFFFFFFF  }
0xa7: {  	s28 =	simm.s32 $_size_execute0_lowered;
	s2 =	sadd.s32 s2, s4;
	[dreg:$0x0] =	wrdreg $0x0  }
0xa8: {  	s4 =	sshll.u32 s28, $0x1;
	[dreg:$0x2] =	wrdreg s2  }
0xa9: {  	[dreg:$0x3] =	wrdreg s4  }
0xaa: {  	[dreg:$0x4] =	wrdreg $0xC0  }
0xab: {  	_ =	task [dreg:s6], $0x5FFFF  }
0xac: {  	[dreg:$0x1] =	wrdreg $0xFFFFFFFF  }
0xad: {  	[dreg:$0x0] =	wrdreg $0x60  }
0xae: {  	[dreg:$0x2] =	wrdreg s24  }
0xaf: {  	[dreg:$0x3] =	wrdreg $0xA8000  }
0xb0: {  	[dreg:$0x4] =	wrdreg $0xA  }
0xb1: {  	_ =	task.clear_ibuf [dreg:s6], $0x5FFFF;
	_ =	strace $0x90000046  }
0xb2: {  	s29 =	simm.s32 $0xA;
	_ =	strace $0x80000048  }
0xb3: {  	_ =	swait.ge [sflag:s29], $0x1  }
0xb4: {  	[sflag:s29] =	ssyncadd.s32 $0xFFFFFFFF  }
0xb5: {  	_ =	strace $0x90000048  }
0xb6: {  	_ =	sfence  }
0xb7: {  	s30 =	sld [smem:$0x0];
	_ =	sdelay $0x2  }
0xb8: {  	s31 =	sshll.u32 s1, $0xD;
	s1 =	sshrl.u32 s1, $0x2  }
0xb9: {  	s3 =	sand.u32 $0x4000, s31;
	s1 =	sadd.s32 s1, s30  }
0xba: {  	s0 =	sor.u32 s3, s0;
	s1 =	sshll.u32 s1, $0x11  }
0xbb: {  	s0 =	sor.u32 s1, s0  }
0xbc: {  	s0 =	sadd.s32 $0x8F2B, s0  }
0xbd: {  	[sflag:s0] =	ssyncadd.remote.s32 $0x1  }
0xbe: {  	_ =	sfence.sel $0xFFFF  }
0xbf: {  	[dreg:$0x0] =	wrdreg $0xFFFFFFFF;
	(pc) =	sbr.abs _section_cstart, $3  }
0xc0: {  	[dreg:$0x1] =	wrdreg $0xFFFFFFFF  }
0xc1: {  	_ =	task.clear_ibuf [dreg:s6], $0x2FFFF;
	_ =	strace $0x9FFFFFFF  }
0xc2: {  	(tm) =	ssettm $0x7FFFFFFF  }
0xc3: {  	_ =	shalt  }
tec
execute0_lowered:
.L_overlay_start_1:
0x0: {  	(tag) =	ssettag $0x1  }
0x1: {  	s7 =	rddreg [dreg:$0x0]  }
0x2: {  	s1 =	rddreg [dreg:$0x1]  }
0x3: {  	s0 =	rddreg [dreg:$0x2];
	s2 =	simm.s32 $0x0;
	s8 =	srdreg.scid  }
0x4: {  	s22 =	stileid.u32;
	s16 =	simm.s32 $0x2800;
	s17 =	simm.s32 $0x6800  }
0x5: {  	s18 =	simm.s32 $0x1;
	s19 =	simm.s32 $0x2;
	s20 =	simm.s32 $0x1380  }
0x6: {  	s21 =	simm.s32 $0x2700;
	[smem:$0x7FF] =	sst s2;
	s3 =	sadd.s32 $0x53400, s7  }
0x7: {  	s4 =	sadd.s32 $0x5D400, s7;
	s5 =	sadd.s32 $0x67400, s7;
	s28 =	smul.u32 $0x4F000, s22  }
0x8: {  	s6 =	sadd.s32 $0x5200, s7;
	s23 =	sand.u32 $0x1, s8;
	s12 =	smul.u32 $0x13800, s22  }
0x9: {  	s10 =	sadd.s32 $0x69C00, s7;
	s30 =	sshll.u32 s22, $0x6;
	s14 =	smul.u32 $0x4E000, s22  }
0xa: {  	s25 =	sadd.s32 $0x138000, s1;
	p0 =	sne.s32 s22, $0x0;
	_ =	strace $0x80000047  }
0xb: {  	s29 =	ssub.s32 $0x2, s23;
	s9 =	smul.u32 $0x138800, s23;
	s7 =	sor.u32 $0x1C03, s30  }
0xc: {  	s11 =	sshrl.u32 s29, $0x1;
	s8 =	sshrl.u32 s28, $0x2;
	s31 =	sshrl.u32 s14, $0x2  }
0xd: {  	s14 =	simm.s32 $0x1400;
	s11 =	ssub.s32 s29, s11;
	s13 =	sadd.s32 s8, s1  }
0xe: {  	s12 =	sadd.s32 s12, s9;
	s8 =	smul.u32 $0x5000, s22;
	s15 =	sshrl.u32 s9, $0x3  }
0xf: {  	s24 =	sadd.s32 s31, s1;
	s22 =	simm.s32 $0x2780;
	s12 =	sshrl.u32 s12, $0x3  }
0x10: {  	v0 =	vmov s23;
	s11 =	smax.u32 s11, $0x1;
	s23 =	sshrl.u32 s24, $0x3;
	s24 =	sshrl.u32 @!p0 s25, $0x3  }
0x11: {  	s9 =	sadd.s32 s10, s12;
	s10 =	sadd.s32 s10, s15;
	s12 =	sshrl.u32 s13, $0x3  }
0x12: {  	s13 =	simm.s32 $0x3;
	s15 =	simm.s32 $0x80;
	s10 =	sadd.s32 $0x27000, s10  }
.LBB2_1:
0x13: {  	[spmem:s12], [sflag:s7] =	dma.local [hbm:s5], $0x2780  }
0x14: {  	_ =	swait.ge [sflag:s13], $0x2780  }
0x15: {  	[sflag:s13] =	ssyncset.done $0x0  }
0x16: {  	[sflag:s13] =	ssyncadd.s32 $0xFFFFD880  }
0x17: {  	s25 =	simm.s32 $0x0;
	[bflag:$0x0] =	sbarrier.arrive $0xFFFF  }
.LBB2_2:
0x18: {  	s26 =	smul.u32 $0x1400, s25;
	_ =	sdelay $0x1  }
0x19: {  	s26 =	sadd.s32 s8, s26  }
0x1a: {  	s26 =	sshrl.u32 s26, $0x3  }
0x1b: {  	s29 =	simm.s32 $0x0;
	s28 =	sadd.s32 s3, s26  }
0x1c: {  	[tilespmem:s29], [sflag:$0x3] =	stream.linear.gather [hbm4b:s28+s29], $0x1400, $0x38;
	[tilespmem:$0x1E400] =	vst v63  }
0x1d: {  	_ =	swait.ge [sflag:s13], $0x1400  }
0x1e: {  	[sflag:s13] =	ssyncset.done $0x0  }
0x1f: {  	s26 =	sadd.s32 s4, s26;
	[sflag:s13] =	ssyncadd.s32 $0xFFFFEC00  }
0x20: {  	[tilespmem:s14], [sflag:$0x3] =	stream.linear.gather [hbm4b:s26+s29], $0x1400, $0x38;
	[tilespmem:$0x1E400] =	vst v63  }
0x21: {  	_ =	swait.ge [sflag:s13], $0x1400  }
0x22: {  	[sflag:s13] =	ssyncset.done $0x0  }
0x23: {  	s26 =	simm.s32 $0x0;
	[sflag:s13] =	ssyncadd.s32 $0xFFFFEC00  }
0x24: {  	v2 =	vld [tilespmem:s26+$0x0]  }
0x25: {  	v3 =	vld [tilespmem:s26+$0x10]  }
0x26: {  	v5 =	vld [tilespmem:s26+$0x20]  }
0x27: {  	v4 =	vld [tilespmem:s26+$0x30]  }
0x28: {  	v1 =	vld [tilespmem:s26+$0x40]  }
0x29: {  	v6 =	vshll.u32 v2, $0x1;
	v2 =	vld [tilespmem:s26+$0x50]  }
0x2a: {  	s28 =	simm.s32 $0x200;
	v7 =	vshll.u32 v3, $0x1;
	v3 =	vld [tilespmem:s26+$0x60];
	v6 =	vor.u32 v0, v6  }
.LBB2_3:
0x2b: {  	s29 =	sshra.s32 s28, $0x2;
	p1 =	sne.s32 s28, $0x4E00;
	[tilespmem:s26+$0x0] =	vst v6;
	v6 =	vor.u32 v0, v7;
	v5 =	vshll.u32 v5, $0x1;
	v7 =	vld [tilespmem:s26+$0x70]  }
0x2c: {  	v8 =	vld [tilespmem:s29+$0x0];
	[tilespmem:s26+$0x10] =	vst v6;
	v5 =	vor.u32 v0, v5;
	v4 =	vshll.u32 v4, $0x1  }
0x2d: {  	v9 =	vld [tilespmem:s29+$0x10];
	[tilespmem:s26+$0x20] =	vst v5;
	v4 =	vor.u32 v0, v4;
	v1 =	vshll.u32 v1, $0x1  }
.Ltmp0:
0x2e: {  	v5 =	vld [tilespmem:s29+$0x20];
	[tilespmem:s26+$0x30] =	vst v4;
	v1 =	vor.u32 v0, v1;
	v2 =	vshll.u32 v2, $0x1;
	(pc) =	sbr.rel @p1 .LBB2_3-.Ltmp0, $4  }
0x2f: {  	v4 =	vld [tilespmem:s29+$0x30];
	[tilespmem:s26+$0x40] =	vst v1;
	v2 =	vor.u32 v0, v2;
	v3 =	vshll.u32 v3, $0x1  }
0x30: {  	v1 =	vld [tilespmem:s29+$0x40];
	[tilespmem:s26+$0x50] =	vst v2;
	v3 =	vor.u32 v0, v3;
	v6 =	vshll.u32 v7, $0x1  }
0x31: {  	v7 =	vshll.u32 v8, $0x1;
	v2 =	vld [tilespmem:s29+$0x50];
	[tilespmem:s26+$0x60] =	vst v3;
	v8 =	vor.u32 v0, v6  }
0x32: {  	s28 =	sadd.s32 $0x200, s28;
	v6 =	vor.u32 v0, v7;
	v7 =	vshll.u32 v9, $0x1;
	v3 =	vld [tilespmem:s29+$0x60];
	[tilespmem:s26+$0x70] =	vst v8;
	s26 =	smov.u32 s29  }
0x33: {  	[tilespmem:s26+$0x0] =	vst v6;
	v62 =	vor.u32 v0, v7;
	v5 =	vshll.u32 v5, $0x1;
	v63 =	vld [tilespmem:s26+$0x70]  }
0x34: {  	[tilespmem:s26+$0x10] =	vst v62;
	v5 =	vor.u32 v0, v5;
	v4 =	vshll.u32 v4, $0x1  }
0x35: {  	[tilespmem:s26+$0x20] =	vst v5;
	v4 =	vor.u32 v0, v4;
	v1 =	vshll.u32 v1, $0x1  }
0x36: {  	[tilespmem:s26+$0x30] =	vst v4;
	v1 =	vor.u32 v0, v1;
	v2 =	vshll.u32 v2, $0x1  }
0x37: {  	[tilespmem:s26+$0x40] =	vst v1;
	v1 =	vor.u32 v0, v2;
	v2 =	vshll.u32 v3, $0x1  }
0x38: {  	[tilespmem:s26+$0x50] =	vst v1;
	v1 =	vor.u32 v0, v2;
	v2 =	vshll.u32 v63, $0x1  }
0x39: {  	[tilespmem:s26+$0x60] =	vst v1;
	v1 =	vor.u32 v0, v2  }
0x3a: {  	s30 =	simm.s32 $0x0;
	[tilespmem:s26+$0x70] =	vst v1  }
0x3b: {  	[tilespmem:s16], [sflag:$0x1] =	stream.indirect.gather [hbm4b:s6+s15], $0x80, s30, s15, $0xb8;
	[tilespmem:$0x1E400] =	vst v63  }
0x3c: {  	s31 =	simm.s32 $0x80  }
0x3d: {  	[tilespmem:s17], [sflag:$0x2] =	stream.indirect.gather [hbm4b:s6+s15], $0x80, s31, s15, $0xb8;
	[tilespmem:$0x1E400] =	vst v63  }
0x3e: {  	_ =	swait.ge [sflag:s18], $0x4000  }
0x3f: {  	[sflag:s18] =	ssyncset.done $0x0  }
0x40: {  	s29 =	simm.s32 $0x1400;
	[sflag:s18] =	ssyncadd.s32 $0xFFFFC000  }
0x41: {  	[spmem:s1] =	stream.indirect.scatter.add.f32 [tilespmem:s16], [sflag:$0x3], $0x80, s29, s15, $0xb8;
	[tilespmem:$0x1E400] =	vst v63  }
0x42: {  	_ =	swait.ge [sflag:s13], $0x4000  }
0x43: {  	[sflag:s13] =	ssyncset.done $0x0  }
0x44: {  	s30 =	simm.s32 $0x100;
	[sflag:s13] =	ssyncadd.s32 $0xFFFFC000  }
0x45: {  	[tilespmem:s16], [sflag:$0x1] =	stream.indirect.gather [hbm4b:s6+s15], $0x80, s30, s15, $0xb8;
	[tilespmem:$0x1E400] =	vst v63  }
0x46: {  	_ =	swait.ge [sflag:s19], $0x4000  }
0x47: {  	[sflag:s19] =	ssyncset.done $0x0  }
0x48: {  	s31 =	simm.s32 $0x1480;
	[sflag:s19] =	ssyncadd.s32 $0xFFFFC000  }
0x49: {  	[spmem:s1] =	stream.indirect.scatter.add.f32 [tilespmem:s17], [sflag:$0x3], $0x80, s31, s15, $0xb8;
	[tilespmem:$0x1E400] =	vst v63  }
0x4a: {  	_ =	swait.ge [sflag:s13], $0x4000  }
0x4b: {  	s28 =	simm.s32 $0x800;
	s26 =	simm.s32 $0x100;
	[sflag:s13] =	ssyncset.done $0x0  }
.LBB2_5:
0x4c: {  	s29 =	sadd.s32 $0x80, s26  }
0x4d: {  	[sflag:s13] =	ssyncadd.s32 $0xFFFFC000;
	s30 =	smov.u32 s28;
	s31 =	sadd.s32 $0x400, s28  }
0x4e: {  	[tilespmem:s17], [sflag:$0x2] =	stream.indirect.gather [hbm4b:s6+s15], $0x80, s29, s15, $0xb8;
	[tilespmem:$0x1E400] =	vst v63  }
0x4f: {  	p1 =	sne.s32 s28, $0x4800;
	_ =	swait.ge [sflag:s18], $0x4000  }
0x50: {  	[sflag:s18] =	ssyncset.done $0x0  }
0x51: {  	s28 =	sadd.s32 $0x1400, s26;
	[sflag:s18] =	ssyncadd.s32 $0xFFFFC000  }
0x52: {  	[spmem:s1] =	stream.indirect.scatter.add.f32 [tilespmem:s16], [sflag:$0x3], $0x80, s28, s15, $0xb8;
	[tilespmem:$0x1E400] =	vst v63  }
0x53: {  	_ =	swait.ge [sflag:s13], $0x4000  }
0x54: {  	[sflag:s13] =	ssyncset.done $0x0  }
0x55: {  	s28 =	sadd.s32 $0x100, s26;
	[sflag:s13] =	ssyncadd.s32 $0xFFFFC000  }
0x56: {  	[tilespmem:s16], [sflag:$0x1] =	stream.indirect.gather [hbm4b:s6+s15], $0x80, s28, s15, $0xb8;
	[tilespmem:$0x1E400] =	vst v63  }
0x57: {  	_ =	swait.ge [sflag:s19], $0x4000  }
.Ltmp1:
0x58: {  	[sflag:s19] =	ssyncset.done $0x0;
	(pc) =	sbr.rel @p1 .LBB2_5-.Ltmp1, $4  }
0x59: {  	s26 =	sadd.s32 $0x1480, s26;
	[sflag:s19] =	ssyncadd.s32 $0xFFFFC000  }
0x5a: {  	[spmem:s1] =	stream.indirect.scatter.add.f32 [tilespmem:s17], [sflag:$0x3], $0x80, s26, s15, $0xb8;
	[tilespmem:$0x1E400] =	vst v63  }
0x5b: {  	_ =	swait.ge [sflag:s13], $0x4000  }
0x5c: {  	s28 =	smov.u32 s31;
	s26 =	sshra.s32 s30, $0x2;
	[sflag:s13] =	ssyncset.done $0x0  }
0x5d: {  	s28 =	sadd.s32 $0x80, s26;
	[sflag:s13] =	ssyncadd.s32 $0xFFFFC000  }
0x5e: {  	[tilespmem:s17], [sflag:$0x2] =	stream.indirect.gather [hbm4b:s6+s15], $0x80, s28, s15, $0xb8;
	[tilespmem:$0x1E400] =	vst v63  }
0x5f: {  	_ =	swait.ge [sflag:s18], $0x4000  }
0x60: {  	[sflag:s18] =	ssyncset.done $0x0  }
0x61: {  	s29 =	sadd.s32 $0x1400, s26;
	[sflag:s18] =	ssyncadd.s32 $0xFFFFC000  }
0x62: {  	[spmem:s1] =	stream.indirect.scatter.add.f32 [tilespmem:s16], [sflag:$0x3], $0x80, s29, s15, $0xb8;
	[tilespmem:$0x1E400] =	vst v63  }
0x63: {  	_ =	swait.ge [sflag:s13], $0x4000  }
0x64: {  	[sflag:s13] =	ssyncset.done $0x0  }
0x65: {  	s30 =	sadd.s32 $0x100, s26;
	[sflag:s13] =	ssyncadd.s32 $0xFFFFC000  }
0x66: {  	[tilespmem:s16], [sflag:$0x1] =	stream.indirect.gather [hbm4b:s6+s15], $0x80, s30, s15, $0xb8;
	[tilespmem:$0x1E400] =	vst v63  }
0x67: {  	_ =	swait.ge [sflag:s19], $0x4000  }
0x68: {  	[sflag:s19] =	ssyncset.done $0x0  }
0x69: {  	s31 =	sadd.s32 $0x1480, s26;
	[sflag:s19] =	ssyncadd.s32 $0xFFFFC000  }
0x6a: {  	[spmem:s1] =	stream.indirect.scatter.add.f32 [tilespmem:s17], [sflag:$0x3], $0x80, s31, s15, $0xb8;
	[tilespmem:$0x1E400] =	vst v63  }
0x6b: {  	_ =	swait.ge [sflag:s13], $0x4000  }
0x6c: {  	[sflag:s13] =	ssyncset.done $0x0  }
0x6d: {  	[sflag:s13] =	ssyncadd.s32 $0xFFFFC000  }
0x6e: {  	[tilespmem:s17], [sflag:$0x2] =	stream.indirect.gather [hbm4b:s6+s15], $0x80, s20, s15, $0xb8;
	[tilespmem:$0x1E400] =	vst v63  }
0x6f: {  	_ =	swait.ge [sflag:s18], $0x4000  }
0x70: {  	[sflag:s18] =	ssyncset.done $0x0  }
0x71: {  	[sflag:s18] =	ssyncadd.s32 $0xFFFFC000  }
0x72: {  	[spmem:s1] =	stream.indirect.scatter.add.f32 [tilespmem:s16], [sflag:$0x3], $0x80, s21, s15, $0xb8;
	[tilespmem:$0x1E400] =	vst v63  }
0x73: {  	_ =	swait.ge [sflag:s13], $0x4000  }
0x74: {  	[sflag:s13] =	ssyncset.done $0x0  }
0x75: {  	[sflag:s13] =	ssyncadd.s32 $0xFFFFC000  }
0x76: {  	s25 =	sadd.s32 $0x1, s25;
	_ =	swait.ge [sflag:s19], $0x4000  }
0x77: {  	p1 =	sne.s32 s25, $0x4;
	[sflag:s19] =	ssyncset.done $0x0  }
.Ltmp2:
0x78: {  	[sflag:s19] =	ssyncadd.s32 $0xFFFFC000;
	(pc) =	sbr.rel @p1 .LBB2_2-.Ltmp2, $4  }
0x79: {  	[spmem:s1] =	stream.indirect.scatter.add.f32 [tilespmem:s17], [sflag:$0x3], $0x80, s22, s15, $0xb8;
	[tilespmem:$0x1E400] =	vst v63  }
0x7a: {  	_ =	swait.ge [sflag:s13], $0x4000  }
0x7b: {  	[sflag:s13] =	ssyncset.done $0x0  }
0x7c: {  	[sflag:s13] =	ssyncadd.s32 $0xFFFFC000  }
0x7d: {  	[bflag:$0x0] =	sbarrier.arrive $0xFFFF  }
0x7e: {  	[hbm:s9], [sflag:s7] =	dma.local [spmem:s23], $0x2700  }
0x7f: {  	s2 =	sadd.s32 $0x1, s2;
	_ =	swait.ge [sflag:s13], $0x2700  }
0x80: {  	p1 =	sne.s32 s2, s11;
	[sflag:s13] =	ssyncset.done $0x0  }
.Ltmp3:
0x81: {  	s25 =	simm.s32 @!p0 $0x3;
	[sflag:s13] =	ssyncadd.s32 $0xFFFFD900;
	(pc) =	sbr.rel @p1 .LBB2_1-.Ltmp3, $4  }
0x82: {  	[hbm:s10], [sflag:s7] =	dma.local @!p0 [spmem:s24], $0x100  }
0x83: {  	_ =	swait.ge @!p0 [sflag:s25], $0x100  }
0x84: {  	[sflag:s25] =	ssyncset.done @!p0 $0x0  }
0x85: {  	[sflag:s25] =	ssyncadd.s32 @!p0 $0xFFFFFF00  }
0x86: {  	_ =	sfence.sel $0x180000  }
0x87: {  	[bflag:$0x0] =	sbarrier.arrive $0xFFFF  }
0x88: {  	_ =	strace $0x90000047  }
0x89: {  	s0 =	sadd.s32 @!p0 $0x100000, s0;
	[bflag:$0x2] =	sbarrier.arrive $0xFFFF  }
0x8a: {  	[sflag:s0] =	ssyncadd.tile.s32 @!p0 $0x1;
	_ =	shalt  }
.Lfunc_end2:
_tile_overlayer_lowered:
.L_overlay_start_2:
0x8b: {  	(tag) =	ssettag $0x2  }
0x8c: {  	s0 =	rddreg [dreg:$0x0];
	s2 =	stileid.u32  }
0x8d: {  	s1 =	rddreg [dreg:$0x1];
	p0 =	sne.s32 s2, $0x0  }
0x8e: {  	s3 =	rddreg [dreg:$0x2];
	[bflag:$0x3] =	sbarrier.arrive $0xFFFF;
	s2 =	simm.s32 @!p0 $0x1C03  }
0x8f: {  	[timem:s3], [sflag:s2] =	dma.local @!p0 [hbm:s0], s1  }
0x90: {  	s0 =	simm.s32 @!p0 $0x3  }
0x91: {  	_ =	swait.ge @!p0 [sflag:s0], s1  }
0x92: {  	s1 =	ssub.s32 @!p0 $0x0, s1;
	[sflag:s0] =	ssyncset.done @!p0 $0x0  }
0x93: {  	[sflag:s0] =	ssyncadd.s32 @!p0 s1  }
0x94: {  	[bflag:$0x3] =	sbarrier.arrive $0xFFFF  }
0x95: {  	_ =	shalt  }

// kernel: kernel.22.cloned.1.call-start
scs
__scs_entry_jumppad:
0x0: {  	(pc) =	sbr.rel $0x88, $3  }
0x1: {  	(tag) =	ssettag $0x0;
	lr =	simm.s32 $0x1  }
0x2: {  	[smem:$0x3F8D] =	sst lr;
	_ =	strace $0xD0000000  }
0x3: {  	_ = 	snop  }
0x4: {  	_ = 	snop  }
0x5: {  	_ = 	snop  }
0x6: {  	_ = 	snop  }
0x7: {  	_ = 	snop  }
__scs_overlays_trampoline_lowered:
0x8: {  	[smem:$0x3F9C] =	sst s0  }
0x9: {  	[smem:$0x3F9D] =	sst s1  }
0xa: {  	[smem:$0x3F9E] =	sst s2  }
0xb: {  	[smem:$0x3F9F] =	sst s3  }
0xc: {  	[smem:$0x3FA0] =	sst s4  }
0xd: {  	[smem:$0x3FA1] =	sst s5  }
0xe: {  	[smem:$0x3FA2] =	sst s6  }
0xf: {  	[smem:$0x3FA3] =	sst s7  }
0x10: {  	[smem:$0x3FA4] =	sst s8  }
0x11: {  	[smem:$0x3FA5] =	sst s9;
	s0 =	simm.s32 @!p0 $0x0  }
0x12: {  	s1 =	sld [smem:$0x3F8B];
	s0 =	simm.s32 @p0 $0x1  }
0x13: {  	[smem:$0x3FA6] =	sst s0;
	s0 =	simm.s32 @!p1 $0x0  }
0x14: {  	s2 =	sld [smem:$0x3F8A];
	s0 =	simm.s32 @p1 $0x1  }
0x15: {  	[smem:$0x3FA7] =	sst s0;
	s0 =	simm.s32 @!p2 $0x0  }
0x16: {  	s3 =	sld [smem:$0x3FDB];
	s0 =	simm.s32 @p2 $0x1  }
0x17: {  	s4 =	simm.s32 $0x1BF5;
	[smem:$0x3FA9] =	sst s0  }
0x18: {  	s0 =	sld [smem:$0x3F8C];
	_ =	swait.ge [sflag:s4], $0x0  }
0x19: {  	s7 =	sld [smem:$0x3F8D]  }
0x1a: {  	s8 =	sadd.s32 $0xFFFFE003, lr  }
0x1b: {  	s9 =	sadd.s32 $0xFFFFFEF7, lr;
	s5 =	simm.s32 $0xFFFFFFFF;
	p2 =	slt.u32 s8, $0xFFFFF086  }
0x1c: {  	p1 =	slt.u32 s9, $0xF7A;
	s5 =	simm.s32 @!p2 $0x0  }
0x1d: {  	s5 =	simm.s32 @p1 $0x1;
	p0 =	seq.s32 s7, s2  }
0x1e: {  	s7 =	smul.u32 @!p0 $0xF7A, s2;
	p2 =	seq.s32 @!p0 s5, $0x0  }
0x1f: {  	s9 =	smul.u32 $0xF7A, s1;
	s8 =	simm.s32 @!p0 $0x1BF5;
	p2 =	por !p2, p0  }
0x20: {  	[sflag:s8] =	ssyncset.s32 @!p0 $0xFFFFF086;
	s6 =	sadd.s32 @!p0 s3, s7;
	s7 =	simm.s32 @!p0 $0x108  }
0x21: {  	s3 =	sadd.s32 s3, s9;
	s6 =	sadd.s32 @!p0 $0x88, s6;
	s7 =	simm.s32 @p2 $0x1082  }
0x22: {  	[simem:s7], [sflag:s8] =	dma.local @!p0 [hbm:s6], $0xF7A  }
0x23: {  	s9 =	sor.u32 $0xD0000000, s2;
	s6 =	simm.s32 $0x108;
	_ =	swait.ge @!p0 [sflag:s8], $0x0  }
0x24: {  	s3 =	sadd.s32 $0x88, s3;
	s6 =	simm.s32 @!p1 $0x1082;
	[sflag:s4] =	ssyncset.s32 $0xFFFFF086  }
0x25: {  	[simem:s6], [sflag:s4] =	dma.local [hbm:s3], $0xF7A  }
0x26: {  	[smem:$0x3F8D] =	sst s1;
	(tag) =	ssettag s2;
	_ =	strace s9  }
0x27: {  	s1 =	sld [smem:$0x3F9D]  }
0x28: {  	s2 =	sld [smem:$0x3F9E]  }
0x29: {  	s4 =	sld [smem:$0x3FA0]  }
0x2a: {  	p0 =	seq.s32 s5, $0x0;
	s5 =	sld [smem:$0x3FA1]  }
0x2b: {  	s6 =	sld [smem:$0x3FA2]  }
0x2c: {  	s7 =	sld [smem:$0x3FA3]  }
0x2d: {  	s3 =	simm.s32 $0x108;
	s8 =	sld [smem:$0x3FA4]  }
0x2e: {  	s3 =	simm.s32 @!p0 $0x1082;
	s9 =	sld [smem:$0x3FA5]  }
0x2f: {  	lr =	sadd.s32 s0, s3;
	s0 =	sld [smem:$0x3F9C]  }
0x30: {  	s3 =	sld [smem:$0x3F9F]  }
0x31: {  	[smem:$0x3FA8] =	sst s10  }
0x32: {  	s10 =	sld [smem:$0x3FA6];
	_ =	sdelay $0x3  }
0x33: {  	p0 =	seq.s32 s10, $0x1;
	s10 =	sld [smem:$0x3FA8];
	_ =	sdelay $0x3  }
0x34: {  	[smem:$0x3FA8] =	sst s10  }
0x35: {  	s10 =	sld [smem:$0x3FA7];
	_ =	sdelay $0x3  }
0x36: {  	p1 =	seq.s32 s10, $0x1;
	s10 =	sld [smem:$0x3FA8];
	_ =	sdelay $0x3  }
0x37: {  	[smem:$0x3FA8] =	sst s10  }
0x38: {  	s10 =	sld [smem:$0x3FA9]  }
0x39: {  	_ = 	snop;
	(pc) =	sbr.ind lr, $3  }
0x3a: {  	_ = 	snop  }
0x3b: {  	_ = 	snop  }
0x3c: {  	p2 =	seq.s32 s10, $0x1;
	s10 =	sld [smem:$0x3FA8]  }
0x3d: {  	_ =	shalt  }
0x3e: {  	_ =	shalt  }
0x3f: {  	_ =	shalt  }
0x40: {  	_ =	shalt  }
0x41: {  	_ =	shalt  }
0x42: {  	_ =	shalt  }
0x43: {  	_ =	shalt  }
0x44: {  	_ =	shalt  }
0x45: {  	_ =	shalt  }
0x46: {  	_ =	shalt  }
0x47: {  	_ =	shalt  }
0x48: {  	_ =	shalt  }
0x49: {  	_ =	shalt  }
0x4a: {  	_ =	shalt  }
0x4b: {  	_ =	shalt  }
0x4c: {  	_ =	shalt  }
0x4d: {  	_ =	shalt  }
0x4e: {  	_ =	shalt  }
0x4f: {  	_ =	shalt  }
0x50: {  	_ =	shalt  }
0x51: {  	_ =	shalt  }
0x52: {  	_ =	shalt  }
0x53: {  	_ =	shalt  }
0x54: {  	_ =	shalt  }
0x55: {  	_ =	shalt  }
0x56: {  	_ =	shalt  }
0x57: {  	_ =	shalt  }
0x58: {  	_ =	shalt  }
0x59: {  	_ =	shalt  }
0x5a: {  	_ =	shalt  }
0x5b: {  	_ =	shalt  }
0x5c: {  	_ =	shalt  }
0x5d: {  	_ =	shalt  }
0x5e: {  	_ =	shalt  }
0x5f: {  	_ =	shalt  }
0x60: {  	_ =	shalt  }
0x61: {  	_ =	shalt  }
0x62: {  	_ =	shalt  }
0x63: {  	_ =	shalt  }
0x64: {  	_ =	shalt  }
0x65: {  	_ =	shalt  }
0x66: {  	_ =	shalt  }
0x67: {  	_ =	shalt  }
0x68: {  	_ =	shalt  }
0x69: {  	_ =	shalt  }
0x6a: {  	_ =	shalt  }
0x6b: {  	_ =	shalt  }
0x6c: {  	_ =	shalt  }
0x6d: {  	_ =	shalt  }
0x6e: {  	_ =	shalt  }
0x6f: {  	_ =	shalt  }
0x70: {  	_ =	shalt  }
0x71: {  	_ =	shalt  }
0x72: {  	_ =	shalt  }
0x73: {  	_ =	shalt  }
0x74: {  	_ =	shalt  }
0x75: {  	_ =	shalt  }
0x76: {  	_ =	shalt  }
0x77: {  	_ =	shalt  }
0x78: {  	_ =	shalt  }
0x79: {  	_ =	shalt  }
0x7a: {  	_ =	shalt  }
0x7b: {  	_ =	shalt  }
0x7c: {  	_ =	shalt  }
0x7d: {  	_ =	shalt  }
0x7e: {  	_ =	shalt  }
0x7f: {  	_ =	shalt  }
0x80: {  	_ =	shalt  }
0x81: {  	_ =	shalt  }
0x82: {  	_ =	shalt  }
0x83: {  	_ =	shalt  }
0x84: {  	_ =	shalt  }
0x85: {  	_ =	shalt  }
0x86: {  	_ =	shalt  }
0x87: {  	_ =	shalt  }
.Lfunc_end0:
.L_simem_size_0:
called_computation.1_lowered:
.L_overlay_start_0:
0x88: {  	s2 =	sld [smem:$0x3FD9]  }
0x89: {  	s3 =	sld [smem:$0x3FFE];
	_ =	sdelay $0x1  }
0x8a: {  	s1 =	srdreg.scid  }
0x8b: {  	s0 =	sand.u32 $0x1, s1  }
0x8c: {  	s17 =	sshll.u32 s0, $0xA;
	s2 =	sadd.s32 s3, s2  }
0x8d: {  	s2 =	sadd.s32 s2, s17  }
0x8e: {  	[smem:$0x3FB4] =	sst s2  }
0x8f: {  	_ = 	snop  }
0x90: {  	(tm) =	ssettm $0x1  }
0x91: {  	s18 =	sld [smem:$0x3FFB];
	_ =	sdelay $0x3  }
0x92: {  	_ =	strace s18  }
0x93: {  	s2 =	sld [smem:$0x3FFC];
	_ =	sdelay $0x3  }
0x94: {  	_ =	strace s2  }
0x95: {  	s2 =	sld [smem:$0x3FFD];
	_ =	sdelay $0x3  }
0x96: {  	_ =	strace s2  }
0x97: {  	_ =	strace $0x8FFFFFFF  }
0x98: {  	s19 =	sld [smem:$0x3FDB];
	_ =	sdelay $0x1  }
0x99: {  	s20 =	simm.s32 $_scs_section_size  }
0x9a: {  	s4 =	simm.s32 $_size__tile_overlayer_lowered;
	s5 =	simm.s32 $_tile_overlayer_lowered  }
0x9b: {  	s6 =	simm.s32 $0x1BFF;
	s21 =	sshll.u32 s5, $0x1;
	s3 =	sadd.s32 s20, s19  }
0x9c: {  	s22 =	simm.s32 $0x0;
	s4 =	sshll.u32 s4, $0x1;
	s5 =	sadd.s32 s21, s3  }
0x9d: {  	[timem:s22], [sflag:s6] =	dma.local [hbm:s5], s4  }
0x9e: {  	_ =	swait.ge [sflag:s6], s4  }
0x9f: {  	s4 =	ssub.s32 $0x0, s4;
	[sflag:s6] =	ssyncset.done $0x0  }
0xa0: {  	[sflag:s6] =	ssyncadd.s32 s4;
	_ =	sdelay $0x1  }
0xa1: {  	s23 =	simm.s32 $0x1B8B  }
0xa2: {  	_ =	swait.ge [sflag:s23], $0x1  }
0xa3: {  	[sflag:s23] =	ssyncset.done $0x0  }
0xa4: {  	[sflag:s23] =	ssyncadd.s32 $0xFFFFFFFF  }
0xa5: {  	s4 =	sld [smem:$0x0]  }
0xa6: {  	s5 =	sand.u32 $0xFFFFFFFE, s1  }
0xa7: {  	p0 =	sne.s32 s1, s5  }
0xa8: {  	s5 =	sshll.u32 @p0 s5, $0xE  }
0xa9: {  	s5 =	sadd.s32 @p0 $0x11B8D, s5;
	s6 =	sshll.u32 @p0 s4, $0x11  }
0xaa: {  	s5 =	sor.u32 @p0 s6, s5  }
0xab: {  	[sflag:s5] =	ssyncadd.remote.s32 @p0 $0x1;
	_ =	sdelay $0x1  }
0xac: {  	s5 =	simm.s32 @p0 $0x1B8D  }
0xad: {  	_ =	swait.eq @p0 [sflag:s5], $0x1  }
0xae: {  	[sflag:s5] =	ssyncadd.s32 @p0 $0xFFFFFFFF  }
0xaf: {  	s6 =	sshll.u32 @!p0 s1, $0xE  }
0xb0: {  	s6 =	sor.u32 @!p0 $0x4000, s6;
	s5 =	simm.s32 @!p0 $0x1B8D  }
0xb1: {  	s4 =	sshll.u32 @!p0 s4, $0x11;
	s6 =	sadd.s32 @!p0 $0x11B8D, s6;
	_ =	swait.eq @!p0 [sflag:s5], $0x1  }
0xb2: {  	s4 =	sor.u32 @!p0 s4, s6;
	[sflag:s5] =	ssyncadd.s32 @!p0 $0xFFFFFFFF  }
0xb3: {  	s25 =	simm.s32 $0x1B8E;
	s24 =	sld [smem:$0x3FFE];
	[sflag:s4] =	ssyncadd.remote.s32 @!p0 $0x1  }
0xb4: {  	s26 =	simm.s32 $execute0_lowered;
	[smem:$0x3FD2] =	sst s25  }
0xb5: {  	s5 =	sshll.u32 s26, $0x1;
	_ =	strace $0x80000049;
	[dreg:$0x1] =	wrdreg $0xFFFFFFFF  }
0xb6: {  	s28 =	simm.s32 $_size_execute0_lowered;
	s3 =	sadd.s32 s3, s5;
	[dreg:$0x0] =	wrdreg $0x0  }
0xb7: {  	s5 =	sshll.u32 s28, $0x1;
	[dreg:$0x2] =	wrdreg s3  }
0xb8: {  	[dreg:$0x3] =	wrdreg s5  }
0xb9: {  	[dreg:$0x4] =	wrdreg $0xC0  }
0xba: {  	_ =	task [dreg:s22], $0x5FFFF  }
0xbb: {  	[dreg:$0x1] =	wrdreg $0xFFFFFFFF  }
0xbc: {  	[dreg:$0x0] =	wrdreg $0x60  }
0xbd: {  	[dreg:$0x2] =	wrdreg s24  }
0xbe: {  	[dreg:$0x3] =	wrdreg $0xA8000  }
0xbf: {  	[dreg:$0x4] =	wrdreg $0xB  }
0xc0: {  	_ =	task.clear_ibuf [dreg:s22], $0x5FFFF;
	_ =	strace $0x90000049  }
0xc1: {  	s29 =	simm.s32 $0xB;
	_ =	strace $0x8000004B  }
0xc2: {  	_ =	swait.ge [sflag:s29], $0x1  }
0xc3: {  	[sflag:s29] =	ssyncadd.s32 $0xFFFFFFFF  }
0xc4: {  	_ =	strace $0x9000004B  }
0xc5: {  	_ =	sfence  }
0xc6: {  	s30 =	sld [smem:$0x0];
	_ =	sdelay $0x2  }
0xc7: {  	s31 =	sshll.u32 s1, $0xD;
	s1 =	sshrl.u32 s1, $0x2  }
0xc8: {  	s4 =	sand.u32 $0x4000, s31;
	s1 =	sadd.s32 s1, s30  }
0xc9: {  	s0 =	sor.u32 s4, s0;
	s1 =	sshll.u32 s1, $0x11  }
0xca: {  	s0 =	sor.u32 s1, s0  }
0xcb: {  	s0 =	sadd.s32 $0x8F2B, s0  }
0xcc: {  	[sflag:s0] =	ssyncadd.remote.s32 $0x1  }
0xcd: {  	_ =	sfence.sel $0xFFFF  }
0xce: {  	[dreg:$0x0] =	wrdreg $0xFFFFFFFF;
	(pc) =	sbr.abs _section_cstart, $3  }
0xcf: {  	[dreg:$0x1] =	wrdreg $0xFFFFFFFF  }
0xd0: {  	_ =	task.clear_ibuf [dreg:s22], $0x2FFFF;
	_ =	strace $0x9FFFFFFF  }
0xd1: {  	(tm) =	ssettm $0x7FFFFFFF  }
tec
execute0_lowered:
.L_overlay_start_1:
0x0: {  	(tag) =	ssettag $0x1  }
0x1: {  	s7 =	rddreg [dreg:$0x0]  }
0x2: {  	s1 =	rddreg [dreg:$0x1]  }
0x3: {  	s0 =	rddreg [dreg:$0x2];
	s2 =	simm.s32 $0x0;
	s8 =	srdreg.scid  }
0x4: {  	s22 =	stileid.u32;
	s16 =	simm.s32 $0x2800;
	s17 =	simm.s32 $0x6800  }
0x5: {  	s18 =	simm.s32 $0x1;
	s19 =	simm.s32 $0x2;
	s20 =	simm.s32 $0x1380  }
0x6: {  	s21 =	simm.s32 $0x2700;
	[smem:$0x7FF] =	sst s2;
	s3 =	sadd.s32 $0xB7E00, s7  }
0x7: {  	s4 =	sadd.s32 $0xC1E00, s7;
	s5 =	sadd.s32 $0x67400, s7;
	s28 =	smul.u32 $0x4F000, s22  }
0x8: {  	s6 =	sadd.s32 $0xCBE00, s7;
	s23 =	sand.u32 $0x1, s8;
	s12 =	smul.u32 $0x13800, s22  }
0x9: {  	s10 =	sadd.s32 $0x11A000, s7;
	s30 =	sshll.u32 s22, $0x6;
	s14 =	smul.u32 $0x4E000, s22  }
0xa: {  	s25 =	sadd.s32 $0x138000, s1;
	p0 =	sne.s32 s22, $0x0;
	_ =	strace $0x8000004A  }
0xb: {  	s29 =	ssub.s32 $0x2, s23;
	s9 =	smul.u32 $0x138800, s23;
	s7 =	sor.u32 $0x1C03, s30  }
0xc: {  	s11 =	sshrl.u32 s29, $0x1;
	s8 =	sshrl.u32 s28, $0x2;
	s31 =	sshrl.u32 s14, $0x2  }
0xd: {  	s14 =	simm.s32 $0x1400;
	s11 =	ssub.s32 s29, s11;
	s13 =	sadd.s32 s8, s1  }
0xe: {  	s12 =	sadd.s32 s12, s9;
	s8 =	smul.u32 $0x5000, s22;
	s15 =	sshrl.u32 s9, $0x3  }
0xf: {  	s24 =	sadd.s32 s31, s1;
	s22 =	simm.s32 $0x2780;
	s12 =	sshrl.u32 s12, $0x3  }
0x10: {  	v0 =	vmov s23;
	s11 =	smax.u32 s11, $0x1;
	s23 =	sshrl.u32 s24, $0x3;
	s24 =	sshrl.u32 @!p0 s25, $0x3  }
0x11: {  	s9 =	sadd.s32 s10, s12;
	s10 =	sadd.s32 s10, s15;
	s12 =	sshrl.u32 s13, $0x3  }
0x12: {  	s13 =	simm.s32 $0x3;
	s15 =	simm.s32 $0x80;
	s10 =	sadd.s32 $0x27000, s10  }
.LBB2_1:
0x13: {  	[spmem:s12], [sflag:s7] =	dma.local [hbm:s5], $0x2780  }
0x14: {  	_ =	swait.ge [sflag:s13], $0x2780  }
0x15: {  	[sflag:s13] =	ssyncset.done $0x0  }
0x16: {  	[sflag:s13] =	ssyncadd.s32 $0xFFFFD880  }
0x17: {  	s25 =	simm.s32 $0x0;
	[bflag:$0x0] =	sbarrier.arrive $0xFFFF  }
.LBB2_2:
0x18: {  	s26 =	smul.u32 $0x1400, s25;
	_ =	sdelay $0x1  }
0x19: {  	s26 =	sadd.s32 s8, s26  }
0x1a: {  	s26 =	sshrl.u32 s26, $0x3  }
0x1b: {  	s29 =	simm.s32 $0x0;
	s28 =	sadd.s32 s3, s26  }
0x1c: {  	[tilespmem:s29], [sflag:$0x3] =	stream.linear.gather [hbm4b:s28+s29], $0x1400, $0x38;
	[tilespmem:$0x1E400] =	vst v63  }
0x1d: {  	_ =	swait.ge [sflag:s13], $0x1400  }
0x1e: {  	[sflag:s13] =	ssyncset.done $0x0  }
0x1f: {  	s26 =	sadd.s32 s4, s26;
	[sflag:s13] =	ssyncadd.s32 $0xFFFFEC00  }
0x20: {  	[tilespmem:s14], [sflag:$0x3] =	stream.linear.gather [hbm4b:s26+s29], $0x1400, $0x38;
	[tilespmem:$0x1E400] =	vst v63  }
0x21: {  	_ =	swait.ge [sflag:s13], $0x1400  }
0x22: {  	[sflag:s13] =	ssyncset.done $0x0  }
0x23: {  	s26 =	simm.s32 $0x0;
	[sflag:s13] =	ssyncadd.s32 $0xFFFFEC00  }
0x24: {  	v2 =	vld [tilespmem:s26+$0x0]  }
0x25: {  	v3 =	vld [tilespmem:s26+$0x10]  }
0x26: {  	v5 =	vld [tilespmem:s26+$0x20]  }
0x27: {  	v4 =	vld [tilespmem:s26+$0x30]  }
0x28: {  	v1 =	vld [tilespmem:s26+$0x40]  }
0x29: {  	v6 =	vshll.u32 v2, $0x1;
	v2 =	vld [tilespmem:s26+$0x50]  }
0x2a: {  	s28 =	simm.s32 $0x200;
	v7 =	vshll.u32 v3, $0x1;
	v3 =	vld [tilespmem:s26+$0x60];
	v6 =	vor.u32 v0, v6  }
.LBB2_3:
0x2b: {  	s29 =	sshra.s32 s28, $0x2;
	p1 =	sne.s32 s28, $0x4E00;
	[tilespmem:s26+$0x0] =	vst v6;
	v6 =	vor.u32 v0, v7;
	v5 =	vshll.u32 v5, $0x1;
	v7 =	vld [tilespmem:s26+$0x70]  }
0x2c: {  	v8 =	vld [tilespmem:s29+$0x0];
	[tilespmem:s26+$0x10] =	vst v6;
	v5 =	vor.u32 v0, v5;
	v4 =	vshll.u32 v4, $0x1  }
0x2d: {  	v9 =	vld [tilespmem:s29+$0x10];
	[tilespmem:s26+$0x20] =	vst v5;
	v4 =	vor.u32 v0, v4;
	v1 =	vshll.u32 v1, $0x1  }
.Ltmp0:
0x2e: {  	v5 =	vld [tilespmem:s29+$0x20];
	[tilespmem:s26+$0x30] =	vst v4;
	v1 =	vor.u32 v0, v1;
	v2 =	vshll.u32 v2, $0x1;
	(pc) =	sbr.rel @p1 .LBB2_3-.Ltmp0, $4  }
0x2f: {  	v4 =	vld [tilespmem:s29+$0x30];
	[tilespmem:s26+$0x40] =	vst v1;
	v2 =	vor.u32 v0, v2;
	v3 =	vshll.u32 v3, $0x1  }
0x30: {  	v1 =	vld [tilespmem:s29+$0x40];
	[tilespmem:s26+$0x50] =	vst v2;
	v3 =	vor.u32 v0, v3;
	v6 =	vshll.u32 v7, $0x1  }
0x31: {  	v7 =	vshll.u32 v8, $0x1;
	v2 =	vld [tilespmem:s29+$0x50];
	[tilespmem:s26+$0x60] =	vst v3;
	v8 =	vor.u32 v0, v6  }
0x32: {  	s28 =	sadd.s32 $0x200, s28;
	v6 =	vor.u32 v0, v7;
	v7 =	vshll.u32 v9, $0x1;
	v3 =	vld [tilespmem:s29+$0x60];
	[tilespmem:s26+$0x70] =	vst v8;
	s26 =	smov.u32 s29  }
0x33: {  	[tilespmem:s26+$0x0] =	vst v6;
	v62 =	vor.u32 v0, v7;
	v5 =	vshll.u32 v5, $0x1;
	v63 =	vld [tilespmem:s26+$0x70]  }
0x34: {  	[tilespmem:s26+$0x10] =	vst v62;
	v5 =	vor.u32 v0, v5;
	v4 =	vshll.u32 v4, $0x1  }
0x35: {  	[tilespmem:s26+$0x20] =	vst v5;
	v4 =	vor.u32 v0, v4;
	v1 =	vshll.u32 v1, $0x1  }
0x36: {  	[tilespmem:s26+$0x30] =	vst v4;
	v1 =	vor.u32 v0, v1;
	v2 =	vshll.u32 v2, $0x1  }
0x37: {  	[tilespmem:s26+$0x40] =	vst v1;
	v1 =	vor.u32 v0, v2;
	v2 =	vshll.u32 v3, $0x1  }
0x38: {  	[tilespmem:s26+$0x50] =	vst v1;
	v1 =	vor.u32 v0, v2;
	v2 =	vshll.u32 v63, $0x1  }
0x39: {  	[tilespmem:s26+$0x60] =	vst v1;
	v1 =	vor.u32 v0, v2  }
0x3a: {  	s30 =	simm.s32 $0x0;
	[tilespmem:s26+$0x70] =	vst v1  }
0x3b: {  	[tilespmem:s16], [sflag:$0x1] =	stream.indirect.gather [hbm4b:s6+s15], $0x80, s30, s15, $0xb8;
	[tilespmem:$0x1E400] =	vst v63  }
0x3c: {  	s31 =	simm.s32 $0x80  }
0x3d: {  	[tilespmem:s17], [sflag:$0x2] =	stream.indirect.gather [hbm4b:s6+s15], $0x80, s31, s15, $0xb8;
	[tilespmem:$0x1E400] =	vst v63  }
0x3e: {  	_ =	swait.ge [sflag:s18], $0x4000  }
0x3f: {  	[sflag:s18] =	ssyncset.done $0x0  }
0x40: {  	s29 =	simm.s32 $0x1400;
	[sflag:s18] =	ssyncadd.s32 $0xFFFFC000  }
0x41: {  	[spmem:s1] =	stream.indirect.scatter.add.f32 [tilespmem:s16], [sflag:$0x3], $0x80, s29, s15, $0xb8;
	[tilespmem:$0x1E400] =	vst v63  }
0x42: {  	_ =	swait.ge [sflag:s13], $0x4000  }
0x43: {  	[sflag:s13] =	ssyncset.done $0x0  }
0x44: {  	s30 =	simm.s32 $0x100;
	[sflag:s13] =	ssyncadd.s32 $0xFFFFC000  }
0x45: {  	[tilespmem:s16], [sflag:$0x1] =	stream.indirect.gather [hbm4b:s6+s15], $0x80, s30, s15, $0xb8;
	[tilespmem:$0x1E400] =	vst v63  }
0x46: {  	_ =	swait.ge [sflag:s19], $0x4000  }
0x47: {  	[sflag:s19] =	ssyncset.done $0x0  }
0x48: {  	s31 =	simm.s32 $0x1480;
	[sflag:s19] =	ssyncadd.s32 $0xFFFFC000  }
0x49: {  	[spmem:s1] =	stream.indirect.scatter.add.f32 [tilespmem:s17], [sflag:$0x3], $0x80, s31, s15, $0xb8;
	[tilespmem:$0x1E400] =	vst v63  }
0x4a: {  	_ =	swait.ge [sflag:s13], $0x4000  }
0x4b: {  	s28 =	simm.s32 $0x800;
	s26 =	simm.s32 $0x100;
	[sflag:s13] =	ssyncset.done $0x0  }
.LBB2_5:
0x4c: {  	s29 =	sadd.s32 $0x80, s26  }
0x4d: {  	[sflag:s13] =	ssyncadd.s32 $0xFFFFC000;
	s30 =	smov.u32 s28;
	s31 =	sadd.s32 $0x400, s28  }
0x4e: {  	[tilespmem:s17], [sflag:$0x2] =	stream.indirect.gather [hbm4b:s6+s15], $0x80, s29, s15, $0xb8;
	[tilespmem:$0x1E400] =	vst v63  }
0x4f: {  	p1 =	sne.s32 s28, $0x4800;
	_ =	swait.ge [sflag:s18], $0x4000  }
0x50: {  	[sflag:s18] =	ssyncset.done $0x0  }
0x51: {  	s28 =	sadd.s32 $0x1400, s26;
	[sflag:s18] =	ssyncadd.s32 $0xFFFFC000  }
0x52: {  	[spmem:s1] =	stream.indirect.scatter.add.f32 [tilespmem:s16], [sflag:$0x3], $0x80, s28, s15, $0xb8;
	[tilespmem:$0x1E400] =	vst v63  }
0x53: {  	_ =	swait.ge [sflag:s13], $0x4000  }
0x54: {  	[sflag:s13] =	ssyncset.done $0x0  }
0x55: {  	s28 =	sadd.s32 $0x100, s26;
	[sflag:s13] =	ssyncadd.s32 $0xFFFFC000  }
0x56: {  	[tilespmem:s16], [sflag:$0x1] =	stream.indirect.gather [hbm4b:s6+s15], $0x80, s28, s15, $0xb8;
	[tilespmem:$0x1E400] =	vst v63  }
0x57: {  	_ =	swait.ge [sflag:s19], $0x4000  }
.Ltmp1:
0x58: {  	[sflag:s19] =	ssyncset.done $0x0;
	(pc) =	sbr.rel @p1 .LBB2_5-.Ltmp1, $4  }
0x59: {  	s26 =	sadd.s32 $0x1480, s26;
	[sflag:s19] =	ssyncadd.s32 $0xFFFFC000  }
0x5a: {  	[spmem:s1] =	stream.indirect.scatter.add.f32 [tilespmem:s17], [sflag:$0x3], $0x80, s26, s15, $0xb8;
	[tilespmem:$0x1E400] =	vst v63  }
0x5b: {  	_ =	swait.ge [sflag:s13], $0x4000  }
0x5c: {  	s28 =	smov.u32 s31;
	s26 =	sshra.s32 s30, $0x2;
	[sflag:s13] =	ssyncset.done $0x0  }
0x5d: {  	s28 =	sadd.s32 $0x80, s26;
	[sflag:s13] =	ssyncadd.s32 $0xFFFFC000  }
0x5e: {  	[tilespmem:s17], [sflag:$0x2] =	stream.indirect.gather [hbm4b:s6+s15], $0x80, s28, s15, $0xb8;
	[tilespmem:$0x1E400] =	vst v63  }
0x5f: {  	_ =	swait.ge [sflag:s18], $0x4000  }
0x60: {  	[sflag:s18] =	ssyncset.done $0x0  }
0x61: {  	s29 =	sadd.s32 $0x1400, s26;
	[sflag:s18] =	ssyncadd.s32 $0xFFFFC000  }
0x62: {  	[spmem:s1] =	stream.indirect.scatter.add.f32 [tilespmem:s16], [sflag:$0x3], $0x80, s29, s15, $0xb8;
	[tilespmem:$0x1E400] =	vst v63  }
0x63: {  	_ =	swait.ge [sflag:s13], $0x4000  }
0x64: {  	[sflag:s13] =	ssyncset.done $0x0  }
0x65: {  	s30 =	sadd.s32 $0x100, s26;
	[sflag:s13] =	ssyncadd.s32 $0xFFFFC000  }
0x66: {  	[tilespmem:s16], [sflag:$0x1] =	stream.indirect.gather [hbm4b:s6+s15], $0x80, s30, s15, $0xb8;
	[tilespmem:$0x1E400] =	vst v63  }
0x67: {  	_ =	swait.ge [sflag:s19], $0x4000  }
0x68: {  	[sflag:s19] =	ssyncset.done $0x0  }
0x69: {  	s31 =	sadd.s32 $0x1480, s26;
	[sflag:s19] =	ssyncadd.s32 $0xFFFFC000  }
0x6a: {  	[spmem:s1] =	stream.indirect.scatter.add.f32 [tilespmem:s17], [sflag:$0x3], $0x80, s31, s15, $0xb8;
	[tilespmem:$0x1E400] =	vst v63  }
0x6b: {  	_ =	swait.ge [sflag:s13], $0x4000  }
0x6c: {  	[sflag:s13] =	ssyncset.done $0x0  }
0x6d: {  	[sflag:s13] =	ssyncadd.s32 $0xFFFFC000  }
0x6e: {  	[tilespmem:s17], [sflag:$0x2] =	stream.indirect.gather [hbm4b:s6+s15], $0x80, s20, s15, $0xb8;
	[tilespmem:$0x1E400] =	vst v63  }
0x6f: {  	_ =	swait.ge [sflag:s18], $0x4000  }
0x70: {  	[sflag:s18] =	ssyncset.done $0x0  }
0x71: {  	[sflag:s18] =	ssyncadd.s32 $0xFFFFC000  }
0x72: {  	[spmem:s1] =	stream.indirect.scatter.add.f32 [tilespmem:s16], [sflag:$0x3], $0x80, s21, s15, $0xb8;
	[tilespmem:$0x1E400] =	vst v63  }
0x73: {  	_ =	swait.ge [sflag:s13], $0x4000  }
0x74: {  	[sflag:s13] =	ssyncset.done $0x0  }
0x75: {  	[sflag:s13] =	ssyncadd.s32 $0xFFFFC000  }
0x76: {  	s25 =	sadd.s32 $0x1, s25;
	_ =	swait.ge [sflag:s19], $0x4000  }
0x77: {  	p1 =	sne.s32 s25, $0x4;
	[sflag:s19] =	ssyncset.done $0x0  }
.Ltmp2:
0x78: {  	[sflag:s19] =	ssyncadd.s32 $0xFFFFC000;
	(pc) =	sbr.rel @p1 .LBB2_2-.Ltmp2, $4  }
0x79: {  	[spmem:s1] =	stream.indirect.scatter.add.f32 [tilespmem:s17], [sflag:$0x3], $0x80, s22, s15, $0xb8;
	[tilespmem:$0x1E400] =	vst v63  }
0x7a: {  	_ =	swait.ge [sflag:s13], $0x4000  }
0x7b: {  	[sflag:s13] =	ssyncset.done $0x0  }
0x7c: {  	[sflag:s13] =	ssyncadd.s32 $0xFFFFC000  }
0x7d: {  	[bflag:$0x0] =	sbarrier.arrive $0xFFFF  }
0x7e: {  	[hbm:s9], [sflag:s7] =	dma.local [spmem:s23], $0x2700  }
0x7f: {  	s2 =	sadd.s32 $0x1, s2;
	_ =	swait.ge [sflag:s13], $0x2700  }
0x80: {  	p1 =	sne.s32 s2, s11;
	[sflag:s13] =	ssyncset.done $0x0  }
.Ltmp3:
0x81: {  	s25 =	simm.s32 @!p0 $0x3;
	[sflag:s13] =	ssyncadd.s32 $0xFFFFD900;
	(pc) =	sbr.rel @p1 .LBB2_1-.Ltmp3, $4  }
0x82: {  	[hbm:s10], [sflag:s7] =	dma.local @!p0 [spmem:s24], $0x100  }
0x83: {  	_ =	swait.ge @!p0 [sflag:s25], $0x100  }
0x84: {  	[sflag:s25] =	ssyncset.done @!p0 $0x0  }
0x85: {  	[sflag:s25] =	ssyncadd.s32 @!p0 $0xFFFFFF00  }
0x86: {  	_ =	sfence.sel $0x180000  }
0x87: {  	[bflag:$0x0] =	sbarrier.arrive $0xFFFF  }
0x88: {  	_ =	strace $0x9000004A  }
0x89: {  	s0 =	sadd.s32 @!p0 $0x100000, s0;
	[bflag:$0x2] =	sbarrier.arrive $0xFFFF  }
0x8a: {  	[sflag:s0] =	ssyncadd.tile.s32 @!p0 $0x1;
	_ =	shalt  }
.Lfunc_end2:
_tile_overlayer_lowered:
.L_overlay_start_2:
0x8b: {  	(tag) =	ssettag $0x2  }
0x8c: {  	s0 =	rddreg [dreg:$0x0];
	s2 =	stileid.u32  }
0x8d: {  	s1 =	rddreg [dreg:$0x1];
	p0 =	sne.s32 s2, $0x0  }
0x8e: {  	s3 =	rddreg [dreg:$0x2];
	[bflag:$0x3] =	sbarrier.arrive $0xFFFF;
	s2 =	simm.s32 @!p0 $0x1C03  }
0x8f: {  	[timem:s3], [sflag:s2] =	dma.local @!p0 [hbm:s0], s1  }
0x90: {  	s0 =	simm.s32 @!p0 $0x3  }
0x91: {  	_ =	swait.ge @!p0 [sflag:s0], s1  }
0x92: {  	s1 =	ssub.s32 @!p0 $0x0, s1;
	[sflag:s0] =	ssyncset.done @!p0 $0x0  }
0x93: {  	[sflag:s0] =	ssyncadd.s32 @!p0 s1  }
0x94: {  	[bflag:$0x3] =	sbarrier.arrive $0xFFFF  }
0x95: {  	_ =	shalt  }

// kernel: kernel.25.cloned.1.call-start
scs
__scs_entry_jumppad:
0x0: {  	(pc) =	sbr.rel $0x88, $3  }
0x1: {  	(tag) =	ssettag $0x0;
	lr =	simm.s32 $0x1  }
0x2: {  	[smem:$0x3F8D] =	sst lr;
	_ =	strace $0xD0000000  }
0x3: {  	_ = 	snop  }
0x4: {  	_ = 	snop  }
0x5: {  	_ = 	snop  }
0x6: {  	_ = 	snop  }
0x7: {  	_ = 	snop  }
__scs_overlays_trampoline_lowered:
0x8: {  	[smem:$0x3F9C] =	sst s0  }
0x9: {  	[smem:$0x3F9D] =	sst s1  }
0xa: {  	[smem:$0x3F9E] =	sst s2  }
0xb: {  	[smem:$0x3F9F] =	sst s3  }
0xc: {  	[smem:$0x3FA0] =	sst s4  }
0xd: {  	[smem:$0x3FA1] =	sst s5  }
0xe: {  	[smem:$0x3FA2] =	sst s6  }
0xf: {  	[smem:$0x3FA3] =	sst s7  }
0x10: {  	[smem:$0x3FA4] =	sst s8  }
0x11: {  	[smem:$0x3FA5] =	sst s9;
	s0 =	simm.s32 @!p0 $0x0  }
0x12: {  	s1 =	sld [smem:$0x3F8B];
	s0 =	simm.s32 @p0 $0x1  }
0x13: {  	[smem:$0x3FA6] =	sst s0;
	s0 =	simm.s32 @!p1 $0x0  }
0x14: {  	s2 =	sld [smem:$0x3F8A];
	s0 =	simm.s32 @p1 $0x1  }
0x15: {  	[smem:$0x3FA7] =	sst s0;
	s0 =	simm.s32 @!p2 $0x0  }
0x16: {  	s3 =	sld [smem:$0x3FDB];
	s0 =	simm.s32 @p2 $0x1  }
0x17: {  	s4 =	simm.s32 $0x1BF5;
	[smem:$0x3FA9] =	sst s0  }
0x18: {  	s0 =	sld [smem:$0x3F8C];
	_ =	swait.ge [sflag:s4], $0x0  }
0x19: {  	s7 =	sld [smem:$0x3F8D]  }
0x1a: {  	s8 =	sadd.s32 $0xFFFFE003, lr  }
0x1b: {  	s9 =	sadd.s32 $0xFFFFFEF7, lr;
	s5 =	simm.s32 $0xFFFFFFFF;
	p2 =	slt.u32 s8, $0xFFFFF086  }
0x1c: {  	p1 =	slt.u32 s9, $0xF7A;
	s5 =	simm.s32 @!p2 $0x0  }
0x1d: {  	s5 =	simm.s32 @p1 $0x1;
	p0 =	seq.s32 s7, s2  }
0x1e: {  	s7 =	smul.u32 @!p0 $0xF7A, s2;
	p2 =	seq.s32 @!p0 s5, $0x0  }
0x1f: {  	s9 =	smul.u32 $0xF7A, s1;
	s8 =	simm.s32 @!p0 $0x1BF5;
	p2 =	por !p2, p0  }
0x20: {  	[sflag:s8] =	ssyncset.s32 @!p0 $0xFFFFF086;
	s6 =	sadd.s32 @!p0 s3, s7;
	s7 =	simm.s32 @!p0 $0x108  }
0x21: {  	s3 =	sadd.s32 s3, s9;
	s6 =	sadd.s32 @!p0 $0x88, s6;
	s7 =	simm.s32 @p2 $0x1082  }
0x22: {  	[simem:s7], [sflag:s8] =	dma.local @!p0 [hbm:s6], $0xF7A  }
0x23: {  	s9 =	sor.u32 $0xD0000000, s2;
	s6 =	simm.s32 $0x108;
	_ =	swait.ge @!p0 [sflag:s8], $0x0  }
0x24: {  	s3 =	sadd.s32 $0x88, s3;
	s6 =	simm.s32 @!p1 $0x1082;
	[sflag:s4] =	ssyncset.s32 $0xFFFFF086  }
0x25: {  	[simem:s6], [sflag:s4] =	dma.local [hbm:s3], $0xF7A  }
0x26: {  	[smem:$0x3F8D] =	sst s1;
	(tag) =	ssettag s2;
	_ =	strace s9  }
0x27: {  	s1 =	sld [smem:$0x3F9D]  }
0x28: {  	s2 =	sld [smem:$0x3F9E]  }
0x29: {  	s4 =	sld [smem:$0x3FA0]  }
0x2a: {  	p0 =	seq.s32 s5, $0x0;
	s5 =	sld [smem:$0x3FA1]  }
0x2b: {  	s6 =	sld [smem:$0x3FA2]  }
0x2c: {  	s7 =	sld [smem:$0x3FA3]  }
0x2d: {  	s3 =	simm.s32 $0x108;
	s8 =	sld [smem:$0x3FA4]  }
0x2e: {  	s3 =	simm.s32 @!p0 $0x1082;
	s9 =	sld [smem:$0x3FA5]  }
0x2f: {  	lr =	sadd.s32 s0, s3;
	s0 =	sld [smem:$0x3F9C]  }
0x30: {  	s3 =	sld [smem:$0x3F9F]  }
0x31: {  	[smem:$0x3FA8] =	sst s10  }
0x32: {  	s10 =	sld [smem:$0x3FA6];
	_ =	sdelay $0x3  }
0x33: {  	p0 =	seq.s32 s10, $0x1;
	s10 =	sld [smem:$0x3FA8];
	_ =	sdelay $0x3  }
0x34: {  	[smem:$0x3FA8] =	sst s10  }
0x35: {  	s10 =	sld [smem:$0x3FA7];
	_ =	sdelay $0x3  }
0x36: {  	p1 =	seq.s32 s10, $0x1;
	s10 =	sld [smem:$0x3FA8];
	_ =	sdelay $0x3  }
0x37: {  	[smem:$0x3FA8] =	sst s10  }
0x38: {  	s10 =	sld [smem:$0x3FA9]  }
0x39: {  	_ = 	snop;
	(pc) =	sbr.ind lr, $3  }
0x3a: {  	_ = 	snop  }
0x3b: {  	_ = 	snop  }
0x3c: {  	p2 =	seq.s32 s10, $0x1;
	s10 =	sld [smem:$0x3FA8]  }
0x3d: {  	_ =	shalt  }
0x3e: {  	_ =	shalt  }
0x3f: {  	_ =	shalt  }
0x40: {  	_ =	shalt  }
0x41: {  	_ =	shalt  }
0x42: {  	_ =	shalt  }
0x43: {  	_ =	shalt  }
0x44: {  	_ =	shalt  }
0x45: {  	_ =	shalt  }
0x46: {  	_ =	shalt  }
0x47: {  	_ =	shalt  }
0x48: {  	_ =	shalt  }
0x49: {  	_ =	shalt  }
0x4a: {  	_ =	shalt  }
0x4b: {  	_ =	shalt  }
0x4c: {  	_ =	shalt  }
0x4d: {  	_ =	shalt  }
0x4e: {  	_ =	shalt  }
0x4f: {  	_ =	shalt  }
0x50: {  	_ =	shalt  }
0x51: {  	_ =	shalt  }
0x52: {  	_ =	shalt  }
0x53: {  	_ =	shalt  }
0x54: {  	_ =	shalt  }
0x55: {  	_ =	shalt  }
0x56: {  	_ =	shalt  }
0x57: {  	_ =	shalt  }
0x58: {  	_ =	shalt  }
0x59: {  	_ =	shalt  }
0x5a: {  	_ =	shalt  }
0x5b: {  	_ =	shalt  }
0x5c: {  	_ =	shalt  }
0x5d: {  	_ =	shalt  }
0x5e: {  	_ =	shalt  }
0x5f: {  	_ =	shalt  }
0x60: {  	_ =	shalt  }
0x61: {  	_ =	shalt  }
0x62: {  	_ =	shalt  }
0x63: {  	_ =	shalt  }
0x64: {  	_ =	shalt  }
0x65: {  	_ =	shalt  }
0x66: {  	_ =	shalt  }
0x67: {  	_ =	shalt  }
0x68: {  	_ =	shalt  }
0x69: {  	_ =	shalt  }
0x6a: {  	_ =	shalt  }
0x6b: {  	_ =	shalt  }
0x6c: {  	_ =	shalt  }
0x6d: {  	_ =	shalt  }
0x6e: {  	_ =	shalt  }
0x6f: {  	_ =	shalt  }
0x70: {  	_ =	shalt  }
0x71: {  	_ =	shalt  }
0x72: {  	_ =	shalt  }
0x73: {  	_ =	shalt  }
0x74: {  	_ =	shalt  }
0x75: {  	_ =	shalt  }
0x76: {  	_ =	shalt  }
0x77: {  	_ =	shalt  }
0x78: {  	_ =	shalt  }
0x79: {  	_ =	shalt  }
0x7a: {  	_ =	shalt  }
0x7b: {  	_ =	shalt  }
0x7c: {  	_ =	shalt  }
0x7d: {  	_ =	shalt  }
0x7e: {  	_ =	shalt  }
0x7f: {  	_ =	shalt  }
0x80: {  	_ =	shalt  }
0x81: {  	_ =	shalt  }
0x82: {  	_ =	shalt  }
0x83: {  	_ =	shalt  }
0x84: {  	_ =	shalt  }
0x85: {  	_ =	shalt  }
0x86: {  	_ =	shalt  }
0x87: {  	_ =	shalt  }
.Lfunc_end0:
.L_simem_size_0:
called_computation.2_lowered:
.L_overlay_start_0:
0x88: {  	s2 =	sld [smem:$0x3FD9]  }
0x89: {  	s3 =	sld [smem:$0x3FFE];
	_ =	sdelay $0x1  }
0x8a: {  	s1 =	srdreg.scid  }
0x8b: {  	s0 =	sand.u32 $0x1, s1  }
0x8c: {  	s17 =	sshll.u32 s0, $0xA;
	s2 =	sadd.s32 s3, s2  }
0x8d: {  	s2 =	sadd.s32 s2, s17  }
0x8e: {  	[smem:$0x3FB4] =	sst s2  }
0x8f: {  	_ = 	snop  }
0x90: {  	(tm) =	ssettm $0x1  }
0x91: {  	s18 =	sld [smem:$0x3FFB];
	_ =	sdelay $0x3  }
0x92: {  	_ =	strace s18  }
0x93: {  	s2 =	sld [smem:$0x3FFC];
	_ =	sdelay $0x3  }
0x94: {  	_ =	strace s2  }
0x95: {  	s2 =	sld [smem:$0x3FFD];
	_ =	sdelay $0x3  }
0x96: {  	_ =	strace s2  }
0x97: {  	_ =	strace $0x8FFFFFFF  }
0x98: {  	s19 =	sld [smem:$0x3FDB];
	_ =	sdelay $0x1  }
0x99: {  	s20 =	simm.s32 $_scs_section_size  }
0x9a: {  	s4 =	simm.s32 $_size__tile_overlayer_lowered;
	s5 =	simm.s32 $_tile_overlayer_lowered  }
0x9b: {  	s6 =	simm.s32 $0x1BFF;
	s21 =	sshll.u32 s5, $0x1;
	s3 =	sadd.s32 s20, s19  }
0x9c: {  	s22 =	simm.s32 $0x0;
	s4 =	sshll.u32 s4, $0x1;
	s5 =	sadd.s32 s21, s3  }
0x9d: {  	[timem:s22], [sflag:s6] =	dma.local [hbm:s5], s4  }
0x9e: {  	_ =	swait.ge [sflag:s6], s4  }
0x9f: {  	s4 =	ssub.s32 $0x0, s4;
	[sflag:s6] =	ssyncset.done $0x0  }
0xa0: {  	[sflag:s6] =	ssyncadd.s32 s4;
	_ =	sdelay $0x1  }
0xa1: {  	s23 =	simm.s32 $0x1B8B  }
0xa2: {  	_ =	swait.ge [sflag:s23], $0x1  }
0xa3: {  	[sflag:s23] =	ssyncset.done $0x0  }
0xa4: {  	[sflag:s23] =	ssyncadd.s32 $0xFFFFFFFF  }
0xa5: {  	s4 =	sld [smem:$0x0]  }
0xa6: {  	s5 =	sand.u32 $0xFFFFFFFE, s1  }
0xa7: {  	p0 =	sne.s32 s1, s5  }
0xa8: {  	s5 =	sshll.u32 @p0 s5, $0xE  }
0xa9: {  	s5 =	sadd.s32 @p0 $0x11B8D, s5;
	s6 =	sshll.u32 @p0 s4, $0x11  }
0xaa: {  	s5 =	sor.u32 @p0 s6, s5  }
0xab: {  	[sflag:s5] =	ssyncadd.remote.s32 @p0 $0x1;
	_ =	sdelay $0x1  }
0xac: {  	s5 =	simm.s32 @p0 $0x1B8D  }
0xad: {  	_ =	swait.eq @p0 [sflag:s5], $0x1  }
0xae: {  	[sflag:s5] =	ssyncadd.s32 @p0 $0xFFFFFFFF  }
0xaf: {  	s6 =	sshll.u32 @!p0 s1, $0xE  }
0xb0: {  	s6 =	sor.u32 @!p0 $0x4000, s6;
	s5 =	simm.s32 @!p0 $0x1B8D  }
0xb1: {  	s4 =	sshll.u32 @!p0 s4, $0x11;
	s6 =	sadd.s32 @!p0 $0x11B8D, s6;
	_ =	swait.eq @!p0 [sflag:s5], $0x1  }
0xb2: {  	s4 =	sor.u32 @!p0 s4, s6;
	[sflag:s5] =	ssyncadd.s32 @!p0 $0xFFFFFFFF  }
0xb3: {  	s25 =	simm.s32 $0x1B8E;
	s24 =	sld [smem:$0x3FFE];
	[sflag:s4] =	ssyncadd.remote.s32 @!p0 $0x1  }
0xb4: {  	s26 =	simm.s32 $execute0_lowered;
	[smem:$0x3FD2] =	sst s25  }
0xb5: {  	s5 =	sshll.u32 s26, $0x1;
	_ =	strace $0x8000004C;
	[dreg:$0x1] =	wrdreg $0xFFFFFFFF  }
0xb6: {  	s28 =	simm.s32 $_size_execute0_lowered;
	s3 =	sadd.s32 s3, s5;
	[dreg:$0x0] =	wrdreg $0x0  }
0xb7: {  	s5 =	sshll.u32 s28, $0x1;
	[dreg:$0x2] =	wrdreg s3  }
0xb8: {  	[dreg:$0x3] =	wrdreg s5  }
0xb9: {  	[dreg:$0x4] =	wrdreg $0xC0  }
0xba: {  	_ =	task [dreg:s22], $0x5FFFF  }
0xbb: {  	[dreg:$0x1] =	wrdreg $0xFFFFFFFF  }
0xbc: {  	[dreg:$0x0] =	wrdreg $0x60  }
0xbd: {  	[dreg:$0x2] =	wrdreg s24  }
0xbe: {  	[dreg:$0x3] =	wrdreg $0xA8000  }
0xbf: {  	[dreg:$0x4] =	wrdreg $0x9  }
0xc0: {  	_ =	task.clear_ibuf [dreg:s22], $0x5FFFF;
	_ =	strace $0x9000004C  }
0xc1: {  	s29 =	simm.s32 $0x9;
	_ =	strace $0x8000004E  }
0xc2: {  	_ =	swait.ge [sflag:s29], $0x1  }
0xc3: {  	[sflag:s29] =	ssyncadd.s32 $0xFFFFFFFF  }
0xc4: {  	_ =	strace $0x9000004E  }
0xc5: {  	_ =	sfence  }
0xc6: {  	s30 =	sld [smem:$0x0];
	_ =	sdelay $0x2  }
0xc7: {  	s31 =	sshll.u32 s1, $0xD;
	s1 =	sshrl.u32 s1, $0x2  }
0xc8: {  	s4 =	sand.u32 $0x4000, s31;
	s1 =	sadd.s32 s1, s30  }
0xc9: {  	s0 =	sor.u32 s4, s0;
	s1 =	sshll.u32 s1, $0x11  }
0xca: {  	s0 =	sor.u32 s1, s0  }
0xcb: {  	s0 =	sadd.s32 $0x8F2B, s0  }
0xcc: {  	[sflag:s0] =	ssyncadd.remote.s32 $0x1  }
0xcd: {  	_ =	sfence.sel $0xFFFF  }
0xce: {  	[dreg:$0x0] =	wrdreg $0xFFFFFFFF;
	(pc) =	sbr.abs _section_cstart, $3  }
0xcf: {  	[dreg:$0x1] =	wrdreg $0xFFFFFFFF  }
0xd0: {  	_ =	task.clear_ibuf [dreg:s22], $0x2FFFF;
	_ =	strace $0x9FFFFFFF  }
0xd1: {  	(tm) =	ssettm $0x7FFFFFFF  }
tec
execute0_lowered:
.L_overlay_start_1:
0x0: {  	(tag) =	ssettag $0x1  }
0x1: {  	s7 =	rddreg [dreg:$0x0]  }
0x2: {  	s1 =	rddreg [dreg:$0x1]  }
0x3: {  	s0 =	rddreg [dreg:$0x2];
	s2 =	simm.s32 $0x0;
	s8 =	srdreg.scid  }
0x4: {  	s22 =	stileid.u32;
	s16 =	simm.s32 $0x2800;
	s17 =	simm.s32 $0x6800  }
0x5: {  	s18 =	simm.s32 $0x1;
	s19 =	simm.s32 $0x2;
	s20 =	simm.s32 $0x1380  }
0x6: {  	s21 =	simm.s32 $0x2700;
	[smem:$0x7FF] =	sst s2;
	s3 =	sadd.s32 $0xB7E00, s7  }
0x7: {  	s4 =	sadd.s32 $0xC1E00, s7;
	s5 =	sadd.s32 $0x67400, s7;
	s28 =	smul.u32 $0x4F000, s22  }
0x8: {  	s6 =	sadd.s32 $0x168200, s7;
	s23 =	sand.u32 $0x1, s8;
	s12 =	smul.u32 $0x13800, s22  }
0x9: {  	s10 =	sadd.s32 $0x1B6400, s7;
	s30 =	sshll.u32 s22, $0x6;
	s14 =	smul.u32 $0x4E000, s22  }
0xa: {  	s25 =	sadd.s32 $0x138000, s1;
	p0 =	sne.s32 s22, $0x0;
	_ =	strace $0x8000004D  }
0xb: {  	s29 =	ssub.s32 $0x2, s23;
	s9 =	smul.u32 $0x138800, s23;
	s7 =	sor.u32 $0x1C03, s30  }
0xc: {  	s11 =	sshrl.u32 s29, $0x1;
	s8 =	sshrl.u32 s28, $0x2;
	s31 =	sshrl.u32 s14, $0x2  }
0xd: {  	s14 =	simm.s32 $0x1400;
	s11 =	ssub.s32 s29, s11;
	s13 =	sadd.s32 s8, s1  }
0xe: {  	s12 =	sadd.s32 s12, s9;
	s8 =	smul.u32 $0x5000, s22;
	s15 =	sshrl.u32 s9, $0x3  }
0xf: {  	s24 =	sadd.s32 s31, s1;
	s22 =	simm.s32 $0x2780;
	s12 =	sshrl.u32 s12, $0x3  }
0x10: {  	v0 =	vmov s23;
	s11 =	smax.u32 s11, $0x1;
	s23 =	sshrl.u32 s24, $0x3;
	s24 =	sshrl.u32 @!p0 s25, $0x3  }
0x11: {  	s9 =	sadd.s32 s10, s12;
	s10 =	sadd.s32 s10, s15;
	s12 =	sshrl.u32 s13, $0x3  }
0x12: {  	s13 =	simm.s32 $0x3;
	s15 =	simm.s32 $0x80;
	s10 =	sadd.s32 $0x27000, s10  }
.LBB2_1:
0x13: {  	[spmem:s12], [sflag:s7] =	dma.local [hbm:s5], $0x2780  }
0x14: {  	_ =	swait.ge [sflag:s13], $0x2780  }
0x15: {  	[sflag:s13] =	ssyncset.done $0x0  }
0x16: {  	[sflag:s13] =	ssyncadd.s32 $0xFFFFD880  }
0x17: {  	s25 =	simm.s32 $0x0;
	[bflag:$0x0] =	sbarrier.arrive $0xFFFF  }
.LBB2_2:
0x18: {  	s26 =	smul.u32 $0x1400, s25;
	_ =	sdelay $0x1  }
0x19: {  	s26 =	sadd.s32 s8, s26  }
0x1a: {  	s26 =	sshrl.u32 s26, $0x3  }
0x1b: {  	s29 =	simm.s32 $0x0;
	s28 =	sadd.s32 s3, s26  }
0x1c: {  	[tilespmem:s29], [sflag:$0x3] =	stream.linear.gather [hbm4b:s28+s29], $0x1400, $0x38;
	[tilespmem:$0x1E400] =	vst v63  }
0x1d: {  	_ =	swait.ge [sflag:s13], $0x1400  }
0x1e: {  	[sflag:s13] =	ssyncset.done $0x0  }
0x1f: {  	s26 =	sadd.s32 s4, s26;
	[sflag:s13] =	ssyncadd.s32 $0xFFFFEC00  }
0x20: {  	[tilespmem:s14], [sflag:$0x3] =	stream.linear.gather [hbm4b:s26+s29], $0x1400, $0x38;
	[tilespmem:$0x1E400] =	vst v63  }
0x21: {  	_ =	swait.ge [sflag:s13], $0x1400  }
0x22: {  	[sflag:s13] =	ssyncset.done $0x0  }
0x23: {  	s26 =	simm.s32 $0x0;
	[sflag:s13] =	ssyncadd.s32 $0xFFFFEC00  }
0x24: {  	v2 =	vld [tilespmem:s26+$0x0]  }
0x25: {  	v3 =	vld [tilespmem:s26+$0x10]  }
0x26: {  	v5 =	vld [tilespmem:s26+$0x20]  }
0x27: {  	v4 =	vld [tilespmem:s26+$0x30]  }
0x28: {  	v1 =	vld [tilespmem:s26+$0x40]  }
0x29: {  	v6 =	vshll.u32 v2, $0x1;
	v2 =	vld [tilespmem:s26+$0x50]  }
0x2a: {  	s28 =	simm.s32 $0x200;
	v7 =	vshll.u32 v3, $0x1;
	v3 =	vld [tilespmem:s26+$0x60];
	v6 =	vor.u32 v0, v6  }
.LBB2_3:
0x2b: {  	s29 =	sshra.s32 s28, $0x2;
	p1 =	sne.s32 s28, $0x4E00;
	[tilespmem:s26+$0x0] =	vst v6;
	v6 =	vor.u32 v0, v7;
	v5 =	vshll.u32 v5, $0x1;
	v7 =	vld [tilespmem:s26+$0x70]  }
0x2c: {  	v8 =	vld [tilespmem:s29+$0x0];
	[tilespmem:s26+$0x10] =	vst v6;
	v5 =	vor.u32 v0, v5;
	v4 =	vshll.u32 v4, $0x1  }
0x2d: {  	v9 =	vld [tilespmem:s29+$0x10];
	[tilespmem:s26+$0x20] =	vst v5;
	v4 =	vor.u32 v0, v4;
	v1 =	vshll.u32 v1, $0x1  }
.Ltmp0:
0x2e: {  	v5 =	vld [tilespmem:s29+$0x20];
	[tilespmem:s26+$0x30] =	vst v4;
	v1 =	vor.u32 v0, v1;
	v2 =	vshll.u32 v2, $0x1;
	(pc) =	sbr.rel @p1 .LBB2_3-.Ltmp0, $4  }
0x2f: {  	v4 =	vld [tilespmem:s29+$0x30];
	[tilespmem:s26+$0x40] =	vst v1;
	v2 =	vor.u32 v0, v2;
	v3 =	vshll.u32 v3, $0x1  }
0x30: {  	v1 =	vld [tilespmem:s29+$0x40];
	[tilespmem:s26+$0x50] =	vst v2;
	v3 =	vor.u32 v0, v3;
	v6 =	vshll.u32 v7, $0x1  }
0x31: {  	v7 =	vshll.u32 v8, $0x1;
	v2 =	vld [tilespmem:s29+$0x50];
	[tilespmem:s26+$0x60] =	vst v3;
	v8 =	vor.u32 v0, v6  }
0x32: {  	s28 =	sadd.s32 $0x200, s28;
	v6 =	vor.u32 v0, v7;
	v7 =	vshll.u32 v9, $0x1;
	v3 =	vld [tilespmem:s29+$0x60];
	[tilespmem:s26+$0x70] =	vst v8;
	s26 =	smov.u32 s29  }
0x33: {  	[tilespmem:s26+$0x0] =	vst v6;
	v62 =	vor.u32 v0, v7;
	v5 =	vshll.u32 v5, $0x1;
	v63 =	vld [tilespmem:s26+$0x70]  }
0x34: {  	[tilespmem:s26+$0x10] =	vst v62;
	v5 =	vor.u32 v0, v5;
	v4 =	vshll.u32 v4, $0x1  }
0x35: {  	[tilespmem:s26+$0x20] =	vst v5;
	v4 =	vor.u32 v0, v4;
	v1 =	vshll.u32 v1, $0x1  }
0x36: {  	[tilespmem:s26+$0x30] =	vst v4;
	v1 =	vor.u32 v0, v1;
	v2 =	vshll.u32 v2, $0x1  }
0x37: {  	[tilespmem:s26+$0x40] =	vst v1;
	v1 =	vor.u32 v0, v2;
	v2 =	vshll.u32 v3, $0x1  }
0x38: {  	[tilespmem:s26+$0x50] =	vst v1;
	v1 =	vor.u32 v0, v2;
	v2 =	vshll.u32 v63, $0x1  }
0x39: {  	[tilespmem:s26+$0x60] =	vst v1;
	v1 =	vor.u32 v0, v2  }
0x3a: {  	s30 =	simm.s32 $0x0;
	[tilespmem:s26+$0x70] =	vst v1  }
0x3b: {  	[tilespmem:s16], [sflag:$0x1] =	stream.indirect.gather [hbm4b:s6+s15], $0x80, s30, s15, $0xb8;
	[tilespmem:$0x1E400] =	vst v63  }
0x3c: {  	s31 =	simm.s32 $0x80  }
0x3d: {  	[tilespmem:s17], [sflag:$0x2] =	stream.indirect.gather [hbm4b:s6+s15], $0x80, s31, s15, $0xb8;
	[tilespmem:$0x1E400] =	vst v63  }
0x3e: {  	_ =	swait.ge [sflag:s18], $0x4000  }
0x3f: {  	[sflag:s18] =	ssyncset.done $0x0  }
0x40: {  	s29 =	simm.s32 $0x1400;
	[sflag:s18] =	ssyncadd.s32 $0xFFFFC000  }
0x41: {  	[spmem:s1] =	stream.indirect.scatter.add.f32 [tilespmem:s16], [sflag:$0x3], $0x80, s29, s15, $0xb8;
	[tilespmem:$0x1E400] =	vst v63  }
0x42: {  	_ =	swait.ge [sflag:s13], $0x4000  }
0x43: {  	[sflag:s13] =	ssyncset.done $0x0  }
0x44: {  	s30 =	simm.s32 $0x100;
	[sflag:s13] =	ssyncadd.s32 $0xFFFFC000  }
0x45: {  	[tilespmem:s16], [sflag:$0x1] =	stream.indirect.gather [hbm4b:s6+s15], $0x80, s30, s15, $0xb8;
	[tilespmem:$0x1E400] =	vst v63  }
0x46: {  	_ =	swait.ge [sflag:s19], $0x4000  }
0x47: {  	[sflag:s19] =	ssyncset.done $0x0  }
0x48: {  	s31 =	simm.s32 $0x1480;
	[sflag:s19] =	ssyncadd.s32 $0xFFFFC000  }
0x49: {  	[spmem:s1] =	stream.indirect.scatter.add.f32 [tilespmem:s17], [sflag:$0x3], $0x80, s31, s15, $0xb8;
	[tilespmem:$0x1E400] =	vst v63  }
0x4a: {  	_ =	swait.ge [sflag:s13], $0x4000  }
0x4b: {  	s28 =	simm.s32 $0x800;
	s26 =	simm.s32 $0x100;
	[sflag:s13] =	ssyncset.done $0x0  }
.LBB2_5:
0x4c: {  	s29 =	sadd.s32 $0x80, s26  }
0x4d: {  	[sflag:s13] =	ssyncadd.s32 $0xFFFFC000;
	s30 =	smov.u32 s28;
	s31 =	sadd.s32 $0x400, s28  }
0x4e: {  	[tilespmem:s17], [sflag:$0x2] =	stream.indirect.gather [hbm4b:s6+s15], $0x80, s29, s15, $0xb8;
	[tilespmem:$0x1E400] =	vst v63  }
0x4f: {  	p1 =	sne.s32 s28, $0x4800;
	_ =	swait.ge [sflag:s18], $0x4000  }
0x50: {  	[sflag:s18] =	ssyncset.done $0x0  }
0x51: {  	s28 =	sadd.s32 $0x1400, s26;
	[sflag:s18] =	ssyncadd.s32 $0xFFFFC000  }
0x52: {  	[spmem:s1] =	stream.indirect.scatter.add.f32 [tilespmem:s16], [sflag:$0x3], $0x80, s28, s15, $0xb8;
	[tilespmem:$0x1E400] =	vst v63  }
0x53: {  	_ =	swait.ge [sflag:s13], $0x4000  }
0x54: {  	[sflag:s13] =	ssyncset.done $0x0  }
0x55: {  	s28 =	sadd.s32 $0x100, s26;
	[sflag:s13] =	ssyncadd.s32 $0xFFFFC000  }
0x56: {  	[tilespmem:s16], [sflag:$0x1] =	stream.indirect.gather [hbm4b:s6+s15], $0x80, s28, s15, $0xb8;
	[tilespmem:$0x1E400] =	vst v63  }
0x57: {  	_ =	swait.ge [sflag:s19], $0x4000  }
.Ltmp1:
0x58: {  	[sflag:s19] =	ssyncset.done $0x0;
	(pc) =	sbr.rel @p1 .LBB2_5-.Ltmp1, $4  }
0x59: {  	s26 =	sadd.s32 $0x1480, s26;
	[sflag:s19] =	ssyncadd.s32 $0xFFFFC000  }
0x5a: {  	[spmem:s1] =	stream.indirect.scatter.add.f32 [tilespmem:s17], [sflag:$0x3], $0x80, s26, s15, $0xb8;
	[tilespmem:$0x1E400] =	vst v63  }
0x5b: {  	_ =	swait.ge [sflag:s13], $0x4000  }
0x5c: {  	s28 =	smov.u32 s31;
	s26 =	sshra.s32 s30, $0x2;
	[sflag:s13] =	ssyncset.done $0x0  }
0x5d: {  	s28 =	sadd.s32 $0x80, s26;
	[sflag:s13] =	ssyncadd.s32 $0xFFFFC000  }
0x5e: {  	[tilespmem:s17], [sflag:$0x2] =	stream.indirect.gather [hbm4b:s6+s15], $0x80, s28, s15, $0xb8;
	[tilespmem:$0x1E400] =	vst v63  }
0x5f: {  	_ =	swait.ge [sflag:s18], $0x4000  }
0x60: {  	[sflag:s18] =	ssyncset.done $0x0  }
0x61: {  	s29 =	sadd.s32 $0x1400, s26;
	[sflag:s18] =	ssyncadd.s32 $0xFFFFC000  }
0x62: {  	[spmem:s1] =	stream.indirect.scatter.add.f32 [tilespmem:s16], [sflag:$0x3], $0x80, s29, s15, $0xb8;
	[tilespmem:$0x1E400] =	vst v63  }
0x63: {  	_ =	swait.ge [sflag:s13], $0x4000  }
0x64: {  	[sflag:s13] =	ssyncset.done $0x0  }
0x65: {  	s30 =	sadd.s32 $0x100, s26;
	[sflag:s13] =	ssyncadd.s32 $0xFFFFC000  }
0x66: {  	[tilespmem:s16], [sflag:$0x1] =	stream.indirect.gather [hbm4b:s6+s15], $0x80, s30, s15, $0xb8;
	[tilespmem:$0x1E400] =	vst v63  }
0x67: {  	_ =	swait.ge [sflag:s19], $0x4000  }
0x68: {  	[sflag:s19] =	ssyncset.done $0x0  }
0x69: {  	s31 =	sadd.s32 $0x1480, s26;
	[sflag:s19] =	ssyncadd.s32 $0xFFFFC000  }
0x6a: {  	[spmem:s1] =	stream.indirect.scatter.add.f32 [tilespmem:s17], [sflag:$0x3], $0x80, s31, s15, $0xb8;
	[tilespmem:$0x1E400] =	vst v63  }
0x6b: {  	_ =	swait.ge [sflag:s13], $0x4000  }
0x6c: {  	[sflag:s13] =	ssyncset.done $0x0  }
0x6d: {  	[sflag:s13] =	ssyncadd.s32 $0xFFFFC000  }
0x6e: {  	[tilespmem:s17], [sflag:$0x2] =	stream.indirect.gather [hbm4b:s6+s15], $0x80, s20, s15, $0xb8;
	[tilespmem:$0x1E400] =	vst v63  }
0x6f: {  	_ =	swait.ge [sflag:s18], $0x4000  }
0x70: {  	[sflag:s18] =	ssyncset.done $0x0  }
0x71: {  	[sflag:s18] =	ssyncadd.s32 $0xFFFFC000  }
0x72: {  	[spmem:s1] =	stream.indirect.scatter.add.f32 [tilespmem:s16], [sflag:$0x3], $0x80, s21, s15, $0xb8;
	[tilespmem:$0x1E400] =	vst v63  }
0x73: {  	_ =	swait.ge [sflag:s13], $0x4000  }
0x74: {  	[sflag:s13] =	ssyncset.done $0x0  }
0x75: {  	[sflag:s13] =	ssyncadd.s32 $0xFFFFC000  }
0x76: {  	s25 =	sadd.s32 $0x1, s25;
	_ =	swait.ge [sflag:s19], $0x4000  }
0x77: {  	p1 =	sne.s32 s25, $0x4;
	[sflag:s19] =	ssyncset.done $0x0  }
.Ltmp2:
0x78: {  	[sflag:s19] =	ssyncadd.s32 $0xFFFFC000;
	(pc) =	sbr.rel @p1 .LBB2_2-.Ltmp2, $4  }
0x79: {  	[spmem:s1] =	stream.indirect.scatter.add.f32 [tilespmem:s17], [sflag:$0x3], $0x80, s22, s15, $0xb8;
	[tilespmem:$0x1E400] =	vst v63  }
0x7a: {  	_ =	swait.ge [sflag:s13], $0x4000  }
0x7b: {  	[sflag:s13] =	ssyncset.done $0x0  }
0x7c: {  	[sflag:s13] =	ssyncadd.s32 $0xFFFFC000  }
0x7d: {  	[bflag:$0x0] =	sbarrier.arrive $0xFFFF  }
0x7e: {  	[hbm:s9], [sflag:s7] =	dma.local [spmem:s23], $0x2700  }
0x7f: {  	s2 =	sadd.s32 $0x1, s2;
	_ =	swait.ge [sflag:s13], $0x2700  }
0x80: {  	p1 =	sne.s32 s2, s11;
	[sflag:s13] =	ssyncset.done $0x0  }
.Ltmp3:
0x81: {  	s25 =	simm.s32 @!p0 $0x3;
	[sflag:s13] =	ssyncadd.s32 $0xFFFFD900;
	(pc) =	sbr.rel @p1 .LBB2_1-.Ltmp3, $4  }
0x82: {  	[hbm:s10], [sflag:s7] =	dma.local @!p0 [spmem:s24], $0x100  }
0x83: {  	_ =	swait.ge @!p0 [sflag:s25], $0x100  }
0x84: {  	[sflag:s25] =	ssyncset.done @!p0 $0x0  }
0x85: {  	[sflag:s25] =	ssyncadd.s32 @!p0 $0xFFFFFF00  }
0x86: {  	_ =	sfence.sel $0x180000  }
0x87: {  	[bflag:$0x0] =	sbarrier.arrive $0xFFFF  }
0x88: {  	_ =	strace $0x9000004D  }
0x89: {  	s0 =	sadd.s32 @!p0 $0x100000, s0;
	[bflag:$0x2] =	sbarrier.arrive $0xFFFF  }
0x8a: {  	[sflag:s0] =	ssyncadd.tile.s32 @!p0 $0x1;
	_ =	shalt  }
.Lfunc_end2:
_tile_overlayer_lowered:
.L_overlay_start_2:
0x8b: {  	(tag) =	ssettag $0x2  }
0x8c: {  	s0 =	rddreg [dreg:$0x0];
	s2 =	stileid.u32  }
0x8d: {  	s1 =	rddreg [dreg:$0x1];
	p0 =	sne.s32 s2, $0x0  }
0x8e: {  	s3 =	rddreg [dreg:$0x2];
	[bflag:$0x3] =	sbarrier.arrive $0xFFFF;
	s2 =	simm.s32 @!p0 $0x1C03  }
0x8f: {  	[timem:s3], [sflag:s2] =	dma.local @!p0 [hbm:s0], s1  }
0x90: {  	s0 =	simm.s32 @!p0 $0x3  }
0x91: {  	_ =	swait.ge @!p0 [sflag:s0], s1  }
0x92: {  	s1 =	ssub.s32 @!p0 $0x0, s1;
	[sflag:s0] =	ssyncset.done @!p0 $0x0  }
0x93: {  	[sflag:s0] =	ssyncadd.s32 @!p0 s1  }
0x94: {  	[bflag:$0x3] =	sbarrier.arrive $0xFFFF  }
0x95: {  	_ =	shalt  }

// kernel: kernel.28.cloned.1.call-start
scs
__scs_entry_jumppad:
0x0: {  	(pc) =	sbr.rel $0x88, $3  }
0x1: {  	(tag) =	ssettag $0x0;
	lr =	simm.s32 $0x1  }
0x2: {  	[smem:$0x3F8D] =	sst lr;
	_ =	strace $0xD0000000  }
0x3: {  	_ = 	snop  }
0x4: {  	_ = 	snop  }
0x5: {  	_ = 	snop  }
0x6: {  	_ = 	snop  }
0x7: {  	_ = 	snop  }
__scs_overlays_trampoline_lowered:
0x8: {  	[smem:$0x3F9C] =	sst s0  }
0x9: {  	[smem:$0x3F9D] =	sst s1  }
0xa: {  	[smem:$0x3F9E] =	sst s2  }
0xb: {  	[smem:$0x3F9F] =	sst s3  }
0xc: {  	[smem:$0x3FA0] =	sst s4  }
0xd: {  	[smem:$0x3FA1] =	sst s5  }
0xe: {  	[smem:$0x3FA2] =	sst s6  }
0xf: {  	[smem:$0x3FA3] =	sst s7  }
0x10: {  	[smem:$0x3FA4] =	sst s8  }
0x11: {  	[smem:$0x3FA5] =	sst s9;
	s0 =	simm.s32 @!p0 $0x0  }
0x12: {  	s1 =	sld [smem:$0x3F8B];
	s0 =	simm.s32 @p0 $0x1  }
0x13: {  	[smem:$0x3FA6] =	sst s0;
	s0 =	simm.s32 @!p1 $0x0  }
0x14: {  	s2 =	sld [smem:$0x3F8A];
	s0 =	simm.s32 @p1 $0x1  }
0x15: {  	[smem:$0x3FA7] =	sst s0;
	s0 =	simm.s32 @!p2 $0x0  }
0x16: {  	s3 =	sld [smem:$0x3FDB];
	s0 =	simm.s32 @p2 $0x1  }
0x17: {  	s4 =	simm.s32 $0x1BF5;
	[smem:$0x3FA9] =	sst s0  }
0x18: {  	s0 =	sld [smem:$0x3F8C];
	_ =	swait.ge [sflag:s4], $0x0  }
0x19: {  	s7 =	sld [smem:$0x3F8D]  }
0x1a: {  	s8 =	sadd.s32 $0xFFFFE003, lr  }
0x1b: {  	s9 =	sadd.s32 $0xFFFFFEF7, lr;
	s5 =	simm.s32 $0xFFFFFFFF;
	p2 =	slt.u32 s8, $0xFFFFF086  }
0x1c: {  	p1 =	slt.u32 s9, $0xF7A;
	s5 =	simm.s32 @!p2 $0x0  }
0x1d: {  	s5 =	simm.s32 @p1 $0x1;
	p0 =	seq.s32 s7, s2  }
0x1e: {  	s7 =	smul.u32 @!p0 $0xF7A, s2;
	p2 =	seq.s32 @!p0 s5, $0x0  }
0x1f: {  	s9 =	smul.u32 $0xF7A, s1;
	s8 =	simm.s32 @!p0 $0x1BF5;
	p2 =	por !p2, p0  }
0x20: {  	[sflag:s8] =	ssyncset.s32 @!p0 $0xFFFFF086;
	s6 =	sadd.s32 @!p0 s3, s7;
	s7 =	simm.s32 @!p0 $0x108  }
0x21: {  	s3 =	sadd.s32 s3, s9;
	s6 =	sadd.s32 @!p0 $0x88, s6;
	s7 =	simm.s32 @p2 $0x1082  }
0x22: {  	[simem:s7], [sflag:s8] =	dma.local @!p0 [hbm:s6], $0xF7A  }
0x23: {  	s9 =	sor.u32 $0xD0000000, s2;
	s6 =	simm.s32 $0x108;
	_ =	swait.ge @!p0 [sflag:s8], $0x0  }
0x24: {  	s3 =	sadd.s32 $0x88, s3;
	s6 =	simm.s32 @!p1 $0x1082;
	[sflag:s4] =	ssyncset.s32 $0xFFFFF086  }
0x25: {  	[simem:s6], [sflag:s4] =	dma.local [hbm:s3], $0xF7A  }
0x26: {  	[smem:$0x3F8D] =	sst s1;
	(tag) =	ssettag s2;
	_ =	strace s9  }
0x27: {  	s1 =	sld [smem:$0x3F9D]  }
0x28: {  	s2 =	sld [smem:$0x3F9E]  }
0x29: {  	s4 =	sld [smem:$0x3FA0]  }
0x2a: {  	p0 =	seq.s32 s5, $0x0;
	s5 =	sld [smem:$0x3FA1]  }
0x2b: {  	s6 =	sld [smem:$0x3FA2]  }
0x2c: {  	s7 =	sld [smem:$0x3FA3]  }
0x2d: {  	s3 =	simm.s32 $0x108;
	s8 =	sld [smem:$0x3FA4]  }
0x2e: {  	s3 =	simm.s32 @!p0 $0x1082;
	s9 =	sld [smem:$0x3FA5]  }
0x2f: {  	lr =	sadd.s32 s0, s3;
	s0 =	sld [smem:$0x3F9C]  }
0x30: {  	s3 =	sld [smem:$0x3F9F]  }
0x31: {  	[smem:$0x3FA8] =	sst s10  }
0x32: {  	s10 =	sld [smem:$0x3FA6];
	_ =	sdelay $0x3  }
0x33: {  	p0 =	seq.s32 s10, $0x1;
	s10 =	sld [smem:$0x3FA8];
	_ =	sdelay $0x3  }
0x34: {  	[smem:$0x3FA8] =	sst s10  }
0x35: {  	s10 =	sld [smem:$0x3FA7];
	_ =	sdelay $0x3  }
0x36: {  	p1 =	seq.s32 s10, $0x1;
	s10 =	sld [smem:$0x3FA8];
	_ =	sdelay $0x3  }
0x37: {  	[smem:$0x3FA8] =	sst s10  }
0x38: {  	s10 =	sld [smem:$0x3FA9]  }
0x39: {  	_ = 	snop;
	(pc) =	sbr.ind lr, $3  }
0x3a: {  	_ = 	snop  }
0x3b: {  	_ = 	snop  }
0x3c: {  	p2 =	seq.s32 s10, $0x1;
	s10 =	sld [smem:$0x3FA8]  }
0x3d: {  	_ =	shalt  }
0x3e: {  	_ =	shalt  }
0x3f: {  	_ =	shalt  }
0x40: {  	_ =	shalt  }
0x41: {  	_ =	shalt  }
0x42: {  	_ =	shalt  }
0x43: {  	_ =	shalt  }
0x44: {  	_ =	shalt  }
0x45: {  	_ =	shalt  }
0x46: {  	_ =	shalt  }
0x47: {  	_ =	shalt  }
0x48: {  	_ =	shalt  }
0x49: {  	_ =	shalt  }
0x4a: {  	_ =	shalt  }
0x4b: {  	_ =	shalt  }
0x4c: {  	_ =	shalt  }
0x4d: {  	_ =	shalt  }
0x4e: {  	_ =	shalt  }
0x4f: {  	_ =	shalt  }
0x50: {  	_ =	shalt  }
0x51: {  	_ =	shalt  }
0x52: {  	_ =	shalt  }
0x53: {  	_ =	shalt  }
0x54: {  	_ =	shalt  }
0x55: {  	_ =	shalt  }
0x56: {  	_ =	shalt  }
0x57: {  	_ =	shalt  }
0x58: {  	_ =	shalt  }
0x59: {  	_ =	shalt  }
0x5a: {  	_ =	shalt  }
0x5b: {  	_ =	shalt  }
0x5c: {  	_ =	shalt  }
0x5d: {  	_ =	shalt  }
0x5e: {  	_ =	shalt  }
0x5f: {  	_ =	shalt  }
0x60: {  	_ =	shalt  }
0x61: {  	_ =	shalt  }
0x62: {  	_ =	shalt  }
0x63: {  	_ =	shalt  }
0x64: {  	_ =	shalt  }
0x65: {  	_ =	shalt  }
0x66: {  	_ =	shalt  }
0x67: {  	_ =	shalt  }
0x68: {  	_ =	shalt  }
0x69: {  	_ =	shalt  }
0x6a: {  	_ =	shalt  }
0x6b: {  	_ =	shalt  }
0x6c: {  	_ =	shalt  }
0x6d: {  	_ =	shalt  }
0x6e: {  	_ =	shalt  }
0x6f: {  	_ =	shalt  }
0x70: {  	_ =	shalt  }
0x71: {  	_ =	shalt  }
0x72: {  	_ =	shalt  }
0x73: {  	_ =	shalt  }
0x74: {  	_ =	shalt  }
0x75: {  	_ =	shalt  }
0x76: {  	_ =	shalt  }
0x77: {  	_ =	shalt  }
0x78: {  	_ =	shalt  }
0x79: {  	_ =	shalt  }
0x7a: {  	_ =	shalt  }
0x7b: {  	_ =	shalt  }
0x7c: {  	_ =	shalt  }
0x7d: {  	_ =	shalt  }
0x7e: {  	_ =	shalt  }
0x7f: {  	_ =	shalt  }
0x80: {  	_ =	shalt  }
0x81: {  	_ =	shalt  }
0x82: {  	_ =	shalt  }
0x83: {  	_ =	shalt  }
0x84: {  	_ =	shalt  }
0x85: {  	_ =	shalt  }
0x86: {  	_ =	shalt  }
0x87: {  	_ =	shalt  }
.Lfunc_end0:
.L_simem_size_0:
called_computation.3_lowered:
.L_overlay_start_0:
0x88: {  	s2 =	sld [smem:$0x3FD9]  }
0x89: {  	s3 =	sld [smem:$0x3FFE];
	_ =	sdelay $0x1  }
0x8a: {  	s1 =	srdreg.scid  }
0x8b: {  	s0 =	sand.u32 $0x1, s1  }
0x8c: {  	s17 =	sshll.u32 s0, $0xA;
	s2 =	sadd.s32 s3, s2  }
0x8d: {  	s2 =	sadd.s32 s2, s17  }
0x8e: {  	[smem:$0x3FB4] =	sst s2  }
0x8f: {  	_ = 	snop  }
0x90: {  	(tm) =	ssettm $0x1  }
0x91: {  	s18 =	sld [smem:$0x3FFB];
	_ =	sdelay $0x3  }
0x92: {  	_ =	strace s18  }
0x93: {  	s2 =	sld [smem:$0x3FFC];
	_ =	sdelay $0x3  }
0x94: {  	_ =	strace s2  }
0x95: {  	s2 =	sld [smem:$0x3FFD];
	_ =	sdelay $0x3  }
0x96: {  	_ =	strace s2  }
0x97: {  	_ =	strace $0x8FFFFFFF  }
0x98: {  	s19 =	sld [smem:$0x3FDB];
	_ =	sdelay $0x1  }
0x99: {  	s20 =	simm.s32 $_scs_section_size  }
0x9a: {  	s4 =	simm.s32 $_size__tile_overlayer_lowered;
	s5 =	simm.s32 $_tile_overlayer_lowered  }
0x9b: {  	s6 =	simm.s32 $0x1BFF;
	s21 =	sshll.u32 s5, $0x1;
	s3 =	sadd.s32 s20, s19  }
0x9c: {  	s22 =	simm.s32 $0x0;
	s4 =	sshll.u32 s4, $0x1;
	s5 =	sadd.s32 s21, s3  }
0x9d: {  	[timem:s22], [sflag:s6] =	dma.local [hbm:s5], s4  }
0x9e: {  	_ =	swait.ge [sflag:s6], s4  }
0x9f: {  	s4 =	ssub.s32 $0x0, s4;
	[sflag:s6] =	ssyncset.done $0x0  }
0xa0: {  	[sflag:s6] =	ssyncadd.s32 s4;
	_ =	sdelay $0x1  }
0xa1: {  	s23 =	simm.s32 $0x1B8B  }
0xa2: {  	_ =	swait.ge [sflag:s23], $0x1  }
0xa3: {  	[sflag:s23] =	ssyncset.done $0x0  }
0xa4: {  	[sflag:s23] =	ssyncadd.s32 $0xFFFFFFFF  }
0xa5: {  	s4 =	sld [smem:$0x0]  }
0xa6: {  	s5 =	sand.u32 $0xFFFFFFFE, s1  }
0xa7: {  	p0 =	sne.s32 s1, s5  }
0xa8: {  	s5 =	sshll.u32 @p0 s5, $0xE  }
0xa9: {  	s5 =	sadd.s32 @p0 $0x11B8D, s5;
	s6 =	sshll.u32 @p0 s4, $0x11  }
0xaa: {  	s5 =	sor.u32 @p0 s6, s5  }
0xab: {  	[sflag:s5] =	ssyncadd.remote.s32 @p0 $0x1;
	_ =	sdelay $0x1  }
0xac: {  	s5 =	simm.s32 @p0 $0x1B8D  }
0xad: {  	_ =	swait.eq @p0 [sflag:s5], $0x1  }
0xae: {  	[sflag:s5] =	ssyncadd.s32 @p0 $0xFFFFFFFF  }
0xaf: {  	s6 =	sshll.u32 @!p0 s1, $0xE  }
0xb0: {  	s6 =	sor.u32 @!p0 $0x4000, s6;
	s5 =	simm.s32 @!p0 $0x1B8D  }
0xb1: {  	s4 =	sshll.u32 @!p0 s4, $0x11;
	s6 =	sadd.s32 @!p0 $0x11B8D, s6;
	_ =	swait.eq @!p0 [sflag:s5], $0x1  }
0xb2: {  	s4 =	sor.u32 @!p0 s4, s6;
	[sflag:s5] =	ssyncadd.s32 @!p0 $0xFFFFFFFF  }
0xb3: {  	s25 =	simm.s32 $0x1B8E;
	s24 =	sld [smem:$0x3FFE];
	[sflag:s4] =	ssyncadd.remote.s32 @!p0 $0x1  }
0xb4: {  	s26 =	simm.s32 $execute0_lowered;
	[smem:$0x3FD2] =	sst s25  }
0xb5: {  	s5 =	sshll.u32 s26, $0x1;
	_ =	strace $0x8000004F;
	[dreg:$0x1] =	wrdreg $0xFFFFFFFF  }
0xb6: {  	s28 =	simm.s32 $_size_execute0_lowered;
	s3 =	sadd.s32 s3, s5;
	[dreg:$0x0] =	wrdreg $0x0  }
0xb7: {  	s5 =	sshll.u32 s28, $0x1;
	[dreg:$0x2] =	wrdreg s3  }
0xb8: {  	[dreg:$0x3] =	wrdreg s5  }
0xb9: {  	[dreg:$0x4] =	wrdreg $0xC0  }
0xba: {  	_ =	task [dreg:s22], $0x5FFFF  }
0xbb: {  	[dreg:$0x1] =	wrdreg $0xFFFFFFFF  }
0xbc: {  	[dreg:$0x0] =	wrdreg $0x60  }
0xbd: {  	[dreg:$0x2] =	wrdreg s24  }
0xbe: {  	[dreg:$0x3] =	wrdreg $0xA8000  }
0xbf: {  	[dreg:$0x4] =	wrdreg $0xB  }
0xc0: {  	_ =	task.clear_ibuf [dreg:s22], $0x5FFFF;
	_ =	strace $0x9000004F  }
0xc1: {  	s29 =	simm.s32 $0xB;
	_ =	strace $0x80000051  }
0xc2: {  	_ =	swait.ge [sflag:s29], $0x1  }
0xc3: {  	[sflag:s29] =	ssyncadd.s32 $0xFFFFFFFF  }
0xc4: {  	_ =	strace $0x90000051  }
0xc5: {  	_ =	sfence  }
0xc6: {  	s30 =	sld [smem:$0x0];
	_ =	sdelay $0x2  }
0xc7: {  	s31 =	sshll.u32 s1, $0xD;
	s1 =	sshrl.u32 s1, $0x2  }
0xc8: {  	s4 =	sand.u32 $0x4000, s31;
	s1 =	sadd.s32 s1, s30  }
0xc9: {  	s0 =	sor.u32 s4, s0;
	s1 =	sshll.u32 s1, $0x11  }
0xca: {  	s0 =	sor.u32 s1, s0  }
0xcb: {  	s0 =	sadd.s32 $0x8F2B, s0  }
0xcc: {  	[sflag:s0] =	ssyncadd.remote.s32 $0x1  }
0xcd: {  	_ =	sfence.sel $0xFFFF  }
0xce: {  	[dreg:$0x0] =	wrdreg $0xFFFFFFFF;
	(pc) =	sbr.abs _section_cstart, $3  }
0xcf: {  	[dreg:$0x1] =	wrdreg $0xFFFFFFFF  }
0xd0: {  	_ =	task.clear_ibuf [dreg:s22], $0x2FFFF;
	_ =	strace $0x9FFFFFFF  }
0xd1: {  	(tm) =	ssettm $0x7FFFFFFF  }
tec
execute0_lowered:
.L_overlay_start_1:
0x0: {  	(tag) =	ssettag $0x1  }
0x1: {  	s7 =	rddreg [dreg:$0x0]  }
0x2: {  	s1 =	rddreg [dreg:$0x1]  }
0x3: {  	s0 =	rddreg [dreg:$0x2];
	s2 =	simm.s32 $0x0;
	s8 =	srdreg.scid  }
0x4: {  	s22 =	stileid.u32;
	s16 =	simm.s32 $0x2800;
	s17 =	simm.s32 $0x6800  }
0x5: {  	s18 =	simm.s32 $0x1;
	s19 =	simm.s32 $0x2;
	s20 =	simm.s32 $0x1380  }
0x6: {  	s21 =	simm.s32 $0x2700;
	[smem:$0x7FF] =	sst s2;
	s3 =	sadd.s32 $0x53400, s7  }
0x7: {  	s4 =	sadd.s32 $0x5D400, s7;
	s5 =	sadd.s32 $0x67400, s7;
	s28 =	smul.u32 $0x4F000, s22  }
0x8: {  	s6 =	sadd.s32 $0x5200, s7;
	s23 =	sand.u32 $0x1, s8;
	s12 =	smul.u32 $0x13800, s22  }
0x9: {  	s10 =	sadd.s32 $0x69C00, s7;
	s30 =	sshll.u32 s22, $0x6;
	s14 =	smul.u32 $0x4E000, s22  }
0xa: {  	s25 =	sadd.s32 $0x138000, s1;
	p0 =	sne.s32 s22, $0x0;
	_ =	strace $0x80000050  }
0xb: {  	s29 =	ssub.s32 $0x2, s23;
	s9 =	smul.u32 $0x138800, s23;
	s7 =	sor.u32 $0x1C03, s30  }
0xc: {  	s11 =	sshrl.u32 s29, $0x1;
	s8 =	sshrl.u32 s28, $0x2;
	s31 =	sshrl.u32 s14, $0x2  }
0xd: {  	s14 =	simm.s32 $0x1400;
	s11 =	ssub.s32 s29, s11;
	s13 =	sadd.s32 s8, s1  }
0xe: {  	s12 =	sadd.s32 s12, s9;
	s8 =	smul.u32 $0x5000, s22;
	s15 =	sshrl.u32 s9, $0x3  }
0xf: {  	s24 =	sadd.s32 s31, s1;
	s22 =	simm.s32 $0x2780;
	s12 =	sshrl.u32 s12, $0x3  }
0x10: {  	v0 =	vmov s23;
	s11 =	smax.u32 s11, $0x1;
	s23 =	sshrl.u32 s24, $0x3;
	s24 =	sshrl.u32 @!p0 s25, $0x3  }
0x11: {  	s9 =	sadd.s32 s10, s12;
	s10 =	sadd.s32 s10, s15;
	s12 =	sshrl.u32 s13, $0x3  }
0x12: {  	s13 =	simm.s32 $0x3;
	s15 =	simm.s32 $0x80;
	s10 =	sadd.s32 $0x27000, s10  }
.LBB2_1:
0x13: {  	[spmem:s12], [sflag:s7] =	dma.local [hbm:s5], $0x2780  }
0x14: {  	_ =	swait.ge [sflag:s13], $0x2780  }
0x15: {  	[sflag:s13] =	ssyncset.done $0x0  }
0x16: {  	[sflag:s13] =	ssyncadd.s32 $0xFFFFD880  }
0x17: {  	s25 =	simm.s32 $0x0;
	[bflag:$0x0] =	sbarrier.arrive $0xFFFF  }
.LBB2_2:
0x18: {  	s26 =	smul.u32 $0x1400, s25;
	_ =	sdelay $0x1  }
0x19: {  	s26 =	sadd.s32 s8, s26  }
0x1a: {  	s26 =	sshrl.u32 s26, $0x3  }
0x1b: {  	s29 =	simm.s32 $0x0;
	s28 =	sadd.s32 s3, s26  }
0x1c: {  	[tilespmem:s29], [sflag:$0x3] =	stream.linear.gather [hbm4b:s28+s29], $0x1400, $0x38;
	[tilespmem:$0x1E400] =	vst v63  }
0x1d: {  	_ =	swait.ge [sflag:s13], $0x1400  }
0x1e: {  	[sflag:s13] =	ssyncset.done $0x0  }
0x1f: {  	s26 =	sadd.s32 s4, s26;
	[sflag:s13] =	ssyncadd.s32 $0xFFFFEC00  }
0x20: {  	[tilespmem:s14], [sflag:$0x3] =	stream.linear.gather [hbm4b:s26+s29], $0x1400, $0x38;
	[tilespmem:$0x1E400] =	vst v63  }
0x21: {  	_ =	swait.ge [sflag:s13], $0x1400  }
0x22: {  	[sflag:s13] =	ssyncset.done $0x0  }
0x23: {  	s26 =	simm.s32 $0x0;
	[sflag:s13] =	ssyncadd.s32 $0xFFFFEC00  }
0x24: {  	v2 =	vld [tilespmem:s26+$0x0]  }
0x25: {  	v3 =	vld [tilespmem:s26+$0x10]  }
0x26: {  	v5 =	vld [tilespmem:s26+$0x20]  }
0x27: {  	v4 =	vld [tilespmem:s26+$0x30]  }
0x28: {  	v1 =	vld [tilespmem:s26+$0x40]  }
0x29: {  	v6 =	vshll.u32 v2, $0x1;
	v2 =	vld [tilespmem:s26+$0x50]  }
0x2a: {  	s28 =	simm.s32 $0x200;
	v7 =	vshll.u32 v3, $0x1;
	v3 =	vld [tilespmem:s26+$0x60];
	v6 =	vor.u32 v0, v6  }
.LBB2_3:
0x2b: {  	s29 =	sshra.s32 s28, $0x2;
	p1 =	sne.s32 s28, $0x4E00;
	[tilespmem:s26+$0x0] =	vst v6;
	v6 =	vor.u32 v0, v7;
	v5 =	vshll.u32 v5, $0x1;
	v7 =	vld [tilespmem:s26+$0x70]  }
0x2c: {  	v8 =	vld [tilespmem:s29+$0x0];
	[tilespmem:s26+$0x10] =	vst v6;
	v5 =	vor.u32 v0, v5;
	v4 =	vshll.u32 v4, $0x1  }
0x2d: {  	v9 =	vld [tilespmem:s29+$0x10];
	[tilespmem:s26+$0x20] =	vst v5;
	v4 =	vor.u32 v0, v4;
	v1 =	vshll.u32 v1, $0x1  }
.Ltmp0:
0x2e: {  	v5 =	vld [tilespmem:s29+$0x20];
	[tilespmem:s26+$0x30] =	vst v4;
	v1 =	vor.u32 v0, v1;
	v2 =	vshll.u32 v2, $0x1;
	(pc) =	sbr.rel @p1 .LBB2_3-.Ltmp0, $4  }
0x2f: {  	v4 =	vld [tilespmem:s29+$0x30];
	[tilespmem:s26+$0x40] =	vst v1;
	v2 =	vor.u32 v0, v2;
	v3 =	vshll.u32 v3, $0x1  }
0x30: {  	v1 =	vld [tilespmem:s29+$0x40];
	[tilespmem:s26+$0x50] =	vst v2;
	v3 =	vor.u32 v0, v3;
	v6 =	vshll.u32 v7, $0x1  }
0x31: {  	v7 =	vshll.u32 v8, $0x1;
	v2 =	vld [tilespmem:s29+$0x50];
	[tilespmem:s26+$0x60] =	vst v3;
	v8 =	vor.u32 v0, v6  }
0x32: {  	s28 =	sadd.s32 $0x200, s28;
	v6 =	vor.u32 v0, v7;
	v7 =	vshll.u32 v9, $0x1;
	v3 =	vld [tilespmem:s29+$0x60];
	[tilespmem:s26+$0x70] =	vst v8;
	s26 =	smov.u32 s29  }
0x33: {  	[tilespmem:s26+$0x0] =	vst v6;
	v62 =	vor.u32 v0, v7;
	v5 =	vshll.u32 v5, $0x1;
	v63 =	vld [tilespmem:s26+$0x70]  }
0x34: {  	[tilespmem:s26+$0x10] =	vst v62;
	v5 =	vor.u32 v0, v5;
	v4 =	vshll.u32 v4, $0x1  }
0x35: {  	[tilespmem:s26+$0x20] =	vst v5;
	v4 =	vor.u32 v0, v4;
	v1 =	vshll.u32 v1, $0x1  }
0x36: {  	[tilespmem:s26+$0x30] =	vst v4;
	v1 =	vor.u32 v0, v1;
	v2 =	vshll.u32 v2, $0x1  }
0x37: {  	[tilespmem:s26+$0x40] =	vst v1;
	v1 =	vor.u32 v0, v2;
	v2 =	vshll.u32 v3, $0x1  }
0x38: {  	[tilespmem:s26+$0x50] =	vst v1;
	v1 =	vor.u32 v0, v2;
	v2 =	vshll.u32 v63, $0x1  }
0x39: {  	[tilespmem:s26+$0x60] =	vst v1;
	v1 =	vor.u32 v0, v2  }
0x3a: {  	s30 =	simm.s32 $0x0;
	[tilespmem:s26+$0x70] =	vst v1  }
0x3b: {  	[tilespmem:s16], [sflag:$0x1] =	stream.indirect.gather [hbm4b:s6+s15], $0x80, s30, s15, $0xb8;
	[tilespmem:$0x1E400] =	vst v63  }
0x3c: {  	s31 =	simm.s32 $0x80  }
0x3d: {  	[tilespmem:s17], [sflag:$0x2] =	stream.indirect.gather [hbm4b:s6+s15], $0x80, s31, s15, $0xb8;
	[tilespmem:$0x1E400] =	vst v63  }
0x3e: {  	_ =	swait.ge [sflag:s18], $0x4000  }
0x3f: {  	[sflag:s18] =	ssyncset.done $0x0  }
0x40: {  	s29 =	simm.s32 $0x1400;
	[sflag:s18] =	ssyncadd.s32 $0xFFFFC000  }
0x41: {  	[spmem:s1] =	stream.indirect.scatter.add.f32 [tilespmem:s16], [sflag:$0x3], $0x80, s29, s15, $0xb8;
	[tilespmem:$0x1E400] =	vst v63  }
0x42: {  	_ =	swait.ge [sflag:s13], $0x4000  }
0x43: {  	[sflag:s13] =	ssyncset.done $0x0  }
0x44: {  	s30 =	simm.s32 $0x100;
	[sflag:s13] =	ssyncadd.s32 $0xFFFFC000  }
0x45: {  	[tilespmem:s16], [sflag:$0x1] =	stream.indirect.gather [hbm4b:s6+s15], $0x80, s30, s15, $0xb8;
	[tilespmem:$0x1E400] =	vst v63  }
0x46: {  	_ =	swait.ge [sflag:s19], $0x4000  }
0x47: {  	[sflag:s19] =	ssyncset.done $0x0  }
0x48: {  	s31 =	simm.s32 $0x1480;
	[sflag:s19] =	ssyncadd.s32 $0xFFFFC000  }
0x49: {  	[spmem:s1] =	stream.indirect.scatter.add.f32 [tilespmem:s17], [sflag:$0x3], $0x80, s31, s15, $0xb8;
	[tilespmem:$0x1E400] =	vst v63  }
0x4a: {  	_ =	swait.ge [sflag:s13], $0x4000  }
0x4b: {  	s28 =	simm.s32 $0x800;
	s26 =	simm.s32 $0x100;
	[sflag:s13] =	ssyncset.done $0x0  }
.LBB2_5:
0x4c: {  	s29 =	sadd.s32 $0x80, s26  }
0x4d: {  	[sflag:s13] =	ssyncadd.s32 $0xFFFFC000;
	s30 =	smov.u32 s28;
	s31 =	sadd.s32 $0x400, s28  }
0x4e: {  	[tilespmem:s17], [sflag:$0x2] =	stream.indirect.gather [hbm4b:s6+s15], $0x80, s29, s15, $0xb8;
	[tilespmem:$0x1E400] =	vst v63  }
0x4f: {  	p1 =	sne.s32 s28, $0x4800;
	_ =	swait.ge [sflag:s18], $0x4000  }
0x50: {  	[sflag:s18] =	ssyncset.done $0x0  }
0x51: {  	s28 =	sadd.s32 $0x1400, s26;
	[sflag:s18] =	ssyncadd.s32 $0xFFFFC000  }
0x52: {  	[spmem:s1] =	stream.indirect.scatter.add.f32 [tilespmem:s16], [sflag:$0x3], $0x80, s28, s15, $0xb8;
	[tilespmem:$0x1E400] =	vst v63  }
0x53: {  	_ =	swait.ge [sflag:s13], $0x4000  }
0x54: {  	[sflag:s13] =	ssyncset.done $0x0  }
0x55: {  	s28 =	sadd.s32 $0x100, s26;
	[sflag:s13] =	ssyncadd.s32 $0xFFFFC000  }
0x56: {  	[tilespmem:s16], [sflag:$0x1] =	stream.indirect.gather [hbm4b:s6+s15], $0x80, s28, s15, $0xb8;
	[tilespmem:$0x1E400] =	vst v63  }
0x57: {  	_ =	swait.ge [sflag:s19], $0x4000  }
.Ltmp1:
0x58: {  	[sflag:s19] =	ssyncset.done $0x0;
	(pc) =	sbr.rel @p1 .LBB2_5-.Ltmp1, $4  }
0x59: {  	s26 =	sadd.s32 $0x1480, s26;
	[sflag:s19] =	ssyncadd.s32 $0xFFFFC000  }
0x5a: {  	[spmem:s1] =	stream.indirect.scatter.add.f32 [tilespmem:s17], [sflag:$0x3], $0x80, s26, s15, $0xb8;
	[tilespmem:$0x1E400] =	vst v63  }
0x5b: {  	_ =	swait.ge [sflag:s13], $0x4000  }
0x5c: {  	s28 =	smov.u32 s31;
	s26 =	sshra.s32 s30, $0x2;
	[sflag:s13] =	ssyncset.done $0x0  }
0x5d: {  	s28 =	sadd.s32 $0x80, s26;
	[sflag:s13] =	ssyncadd.s32 $0xFFFFC000  }
0x5e: {  	[tilespmem:s17], [sflag:$0x2] =	stream.indirect.gather [hbm4b:s6+s15], $0x80, s28, s15, $0xb8;
	[tilespmem:$0x1E400] =	vst v63  }
0x5f: {  	_ =	swait.ge [sflag:s18], $0x4000  }
0x60: {  	[sflag:s18] =	ssyncset.done $0x0  }
0x61: {  	s29 =	sadd.s32 $0x1400, s26;
	[sflag:s18] =	ssyncadd.s32 $0xFFFFC000  }
0x62: {  	[spmem:s1] =	stream.indirect.scatter.add.f32 [tilespmem:s16], [sflag:$0x3], $0x80, s29, s15, $0xb8;
	[tilespmem:$0x1E400] =	vst v63  }
0x63: {  	_ =	swait.ge [sflag:s13], $0x4000  }
0x64: {  	[sflag:s13] =	ssyncset.done $0x0  }
0x65: {  	s30 =	sadd.s32 $0x100, s26;
	[sflag:s13] =	ssyncadd.s32 $0xFFFFC000  }
0x66: {  	[tilespmem:s16], [sflag:$0x1] =	stream.indirect.gather [hbm4b:s6+s15], $0x80, s30, s15, $0xb8;
	[tilespmem:$0x1E400] =	vst v63  }
0x67: {  	_ =	swait.ge [sflag:s19], $0x4000  }
0x68: {  	[sflag:s19] =	ssyncset.done $0x0  }
0x69: {  	s31 =	sadd.s32 $0x1480, s26;
	[sflag:s19] =	ssyncadd.s32 $0xFFFFC000  }
0x6a: {  	[spmem:s1] =	stream.indirect.scatter.add.f32 [tilespmem:s17], [sflag:$0x3], $0x80, s31, s15, $0xb8;
	[tilespmem:$0x1E400] =	vst v63  }
0x6b: {  	_ =	swait.ge [sflag:s13], $0x4000  }
0x6c: {  	[sflag:s13] =	ssyncset.done $0x0  }
0x6d: {  	[sflag:s13] =	ssyncadd.s32 $0xFFFFC000  }
0x6e: {  	[tilespmem:s17], [sflag:$0x2] =	stream.indirect.gather [hbm4b:s6+s15], $0x80, s20, s15, $0xb8;
	[tilespmem:$0x1E400] =	vst v63  }
0x6f: {  	_ =	swait.ge [sflag:s18], $0x4000  }
0x70: {  	[sflag:s18] =	ssyncset.done $0x0  }
0x71: {  	[sflag:s18] =	ssyncadd.s32 $0xFFFFC000  }
0x72: {  	[spmem:s1] =	stream.indirect.scatter.add.f32 [tilespmem:s16], [sflag:$0x3], $0x80, s21, s15, $0xb8;
	[tilespmem:$0x1E400] =	vst v63  }
0x73: {  	_ =	swait.ge [sflag:s13], $0x4000  }
0x74: {  	[sflag:s13] =	ssyncset.done $0x0  }
0x75: {  	[sflag:s13] =	ssyncadd.s32 $0xFFFFC000  }
0x76: {  	s25 =	sadd.s32 $0x1, s25;
	_ =	swait.ge [sflag:s19], $0x4000  }
0x77: {  	p1 =	sne.s32 s25, $0x4;
	[sflag:s19] =	ssyncset.done $0x0  }
.Ltmp2:
0x78: {  	[sflag:s19] =	ssyncadd.s32 $0xFFFFC000;
	(pc) =	sbr.rel @p1 .LBB2_2-.Ltmp2, $4  }
0x79: {  	[spmem:s1] =	stream.indirect.scatter.add.f32 [tilespmem:s17], [sflag:$0x3], $0x80, s22, s15, $0xb8;
	[tilespmem:$0x1E400] =	vst v63  }
0x7a: {  	_ =	swait.ge [sflag:s13], $0x4000  }
0x7b: {  	[sflag:s13] =	ssyncset.done $0x0  }
0x7c: {  	[sflag:s13] =	ssyncadd.s32 $0xFFFFC000  }
0x7d: {  	[bflag:$0x0] =	sbarrier.arrive $0xFFFF  }
0x7e: {  	[hbm:s9], [sflag:s7] =	dma.local [spmem:s23], $0x2700  }
0x7f: {  	s2 =	sadd.s32 $0x1, s2;
	_ =	swait.ge [sflag:s13], $0x2700  }
0x80: {  	p1 =	sne.s32 s2, s11;
	[sflag:s13] =	ssyncset.done $0x0  }
.Ltmp3:
0x81: {  	s25 =	simm.s32 @!p0 $0x3;
	[sflag:s13] =	ssyncadd.s32 $0xFFFFD900;
	(pc) =	sbr.rel @p1 .LBB2_1-.Ltmp3, $4  }
0x82: {  	[hbm:s10], [sflag:s7] =	dma.local @!p0 [spmem:s24], $0x100  }
0x83: {  	_ =	swait.ge @!p0 [sflag:s25], $0x100  }
0x84: {  	[sflag:s25] =	ssyncset.done @!p0 $0x0  }
0x85: {  	[sflag:s25] =	ssyncadd.s32 @!p0 $0xFFFFFF00  }
0x86: {  	_ =	sfence.sel $0x180000  }
0x87: {  	[bflag:$0x0] =	sbarrier.arrive $0xFFFF  }
0x88: {  	_ =	strace $0x90000050  }
0x89: {  	s0 =	sadd.s32 @!p0 $0x100000, s0;
	[bflag:$0x2] =	sbarrier.arrive $0xFFFF  }
0x8a: {  	[sflag:s0] =	ssyncadd.tile.s32 @!p0 $0x1;
	_ =	shalt  }
.Lfunc_end2:
_tile_overlayer_lowered:
.L_overlay_start_2:
0x8b: {  	(tag) =	ssettag $0x2  }
0x8c: {  	s0 =	rddreg [dreg:$0x0];
	s2 =	stileid.u32  }
0x8d: {  	s1 =	rddreg [dreg:$0x1];
	p0 =	sne.s32 s2, $0x0  }
0x8e: {  	s3 =	rddreg [dreg:$0x2];
	[bflag:$0x3] =	sbarrier.arrive $0xFFFF;
	s2 =	simm.s32 @!p0 $0x1C03  }
0x8f: {  	[timem:s3], [sflag:s2] =	dma.local @!p0 [hbm:s0], s1  }
0x90: {  	s0 =	simm.s32 @!p0 $0x3  }
0x91: {  	_ =	swait.ge @!p0 [sflag:s0], s1  }
0x92: {  	s1 =	ssub.s32 @!p0 $0x0, s1;
	[sflag:s0] =	ssyncset.done @!p0 $0x0  }
0x93: {  	[sflag:s0] =	ssyncadd.s32 @!p0 s1  }
0x94: {  	[bflag:$0x3] =	sbarrier.arrive $0xFFFF  }
0x95: {  	_ =	shalt  }

// kernel: kernel.31.cloned.1.call-start
scs
__scs_entry_jumppad:
0x0: {  	(pc) =	sbr.rel $0x88, $3  }
0x1: {  	(tag) =	ssettag $0x0;
	lr =	simm.s32 $0x1  }
0x2: {  	[smem:$0x3F8D] =	sst lr;
	_ =	strace $0xD0000000  }
0x3: {  	_ = 	snop  }
0x4: {  	_ = 	snop  }
0x5: {  	_ = 	snop  }
0x6: {  	_ = 	snop  }
0x7: {  	_ = 	snop  }
__scs_overlays_trampoline_lowered:
0x8: {  	[smem:$0x3F9C] =	sst s0  }
0x9: {  	[smem:$0x3F9D] =	sst s1  }
0xa: {  	[smem:$0x3F9E] =	sst s2  }
0xb: {  	[smem:$0x3F9F] =	sst s3  }
0xc: {  	[smem:$0x3FA0] =	sst s4  }
0xd: {  	[smem:$0x3FA1] =	sst s5  }
0xe: {  	[smem:$0x3FA2] =	sst s6  }
0xf: {  	[smem:$0x3FA3] =	sst s7  }
0x10: {  	[smem:$0x3FA4] =	sst s8  }
0x11: {  	[smem:$0x3FA5] =	sst s9;
	s0 =	simm.s32 @!p0 $0x0  }
0x12: {  	s1 =	sld [smem:$0x3F8B];
	s0 =	simm.s32 @p0 $0x1  }
0x13: {  	[smem:$0x3FA6] =	sst s0;
	s0 =	simm.s32 @!p1 $0x0  }
0x14: {  	s2 =	sld [smem:$0x3F8A];
	s0 =	simm.s32 @p1 $0x1  }
0x15: {  	[smem:$0x3FA7] =	sst s0;
	s0 =	simm.s32 @!p2 $0x0  }
0x16: {  	s3 =	sld [smem:$0x3FDB];
	s0 =	simm.s32 @p2 $0x1  }
0x17: {  	s4 =	simm.s32 $0x1BF5;
	[smem:$0x3FA9] =	sst s0  }
0x18: {  	s0 =	sld [smem:$0x3F8C];
	_ =	swait.ge [sflag:s4], $0x0  }
0x19: {  	s7 =	sld [smem:$0x3F8D]  }
0x1a: {  	s8 =	sadd.s32 $0xFFFFE003, lr  }
0x1b: {  	s9 =	sadd.s32 $0xFFFFFEF7, lr;
	s5 =	simm.s32 $0xFFFFFFFF;
	p2 =	slt.u32 s8, $0xFFFFF086  }
0x1c: {  	p1 =	slt.u32 s9, $0xF7A;
	s5 =	simm.s32 @!p2 $0x0  }
0x1d: {  	s5 =	simm.s32 @p1 $0x1;
	p0 =	seq.s32 s7, s2  }
0x1e: {  	s7 =	smul.u32 @!p0 $0xF7A, s2;
	p2 =	seq.s32 @!p0 s5, $0x0  }
0x1f: {  	s9 =	smul.u32 $0xF7A, s1;
	s8 =	simm.s32 @!p0 $0x1BF5;
	p2 =	por !p2, p0  }
0x20: {  	[sflag:s8] =	ssyncset.s32 @!p0 $0xFFFFF086;
	s6 =	sadd.s32 @!p0 s3, s7;
	s7 =	simm.s32 @!p0 $0x108  }
0x21: {  	s3 =	sadd.s32 s3, s9;
	s6 =	sadd.s32 @!p0 $0x88, s6;
	s7 =	simm.s32 @p2 $0x1082  }
0x22: {  	[simem:s7], [sflag:s8] =	dma.local @!p0 [hbm:s6], $0xF7A  }
0x23: {  	s9 =	sor.u32 $0xD0000000, s2;
	s6 =	simm.s32 $0x108;
	_ =	swait.ge @!p0 [sflag:s8], $0x0  }
0x24: {  	s3 =	sadd.s32 $0x88, s3;
	s6 =	simm.s32 @!p1 $0x1082;
	[sflag:s4] =	ssyncset.s32 $0xFFFFF086  }
0x25: {  	[simem:s6], [sflag:s4] =	dma.local [hbm:s3], $0xF7A  }
0x26: {  	[smem:$0x3F8D] =	sst s1;
	(tag) =	ssettag s2;
	_ =	strace s9  }
0x27: {  	s1 =	sld [smem:$0x3F9D]  }
0x28: {  	s2 =	sld [smem:$0x3F9E]  }
0x29: {  	s4 =	sld [smem:$0x3FA0]  }
0x2a: {  	p0 =	seq.s32 s5, $0x0;
	s5 =	sld [smem:$0x3FA1]  }
0x2b: {  	s6 =	sld [smem:$0x3FA2]  }
0x2c: {  	s7 =	sld [smem:$0x3FA3]  }
0x2d: {  	s3 =	simm.s32 $0x108;
	s8 =	sld [smem:$0x3FA4]  }
0x2e: {  	s3 =	simm.s32 @!p0 $0x1082;
	s9 =	sld [smem:$0x3FA5]  }
0x2f: {  	lr =	sadd.s32 s0, s3;
	s0 =	sld [smem:$0x3F9C]  }
0x30: {  	s3 =	sld [smem:$0x3F9F]  }
0x31: {  	[smem:$0x3FA8] =	sst s10  }
0x32: {  	s10 =	sld [smem:$0x3FA6];
	_ =	sdelay $0x3  }
0x33: {  	p0 =	seq.s32 s10, $0x1;
	s10 =	sld [smem:$0x3FA8];
	_ =	sdelay $0x3  }
0x34: {  	[smem:$0x3FA8] =	sst s10  }
0x35: {  	s10 =	sld [smem:$0x3FA7];
	_ =	sdelay $0x3  }
0x36: {  	p1 =	seq.s32 s10, $0x1;
	s10 =	sld [smem:$0x3FA8];
	_ =	sdelay $0x3  }
0x37: {  	[smem:$0x3FA8] =	sst s10  }
0x38: {  	s10 =	sld [smem:$0x3FA9]  }
0x39: {  	_ = 	snop;
	(pc) =	sbr.ind lr, $3  }
0x3a: {  	_ = 	snop  }
0x3b: {  	_ = 	snop  }
0x3c: {  	p2 =	seq.s32 s10, $0x1;
	s10 =	sld [smem:$0x3FA8]  }
0x3d: {  	_ =	shalt  }
0x3e: {  	_ =	shalt  }
0x3f: {  	_ =	shalt  }
0x40: {  	_ =	shalt  }
0x41: {  	_ =	shalt  }
0x42: {  	_ =	shalt  }
0x43: {  	_ =	shalt  }
0x44: {  	_ =	shalt  }
0x45: {  	_ =	shalt  }
0x46: {  	_ =	shalt  }
0x47: {  	_ =	shalt  }
0x48: {  	_ =	shalt  }
0x49: {  	_ =	shalt  }
0x4a: {  	_ =	shalt  }
0x4b: {  	_ =	shalt  }
0x4c: {  	_ =	shalt  }
0x4d: {  	_ =	shalt  }
0x4e: {  	_ =	shalt  }
0x4f: {  	_ =	shalt  }
0x50: {  	_ =	shalt  }
0x51: {  	_ =	shalt  }
0x52: {  	_ =	shalt  }
0x53: {  	_ =	shalt  }
0x54: {  	_ =	shalt  }
0x55: {  	_ =	shalt  }
0x56: {  	_ =	shalt  }
0x57: {  	_ =	shalt  }
0x58: {  	_ =	shalt  }
0x59: {  	_ =	shalt  }
0x5a: {  	_ =	shalt  }
0x5b: {  	_ =	shalt  }
0x5c: {  	_ =	shalt  }
0x5d: {  	_ =	shalt  }
0x5e: {  	_ =	shalt  }
0x5f: {  	_ =	shalt  }
0x60: {  	_ =	shalt  }
0x61: {  	_ =	shalt  }
0x62: {  	_ =	shalt  }
0x63: {  	_ =	shalt  }
0x64: {  	_ =	shalt  }
0x65: {  	_ =	shalt  }
0x66: {  	_ =	shalt  }
0x67: {  	_ =	shalt  }
0x68: {  	_ =	shalt  }
0x69: {  	_ =	shalt  }
0x6a: {  	_ =	shalt  }
0x6b: {  	_ =	shalt  }
0x6c: {  	_ =	shalt  }
0x6d: {  	_ =	shalt  }
0x6e: {  	_ =	shalt  }
0x6f: {  	_ =	shalt  }
0x70: {  	_ =	shalt  }
0x71: {  	_ =	shalt  }
0x72: {  	_ =	shalt  }
0x73: {  	_ =	shalt  }
0x74: {  	_ =	shalt  }
0x75: {  	_ =	shalt  }
0x76: {  	_ =	shalt  }
0x77: {  	_ =	shalt  }
0x78: {  	_ =	shalt  }
0x79: {  	_ =	shalt  }
0x7a: {  	_ =	shalt  }
0x7b: {  	_ =	shalt  }
0x7c: {  	_ =	shalt  }
0x7d: {  	_ =	shalt  }
0x7e: {  	_ =	shalt  }
0x7f: {  	_ =	shalt  }
0x80: {  	_ =	shalt  }
0x81: {  	_ =	shalt  }
0x82: {  	_ =	shalt  }
0x83: {  	_ =	shalt  }
0x84: {  	_ =	shalt  }
0x85: {  	_ =	shalt  }
0x86: {  	_ =	shalt  }
0x87: {  	_ =	shalt  }
.Lfunc_end0:
.L_simem_size_0:
called_computation.4_lowered:
.L_overlay_start_0:
0x88: {  	s2 =	sld [smem:$0x3FD9]  }
0x89: {  	s3 =	sld [smem:$0x3FFE];
	_ =	sdelay $0x1  }
0x8a: {  	s1 =	srdreg.scid  }
0x8b: {  	s0 =	sand.u32 $0x1, s1  }
0x8c: {  	s15 =	sshll.u32 s0, $0xA;
	s2 =	sadd.s32 s3, s2  }
0x8d: {  	s2 =	sadd.s32 s2, s15  }
0x8e: {  	[smem:$0x3FB4] =	sst s2  }
0x8f: {  	_ = 	snop  }
0x90: {  	s2 =	sld [smem:$0x3FD0];
	_ =	sdelay $0x2  }
0x91: {  	s16 =	simm.s32 $0xC;
	s4 =	simm.s32 $0x10  }
0x92: {  	[smem:s4], [sflag:s16] =	dma.local [hbm:s2], $0x1  }
0x93: {  	_ =	swait.eq [sflag:s16], $0x1  }
0x94: {  	[sflag:s16] =	ssyncset.done $0x0  }
0x95: {  	[sflag:s16] =	ssyncadd.s32 $0xFFFFFFFF  }
0x96: {  	s17 =	sld [smem:$0x11];
	(tm) =	ssettm $0x1  }
0x97: {  	s18 =	sld [smem:$0x3FFB];
	_ =	sdelay $0x3  }
0x98: {  	_ =	strace s18  }
0x99: {  	s2 =	sld [smem:$0x3FFC];
	_ =	sdelay $0x3  }
0x9a: {  	_ =	strace s2  }
0x9b: {  	s2 =	sld [smem:$0x3FFD];
	_ =	sdelay $0x3  }
0x9c: {  	_ =	strace s2  }
0x9d: {  	_ =	strace $0x8FFFFFFF  }
0x9e: {  	s19 =	sld [smem:$0x3FDB];
	_ =	sdelay $0x1  }
0x9f: {  	s20 =	simm.s32 $_scs_section_size  }
0xa0: {  	s5 =	simm.s32 $_size__tile_overlayer_lowered;
	s6 =	simm.s32 $_tile_overlayer_lowered  }
0xa1: {  	s7 =	simm.s32 $0x1BFF;
	s21 =	sshll.u32 s6, $0x1;
	s4 =	sadd.s32 s20, s19  }
0xa2: {  	s22 =	simm.s32 $0x0;
	s5 =	sshll.u32 s5, $0x1;
	s6 =	sadd.s32 s21, s4  }
0xa3: {  	[timem:s22], [sflag:s7] =	dma.local [hbm:s6], s5  }
0xa4: {  	_ =	swait.ge [sflag:s7], s5  }
0xa5: {  	s5 =	ssub.s32 $0x0, s5;
	[sflag:s7] =	ssyncset.done $0x0  }
0xa6: {  	[sflag:s7] =	ssyncadd.s32 s5;
	_ =	sdelay $0x1  }
0xa7: {  	s23 =	simm.s32 $0x1B8B  }
0xa8: {  	_ =	swait.ge [sflag:s23], $0x1  }
0xa9: {  	[sflag:s23] =	ssyncset.done $0x0  }
0xaa: {  	[sflag:s23] =	ssyncadd.s32 $0xFFFFFFFF  }
0xab: {  	s5 =	sld [smem:$0x0]  }
0xac: {  	s6 =	sand.u32 $0xFFFFFFFE, s1  }
0xad: {  	p0 =	sne.s32 s1, s6  }
0xae: {  	s6 =	sshll.u32 @p0 s6, $0xE  }
0xaf: {  	s6 =	sadd.s32 @p0 $0x11B8D, s6;
	s7 =	sshll.u32 @p0 s5, $0x11  }
0xb0: {  	s6 =	sor.u32 @p0 s7, s6  }
0xb1: {  	[sflag:s6] =	ssyncadd.remote.s32 @p0 $0x1;
	_ =	sdelay $0x1  }
0xb2: {  	s6 =	simm.s32 @p0 $0x1B8D  }
0xb3: {  	_ =	swait.eq @p0 [sflag:s6], $0x1  }
0xb4: {  	[sflag:s6] =	ssyncadd.s32 @p0 $0xFFFFFFFF  }
0xb5: {  	s7 =	sshll.u32 @!p0 s1, $0xE  }
0xb6: {  	s7 =	sor.u32 @!p0 $0x4000, s7;
	s6 =	simm.s32 @!p0 $0x1B8D  }
0xb7: {  	s5 =	sshll.u32 @!p0 s5, $0x11;
	s7 =	sadd.s32 @!p0 $0x11B8D, s7;
	_ =	swait.eq @!p0 [sflag:s6], $0x1  }
0xb8: {  	s5 =	sor.u32 @!p0 s5, s7;
	[sflag:s6] =	ssyncadd.s32 @!p0 $0xFFFFFFFF  }
0xb9: {  	s25 =	simm.s32 $0x1B8E;
	s24 =	sld [smem:$0x3FFE];
	[sflag:s5] =	ssyncadd.remote.s32 @!p0 $0x1  }
0xba: {  	s26 =	simm.s32 $execute0_lowered;
	[smem:$0x3FD2] =	sst s25  }
0xbb: {  	s6 =	sshll.u32 s26, $0x1;
	_ =	strace $0x80000052;
	[dreg:$0x1] =	wrdreg $0xFFFFFFFF  }
0xbc: {  	s28 =	simm.s32 $_size_execute0_lowered;
	s4 =	sadd.s32 s4, s6;
	[dreg:$0x0] =	wrdreg $0x0  }
0xbd: {  	s6 =	sshll.u32 s28, $0x1;
	[dreg:$0x2] =	wrdreg s4  }
0xbe: {  	[dreg:$0x3] =	wrdreg s6  }
0xbf: {  	[dreg:$0x4] =	wrdreg $0xC0  }
0xc0: {  	_ =	task [dreg:s22], $0x5FFFF  }
0xc1: {  	[dreg:$0x1] =	wrdreg $0xFFFFFFFF  }
0xc2: {  	[dreg:$0x0] =	wrdreg $0x60  }
0xc3: {  	[dreg:$0x2] =	wrdreg s24  }
0xc4: {  	[dreg:$0x3] =	wrdreg s17  }
0xc5: {  	[dreg:$0x4] =	wrdreg $0xA8000  }
0xc6: {  	[dreg:$0x5] =	wrdreg $0xA  }
0xc7: {  	_ =	task.clear_ibuf [dreg:s22], $0x6FFFF;
	_ =	strace $0x90000052  }
0xc8: {  	s29 =	simm.s32 $0xA;
	_ =	strace $0x80000054  }
0xc9: {  	_ =	swait.ge [sflag:s29], $0x1  }
0xca: {  	[sflag:s29] =	ssyncadd.s32 $0xFFFFFFFF  }
0xcb: {  	_ =	strace $0x90000054  }
0xcc: {  	_ =	sfence  }
0xcd: {  	s30 =	sld [smem:$0x0];
	_ =	sdelay $0x2  }
0xce: {  	s31 =	sshll.u32 s1, $0xD;
	s1 =	sshrl.u32 s1, $0x2  }
0xcf: {  	s4 =	sand.u32 $0x4000, s31;
	s1 =	sadd.s32 s1, s30  }
0xd0: {  	s0 =	sor.u32 s4, s0;
	s1 =	sshll.u32 s1, $0x11  }
0xd1: {  	s0 =	sor.u32 s1, s0  }
0xd2: {  	s0 =	sadd.s32 $0x8F2B, s0  }
0xd3: {  	[sflag:s0] =	ssyncadd.remote.s32 $0x1  }
0xd4: {  	_ =	sfence.sel $0xFFFF  }
0xd5: {  	[dreg:$0x0] =	wrdreg $0xFFFFFFFF;
	(pc) =	sbr.abs _section_cstart, $3  }
0xd6: {  	[dreg:$0x1] =	wrdreg $0xFFFFFFFF  }
0xd7: {  	_ =	task.clear_ibuf [dreg:s22], $0x2FFFF;
	_ =	strace $0x9FFFFFFF  }
0xd8: {  	(tm) =	ssettm $0x7FFFFFFF  }
0xd9: {  	_ =	shalt  }
tec
execute0_lowered:
.L_overlay_start_1:
0x0: {  	(tag) =	ssettag $0x1  }
0x1: {  	s5 =	rddreg [dreg:$0x0]  }
0x2: {  	s1 =	rddreg [dreg:$0x1]  }
0x3: {  	s2 =	rddreg [dreg:$0x2];
	s3 =	simm.s32 $0x0  }
0x4: {  	s4 =	srdreg.scid;
	s23 =	stileid.u32;
	s19 =	simm.s32 $0x1  }
0x5: {  	s20 =	simm.s32 $0x2;
	s21 =	simm.s32 $0x1380;
	s22 =	simm.s32 $0x2700  }
0x6: {  	[smem:$0x7FF] =	sst s3;
	s9 =	sadd.s32 $0xDAE00, s5;
	s11 =	sadd.s32 $0xD0E00, s5  }
0x7: {  	s10 =	sadd.s32 $0xD5E00, s5;
	s12 =	sadd.s32 $0xCBE00, s5;
	s8 =	smul.u32 $0x4F000, s23  }
0x8: {  	s6 =	sand.u32 $0x1, s4;
	s4 =	sadd.s32 $0x67400, s5;
	s16 =	smul.u32 $0x13800, s23  }
0x9: {  	s13 =	sadd.s32 $0xDFE00, s5;
	s15 =	sshll.u32 s23, $0x6;
	s26 =	smul.u32 $0x4E000, s23  }
0xa: {  	s28 =	smul.u32 $0x2800, s23;
	_ =	strace $0x80000053;
	s7 =	ssub.s32 $0x2, s6  }
0xb: {  	s14 =	smul.u32 $0x138800, s6;
	s5 =	sor.u32 $0x1C03, s15;
	p0 =	seq.s32 s6, $0x0  }
0xc: {  	s15 =	simm.s32 $0x1400;
	s24 =	sshrl.u32 s7, $0x1;
	s8 =	sshrl.u32 s8, $0x2  }
0xd: {  	s30 =	sshrl.u32 s28, $0x3;
	s11 =	smov.u32 @p0 s9;
	s12 =	smov.u32 @p0 s10  }
0xe: {  	p0 =	sne.s32 s23, $0x0;
	s23 =	simm.s32 $0x2780;
	s17 =	ssub.s32 s7, s24  }
0xf: {  	s18 =	sadd.s32 s8, s2;
	s25 =	sadd.s32 s16, s14;
	s29 =	sshrl.u32 s14, $0x3  }
0x10: {  	s7 =	sshrl.u32 s26, $0x2;
	s9 =	sadd.s32 s11, s30;
	s31 =	sadd.s32 $0x280, s30  }
0x11: {  	s10 =	sadd.s32 s12, s30;
	s14 =	simm.s32 $0x3;
	s16 =	simm.s32 $0x80  }
0x12: {  	s26 =	simm.s32 $0x0;
	s6 =	sshrl.u32 s25, $0x3;
	s8 =	sadd.s32 s13, s29  }
0x13: {  	s24 =	sadd.s32 s7, s2;
	s25 =	sadd.s32 $0x138000, s2;
	s11 =	sadd.s32 s11, s31  }
0x14: {  	s12 =	sadd.s32 s12, s31;
	s6 =	sadd.s32 s13, s6;
	s7 =	sadd.s32 $0x27000, s8  }
0x15: {  	s8 =	smax.u32 s17, $0x1;
	s13 =	sshrl.u32 s18, $0x3;
	s17 =	simm.s32 $0x2800  }
0x16: {  	s18 =	simm.s32 $0x6800;
	s24 =	sshrl.u32 s24, $0x3;
	s25 =	sshrl.u32 @!p0 s25, $0x3  }
.LBB2_1:
0x17: {  	[spmem:s13], [sflag:s5] =	dma.local [hbm:s4], $0x2780  }
0x18: {  	_ =	swait.ge [sflag:s14], $0x2780  }
0x19: {  	[sflag:s14] =	ssyncset.done $0x0  }
0x1a: {  	[sflag:s14] =	ssyncadd.s32 $0xFFFFD880  }
0x1b: {  	[bflag:$0x0] =	sbarrier.arrive $0xFFFF  }
0x1c: {  	[tilespmem:s3], [sflag:$0x3] =	stream.linear.gather [hbm4b:s9+s3], $0x1400, $0x38;
	[tilespmem:$0x1E400] =	vst v63  }
0x1d: {  	_ =	swait.ge [sflag:s14], $0x1400  }
0x1e: {  	[sflag:s14] =	ssyncset.done $0x0  }
0x1f: {  	[sflag:s14] =	ssyncadd.s32 $0xFFFFEC00  }
0x20: {  	[tilespmem:s15], [sflag:$0x3] =	stream.linear.gather [hbm4b:s10+s3], $0x1400, $0x38;
	[tilespmem:$0x1E400] =	vst v63  }
0x21: {  	_ =	swait.ge [sflag:s14], $0x1400  }
0x22: {  	[sflag:s14] =	ssyncset.done $0x0  }
0x23: {  	[sflag:s14] =	ssyncadd.s32 $0xFFFFEC00  }
0x24: {  	[tilespmem:s17], [sflag:$0x1] =	stream.indirect.gather [hbm4b:s1+s16], $0x80, s3, s16, $0xb8;
	[tilespmem:$0x1E400] =	vst v63  }
0x25: {  	s28 =	simm.s32 $0x80  }
0x26: {  	[tilespmem:s18], [sflag:$0x2] =	stream.indirect.gather [hbm4b:s1+s16], $0x80, s28, s16, $0xb8;
	[tilespmem:$0x1E400] =	vst v63  }
0x27: {  	_ =	swait.ge [sflag:s19], $0x4000  }
0x28: {  	[sflag:s19] =	ssyncset.done $0x0  }
0x29: {  	s28 =	simm.s32 $0x1400;
	[sflag:s19] =	ssyncadd.s32 $0xFFFFC000  }
0x2a: {  	[spmem:s2] =	stream.indirect.scatter.add.f32 [tilespmem:s17], [sflag:$0x3], $0x80, s28, s16, $0xb8;
	[tilespmem:$0x1E400] =	vst v63  }
0x2b: {  	_ =	swait.ge [sflag:s14], $0x4000  }
0x2c: {  	[sflag:s14] =	ssyncset.done $0x0  }
0x2d: {  	s28 =	simm.s32 $0x100;
	[sflag:s14] =	ssyncadd.s32 $0xFFFFC000  }
0x2e: {  	[tilespmem:s17], [sflag:$0x1] =	stream.indirect.gather [hbm4b:s1+s16], $0x80, s28, s16, $0xb8;
	[tilespmem:$0x1E400] =	vst v63  }
0x2f: {  	_ =	swait.ge [sflag:s20], $0x4000  }
0x30: {  	[sflag:s20] =	ssyncset.done $0x0  }
0x31: {  	s28 =	simm.s32 $0x1480;
	[sflag:s20] =	ssyncadd.s32 $0xFFFFC000  }
0x32: {  	[spmem:s2] =	stream.indirect.scatter.add.f32 [tilespmem:s18], [sflag:$0x3], $0x80, s28, s16, $0xb8;
	[tilespmem:$0x1E400] =	vst v63  }
0x33: {  	_ =	swait.ge [sflag:s14], $0x4000  }
0x34: {  	s29 =	simm.s32 $0x800;
	s28 =	simm.s32 $0x100;
	[sflag:s14] =	ssyncset.done $0x0  }
.LBB2_2:
0x35: {  	s30 =	sadd.s32 $0x80, s28  }
0x36: {  	[sflag:s14] =	ssyncadd.s32 $0xFFFFC000;
	s31 =	smov.u32 s29;
	s0 =	sadd.s32 $0x400, s29  }
0x37: {  	[tilespmem:s18], [sflag:$0x2] =	stream.indirect.gather [hbm4b:s1+s16], $0x80, s30, s16, $0xb8;
	[tilespmem:$0x1E400] =	vst v63  }
0x38: {  	p1 =	sne.s32 s29, $0x4800;
	_ =	swait.ge [sflag:s19], $0x4000  }
0x39: {  	[sflag:s19] =	ssyncset.done $0x0  }
0x3a: {  	s29 =	sadd.s32 $0x1400, s28;
	[sflag:s19] =	ssyncadd.s32 $0xFFFFC000  }
0x3b: {  	[spmem:s2] =	stream.indirect.scatter.add.f32 [tilespmem:s17], [sflag:$0x3], $0x80, s29, s16, $0xb8;
	[tilespmem:$0x1E400] =	vst v63  }
0x3c: {  	_ =	swait.ge [sflag:s14], $0x4000  }
0x3d: {  	[sflag:s14] =	ssyncset.done $0x0  }
0x3e: {  	s29 =	sadd.s32 $0x100, s28;
	[sflag:s14] =	ssyncadd.s32 $0xFFFFC000  }
0x3f: {  	[tilespmem:s17], [sflag:$0x1] =	stream.indirect.gather [hbm4b:s1+s16], $0x80, s29, s16, $0xb8;
	[tilespmem:$0x1E400] =	vst v63  }
0x40: {  	_ =	swait.ge [sflag:s20], $0x4000  }
.Ltmp0:
0x41: {  	[sflag:s20] =	ssyncset.done $0x0;
	(pc) =	sbr.rel @p1 .LBB2_2-.Ltmp0, $4  }
0x42: {  	s28 =	sadd.s32 $0x1480, s28;
	[sflag:s20] =	ssyncadd.s32 $0xFFFFC000  }
0x43: {  	[spmem:s2] =	stream.indirect.scatter.add.f32 [tilespmem:s18], [sflag:$0x3], $0x80, s28, s16, $0xb8;
	[tilespmem:$0x1E400] =	vst v63  }
0x44: {  	_ =	swait.ge [sflag:s14], $0x4000  }
0x45: {  	s29 =	smov.u32 s0;
	s28 =	sshra.s32 s31, $0x2;
	[sflag:s14] =	ssyncset.done $0x0  }
0x46: {  	s0 =	sadd.s32 $0x80, s28;
	[sflag:s14] =	ssyncadd.s32 $0xFFFFC000  }
0x47: {  	[tilespmem:s18], [sflag:$0x2] =	stream.indirect.gather [hbm4b:s1+s16], $0x80, s0, s16, $0xb8;
	[tilespmem:$0x1E400] =	vst v63  }
0x48: {  	_ =	swait.ge [sflag:s19], $0x4000  }
0x49: {  	[sflag:s19] =	ssyncset.done $0x0  }
0x4a: {  	s30 =	sadd.s32 $0x1400, s28;
	[sflag:s19] =	ssyncadd.s32 $0xFFFFC000  }
0x4b: {  	[spmem:s2] =	stream.indirect.scatter.add.f32 [tilespmem:s17], [sflag:$0x3], $0x80, s30, s16, $0xb8;
	[tilespmem:$0x1E400] =	vst v63  }
0x4c: {  	_ =	swait.ge [sflag:s14], $0x4000  }
0x4d: {  	[sflag:s14] =	ssyncset.done $0x0  }
0x4e: {  	s31 =	sadd.s32 $0x100, s28;
	[sflag:s14] =	ssyncadd.s32 $0xFFFFC000  }
0x4f: {  	[tilespmem:s17], [sflag:$0x1] =	stream.indirect.gather [hbm4b:s1+s16], $0x80, s31, s16, $0xb8;
	[tilespmem:$0x1E400] =	vst v63  }
0x50: {  	_ =	swait.ge [sflag:s20], $0x4000  }
0x51: {  	[sflag:s20] =	ssyncset.done $0x0  }
0x52: {  	s30 =	sadd.s32 $0x1480, s28;
	[sflag:s20] =	ssyncadd.s32 $0xFFFFC000  }
0x53: {  	[spmem:s2] =	stream.indirect.scatter.add.f32 [tilespmem:s18], [sflag:$0x3], $0x80, s30, s16, $0xb8;
	[tilespmem:$0x1E400] =	vst v63  }
0x54: {  	_ =	swait.ge [sflag:s14], $0x4000  }
0x55: {  	[sflag:s14] =	ssyncset.done $0x0  }
0x56: {  	[sflag:s14] =	ssyncadd.s32 $0xFFFFC000  }
0x57: {  	[tilespmem:s18], [sflag:$0x2] =	stream.indirect.gather [hbm4b:s1+s16], $0x80, s21, s16, $0xb8;
	[tilespmem:$0x1E400] =	vst v63  }
0x58: {  	_ =	swait.ge [sflag:s19], $0x4000  }
0x59: {  	[sflag:s19] =	ssyncset.done $0x0  }
0x5a: {  	[sflag:s19] =	ssyncadd.s32 $0xFFFFC000  }
0x5b: {  	[spmem:s2] =	stream.indirect.scatter.add.f32 [tilespmem:s17], [sflag:$0x3], $0x80, s22, s16, $0xb8;
	[tilespmem:$0x1E400] =	vst v63  }
0x5c: {  	_ =	swait.ge [sflag:s14], $0x4000  }
0x5d: {  	[sflag:s14] =	ssyncset.done $0x0  }
0x5e: {  	[sflag:s14] =	ssyncadd.s32 $0xFFFFC000  }
0x5f: {  	_ =	swait.ge [sflag:s20], $0x4000  }
0x60: {  	[sflag:s20] =	ssyncset.done $0x0  }
0x61: {  	[sflag:s20] =	ssyncadd.s32 $0xFFFFC000  }
0x62: {  	[spmem:s2] =	stream.indirect.scatter.add.f32 [tilespmem:s18], [sflag:$0x3], $0x80, s23, s16, $0xb8;
	[tilespmem:$0x1E400] =	vst v63  }
0x63: {  	_ =	swait.ge [sflag:s14], $0x4000  }
0x64: {  	[sflag:s14] =	ssyncset.done $0x0  }
0x65: {  	s31 =	simm.s32 $0x0;
	[sflag:s14] =	ssyncadd.s32 $0xFFFFC000  }
0x66: {  	[tilespmem:s31], [sflag:$0x3] =	stream.linear.gather [hbm4b:s11+s31], $0x1400, $0x38;
	[tilespmem:$0x1E400] =	vst v63  }
0x67: {  	_ =	swait.ge [sflag:s14], $0x1400  }
0x68: {  	[sflag:s14] =	ssyncset.done $0x0  }
0x69: {  	[sflag:s14] =	ssyncadd.s32 $0xFFFFEC00  }
0x6a: {  	[tilespmem:s15], [sflag:$0x3] =	stream.linear.gather [hbm4b:s12+s31], $0x1400, $0x38;
	[tilespmem:$0x1E400] =	vst v63  }
0x6b: {  	_ =	swait.ge [sflag:s14], $0x1400  }
0x6c: {  	[sflag:s14] =	ssyncset.done $0x0  }
0x6d: {  	[sflag:s14] =	ssyncadd.s32 $0xFFFFEC00  }
0x6e: {  	[tilespmem:s17], [sflag:$0x1] =	stream.indirect.gather [hbm4b:s1+s16], $0x80, s31, s16, $0xb8;
	[tilespmem:$0x1E400] =	vst v63  }
0x6f: {  	s30 =	simm.s32 $0x80  }
0x70: {  	[tilespmem:s18], [sflag:$0x2] =	stream.indirect.gather [hbm4b:s1+s16], $0x80, s30, s16, $0xb8;
	[tilespmem:$0x1E400] =	vst v63  }
0x71: {  	_ =	swait.ge [sflag:s19], $0x4000  }
0x72: {  	[sflag:s19] =	ssyncset.done $0x0  }
0x73: {  	s31 =	simm.s32 $0x1400;
	[sflag:s19] =	ssyncadd.s32 $0xFFFFC000  }
0x74: {  	[spmem:s2] =	stream.indirect.scatter.add.f32 [tilespmem:s17], [sflag:$0x3], $0x80, s31, s16, $0xb8;
	[tilespmem:$0x1E400] =	vst v63  }
0x75: {  	_ =	swait.ge [sflag:s14], $0x4000  }
0x76: {  	[sflag:s14] =	ssyncset.done $0x0  }
0x77: {  	s30 =	simm.s32 $0x100;
	[sflag:s14] =	ssyncadd.s32 $0xFFFFC000  }
0x78: {  	[tilespmem:s17], [sflag:$0x1] =	stream.indirect.gather [hbm4b:s1+s16], $0x80, s30, s16, $0xb8;
	[tilespmem:$0x1E400] =	vst v63  }
0x79: {  	_ =	swait.ge [sflag:s20], $0x4000  }
0x7a: {  	[sflag:s20] =	ssyncset.done $0x0  }
0x7b: {  	s31 =	simm.s32 $0x1480;
	[sflag:s20] =	ssyncadd.s32 $0xFFFFC000  }
0x7c: {  	[spmem:s2] =	stream.indirect.scatter.add.f32 [tilespmem:s18], [sflag:$0x3], $0x80, s31, s16, $0xb8;
	[tilespmem:$0x1E400] =	vst v63  }
0x7d: {  	_ =	swait.ge [sflag:s14], $0x4000  }
0x7e: {  	s29 =	simm.s32 $0x800;
	s28 =	simm.s32 $0x100;
	[sflag:s14] =	ssyncset.done $0x0  }
.LBB2_4:
0x7f: {  	s0 =	sadd.s32 $0x80, s28  }
0x80: {  	[sflag:s14] =	ssyncadd.s32 $0xFFFFC000;
	s30 =	smov.u32 s29;
	s31 =	sadd.s32 $0x400, s29  }
0x81: {  	[tilespmem:s18], [sflag:$0x2] =	stream.indirect.gather [hbm4b:s1+s16], $0x80, s0, s16, $0xb8;
	[tilespmem:$0x1E400] =	vst v63  }
0x82: {  	p1 =	sne.s32 s29, $0x4800;
	_ =	swait.ge [sflag:s19], $0x4000  }
0x83: {  	[sflag:s19] =	ssyncset.done $0x0  }
0x84: {  	s0 =	sadd.s32 $0x1400, s28;
	[sflag:s19] =	ssyncadd.s32 $0xFFFFC000  }
0x85: {  	[spmem:s2] =	stream.indirect.scatter.add.f32 [tilespmem:s17], [sflag:$0x3], $0x80, s0, s16, $0xb8;
	[tilespmem:$0x1E400] =	vst v63  }
0x86: {  	_ =	swait.ge [sflag:s14], $0x4000  }
0x87: {  	[sflag:s14] =	ssyncset.done $0x0  }
0x88: {  	s0 =	sadd.s32 $0x100, s28;
	[sflag:s14] =	ssyncadd.s32 $0xFFFFC000  }
0x89: {  	[tilespmem:s17], [sflag:$0x1] =	stream.indirect.gather [hbm4b:s1+s16], $0x80, s0, s16, $0xb8;
	[tilespmem:$0x1E400] =	vst v63  }
0x8a: {  	_ =	swait.ge [sflag:s20], $0x4000  }
.Ltmp1:
0x8b: {  	[sflag:s20] =	ssyncset.done $0x0;
	(pc) =	sbr.rel @p1 .LBB2_4-.Ltmp1, $4  }
0x8c: {  	s0 =	sadd.s32 $0x1480, s28;
	[sflag:s20] =	ssyncadd.s32 $0xFFFFC000  }
0x8d: {  	[spmem:s2] =	stream.indirect.scatter.add.f32 [tilespmem:s18], [sflag:$0x3], $0x80, s0, s16, $0xb8;
	[tilespmem:$0x1E400] =	vst v63  }
0x8e: {  	_ =	swait.ge [sflag:s14], $0x4000  }
0x8f: {  	s29 =	smov.u32 s31;
	s28 =	sshra.s32 s30, $0x2;
	[sflag:s14] =	ssyncset.done $0x0  }
0x90: {  	s0 =	sadd.s32 $0x80, s28;
	[sflag:s14] =	ssyncadd.s32 $0xFFFFC000  }
0x91: {  	[tilespmem:s18], [sflag:$0x2] =	stream.indirect.gather [hbm4b:s1+s16], $0x80, s0, s16, $0xb8;
	[tilespmem:$0x1E400] =	vst v63  }
0x92: {  	_ =	swait.ge [sflag:s19], $0x4000  }
0x93: {  	[sflag:s19] =	ssyncset.done $0x0  }
0x94: {  	s29 =	sadd.s32 $0x1400, s28;
	[sflag:s19] =	ssyncadd.s32 $0xFFFFC000  }
0x95: {  	[spmem:s2] =	stream.indirect.scatter.add.f32 [tilespmem:s17], [sflag:$0x3], $0x80, s29, s16, $0xb8;
	[tilespmem:$0x1E400] =	vst v63  }
0x96: {  	_ =	swait.ge [sflag:s14], $0x4000  }
0x97: {  	[sflag:s14] =	ssyncset.done $0x0  }
0x98: {  	s30 =	sadd.s32 $0x100, s28;
	[sflag:s14] =	ssyncadd.s32 $0xFFFFC000  }
0x99: {  	[tilespmem:s17], [sflag:$0x1] =	stream.indirect.gather [hbm4b:s1+s16], $0x80, s30, s16, $0xb8;
	[tilespmem:$0x1E400] =	vst v63  }
0x9a: {  	_ =	swait.ge [sflag:s20], $0x4000  }
0x9b: {  	[sflag:s20] =	ssyncset.done $0x0  }
0x9c: {  	s31 =	sadd.s32 $0x1480, s28;
	[sflag:s20] =	ssyncadd.s32 $0xFFFFC000  }
0x9d: {  	[spmem:s2] =	stream.indirect.scatter.add.f32 [tilespmem:s18], [sflag:$0x3], $0x80, s31, s16, $0xb8;
	[tilespmem:$0x1E400] =	vst v63  }
0x9e: {  	_ =	swait.ge [sflag:s14], $0x4000  }
0x9f: {  	[sflag:s14] =	ssyncset.done $0x0  }
0xa0: {  	[sflag:s14] =	ssyncadd.s32 $0xFFFFC000  }
0xa1: {  	[tilespmem:s18], [sflag:$0x2] =	stream.indirect.gather [hbm4b:s1+s16], $0x80, s21, s16, $0xb8;
	[tilespmem:$0x1E400] =	vst v63  }
0xa2: {  	_ =	swait.ge [sflag:s19], $0x4000  }
0xa3: {  	[sflag:s19] =	ssyncset.done $0x0  }
0xa4: {  	[sflag:s19] =	ssyncadd.s32 $0xFFFFC000  }
0xa5: {  	[spmem:s2] =	stream.indirect.scatter.add.f32 [tilespmem:s17], [sflag:$0x3], $0x80, s22, s16, $0xb8;
	[tilespmem:$0x1E400] =	vst v63  }
0xa6: {  	_ =	swait.ge [sflag:s14], $0x4000  }
0xa7: {  	[sflag:s14] =	ssyncset.done $0x0  }
0xa8: {  	[sflag:s14] =	ssyncadd.s32 $0xFFFFC000  }
0xa9: {  	_ =	swait.ge [sflag:s20], $0x4000  }
0xaa: {  	[sflag:s20] =	ssyncset.done $0x0  }
0xab: {  	[sflag:s20] =	ssyncadd.s32 $0xFFFFC000  }
0xac: {  	[spmem:s2] =	stream.indirect.scatter.add.f32 [tilespmem:s18], [sflag:$0x3], $0x80, s23, s16, $0xb8;
	[tilespmem:$0x1E400] =	vst v63  }
0xad: {  	_ =	swait.ge [sflag:s14], $0x4000  }
0xae: {  	[sflag:s14] =	ssyncset.done $0x0  }
0xaf: {  	[sflag:s14] =	ssyncadd.s32 $0xFFFFC000  }
0xb0: {  	[bflag:$0x0] =	sbarrier.arrive $0xFFFF  }
0xb1: {  	[hbm:s6], [sflag:s5] =	dma.local [spmem:s24], $0x2700  }
0xb2: {  	s26 =	sadd.s32 $0x1, s26;
	_ =	swait.ge [sflag:s14], $0x2700  }
0xb3: {  	p1 =	sne.s32 s26, s8;
	[sflag:s14] =	ssyncset.done $0x0  }
.Ltmp2:
0xb4: {  	s0 =	simm.s32 @!p0 $0x3;
	[sflag:s14] =	ssyncadd.s32 $0xFFFFD900;
	(pc) =	sbr.rel @p1 .LBB2_1-.Ltmp2, $4  }
0xb5: {  	[hbm:s7], [sflag:s5] =	dma.local @!p0 [spmem:s25], $0x100  }
0xb6: {  	_ =	swait.ge @!p0 [sflag:s0], $0x100  }
0xb7: {  	[sflag:s0] =	ssyncset.done @!p0 $0x0  }
0xb8: {  	[sflag:s0] =	ssyncadd.s32 @!p0 $0xFFFFFF00  }
0xb9: {  	_ =	sfence.sel $0x180000  }
0xba: {  	[bflag:$0x0] =	sbarrier.arrive $0xFFFF  }
0xbb: {  	_ =	strace $0x90000053  }
0xbc: {  	[bflag:$0x2] =	sbarrier.arrive $0xFFFF  }
0xbd: {  	s0 =	rddreg [dreg:$0x3]  }
0xbe: {  	s0 =	sadd.s32 @!p0 $0x100000, s0  }
0xbf: {  	[sflag:s0] =	ssyncadd.tile.s32 @!p0 $0x1;
	_ =	shalt  }
.Lfunc_end2:
_tile_overlayer_lowered:
.L_overlay_start_2:
0xc0: {  	(tag) =	ssettag $0x2  }
0xc1: {  	s0 =	rddreg [dreg:$0x0];
	s2 =	stileid.u32  }
0xc2: {  	s1 =	rddreg [dreg:$0x1];
	p0 =	sne.s32 s2, $0x0  }
0xc3: {  	s3 =	rddreg [dreg:$0x2];
	[bflag:$0x3] =	sbarrier.arrive $0xFFFF;
	s2 =	simm.s32 @!p0 $0x1C03  }
0xc4: {  	[timem:s3], [sflag:s2] =	dma.local @!p0 [hbm:s0], s1  }
0xc5: {  	s0 =	simm.s32 @!p0 $0x3  }
0xc6: {  	_ =	swait.ge @!p0 [sflag:s0], s1  }
0xc7: {  	s1 =	ssub.s32 @!p0 $0x0, s1;
	[sflag:s0] =	ssyncset.done @!p0 $0x0  }
0xc8: {  	[sflag:s0] =	ssyncadd.s32 @!p0 s1  }
0xc9: {  	[bflag:$0x3] =	sbarrier.arrive $0xFFFF  }
0xca: {  	_ =	shalt  }

// kernel: kernel.34.cloned.1.call-start
scs
__scs_entry_jumppad:
0x0: {  	(pc) =	sbr.rel $0x88, $3  }
0x1: {  	(tag) =	ssettag $0x0;
	lr =	simm.s32 $0x1  }
0x2: {  	[smem:$0x3F8D] =	sst lr;
	_ =	strace $0xD0000000  }
0x3: {  	_ = 	snop  }
0x4: {  	_ = 	snop  }
0x5: {  	_ = 	snop  }
0x6: {  	_ = 	snop  }
0x7: {  	_ = 	snop  }
__scs_overlays_trampoline_lowered:
0x8: {  	[smem:$0x3F9C] =	sst s0  }
0x9: {  	[smem:$0x3F9D] =	sst s1  }
0xa: {  	[smem:$0x3F9E] =	sst s2  }
0xb: {  	[smem:$0x3F9F] =	sst s3  }
0xc: {  	[smem:$0x3FA0] =	sst s4  }
0xd: {  	[smem:$0x3FA1] =	sst s5  }
0xe: {  	[smem:$0x3FA2] =	sst s6  }
0xf: {  	[smem:$0x3FA3] =	sst s7  }
0x10: {  	[smem:$0x3FA4] =	sst s8  }
0x11: {  	[smem:$0x3FA5] =	sst s9;
	s0 =	simm.s32 @!p0 $0x0  }
0x12: {  	s1 =	sld [smem:$0x3F8B];
	s0 =	simm.s32 @p0 $0x1  }
0x13: {  	[smem:$0x3FA6] =	sst s0;
	s0 =	simm.s32 @!p1 $0x0  }
0x14: {  	s2 =	sld [smem:$0x3F8A];
	s0 =	simm.s32 @p1 $0x1  }
0x15: {  	[smem:$0x3FA7] =	sst s0;
	s0 =	simm.s32 @!p2 $0x0  }
0x16: {  	s3 =	sld [smem:$0x3FDB];
	s0 =	simm.s32 @p2 $0x1  }
0x17: {  	s4 =	simm.s32 $0x1BF5;
	[smem:$0x3FA9] =	sst s0  }
0x18: {  	s0 =	sld [smem:$0x3F8C];
	_ =	swait.ge [sflag:s4], $0x0  }
0x19: {  	s7 =	sld [smem:$0x3F8D]  }
0x1a: {  	s8 =	sadd.s32 $0xFFFFE003, lr  }
0x1b: {  	s9 =	sadd.s32 $0xFFFFFEF7, lr;
	s5 =	simm.s32 $0xFFFFFFFF;
	p2 =	slt.u32 s8, $0xFFFFF086  }
0x1c: {  	p1 =	slt.u32 s9, $0xF7A;
	s5 =	simm.s32 @!p2 $0x0  }
0x1d: {  	s5 =	simm.s32 @p1 $0x1;
	p0 =	seq.s32 s7, s2  }
0x1e: {  	s7 =	smul.u32 @!p0 $0xF7A, s2;
	p2 =	seq.s32 @!p0 s5, $0x0  }
0x1f: {  	s9 =	smul.u32 $0xF7A, s1;
	s8 =	simm.s32 @!p0 $0x1BF5;
	p2 =	por !p2, p0  }
0x20: {  	[sflag:s8] =	ssyncset.s32 @!p0 $0xFFFFF086;
	s6 =	sadd.s32 @!p0 s3, s7;
	s7 =	simm.s32 @!p0 $0x108  }
0x21: {  	s3 =	sadd.s32 s3, s9;
	s6 =	sadd.s32 @!p0 $0x88, s6;
	s7 =	simm.s32 @p2 $0x1082  }
0x22: {  	[simem:s7], [sflag:s8] =	dma.local @!p0 [hbm:s6], $0xF7A  }
0x23: {  	s9 =	sor.u32 $0xD0000000, s2;
	s6 =	simm.s32 $0x108;
	_ =	swait.ge @!p0 [sflag:s8], $0x0  }
0x24: {  	s3 =	sadd.s32 $0x88, s3;
	s6 =	simm.s32 @!p1 $0x1082;
	[sflag:s4] =	ssyncset.s32 $0xFFFFF086  }
0x25: {  	[simem:s6], [sflag:s4] =	dma.local [hbm:s3], $0xF7A  }
0x26: {  	[smem:$0x3F8D] =	sst s1;
	(tag) =	ssettag s2;
	_ =	strace s9  }
0x27: {  	s1 =	sld [smem:$0x3F9D]  }
0x28: {  	s2 =	sld [smem:$0x3F9E]  }
0x29: {  	s4 =	sld [smem:$0x3FA0]  }
0x2a: {  	p0 =	seq.s32 s5, $0x0;
	s5 =	sld [smem:$0x3FA1]  }
0x2b: {  	s6 =	sld [smem:$0x3FA2]  }
0x2c: {  	s7 =	sld [smem:$0x3FA3]  }
0x2d: {  	s3 =	simm.s32 $0x108;
	s8 =	sld [smem:$0x3FA4]  }
0x2e: {  	s3 =	simm.s32 @!p0 $0x1082;
	s9 =	sld [smem:$0x3FA5]  }
0x2f: {  	lr =	sadd.s32 s0, s3;
	s0 =	sld [smem:$0x3F9C]  }
0x30: {  	s3 =	sld [smem:$0x3F9F]  }
0x31: {  	[smem:$0x3FA8] =	sst s10  }
0x32: {  	s10 =	sld [smem:$0x3FA6];
	_ =	sdelay $0x3  }
0x33: {  	p0 =	seq.s32 s10, $0x1;
	s10 =	sld [smem:$0x3FA8];
	_ =	sdelay $0x3  }
0x34: {  	[smem:$0x3FA8] =	sst s10  }
0x35: {  	s10 =	sld [smem:$0x3FA7];
	_ =	sdelay $0x3  }
0x36: {  	p1 =	seq.s32 s10, $0x1;
	s10 =	sld [smem:$0x3FA8];
	_ =	sdelay $0x3  }
0x37: {  	[smem:$0x3FA8] =	sst s10  }
0x38: {  	s10 =	sld [smem:$0x3FA9]  }
0x39: {  	_ = 	snop;
	(pc) =	sbr.ind lr, $3  }
0x3a: {  	_ = 	snop  }
0x3b: {  	_ = 	snop  }
0x3c: {  	p2 =	seq.s32 s10, $0x1;
	s10 =	sld [smem:$0x3FA8]  }
0x3d: {  	_ =	shalt  }
0x3e: {  	_ =	shalt  }
0x3f: {  	_ =	shalt  }
0x40: {  	_ =	shalt  }
0x41: {  	_ =	shalt  }
0x42: {  	_ =	shalt  }
0x43: {  	_ =	shalt  }
0x44: {  	_ =	shalt  }
0x45: {  	_ =	shalt  }
0x46: {  	_ =	shalt  }
0x47: {  	_ =	shalt  }
0x48: {  	_ =	shalt  }
0x49: {  	_ =	shalt  }
0x4a: {  	_ =	shalt  }
0x4b: {  	_ =	shalt  }
0x4c: {  	_ =	shalt  }
0x4d: {  	_ =	shalt  }
0x4e: {  	_ =	shalt  }
0x4f: {  	_ =	shalt  }
0x50: {  	_ =	shalt  }
0x51: {  	_ =	shalt  }
0x52: {  	_ =	shalt  }
0x53: {  	_ =	shalt  }
0x54: {  	_ =	shalt  }
0x55: {  	_ =	shalt  }
0x56: {  	_ =	shalt  }
0x57: {  	_ =	shalt  }
0x58: {  	_ =	shalt  }
0x59: {  	_ =	shalt  }
0x5a: {  	_ =	shalt  }
0x5b: {  	_ =	shalt  }
0x5c: {  	_ =	shalt  }
0x5d: {  	_ =	shalt  }
0x5e: {  	_ =	shalt  }
0x5f: {  	_ =	shalt  }
0x60: {  	_ =	shalt  }
0x61: {  	_ =	shalt  }
0x62: {  	_ =	shalt  }
0x63: {  	_ =	shalt  }
0x64: {  	_ =	shalt  }
0x65: {  	_ =	shalt  }
0x66: {  	_ =	shalt  }
0x67: {  	_ =	shalt  }
0x68: {  	_ =	shalt  }
0x69: {  	_ =	shalt  }
0x6a: {  	_ =	shalt  }
0x6b: {  	_ =	shalt  }
0x6c: {  	_ =	shalt  }
0x6d: {  	_ =	shalt  }
0x6e: {  	_ =	shalt  }
0x6f: {  	_ =	shalt  }
0x70: {  	_ =	shalt  }
0x71: {  	_ =	shalt  }
0x72: {  	_ =	shalt  }
0x73: {  	_ =	shalt  }
0x74: {  	_ =	shalt  }
0x75: {  	_ =	shalt  }
0x76: {  	_ =	shalt  }
0x77: {  	_ =	shalt  }
0x78: {  	_ =	shalt  }
0x79: {  	_ =	shalt  }
0x7a: {  	_ =	shalt  }
0x7b: {  	_ =	shalt  }
0x7c: {  	_ =	shalt  }
0x7d: {  	_ =	shalt  }
0x7e: {  	_ =	shalt  }
0x7f: {  	_ =	shalt  }
0x80: {  	_ =	shalt  }
0x81: {  	_ =	shalt  }
0x82: {  	_ =	shalt  }
0x83: {  	_ =	shalt  }
0x84: {  	_ =	shalt  }
0x85: {  	_ =	shalt  }
0x86: {  	_ =	shalt  }
0x87: {  	_ =	shalt  }
.Lfunc_end0:
.L_simem_size_0:
called_computation.5_lowered:
.L_overlay_start_0:
0x88: {  	s2 =	sld [smem:$0x3FD9]  }
0x89: {  	s3 =	sld [smem:$0x3FFE];
	_ =	sdelay $0x1  }
0x8a: {  	s1 =	srdreg.scid  }
0x8b: {  	s0 =	sand.u32 $0x1, s1  }
0x8c: {  	s17 =	sshll.u32 s0, $0xA;
	s2 =	sadd.s32 s3, s2  }
0x8d: {  	s2 =	sadd.s32 s2, s17  }
0x8e: {  	[smem:$0x3FB4] =	sst s2  }
0x8f: {  	_ = 	snop  }
0x90: {  	(tm) =	ssettm $0x1  }
0x91: {  	s18 =	sld [smem:$0x3FFB];
	_ =	sdelay $0x3  }
0x92: {  	_ =	strace s18  }
0x93: {  	s2 =	sld [smem:$0x3FFC];
	_ =	sdelay $0x3  }
0x94: {  	_ =	strace s2  }
0x95: {  	s2 =	sld [smem:$0x3FFD];
	_ =	sdelay $0x3  }
0x96: {  	_ =	strace s2  }
0x97: {  	_ =	strace $0x8FFFFFFF  }
0x98: {  	s19 =	sld [smem:$0x3FDB];
	_ =	sdelay $0x1  }
0x99: {  	s20 =	simm.s32 $_scs_section_size  }
0x9a: {  	s4 =	simm.s32 $_size__tile_overlayer_lowered;
	s5 =	simm.s32 $_tile_overlayer_lowered  }
0x9b: {  	s6 =	simm.s32 $0x1BFF;
	s21 =	sshll.u32 s5, $0x1;
	s3 =	sadd.s32 s20, s19  }
0x9c: {  	s22 =	simm.s32 $0x0;
	s4 =	sshll.u32 s4, $0x1;
	s5 =	sadd.s32 s21, s3  }
0x9d: {  	[timem:s22], [sflag:s6] =	dma.local [hbm:s5], s4  }
0x9e: {  	_ =	swait.ge [sflag:s6], s4  }
0x9f: {  	s4 =	ssub.s32 $0x0, s4;
	[sflag:s6] =	ssyncset.done $0x0  }
0xa0: {  	[sflag:s6] =	ssyncadd.s32 s4;
	_ =	sdelay $0x1  }
0xa1: {  	s23 =	simm.s32 $0x1B8B  }
0xa2: {  	_ =	swait.ge [sflag:s23], $0x1  }
0xa3: {  	[sflag:s23] =	ssyncset.done $0x0  }
0xa4: {  	[sflag:s23] =	ssyncadd.s32 $0xFFFFFFFF  }
0xa5: {  	s4 =	sld [smem:$0x0]  }
0xa6: {  	s5 =	sand.u32 $0xFFFFFFFE, s1  }
0xa7: {  	p0 =	sne.s32 s1, s5  }
0xa8: {  	s5 =	sshll.u32 @p0 s5, $0xE  }
0xa9: {  	s5 =	sadd.s32 @p0 $0x11B8D, s5;
	s6 =	sshll.u32 @p0 s4, $0x11  }
0xaa: {  	s5 =	sor.u32 @p0 s6, s5  }
0xab: {  	[sflag:s5] =	ssyncadd.remote.s32 @p0 $0x1;
	_ =	sdelay $0x1  }
0xac: {  	s5 =	simm.s32 @p0 $0x1B8D  }
0xad: {  	_ =	swait.eq @p0 [sflag:s5], $0x1  }
0xae: {  	[sflag:s5] =	ssyncadd.s32 @p0 $0xFFFFFFFF  }
0xaf: {  	s6 =	sshll.u32 @!p0 s1, $0xE  }
0xb0: {  	s6 =	sor.u32 @!p0 $0x4000, s6;
	s5 =	simm.s32 @!p0 $0x1B8D  }
0xb1: {  	s4 =	sshll.u32 @!p0 s4, $0x11;
	s6 =	sadd.s32 @!p0 $0x11B8D, s6;
	_ =	swait.eq @!p0 [sflag:s5], $0x1  }
0xb2: {  	s4 =	sor.u32 @!p0 s4, s6;
	[sflag:s5] =	ssyncadd.s32 @!p0 $0xFFFFFFFF  }
0xb3: {  	s25 =	simm.s32 $0x1B8E;
	s24 =	sld [smem:$0x3FFE];
	[sflag:s4] =	ssyncadd.remote.s32 @!p0 $0x1  }
0xb4: {  	s26 =	simm.s32 $execute0_lowered;
	[smem:$0x3FD2] =	sst s25  }
0xb5: {  	s5 =	sshll.u32 s26, $0x1;
	_ =	strace $0x80000055;
	[dreg:$0x1] =	wrdreg $0xFFFFFFFF  }
0xb6: {  	s28 =	simm.s32 $_size_execute0_lowered;
	s3 =	sadd.s32 s3, s5;
	[dreg:$0x0] =	wrdreg $0x0  }
0xb7: {  	s5 =	sshll.u32 s28, $0x1;
	[dreg:$0x2] =	wrdreg s3  }
0xb8: {  	[dreg:$0x3] =	wrdreg s5  }
0xb9: {  	[dreg:$0x4] =	wrdreg $0xC0  }
0xba: {  	_ =	task [dreg:s22], $0x5FFFF  }
0xbb: {  	[dreg:$0x1] =	wrdreg $0xFFFFFFFF  }
0xbc: {  	[dreg:$0x0] =	wrdreg $0x60  }
0xbd: {  	[dreg:$0x2] =	wrdreg s24  }
0xbe: {  	[dreg:$0x3] =	wrdreg $0xA8000  }
0xbf: {  	[dreg:$0x4] =	wrdreg $0x9  }
0xc0: {  	_ =	task.clear_ibuf [dreg:s22], $0x5FFFF;
	_ =	strace $0x90000055  }
0xc1: {  	s29 =	simm.s32 $0x9;
	_ =	strace $0x80000057  }
0xc2: {  	_ =	swait.ge [sflag:s29], $0x1  }
0xc3: {  	[sflag:s29] =	ssyncadd.s32 $0xFFFFFFFF  }
0xc4: {  	_ =	strace $0x90000057  }
0xc5: {  	_ =	sfence  }
0xc6: {  	s30 =	sld [smem:$0x0];
	_ =	sdelay $0x2  }
0xc7: {  	s31 =	sshll.u32 s1, $0xD;
	s1 =	sshrl.u32 s1, $0x2  }
0xc8: {  	s4 =	sand.u32 $0x4000, s31;
	s1 =	sadd.s32 s1, s30  }
0xc9: {  	s0 =	sor.u32 s4, s0;
	s1 =	sshll.u32 s1, $0x11  }
0xca: {  	s0 =	sor.u32 s1, s0  }
0xcb: {  	s0 =	sadd.s32 $0x8F2B, s0  }
0xcc: {  	[sflag:s0] =	ssyncadd.remote.s32 $0x1  }
0xcd: {  	_ =	sfence.sel $0xFFFF  }
0xce: {  	[dreg:$0x0] =	wrdreg $0xFFFFFFFF;
	(pc) =	sbr.abs _section_cstart, $3  }
0xcf: {  	[dreg:$0x1] =	wrdreg $0xFFFFFFFF  }
0xd0: {  	_ =	task.clear_ibuf [dreg:s22], $0x2FFFF;
	_ =	strace $0x9FFFFFFF  }
0xd1: {  	(tm) =	ssettm $0x7FFFFFFF  }
tec
execute0_lowered:
.L_overlay_start_1:
0x0: {  	(tag) =	ssettag $0x1  }
0x1: {  	s5 =	rddreg [dreg:$0x0]  }
0x2: {  	s1 =	rddreg [dreg:$0x1];
	s2 =	simm.s32 $0x0;
	s4 =	srdreg.scid  }
0x3: {  	s23 =	stileid.u32;
	s19 =	simm.s32 $0x1;
	s20 =	simm.s32 $0x2  }
0x4: {  	s21 =	simm.s32 $0x1380;
	s22 =	simm.s32 $0x2700;
	[smem:$0x7FF] =	sst s2  }
0x5: {  	s9 =	sadd.s32 $0x13D000, s5;
	s11 =	sadd.s32 $0x133000, s5;
	s10 =	sadd.s32 $0x138000, s5  }
0x6: {  	s12 =	sadd.s32 $0x12E000, s5;
	s3 =	sadd.s32 $0x67400, s5;
	s8 =	smul.u32 $0x4F000, s23  }
0x7: {  	s6 =	sand.u32 $0x1, s4;
	s4 =	sadd.s32 $0x5200, s5;
	s16 =	smul.u32 $0x13800, s23  }
0x8: {  	s13 =	sadd.s32 $0x69C00, s5;
	s15 =	sshll.u32 s23, $0x6;
	s26 =	smul.u32 $0x4E000, s23  }
0x9: {  	s28 =	smul.u32 $0x2800, s23;
	_ =	strace $0x80000056;
	s7 =	ssub.s32 $0x2, s6  }
0xa: {  	s14 =	smul.u32 $0x138800, s6;
	s5 =	sor.u32 $0x1C03, s15;
	p0 =	seq.s32 s6, $0x0  }
0xb: {  	s15 =	simm.s32 $0x1400;
	s24 =	sshrl.u32 s7, $0x1;
	s8 =	sshrl.u32 s8, $0x2  }
0xc: {  	s30 =	sshrl.u32 s28, $0x3;
	s11 =	smov.u32 @p0 s9;
	s12 =	smov.u32 @p0 s10  }
0xd: {  	p0 =	sne.s32 s23, $0x0;
	s23 =	simm.s32 $0x2780;
	s17 =	ssub.s32 s7, s24  }
0xe: {  	s18 =	sadd.s32 s8, s1;
	s25 =	sadd.s32 s16, s14;
	s29 =	sshrl.u32 s14, $0x3  }
0xf: {  	s7 =	sshrl.u32 s26, $0x2;
	s9 =	sadd.s32 s11, s30;
	s31 =	sadd.s32 $0x280, s30  }
0x10: {  	s10 =	sadd.s32 s12, s30;
	s14 =	simm.s32 $0x3;
	s16 =	simm.s32 $0x80  }
0x11: {  	s26 =	simm.s32 $0x0;
	s6 =	sshrl.u32 s25, $0x3;
	s8 =	sadd.s32 s13, s29  }
0x12: {  	s24 =	sadd.s32 s7, s1;
	s25 =	sadd.s32 $0x138000, s1;
	s11 =	sadd.s32 s11, s31  }
0x13: {  	s12 =	sadd.s32 s12, s31;
	s6 =	sadd.s32 s13, s6;
	s7 =	sadd.s32 $0x27000, s8  }
0x14: {  	s8 =	smax.u32 s17, $0x1;
	s13 =	sshrl.u32 s18, $0x3;
	s17 =	simm.s32 $0x2800  }
0x15: {  	s18 =	simm.s32 $0x6800;
	s24 =	sshrl.u32 s24, $0x3;
	s25 =	sshrl.u32 @!p0 s25, $0x3  }
.LBB2_1:
0x16: {  	[spmem:s13], [sflag:s5] =	dma.local [hbm:s3], $0x2780  }
0x17: {  	_ =	swait.ge [sflag:s14], $0x2780  }
0x18: {  	[sflag:s14] =	ssyncset.done $0x0  }
0x19: {  	[sflag:s14] =	ssyncadd.s32 $0xFFFFD880  }
0x1a: {  	[bflag:$0x0] =	sbarrier.arrive $0xFFFF  }
0x1b: {  	[tilespmem:s2], [sflag:$0x3] =	stream.linear.gather [hbm4b:s9+s2], $0x1400, $0x38;
	[tilespmem:$0x1E400] =	vst v63  }
0x1c: {  	_ =	swait.ge [sflag:s14], $0x1400  }
0x1d: {  	[sflag:s14] =	ssyncset.done $0x0  }
0x1e: {  	[sflag:s14] =	ssyncadd.s32 $0xFFFFEC00  }
0x1f: {  	[tilespmem:s15], [sflag:$0x3] =	stream.linear.gather [hbm4b:s10+s2], $0x1400, $0x38;
	[tilespmem:$0x1E400] =	vst v63  }
0x20: {  	_ =	swait.ge [sflag:s14], $0x1400  }
0x21: {  	[sflag:s14] =	ssyncset.done $0x0  }
0x22: {  	[sflag:s14] =	ssyncadd.s32 $0xFFFFEC00  }
0x23: {  	[tilespmem:s17], [sflag:$0x1] =	stream.indirect.gather [hbm4b:s4+s16], $0x80, s2, s16, $0xb8;
	[tilespmem:$0x1E400] =	vst v63  }
0x24: {  	s28 =	simm.s32 $0x80  }
0x25: {  	[tilespmem:s18], [sflag:$0x2] =	stream.indirect.gather [hbm4b:s4+s16], $0x80, s28, s16, $0xb8;
	[tilespmem:$0x1E400] =	vst v63  }
0x26: {  	_ =	swait.ge [sflag:s19], $0x4000  }
0x27: {  	[sflag:s19] =	ssyncset.done $0x0  }
0x28: {  	s28 =	simm.s32 $0x1400;
	[sflag:s19] =	ssyncadd.s32 $0xFFFFC000  }
0x29: {  	[spmem:s1] =	stream.indirect.scatter.add.f32 [tilespmem:s17], [sflag:$0x3], $0x80, s28, s16, $0xb8;
	[tilespmem:$0x1E400] =	vst v63  }
0x2a: {  	_ =	swait.ge [sflag:s14], $0x4000  }
0x2b: {  	[sflag:s14] =	ssyncset.done $0x0  }
0x2c: {  	s28 =	simm.s32 $0x100;
	[sflag:s14] =	ssyncadd.s32 $0xFFFFC000  }
0x2d: {  	[tilespmem:s17], [sflag:$0x1] =	stream.indirect.gather [hbm4b:s4+s16], $0x80, s28, s16, $0xb8;
	[tilespmem:$0x1E400] =	vst v63  }
0x2e: {  	_ =	swait.ge [sflag:s20], $0x4000  }
0x2f: {  	[sflag:s20] =	ssyncset.done $0x0  }
0x30: {  	s28 =	simm.s32 $0x1480;
	[sflag:s20] =	ssyncadd.s32 $0xFFFFC000  }
0x31: {  	[spmem:s1] =	stream.indirect.scatter.add.f32 [tilespmem:s18], [sflag:$0x3], $0x80, s28, s16, $0xb8;
	[tilespmem:$0x1E400] =	vst v63  }
0x32: {  	_ =	swait.ge [sflag:s14], $0x4000  }
0x33: {  	s29 =	simm.s32 $0x800;
	s28 =	simm.s32 $0x100;
	[sflag:s14] =	ssyncset.done $0x0  }
.LBB2_2:
0x34: {  	s30 =	sadd.s32 $0x80, s28  }
0x35: {  	[sflag:s14] =	ssyncadd.s32 $0xFFFFC000;
	s31 =	smov.u32 s29;
	s0 =	sadd.s32 $0x400, s29  }
0x36: {  	[tilespmem:s18], [sflag:$0x2] =	stream.indirect.gather [hbm4b:s4+s16], $0x80, s30, s16, $0xb8;
	[tilespmem:$0x1E400] =	vst v63  }
0x37: {  	p1 =	sne.s32 s29, $0x4800;
	_ =	swait.ge [sflag:s19], $0x4000  }
0x38: {  	[sflag:s19] =	ssyncset.done $0x0  }
0x39: {  	s29 =	sadd.s32 $0x1400, s28;
	[sflag:s19] =	ssyncadd.s32 $0xFFFFC000  }
0x3a: {  	[spmem:s1] =	stream.indirect.scatter.add.f32 [tilespmem:s17], [sflag:$0x3], $0x80, s29, s16, $0xb8;
	[tilespmem:$0x1E400] =	vst v63  }
0x3b: {  	_ =	swait.ge [sflag:s14], $0x4000  }
0x3c: {  	[sflag:s14] =	ssyncset.done $0x0  }
0x3d: {  	s29 =	sadd.s32 $0x100, s28;
	[sflag:s14] =	ssyncadd.s32 $0xFFFFC000  }
0x3e: {  	[tilespmem:s17], [sflag:$0x1] =	stream.indirect.gather [hbm4b:s4+s16], $0x80, s29, s16, $0xb8;
	[tilespmem:$0x1E400] =	vst v63  }
0x3f: {  	_ =	swait.ge [sflag:s20], $0x4000  }
.Ltmp0:
0x40: {  	[sflag:s20] =	ssyncset.done $0x0;
	(pc) =	sbr.rel @p1 .LBB2_2-.Ltmp0, $4  }
0x41: {  	s28 =	sadd.s32 $0x1480, s28;
	[sflag:s20] =	ssyncadd.s32 $0xFFFFC000  }
0x42: {  	[spmem:s1] =	stream.indirect.scatter.add.f32 [tilespmem:s18], [sflag:$0x3], $0x80, s28, s16, $0xb8;
	[tilespmem:$0x1E400] =	vst v63  }
0x43: {  	_ =	swait.ge [sflag:s14], $0x4000  }
0x44: {  	s29 =	smov.u32 s0;
	s28 =	sshra.s32 s31, $0x2;
	[sflag:s14] =	ssyncset.done $0x0  }
0x45: {  	s0 =	sadd.s32 $0x80, s28;
	[sflag:s14] =	ssyncadd.s32 $0xFFFFC000  }
0x46: {  	[tilespmem:s18], [sflag:$0x2] =	stream.indirect.gather [hbm4b:s4+s16], $0x80, s0, s16, $0xb8;
	[tilespmem:$0x1E400] =	vst v63  }
0x47: {  	_ =	swait.ge [sflag:s19], $0x4000  }
0x48: {  	[sflag:s19] =	ssyncset.done $0x0  }
0x49: {  	s30 =	sadd.s32 $0x1400, s28;
	[sflag:s19] =	ssyncadd.s32 $0xFFFFC000  }
0x4a: {  	[spmem:s1] =	stream.indirect.scatter.add.f32 [tilespmem:s17], [sflag:$0x3], $0x80, s30, s16, $0xb8;
	[tilespmem:$0x1E400] =	vst v63  }
0x4b: {  	_ =	swait.ge [sflag:s14], $0x4000  }
0x4c: {  	[sflag:s14] =	ssyncset.done $0x0  }
0x4d: {  	s31 =	sadd.s32 $0x100, s28;
	[sflag:s14] =	ssyncadd.s32 $0xFFFFC000  }
0x4e: {  	[tilespmem:s17], [sflag:$0x1] =	stream.indirect.gather [hbm4b:s4+s16], $0x80, s31, s16, $0xb8;
	[tilespmem:$0x1E400] =	vst v63  }
0x4f: {  	_ =	swait.ge [sflag:s20], $0x4000  }
0x50: {  	[sflag:s20] =	ssyncset.done $0x0  }
0x51: {  	s30 =	sadd.s32 $0x1480, s28;
	[sflag:s20] =	ssyncadd.s32 $0xFFFFC000  }
0x52: {  	[spmem:s1] =	stream.indirect.scatter.add.f32 [tilespmem:s18], [sflag:$0x3], $0x80, s30, s16, $0xb8;
	[tilespmem:$0x1E400] =	vst v63  }
0x53: {  	_ =	swait.ge [sflag:s14], $0x4000  }
0x54: {  	[sflag:s14] =	ssyncset.done $0x0  }
0x55: {  	[sflag:s14] =	ssyncadd.s32 $0xFFFFC000  }
0x56: {  	[tilespmem:s18], [sflag:$0x2] =	stream.indirect.gather [hbm4b:s4+s16], $0x80, s21, s16, $0xb8;
	[tilespmem:$0x1E400] =	vst v63  }
0x57: {  	_ =	swait.ge [sflag:s19], $0x4000  }
0x58: {  	[sflag:s19] =	ssyncset.done $0x0  }
0x59: {  	[sflag:s19] =	ssyncadd.s32 $0xFFFFC000  }
0x5a: {  	[spmem:s1] =	stream.indirect.scatter.add.f32 [tilespmem:s17], [sflag:$0x3], $0x80, s22, s16, $0xb8;
	[tilespmem:$0x1E400] =	vst v63  }
0x5b: {  	_ =	swait.ge [sflag:s14], $0x4000  }
0x5c: {  	[sflag:s14] =	ssyncset.done $0x0  }
0x5d: {  	[sflag:s14] =	ssyncadd.s32 $0xFFFFC000  }
0x5e: {  	_ =	swait.ge [sflag:s20], $0x4000  }
0x5f: {  	[sflag:s20] =	ssyncset.done $0x0  }
0x60: {  	[sflag:s20] =	ssyncadd.s32 $0xFFFFC000  }
0x61: {  	[spmem:s1] =	stream.indirect.scatter.add.f32 [tilespmem:s18], [sflag:$0x3], $0x80, s23, s16, $0xb8;
	[tilespmem:$0x1E400] =	vst v63  }
0x62: {  	_ =	swait.ge [sflag:s14], $0x4000  }
0x63: {  	[sflag:s14] =	ssyncset.done $0x0  }
0x64: {  	s31 =	simm.s32 $0x0;
	[sflag:s14] =	ssyncadd.s32 $0xFFFFC000  }
0x65: {  	[tilespmem:s31], [sflag:$0x3] =	stream.linear.gather [hbm4b:s11+s31], $0x1400, $0x38;
	[tilespmem:$0x1E400] =	vst v63  }
0x66: {  	_ =	swait.ge [sflag:s14], $0x1400  }
0x67: {  	[sflag:s14] =	ssyncset.done $0x0  }
0x68: {  	[sflag:s14] =	ssyncadd.s32 $0xFFFFEC00  }
0x69: {  	[tilespmem:s15], [sflag:$0x3] =	stream.linear.gather [hbm4b:s12+s31], $0x1400, $0x38;
	[tilespmem:$0x1E400] =	vst v63  }
0x6a: {  	_ =	swait.ge [sflag:s14], $0x1400  }
0x6b: {  	[sflag:s14] =	ssyncset.done $0x0  }
0x6c: {  	[sflag:s14] =	ssyncadd.s32 $0xFFFFEC00  }
0x6d: {  	[tilespmem:s17], [sflag:$0x1] =	stream.indirect.gather [hbm4b:s4+s16], $0x80, s31, s16, $0xb8;
	[tilespmem:$0x1E400] =	vst v63  }
0x6e: {  	s30 =	simm.s32 $0x80  }
0x6f: {  	[tilespmem:s18], [sflag:$0x2] =	stream.indirect.gather [hbm4b:s4+s16], $0x80, s30, s16, $0xb8;
	[tilespmem:$0x1E400] =	vst v63  }
0x70: {  	_ =	swait.ge [sflag:s19], $0x4000  }
0x71: {  	[sflag:s19] =	ssyncset.done $0x0  }
0x72: {  	s31 =	simm.s32 $0x1400;
	[sflag:s19] =	ssyncadd.s32 $0xFFFFC000  }
0x73: {  	[spmem:s1] =	stream.indirect.scatter.add.f32 [tilespmem:s17], [sflag:$0x3], $0x80, s31, s16, $0xb8;
	[tilespmem:$0x1E400] =	vst v63  }
0x74: {  	_ =	swait.ge [sflag:s14], $0x4000  }
0x75: {  	[sflag:s14] =	ssyncset.done $0x0  }
0x76: {  	s30 =	simm.s32 $0x100;
	[sflag:s14] =	ssyncadd.s32 $0xFFFFC000  }
0x77: {  	[tilespmem:s17], [sflag:$0x1] =	stream.indirect.gather [hbm4b:s4+s16], $0x80, s30, s16, $0xb8;
	[tilespmem:$0x1E400] =	vst v63  }
0x78: {  	_ =	swait.ge [sflag:s20], $0x4000  }
0x79: {  	[sflag:s20] =	ssyncset.done $0x0  }
0x7a: {  	s31 =	simm.s32 $0x1480;
	[sflag:s20] =	ssyncadd.s32 $0xFFFFC000  }
0x7b: {  	[spmem:s1] =	stream.indirect.scatter.add.f32 [tilespmem:s18], [sflag:$0x3], $0x80, s31, s16, $0xb8;
	[tilespmem:$0x1E400] =	vst v63  }
0x7c: {  	_ =	swait.ge [sflag:s14], $0x4000  }
0x7d: {  	s29 =	simm.s32 $0x800;
	s28 =	simm.s32 $0x100;
	[sflag:s14] =	ssyncset.done $0x0  }
.LBB2_4:
0x7e: {  	s0 =	sadd.s32 $0x80, s28  }
0x7f: {  	[sflag:s14] =	ssyncadd.s32 $0xFFFFC000;
	s30 =	smov.u32 s29;
	s31 =	sadd.s32 $0x400, s29  }
0x80: {  	[tilespmem:s18], [sflag:$0x2] =	stream.indirect.gather [hbm4b:s4+s16], $0x80, s0, s16, $0xb8;
	[tilespmem:$0x1E400] =	vst v63  }
0x81: {  	p1 =	sne.s32 s29, $0x4800;
	_ =	swait.ge [sflag:s19], $0x4000  }
0x82: {  	[sflag:s19] =	ssyncset.done $0x0  }
0x83: {  	s0 =	sadd.s32 $0x1400, s28;
	[sflag:s19] =	ssyncadd.s32 $0xFFFFC000  }
0x84: {  	[spmem:s1] =	stream.indirect.scatter.add.f32 [tilespmem:s17], [sflag:$0x3], $0x80, s0, s16, $0xb8;
	[tilespmem:$0x1E400] =	vst v63  }
0x85: {  	_ =	swait.ge [sflag:s14], $0x4000  }
0x86: {  	[sflag:s14] =	ssyncset.done $0x0  }
0x87: {  	s0 =	sadd.s32 $0x100, s28;
	[sflag:s14] =	ssyncadd.s32 $0xFFFFC000  }
0x88: {  	[tilespmem:s17], [sflag:$0x1] =	stream.indirect.gather [hbm4b:s4+s16], $0x80, s0, s16, $0xb8;
	[tilespmem:$0x1E400] =	vst v63  }
0x89: {  	_ =	swait.ge [sflag:s20], $0x4000  }
.Ltmp1:
0x8a: {  	[sflag:s20] =	ssyncset.done $0x0;
	(pc) =	sbr.rel @p1 .LBB2_4-.Ltmp1, $4  }
0x8b: {  	s0 =	sadd.s32 $0x1480, s28;
	[sflag:s20] =	ssyncadd.s32 $0xFFFFC000  }
0x8c: {  	[spmem:s1] =	stream.indirect.scatter.add.f32 [tilespmem:s18], [sflag:$0x3], $0x80, s0, s16, $0xb8;
	[tilespmem:$0x1E400] =	vst v63  }
0x8d: {  	_ =	swait.ge [sflag:s14], $0x4000  }
0x8e: {  	s29 =	smov.u32 s31;
	s28 =	sshra.s32 s30, $0x2;
	[sflag:s14] =	ssyncset.done $0x0  }
0x8f: {  	s0 =	sadd.s32 $0x80, s28;
	[sflag:s14] =	ssyncadd.s32 $0xFFFFC000  }
0x90: {  	[tilespmem:s18], [sflag:$0x2] =	stream.indirect.gather [hbm4b:s4+s16], $0x80, s0, s16, $0xb8;
	[tilespmem:$0x1E400] =	vst v63  }
0x91: {  	_ =	swait.ge [sflag:s19], $0x4000  }
0x92: {  	[sflag:s19] =	ssyncset.done $0x0  }
0x93: {  	s29 =	sadd.s32 $0x1400, s28;
	[sflag:s19] =	ssyncadd.s32 $0xFFFFC000  }
0x94: {  	[spmem:s1] =	stream.indirect.scatter.add.f32 [tilespmem:s17], [sflag:$0x3], $0x80, s29, s16, $0xb8;
	[tilespmem:$0x1E400] =	vst v63  }
0x95: {  	_ =	swait.ge [sflag:s14], $0x4000  }
0x96: {  	[sflag:s14] =	ssyncset.done $0x0  }
0x97: {  	s30 =	sadd.s32 $0x100, s28;
	[sflag:s14] =	ssyncadd.s32 $0xFFFFC000  }
0x98: {  	[tilespmem:s17], [sflag:$0x1] =	stream.indirect.gather [hbm4b:s4+s16], $0x80, s30, s16, $0xb8;
	[tilespmem:$0x1E400] =	vst v63  }
0x99: {  	_ =	swait.ge [sflag:s20], $0x4000  }
0x9a: {  	[sflag:s20] =	ssyncset.done $0x0  }
0x9b: {  	s31 =	sadd.s32 $0x1480, s28;
	[sflag:s20] =	ssyncadd.s32 $0xFFFFC000  }
0x9c: {  	[spmem:s1] =	stream.indirect.scatter.add.f32 [tilespmem:s18], [sflag:$0x3], $0x80, s31, s16, $0xb8;
	[tilespmem:$0x1E400] =	vst v63  }
0x9d: {  	_ =	swait.ge [sflag:s14], $0x4000  }
0x9e: {  	[sflag:s14] =	ssyncset.done $0x0  }
0x9f: {  	[sflag:s14] =	ssyncadd.s32 $0xFFFFC000  }
0xa0: {  	[tilespmem:s18], [sflag:$0x2] =	stream.indirect.gather [hbm4b:s4+s16], $0x80, s21, s16, $0xb8;
	[tilespmem:$0x1E400] =	vst v63  }
0xa1: {  	_ =	swait.ge [sflag:s19], $0x4000  }
0xa2: {  	[sflag:s19] =	ssyncset.done $0x0  }
0xa3: {  	[sflag:s19] =	ssyncadd.s32 $0xFFFFC000  }
0xa4: {  	[spmem:s1] =	stream.indirect.scatter.add.f32 [tilespmem:s17], [sflag:$0x3], $0x80, s22, s16, $0xb8;
	[tilespmem:$0x1E400] =	vst v63  }
0xa5: {  	_ =	swait.ge [sflag:s14], $0x4000  }
0xa6: {  	[sflag:s14] =	ssyncset.done $0x0  }
0xa7: {  	[sflag:s14] =	ssyncadd.s32 $0xFFFFC000  }
0xa8: {  	_ =	swait.ge [sflag:s20], $0x4000  }
0xa9: {  	[sflag:s20] =	ssyncset.done $0x0  }
0xaa: {  	[sflag:s20] =	ssyncadd.s32 $0xFFFFC000  }
0xab: {  	[spmem:s1] =	stream.indirect.scatter.add.f32 [tilespmem:s18], [sflag:$0x3], $0x80, s23, s16, $0xb8;
	[tilespmem:$0x1E400] =	vst v63  }
0xac: {  	_ =	swait.ge [sflag:s14], $0x4000  }
0xad: {  	[sflag:s14] =	ssyncset.done $0x0  }
0xae: {  	[sflag:s14] =	ssyncadd.s32 $0xFFFFC000  }
0xaf: {  	[bflag:$0x0] =	sbarrier.arrive $0xFFFF  }
0xb0: {  	[hbm:s6], [sflag:s5] =	dma.local [spmem:s24], $0x2700  }
0xb1: {  	s26 =	sadd.s32 $0x1, s26;
	_ =	swait.ge [sflag:s14], $0x2700  }
0xb2: {  	p1 =	sne.s32 s26, s8;
	[sflag:s14] =	ssyncset.done $0x0  }
.Ltmp2:
0xb3: {  	s0 =	simm.s32 @!p0 $0x3;
	[sflag:s14] =	ssyncadd.s32 $0xFFFFD900;
	(pc) =	sbr.rel @p1 .LBB2_1-.Ltmp2, $4  }
0xb4: {  	[hbm:s7], [sflag:s5] =	dma.local @!p0 [spmem:s25], $0x100  }
0xb5: {  	_ =	swait.ge @!p0 [sflag:s0], $0x100  }
0xb6: {  	[sflag:s0] =	ssyncset.done @!p0 $0x0  }
0xb7: {  	[sflag:s0] =	ssyncadd.s32 @!p0 $0xFFFFFF00  }
0xb8: {  	_ =	sfence.sel $0x180000  }
0xb9: {  	[bflag:$0x0] =	sbarrier.arrive $0xFFFF  }
0xba: {  	_ =	strace $0x90000056  }
0xbb: {  	[bflag:$0x2] =	sbarrier.arrive $0xFFFF  }
0xbc: {  	s0 =	rddreg [dreg:$0x2]  }
0xbd: {  	s0 =	sadd.s32 @!p0 $0x100000, s0  }
0xbe: {  	[sflag:s0] =	ssyncadd.tile.s32 @!p0 $0x1;
	_ =	shalt  }
.Lfunc_end2:
_tile_overlayer_lowered:
.L_overlay_start_2:
0xbf: {  	(tag) =	ssettag $0x2  }
0xc0: {  	s0 =	rddreg [dreg:$0x0];
	s2 =	stileid.u32  }
0xc1: {  	s1 =	rddreg [dreg:$0x1];
	p0 =	sne.s32 s2, $0x0  }
0xc2: {  	s3 =	rddreg [dreg:$0x2];
	[bflag:$0x3] =	sbarrier.arrive $0xFFFF;
	s2 =	simm.s32 @!p0 $0x1C03  }
0xc3: {  	[timem:s3], [sflag:s2] =	dma.local @!p0 [hbm:s0], s1  }
0xc4: {  	s0 =	simm.s32 @!p0 $0x3  }
0xc5: {  	_ =	swait.ge @!p0 [sflag:s0], s1  }
0xc6: {  	s1 =	ssub.s32 @!p0 $0x0, s1;
	[sflag:s0] =	ssyncset.done @!p0 $0x0  }
0xc7: {  	[sflag:s0] =	ssyncadd.s32 @!p0 s1  }
0xc8: {  	[bflag:$0x3] =	sbarrier.arrive $0xFFFF  }
0xc9: {  	_ =	shalt  }

// kernel: kernel.37.cloned.1.call-start
scs
__scs_entry_jumppad:
0x0: {  	(pc) =	sbr.rel $0x88, $3  }
0x1: {  	(tag) =	ssettag $0x0;
	lr =	simm.s32 $0x1  }
0x2: {  	[smem:$0x3F8D] =	sst lr;
	_ =	strace $0xD0000000  }
0x3: {  	_ = 	snop  }
0x4: {  	_ = 	snop  }
0x5: {  	_ = 	snop  }
0x6: {  	_ = 	snop  }
0x7: {  	_ = 	snop  }
__scs_overlays_trampoline_lowered:
0x8: {  	[smem:$0x3F9C] =	sst s0  }
0x9: {  	[smem:$0x3F9D] =	sst s1  }
0xa: {  	[smem:$0x3F9E] =	sst s2  }
0xb: {  	[smem:$0x3F9F] =	sst s3  }
0xc: {  	[smem:$0x3FA0] =	sst s4  }
0xd: {  	[smem:$0x3FA1] =	sst s5  }
0xe: {  	[smem:$0x3FA2] =	sst s6  }
0xf: {  	[smem:$0x3FA3] =	sst s7  }
0x10: {  	[smem:$0x3FA4] =	sst s8  }
0x11: {  	[smem:$0x3FA5] =	sst s9;
	s0 =	simm.s32 @!p0 $0x0  }
0x12: {  	s1 =	sld [smem:$0x3F8B];
	s0 =	simm.s32 @p0 $0x1  }
0x13: {  	[smem:$0x3FA6] =	sst s0;
	s0 =	simm.s32 @!p1 $0x0  }
0x14: {  	s2 =	sld [smem:$0x3F8A];
	s0 =	simm.s32 @p1 $0x1  }
0x15: {  	[smem:$0x3FA7] =	sst s0;
	s0 =	simm.s32 @!p2 $0x0  }
0x16: {  	s3 =	sld [smem:$0x3FDB];
	s0 =	simm.s32 @p2 $0x1  }
0x17: {  	s4 =	simm.s32 $0x1BF5;
	[smem:$0x3FA9] =	sst s0  }
0x18: {  	s0 =	sld [smem:$0x3F8C];
	_ =	swait.ge [sflag:s4], $0x0  }
0x19: {  	s7 =	sld [smem:$0x3F8D]  }
0x1a: {  	s8 =	sadd.s32 $0xFFFFE003, lr  }
0x1b: {  	s9 =	sadd.s32 $0xFFFFFEF7, lr;
	s5 =	simm.s32 $0xFFFFFFFF;
	p2 =	slt.u32 s8, $0xFFFFF086  }
0x1c: {  	p1 =	slt.u32 s9, $0xF7A;
	s5 =	simm.s32 @!p2 $0x0  }
0x1d: {  	s5 =	simm.s32 @p1 $0x1;
	p0 =	seq.s32 s7, s2  }
0x1e: {  	s7 =	smul.u32 @!p0 $0xF7A, s2;
	p2 =	seq.s32 @!p0 s5, $0x0  }
0x1f: {  	s9 =	smul.u32 $0xF7A, s1;
	s8 =	simm.s32 @!p0 $0x1BF5;
	p2 =	por !p2, p0  }
0x20: {  	[sflag:s8] =	ssyncset.s32 @!p0 $0xFFFFF086;
	s6 =	sadd.s32 @!p0 s3, s7;
	s7 =	simm.s32 @!p0 $0x108  }
0x21: {  	s3 =	sadd.s32 s3, s9;
	s6 =	sadd.s32 @!p0 $0x88, s6;
	s7 =	simm.s32 @p2 $0x1082  }
0x22: {  	[simem:s7], [sflag:s8] =	dma.local @!p0 [hbm:s6], $0xF7A  }
0x23: {  	s9 =	sor.u32 $0xD0000000, s2;
	s6 =	simm.s32 $0x108;
	_ =	swait.ge @!p0 [sflag:s8], $0x0  }
0x24: {  	s3 =	sadd.s32 $0x88, s3;
	s6 =	simm.s32 @!p1 $0x1082;
	[sflag:s4] =	ssyncset.s32 $0xFFFFF086  }
0x25: {  	[simem:s6], [sflag:s4] =	dma.local [hbm:s3], $0xF7A  }
0x26: {  	[smem:$0x3F8D] =	sst s1;
	(tag) =	ssettag s2;
	_ =	strace s9  }
0x27: {  	s1 =	sld [smem:$0x3F9D]  }
0x28: {  	s2 =	sld [smem:$0x3F9E]  }
0x29: {  	s4 =	sld [smem:$0x3FA0]  }
0x2a: {  	p0 =	seq.s32 s5, $0x0;
	s5 =	sld [smem:$0x3FA1]  }
0x2b: {  	s6 =	sld [smem:$0x3FA2]  }
0x2c: {  	s7 =	sld [smem:$0x3FA3]  }
0x2d: {  	s3 =	simm.s32 $0x108;
	s8 =	sld [smem:$0x3FA4]  }
0x2e: {  	s3 =	simm.s32 @!p0 $0x1082;
	s9 =	sld [smem:$0x3FA5]  }
0x2f: {  	lr =	sadd.s32 s0, s3;
	s0 =	sld [smem:$0x3F9C]  }
0x30: {  	s3 =	sld [smem:$0x3F9F]  }
0x31: {  	[smem:$0x3FA8] =	sst s10  }
0x32: {  	s10 =	sld [smem:$0x3FA6];
	_ =	sdelay $0x3  }
0x33: {  	p0 =	seq.s32 s10, $0x1;
	s10 =	sld [smem:$0x3FA8];
	_ =	sdelay $0x3  }
0x34: {  	[smem:$0x3FA8] =	sst s10  }
0x35: {  	s10 =	sld [smem:$0x3FA7];
	_ =	sdelay $0x3  }
0x36: {  	p1 =	seq.s32 s10, $0x1;
	s10 =	sld [smem:$0x3FA8];
	_ =	sdelay $0x3  }
0x37: {  	[smem:$0x3FA8] =	sst s10  }
0x38: {  	s10 =	sld [smem:$0x3FA9]  }
0x39: {  	_ = 	snop;
	(pc) =	sbr.ind lr, $3  }
0x3a: {  	_ = 	snop  }
0x3b: {  	_ = 	snop  }
0x3c: {  	p2 =	seq.s32 s10, $0x1;
	s10 =	sld [smem:$0x3FA8]  }
0x3d: {  	_ =	shalt  }
0x3e: {  	_ =	shalt  }
0x3f: {  	_ =	shalt  }
0x40: {  	_ =	shalt  }
0x41: {  	_ =	shalt  }
0x42: {  	_ =	shalt  }
0x43: {  	_ =	shalt  }
0x44: {  	_ =	shalt  }
0x45: {  	_ =	shalt  }
0x46: {  	_ =	shalt  }
0x47: {  	_ =	shalt  }
0x48: {  	_ =	shalt  }
0x49: {  	_ =	shalt  }
0x4a: {  	_ =	shalt  }
0x4b: {  	_ =	shalt  }
0x4c: {  	_ =	shalt  }
0x4d: {  	_ =	shalt  }
0x4e: {  	_ =	shalt  }
0x4f: {  	_ =	shalt  }
0x50: {  	_ =	shalt  }
0x51: {  	_ =	shalt  }
0x52: {  	_ =	shalt  }
0x53: {  	_ =	shalt  }
0x54: {  	_ =	shalt  }
0x55: {  	_ =	shalt  }
0x56: {  	_ =	shalt  }
0x57: {  	_ =	shalt  }
0x58: {  	_ =	shalt  }
0x59: {  	_ =	shalt  }
0x5a: {  	_ =	shalt  }
0x5b: {  	_ =	shalt  }
0x5c: {  	_ =	shalt  }
0x5d: {  	_ =	shalt  }
0x5e: {  	_ =	shalt  }
0x5f: {  	_ =	shalt  }
0x60: {  	_ =	shalt  }
0x61: {  	_ =	shalt  }
0x62: {  	_ =	shalt  }
0x63: {  	_ =	shalt  }
0x64: {  	_ =	shalt  }
0x65: {  	_ =	shalt  }
0x66: {  	_ =	shalt  }
0x67: {  	_ =	shalt  }
0x68: {  	_ =	shalt  }
0x69: {  	_ =	shalt  }
0x6a: {  	_ =	shalt  }
0x6b: {  	_ =	shalt  }
0x6c: {  	_ =	shalt  }
0x6d: {  	_ =	shalt  }
0x6e: {  	_ =	shalt  }
0x6f: {  	_ =	shalt  }
0x70: {  	_ =	shalt  }
0x71: {  	_ =	shalt  }
0x72: {  	_ =	shalt  }
0x73: {  	_ =	shalt  }
0x74: {  	_ =	shalt  }
0x75: {  	_ =	shalt  }
0x76: {  	_ =	shalt  }
0x77: {  	_ =	shalt  }
0x78: {  	_ =	shalt  }
0x79: {  	_ =	shalt  }
0x7a: {  	_ =	shalt  }
0x7b: {  	_ =	shalt  }
0x7c: {  	_ =	shalt  }
0x7d: {  	_ =	shalt  }
0x7e: {  	_ =	shalt  }
0x7f: {  	_ =	shalt  }
0x80: {  	_ =	shalt  }
0x81: {  	_ =	shalt  }
0x82: {  	_ =	shalt  }
0x83: {  	_ =	shalt  }
0x84: {  	_ =	shalt  }
0x85: {  	_ =	shalt  }
0x86: {  	_ =	shalt  }
0x87: {  	_ =	shalt  }
.Lfunc_end0:
.L_simem_size_0:
called_computation.6_lowered:
.L_overlay_start_0:
0x88: {  	s2 =	sld [smem:$0x3FD9]  }
0x89: {  	s3 =	sld [smem:$0x3FFE];
	_ =	sdelay $0x1  }
0x8a: {  	s1 =	srdreg.scid  }
0x8b: {  	s0 =	sand.u32 $0x1, s1  }
0x8c: {  	s14 =	sshll.u32 s0, $0xA;
	s2 =	sadd.s32 s3, s2  }
0x8d: {  	s2 =	sadd.s32 s2, s14  }
0x8e: {  	[smem:$0x3FB4] =	sst s2  }
0x8f: {  	_ = 	snop  }
0x90: {  	s2 =	sld [smem:$0x3FD0];
	_ =	sdelay $0x2  }
0x91: {  	s15 =	simm.s32 $0xC;
	s4 =	simm.s32 $0x10  }
0x92: {  	[smem:s4], [sflag:s15] =	dma.local [hbm:s2], $0x1  }
0x93: {  	_ =	swait.eq [sflag:s15], $0x1  }
0x94: {  	[sflag:s15] =	ssyncset.done $0x0  }
0x95: {  	[sflag:s15] =	ssyncadd.s32 $0xFFFFFFFF  }
0x96: {  	s16 =	sld [smem:$0x11];
	(tm) =	ssettm $0x1  }
0x97: {  	s17 =	sld [smem:$0x3FFB];
	_ =	sdelay $0x3  }
0x98: {  	_ =	strace s17  }
0x99: {  	s3 =	sld [smem:$0x3FFC];
	_ =	sdelay $0x3  }
0x9a: {  	_ =	strace s3  }
0x9b: {  	s3 =	sld [smem:$0x3FFD];
	_ =	sdelay $0x3  }
0x9c: {  	_ =	strace s3  }
0x9d: {  	_ =	strace $0x8FFFFFFF  }
0x9e: {  	s18 =	sld [smem:$0x3FDB];
	_ =	sdelay $0x1  }
0x9f: {  	s19 =	simm.s32 $_scs_section_size  }
0xa0: {  	s5 =	simm.s32 $_size__tile_overlayer_lowered;
	s6 =	simm.s32 $_tile_overlayer_lowered  }
0xa1: {  	s22 =	simm.s32 $0x1BFF;
	s21 =	sshll.u32 s6, $0x1;
	s3 =	sadd.s32 s19, s18  }
0xa2: {  	s7 =	simm.s32 $0x0;
	s20 =	sshll.u32 s5, $0x1;
	s5 =	sadd.s32 s21, s3  }
0xa3: {  	[timem:s7], [sflag:s22] =	dma.local [hbm:s5], s20  }
0xa4: {  	_ =	swait.ge [sflag:s22], s20  }
0xa5: {  	s4 =	ssub.s32 $0x0, s20;
	[sflag:s22] =	ssyncset.done $0x0  }
0xa6: {  	[sflag:s22] =	ssyncadd.s32 s4;
	_ =	sdelay $0x1  }
0xa7: {  	s23 =	simm.s32 $0x1B8B  }
0xa8: {  	_ =	swait.ge [sflag:s23], $0x1  }
0xa9: {  	[sflag:s23] =	ssyncset.done $0x0  }
0xaa: {  	s25 =	simm.s32 $0x1B8E;
	s24 =	sld [smem:$0x3FFE];
	[sflag:s23] =	ssyncadd.s32 $0xFFFFFFFF  }
0xab: {  	s26 =	simm.s32 $execute0_lowered;
	[smem:$0x3FD2] =	sst s25  }
0xac: {  	s5 =	sshll.u32 s26, $0x1;
	_ =	strace $0x80000058;
	[dreg:$0x1] =	wrdreg $0xFFFFFFFF  }
0xad: {  	s28 =	simm.s32 $_size_execute0_lowered;
	s3 =	sadd.s32 s3, s5;
	[dreg:$0x0] =	wrdreg $0x0  }
0xae: {  	s5 =	sshll.u32 s28, $0x1;
	[dreg:$0x2] =	wrdreg s3  }
0xaf: {  	[dreg:$0x3] =	wrdreg s5  }
0xb0: {  	[dreg:$0x4] =	wrdreg $0xC0  }
0xb1: {  	_ =	task [dreg:s7], $0x5FFFF  }
0xb2: {  	[dreg:$0x1] =	wrdreg $0xFFFFFFFF  }
0xb3: {  	[dreg:$0x0] =	wrdreg $0x60  }
0xb4: {  	[dreg:$0x2] =	wrdreg s24  }
0xb5: {  	[dreg:$0x3] =	wrdreg s16  }
0xb6: {  	[dreg:$0x4] =	wrdreg $0x9  }
0xb7: {  	_ =	task.clear_ibuf [dreg:s7], $0x5FFFF;
	_ =	strace $0x90000058  }
0xb8: {  	s29 =	simm.s32 $0x9;
	_ =	strace $0x8000005A  }
0xb9: {  	_ =	swait.ge [sflag:s29], $0x1  }
0xba: {  	[sflag:s29] =	ssyncadd.s32 $0xFFFFFFFF  }
0xbb: {  	_ =	strace $0x9000005A  }
0xbc: {  	_ =	sfence  }
0xbd: {  	s30 =	sld [smem:$0x0];
	_ =	sdelay $0x2  }
0xbe: {  	s31 =	sshll.u32 s1, $0xD;
	s1 =	sshrl.u32 s1, $0x2  }
0xbf: {  	s3 =	sand.u32 $0x4000, s31;
	s1 =	sadd.s32 s1, s30  }
0xc0: {  	s0 =	sor.u32 s3, s0;
	s1 =	sshll.u32 s1, $0x11  }
0xc1: {  	s0 =	sor.u32 s1, s0  }
0xc2: {  	s0 =	sadd.s32 $0x8F2B, s0  }
0xc3: {  	[sflag:s0] =	ssyncadd.remote.s32 $0x1  }
0xc4: {  	_ =	sfence.sel $0xFFFF  }
0xc5: {  	[dreg:$0x0] =	wrdreg $0xFFFFFFFF;
	(pc) =	sbr.abs _section_cstart, $3  }
0xc6: {  	[dreg:$0x1] =	wrdreg $0xFFFFFFFF  }
0xc7: {  	_ =	task.clear_ibuf [dreg:s7], $0x2FFFF;
	_ =	strace $0x9FFFFFFF  }
0xc8: {  	(tm) =	ssettm $0x7FFFFFFF  }
0xc9: {  	_ =	shalt  }
tec
execute0_lowered:
.L_overlay_start_1:
0x0: {  	(tag) =	ssettag $0x1  }
0x1: {  	s11 =	rddreg [dreg:$0x0]  }
0x2: {  	s2 =	rddreg [dreg:$0x1]  }
0x3: {  	s1 =	stileid.u32;
	s3 =	srdreg.scid  }
0x4: {  	s0 =	rddreg [dreg:$0x2];
	s4 =	sshll.u32 s1, $0x6;
	s13 =	sand.u32 $0x1, s3  }
0x5: {  	s3 =	simm.s32 $0x0;
	s4 =	sadd.s32 s4, s11;
	s5 =	sshll.u32 s13, $0xA  }
0x6: {  	[smem:$0x7FF] =	sst s3;
	s4 =	sadd.s32 s5, s4  }
0x7: {  	_ =	strace $0x80000059;
	s5 =	sadd.s32 $0xB7E00, s4;
	s4 =	simm.s32 $0x1  }
0x8: {  	[tilespmem:s3], [sflag:$0x1] =	stream.linear.gather [hbm4b:s5+s3], $0x200, $0x38;
	[tilespmem:$0x10200] =	vst v63  }
0x9: {  	_ =	swait.ge [sflag:s4], $0x200  }
0xa: {  	[sflag:s4] =	ssyncset.done $0x0  }
0xb: {  	s6 =	simm.s32 $0x80;
	s7 =	simm.s32 $0x200;
	[sflag:s4] =	ssyncadd.s32 $0xFFFFFE00  }
0xc: {  	[tilespmem:s7], [sflag:$0x1] =	stream.indirect.gather [hbm4b:s2+s6], $0x80, s3, s6, $0xb8;
	[tilespmem:$0x10200] =	vst v63  }
0xd: {  	_ =	swait.ge [sflag:s4], $0x4000  }
0xe: {  	[sflag:s4] =	ssyncset.done $0x0  }
0xf: {  	s8 =	simm.s32 $0x4200;
	[sflag:s4] =	ssyncadd.s32 $0xFFFFC000  }
0x10: {  	[tilespmem:s8], [sflag:$0x1] =	stream.indirect.gather [hbm4b:s2+s6], $0x80, s6, s6, $0xb8;
	[tilespmem:$0x10200] =	vst v63  }
0x11: {  	_ =	swait.ge [sflag:s4], $0x4000  }
0x12: {  	s9 =	simm.s32 $0x100;
	s10 =	simm.s32 $0x8200;
	[sflag:s4] =	ssyncset.done $0x0  }
0x13: {  	s12 =	sshll.u32 s1, $0xD;
	s15 =	ssub.s32 $0x2, s13;
	[sflag:s4] =	ssyncadd.s32 $0xFFFFC000  }
0x14: {  	[tilespmem:s10], [sflag:$0x1] =	stream.indirect.gather [hbm4b:s2+s6], $0x80, s9, s6, $0xb8;
	[tilespmem:$0x10200] =	vst v63  }
0x15: {  	s14 =	sadd.s32 s12, s11;
	s16 =	sshrl.u32 s15, $0x1;
	_ =	swait.ge [sflag:s4], $0x4000  }
0x16: {  	s11 =	simm.s32 $0x180;
	s15 =	ssub.s32 s15, s16;
	[sflag:s4] =	ssyncset.done $0x0  }
0x17: {  	s12 =	simm.s32 $0xC200;
	s31 =	smax.u32 s15, $0x1;
	[sflag:s4] =	ssyncadd.s32 $0xFFFFC000  }
0x18: {  	[tilespmem:s12], [sflag:$0x1] =	stream.indirect.gather [hbm4b:s2+s6], $0x80, s11, s6, $0xb8;
	[tilespmem:$0x10200] =	vst v63  }
0x19: {  	s13 =	sshll.u32 s13, $0x11;
	p0 =	sne.s32 s31, $0x1;
	_ =	swait.ge [sflag:s4], $0x4000  }
.Ltmp0:
0x1a: {  	s13 =	sadd.s32 s13, s14;
	[sflag:s4] =	ssyncset.done $0x0;
	(pc) =	sbr.rel @!p0 .LBB2_2-.Ltmp0, $4  }
0x1b: {  	s13 =	sadd.s32 $0x5200, s13;
	[sflag:s4] =	ssyncadd.s32 $0xFFFFC000  }
0x1c: {  	[hbm4b:s13+s3] =	stream.linear.scatter [tilespmem:s7], [sflag:$0x1], $0x10000, $0x38;
	[tilespmem:$0x10200] =	vst v63  }
0x1d: {  	_ =	swait.ge [sflag:s4], $0x10000  }
0x1e: {  	s14 =	sadd.s32 $0xFFFFFFFF, s31;
	[sflag:s4] =	ssyncset.done $0x0  }
.LBB2_1:
0x1f: {  	p0 =	sne.s32 s14, $0x1;
	s14 =	sadd.s32 $0xFFFFFFFF, s14;
	[sflag:s4] =	ssyncadd.s32 $0xFFFF0000  }
0x20: {  	[tilespmem:s3], [sflag:$0x1] =	stream.linear.gather [hbm4b:s5+s3], $0x200, $0x38;
	[tilespmem:$0x10200] =	vst v63  }
0x21: {  	_ =	swait.ge [sflag:s4], $0x200  }
0x22: {  	[sflag:s4] =	ssyncset.done $0x0  }
0x23: {  	[sflag:s4] =	ssyncadd.s32 $0xFFFFFE00  }
0x24: {  	[tilespmem:s7], [sflag:$0x1] =	stream.indirect.gather [hbm4b:s2+s6], $0x80, s3, s6, $0xb8;
	[tilespmem:$0x10200] =	vst v63  }
0x25: {  	_ =	swait.ge [sflag:s4], $0x4000  }
0x26: {  	[sflag:s4] =	ssyncset.done $0x0  }
0x27: {  	[sflag:s4] =	ssyncadd.s32 $0xFFFFC000  }
0x28: {  	[tilespmem:s8], [sflag:$0x1] =	stream.indirect.gather [hbm4b:s2+s6], $0x80, s6, s6, $0xb8;
	[tilespmem:$0x10200] =	vst v63  }
0x29: {  	_ =	swait.ge [sflag:s4], $0x4000  }
0x2a: {  	[sflag:s4] =	ssyncset.done $0x0  }
0x2b: {  	[sflag:s4] =	ssyncadd.s32 $0xFFFFC000  }
0x2c: {  	[tilespmem:s10], [sflag:$0x1] =	stream.indirect.gather [hbm4b:s2+s6], $0x80, s9, s6, $0xb8;
	[tilespmem:$0x10200] =	vst v63  }
0x2d: {  	_ =	swait.ge [sflag:s4], $0x4000  }
0x2e: {  	[sflag:s4] =	ssyncset.done $0x0  }
0x2f: {  	[sflag:s4] =	ssyncadd.s32 $0xFFFFC000  }
0x30: {  	[tilespmem:s12], [sflag:$0x1] =	stream.indirect.gather [hbm4b:s2+s6], $0x80, s11, s6, $0xb8;
	[tilespmem:$0x10200] =	vst v63  }
0x31: {  	_ =	swait.ge [sflag:s4], $0x4000  }
.Ltmp1:
0x32: {  	[sflag:s4] =	ssyncset.done $0x0;
	(pc) =	sbr.rel @p0 .LBB2_1-.Ltmp1, $4  }
0x33: {  	[sflag:s4] =	ssyncadd.s32 $0xFFFFC000  }
0x34: {  	[hbm4b:s13+s3] =	stream.linear.scatter [tilespmem:s7], [sflag:$0x1], $0x10000, $0x38;
	[tilespmem:$0x10200] =	vst v63  }
0x35: {  	_ =	swait.ge [sflag:s4], $0x10000  }
0x36: {  	[sflag:s4] =	ssyncset.done $0x0  }
.LBB2_2:
0x37: {  	[sflag:s4] =	ssyncadd.s32 $0xFFFF0000  }
0x38: {  	_ =	sfence.sel $0x180000  }
0x39: {  	[bflag:$0x0] =	sbarrier.arrive $0xFFFF  }
0x3a: {  	p0 =	sne.s32 s1, $0x0;
	_ =	strace $0x90000059  }
0x3b: {  	s0 =	sadd.s32 @!p0 $0x100000, s0;
	[bflag:$0x2] =	sbarrier.arrive $0xFFFF  }
0x3c: {  	[sflag:s0] =	ssyncadd.tile.s32 @!p0 $0x1;
	_ =	shalt  }
.Lfunc_end2:
_tile_overlayer_lowered:
.L_overlay_start_2:
0x3d: {  	(tag) =	ssettag $0x2  }
0x3e: {  	s0 =	rddreg [dreg:$0x0];
	s2 =	stileid.u32  }
0x3f: {  	s1 =	rddreg [dreg:$0x1];
	p0 =	sne.s32 s2, $0x0  }
0x40: {  	s3 =	rddreg [dreg:$0x2];
	[bflag:$0x3] =	sbarrier.arrive $0xFFFF;
	s2 =	simm.s32 @!p0 $0x1C01  }
0x41: {  	[timem:s3], [sflag:s2] =	dma.local @!p0 [hbm:s0], s1  }
0x42: {  	s0 =	simm.s32 @!p0 $0x1  }
0x43: {  	_ =	swait.ge @!p0 [sflag:s0], s1  }
0x44: {  	s1 =	ssub.s32 @!p0 $0x0, s1;
	[sflag:s0] =	ssyncset.done @!p0 $0x0  }
0x45: {  	[sflag:s0] =	ssyncadd.s32 @!p0 s1  }
0x46: {  	[bflag:$0x3] =	sbarrier.arrive $0xFFFF  }
0x47: {  	_ =	shalt  }

</sc_bundles>
